<compile_context>
chip_gen: v7x
topology: tpu7x:2x2x1
jax: 0.10.2.dev20260603
libtpu: 0.0.44.dev20260713+nightly
codegen_flags: <defaults>
</compile_context>

<pallas_src>
import jax
import jax.numpy as jnp
from jax import lax
from jax.experimental import pallas as pl
from jax.experimental.pallas import tpu as pltpu
from jax.experimental.pallas import tpu_sc as plsc

R = 128
N = 32768
K = 32
L = 16
NC, NS = 2, 16
NW = NC * NS
RPW = R // NW
NCHUNK = N // L
BLK = 8
NBLK = NCHUNK // BLK
CAP = 2048
HCAP = 32
HTRASH = L * HCAP
CAPL = 64
CTRASH = L * CAPL

_NEG_INF = float("-inf")
_BIG_IDX = 2**30


def _row_topk(row_v, bmax_v, hitg_v, cval2_v, cidx2_v, cval_v, cidx_v, oval_v, oidx_v):
    def p1_body(bi, accs):
        base = bi * (BLK * L)
        c = [row_v[pl.ds(base + j * L, L)] for j in range(BLK)]
        p0 = jnp.maximum(c[0], c[1])
        p1 = jnp.maximum(c[2], c[3])
        p2 = jnp.maximum(c[4], c[5])
        p3 = jnp.maximum(c[6], c[7])
        bmax_v[pl.ds(bi * L, L)] = jnp.maximum(jnp.maximum(p0, p1),
                                               jnp.maximum(p2, p3))
        return (jnp.maximum(accs[0], p0), jnp.maximum(accs[1], p1),
                jnp.maximum(accs[2], p2), jnp.maximum(accs[3], p3))

    ninf = jnp.full((L,), _NEG_INF, dtype=jnp.float32)
    accs = lax.fori_loop(0, NBLK, p1_body, (ninf,) * 4, unroll=2)

    def sort16(v):
        return plsc.sort_key_val(v, v, descending=True)[0]

    def merge_top32(t1, t2, s):
        rs = lax.rev(s, (0,))
        hi = sort16(jnp.maximum(t1, rs))
        lo = sort16(jnp.minimum(t1, rs))
        nxt = sort16(jnp.maximum(t2, lax.rev(lo, (0,))))
        return hi, nxt

    s0 = sort16(accs[0])
    rs1 = lax.rev(sort16(accs[1]), (0,))
    t1 = sort16(jnp.maximum(s0, rs1))
    t2 = sort16(jnp.minimum(s0, rs1))
    for j in range(2, 4):
        t1, t2 = merge_top32(t1, t2, sort16(accs[j]))
    t = jnp.take(t2, jnp.full((L,), L - 1, dtype=jnp.int32))

    lane_iota = lax.iota(jnp.int32, L)
    zi = jnp.zeros((L,), dtype=jnp.int32)

    def hits_body(g, hcnt):
        mask = bmax_v[pl.ds(g * L, L)] >= t
        dest = jnp.where(mask, lane_iota * HCAP + hcnt, HTRASH + lane_iota)
        plsc.store_scatter(hitg_v, [dest], zi + g)
        return jnp.minimum(hcnt + mask.astype(jnp.int32), HCAP)

    hcnt = lax.fori_loop(0, NBLK, hits_body, zi, unroll=2)

    def xlane_max(v):
        for sh in (8, 4, 2, 1):
            v = jnp.maximum(v, jnp.take(v, lane_iota ^ sh))
        return v

    hmax = xlane_max(hcnt)[0]

    def q_body(q, ccnt):
        valid_q = q < hcnt
        g = plsc.load_gather(hitg_v, [lane_iota * HCAP + q])
        gbase = jnp.minimum(jnp.maximum(g, 0), NBLK - 1) * (BLK * L)
        out = ccnt
        for i in range(BLK):
            idx = gbase + i * L + lane_iota
            v = plsc.load_gather(row_v, [idx])
            mask = (v >= t) & valid_q
            dest = jnp.where(mask, lane_iota * CAPL + out, CTRASH + lane_iota)
            plsc.store_scatter(cval2_v, [dest], v)
            plsc.store_scatter(cidx2_v, [dest], idx)
            out = jnp.minimum(out + mask.astype(jnp.int32), CAPL)
        return out

    ccnt = lax.fori_loop(0, hmax, q_body, zi)

    ps = ccnt
    for sh in (1, 2, 4, 8):
        prev = jnp.take(ps, jnp.maximum(lane_iota - sh, 0))
        ps = ps + jnp.where(lane_iota >= sh, prev, 0)
    excl = ps - ccnt
    cmax = xlane_max(ccnt)[0]
    n = jnp.take(ps, jnp.full((L,), L - 1, dtype=jnp.int32))[0]

    def reloc_body(q, _):
        src = lane_iota * CAPL + q
        v = plsc.load_gather(cval2_v, [src])
        ii = plsc.load_gather(cidx2_v, [src])
        valid = q < ccnt
        dest = jnp.where(valid, excl + q, CAP + lane_iota)
        plsc.store_scatter(cval_v, [dest], v)
        plsc.store_scatter(cidx_v, [dest], ii)
        return 0

    lax.fori_loop(0, cmax, reloc_body, 0)
    cval_v[pl.ds(n, L)] = ninf
    nv = (n + L - 1) // L

    def sel_step(k, carry):
        pv, pi, ov0, ov1, oi0, oi1 = carry

        def scan_vregs(j, best):
            bv, bi = best
            v = cval_v[pl.ds(j * L, L)]
            ii = cidx_v[pl.ds(j * L, L)]
            elig = (v < pv) | ((v == pv) & (ii > pi))
            v2 = jnp.where(elig, v, _NEG_INF)
            take = (v2 > bv) | ((v2 == bv) & (ii < bi))
            return (jnp.where(take, v2, bv), jnp.where(take, ii, bi))

        binit = (ninf, jnp.full((L,), _BIG_IDX, dtype=jnp.int32))
        bv, bi = lax.fori_loop(0, nv, scan_vregs, binit)
        for sh in (8, 4, 2, 1):
            perm = lane_iota ^ sh
            vg = jnp.take(bv, perm)
            ig = jnp.take(bi, perm)
            better = (vg > bv) | ((vg == bv) & (ig < bi))
            bv = jnp.where(better, vg, bv)
            bi = jnp.where(better, ig, bi)
        slot0 = (k < L) & (lane_iota == k)
        slot1 = (k >= L) & (lane_iota == k - L)
        ov0 = jnp.where(slot0, bv, ov0)
        ov1 = jnp.where(slot1, bv, ov1)
        oi0 = jnp.where(slot0, bi, oi0)
        oi1 = jnp.where(slot1, bi, oi1)
        return (bv, bi, ov0, ov1, oi0, oi1)

    zf = jnp.zeros((L,), dtype=jnp.float32)
    zi = jnp.zeros((L,), dtype=jnp.int32)
    pinf = jnp.full((L,), float("inf"), dtype=jnp.float32)
    _, _, ov0, ov1, oi0, oi1 = lax.fori_loop(
        0, K, sel_step,
        (pinf, jnp.full((L,), -1, dtype=jnp.int32), zf, zf, zi, zi))
    oval_v[pl.ds(0, L)] = ov0
    oval_v[pl.ds(L, L)] = ov1
    oidx_v[pl.ds(0, L)] = oi0
    oidx_v[pl.ds(L, L)] = oi1


def _topk_body(x_hbm, val_hbm, idx_hbm,
               row0_v, row1_v, bmax_v, hitg_v, cval2_v, cidx2_v,
               cval_v, cidx_v, oval_v, oidx_v, sem0, sem1):
    wid = lax.axis_index("s") * NC + lax.axis_index("c")
    base_row = wid * RPW
    bufs = (row0_v, row1_v)
    sems = (sem0, sem1)

    handles = {0: pltpu.async_copy(x_hbm.at[base_row], row0_v, sem0)}
    for r in range(RPW):
        if r + 1 < RPW:
            handles[(r + 1) % 2] = pltpu.async_copy(
                x_hbm.at[base_row + r + 1], bufs[(r + 1) % 2],
                sems[(r + 1) % 2])
        handles[r % 2].wait()
        _row_topk(bufs[r % 2], bmax_v, hitg_v, cval2_v, cidx2_v, cval_v,
                  cidx_v, oval_v.at[r], oidx_v.at[r])
    pltpu.sync_copy(oval_v, val_hbm.at[pl.ds(base_row, RPW)])
    pltpu.sync_copy(oidx_v, idx_hbm.at[pl.ds(base_row, RPW)])


@jax.jit
def kernel(x):
    mesh = plsc.VectorSubcoreMesh(
        core_axis_name="c", subcore_axis_name="s",
        num_cores=NC, num_subcores=NS)
    f = pl.kernel(
        _topk_body,
        out_type=(
            jax.ShapeDtypeStruct((R, K), jnp.float32),
            jax.ShapeDtypeStruct((R, K), jnp.int32),
        ),
        compiler_params=pltpu.CompilerParams(needs_layout_passes=False),
        mesh=mesh,
        scratch_types=[
            pltpu.VMEM((N,), jnp.float32),
            pltpu.VMEM((N,), jnp.float32),
            pltpu.VMEM((NBLK * L,), jnp.float32),
            pltpu.VMEM((L * HCAP + L,), jnp.int32),
            pltpu.VMEM((L * CAPL + L,), jnp.float32),
            pltpu.VMEM((L * CAPL + L,), jnp.int32),
            pltpu.VMEM((CAP + L,), jnp.float32),
            pltpu.VMEM((CAP + L,), jnp.int32),
            pltpu.VMEM((RPW, K), jnp.float32),
            pltpu.VMEM((RPW, K), jnp.int32),
            pltpu.SemaphoreType.DMA,
            pltpu.SemaphoreType.DMA,
        ],
    )
    return f(x)

# --- scband reference (transcript-rebuilt; emitter-appended) ---
"""Pipeline reference for scband-my-model-61933428410564 (READ-ONLY COPY).

The authoritative reference and input builder live on the scoring server;
editing this copy changes nothing except your own understanding.
"""

import jax, jax.numpy as jnp
import numpy as np


def setup_inputs(seed: int = 0) -> dict:
    key = jax.random.key(seed)
    x = jax.random.normal(key, (128, 32768), dtype=jnp.float32)
    return {"x": x}


def reference(x):
    # Faithful translation of torch.topk(x, 32, dim=-1) -> (values, indices)
    values, indices = jax.lax.top_k(x, 32)
    return (values, indices)

if __name__ == "__main__":
    import jax
    _d = setup_inputs()
    print(jax.jit(kernel)(*tuple(_d.values())))

</pallas_src>

<mosaic_0001>
#map = affine_map<(d0, d1) -> (0, 0)>
module attributes {stable_mosaic.version = 14 : i64} {
  func.func @_topk_body(%arg0: i32, %arg1: i32, %arg2: memref<128x32768xf32, #tpu.memory_space<hbm>>, %arg3: memref<128x32xf32, #tpu.memory_space<hbm>>, %arg4: memref<128x32xi32, #tpu.memory_space<hbm>>, %arg5: memref<32768xf32, #tpu.memory_space<vmem>>, %arg6: memref<32768xf32, #tpu.memory_space<vmem>>, %arg7: memref<4096xf32, #tpu.memory_space<vmem>>, %arg8: memref<528xi32, #tpu.memory_space<vmem>>, %arg9: memref<1040xf32, #tpu.memory_space<vmem>>, %arg10: memref<1040xi32, #tpu.memory_space<vmem>>, %arg11: memref<2064xf32, #tpu.memory_space<vmem>>, %arg12: memref<2064xi32, #tpu.memory_space<vmem>>, %arg13: memref<4x32xf32, #tpu.memory_space<vmem>>, %arg14: memref<4x32xi32, #tpu.memory_space<vmem>>, %arg15: memref<!tpu.dma_semaphore, #tpu.memory_space<semaphore_mem>>, %arg16: memref<!tpu.dma_semaphore, #tpu.memory_space<semaphore_mem>>) attributes {dimension_semantics = [#tpu.dimension_semantics<core_parallel>, #tpu.dimension_semantics<subcore_parallel>], iteration_bounds = array<i64: 2, 16>, scalar_prefetch = 0 : i64, scratch_operands = 12 : i64, tpu.core_type = #tpu.core_type<sc_vector_subcore>, window_params = [{transform_indices = #map}, {transform_indices = #map}, {transform_indices = #map}]} {
    %mul3A = arith.constant 2 : i32
    %mul3A_0 = arith.muli %arg1, %mul3A : i32
    %add3A = arith.addi %mul3A_0, %arg0 : i32
    %mul3A_1 = arith.constant 4 : i32
    %mul3A_2 = arith.muli %add3A, %mul3A_1 : i32
    %dma_start3A = arith.constant 0 : i32
    %dma_start3A_3 = tpu.memref_slice %arg2[%mul3A_2, %dma_start3A] : memref<128x32768xf32, #tpu.memory_space<hbm>> -> memref<1x32768xf32, #tpu.memory_space<hbm>>
    %dma_start3A_4 = tpu.memref_squeeze %dma_start3A_3 : memref<1x32768xf32, #tpu.memory_space<hbm>> -> memref<32768xf32, #tpu.memory_space<hbm>>
    %dma_start3A_5 = arith.constant 0 : i32
    %dma_start3A_6 = tpu.memref_slice %arg2[%mul3A_2, %dma_start3A_5] : memref<128x32768xf32, #tpu.memory_space<hbm>> -> memref<1x32768xf32, #tpu.memory_space<hbm>>
    %dma_start3A_7 = tpu.memref_squeeze %dma_start3A_6 : memref<1x32768xf32, #tpu.memory_space<hbm>> -> memref<32768xf32, #tpu.memory_space<hbm>>
    tpu.enqueue_dma source(%dma_start3A_7 : memref<32768xf32, #tpu.memory_space<hbm>>) target(%arg5 : memref<32768xf32, #tpu.memory_space<vmem>>) target_semaphore(%arg15 : memref<!tpu.dma_semaphore, #tpu.memory_space<semaphore_mem>>)
    %add3A_8 = arith.constant 0 : i32
    %add3A_9 = arith.addi %mul3A_2, %add3A_8 : i32
    %add3A_10 = arith.constant 1 : i32
    %add3A_11 = arith.addi %add3A_9, %add3A_10 : i32
    %dma_start3A_12 = arith.constant 0 : i32
    %dma_start3A_13 = tpu.memref_slice %arg2[%add3A_11, %dma_start3A_12] : memref<128x32768xf32, #tpu.memory_space<hbm>> -> memref<1x32768xf32, #tpu.memory_space<hbm>>
    %dma_start3A_14 = tpu.memref_squeeze %dma_start3A_13 : memref<1x32768xf32, #tpu.memory_space<hbm>> -> memref<32768xf32, #tpu.memory_space<hbm>>
    %dma_start3A_15 = arith.constant 0 : i32
    %dma_start3A_16 = tpu.memref_slice %arg2[%add3A_11, %dma_start3A_15] : memref<128x32768xf32, #tpu.memory_space<hbm>> -> memref<1x32768xf32, #tpu.memory_space<hbm>>
    %dma_start3A_17 = tpu.memref_squeeze %dma_start3A_16 : memref<1x32768xf32, #tpu.memory_space<hbm>> -> memref<32768xf32, #tpu.memory_space<hbm>>
    tpu.enqueue_dma source(%dma_start3A_17 : memref<32768xf32, #tpu.memory_space<hbm>>) target(%arg6 : memref<32768xf32, #tpu.memory_space<vmem>>) target_semaphore(%arg16 : memref<!tpu.dma_semaphore, #tpu.memory_space<semaphore_mem>>)
    %dma_wait3A = arith.constant 0 : i32
    %dma_wait3A_18 = tpu.memref_slice %arg2[%mul3A_2, %dma_wait3A] : memref<128x32768xf32, #tpu.memory_space<hbm>> -> memref<1x32768xf32, #tpu.memory_space<hbm>>
    %dma_wait3A_19 = tpu.memref_squeeze %dma_wait3A_18 : memref<1x32768xf32, #tpu.memory_space<hbm>> -> memref<32768xf32, #tpu.memory_space<hbm>>
    %dma_wait3A_20 = arith.constant 0 : i32
    %dma_wait3A_21 = tpu.memref_slice %arg2[%mul3A_2, %dma_wait3A_20] : memref<128x32768xf32, #tpu.memory_space<hbm>> -> memref<1x32768xf32, #tpu.memory_space<hbm>>
    %dma_wait3A_22 = tpu.memref_squeeze %dma_wait3A_21 : memref<1x32768xf32, #tpu.memory_space<hbm>> -> memref<32768xf32, #tpu.memory_space<hbm>>
    tpu.wait_dma2 semaphore(%arg15 : memref<!tpu.dma_semaphore, #tpu.memory_space<semaphore_mem>>) src(%dma_wait3A_22 : memref<32768xf32, #tpu.memory_space<hbm>>) dst(%arg5 : memref<32768xf32, #tpu.memory_space<vmem>>)
    %broadcast_in_dim3A = arith.constant 0xFF800000 : f32
    %broadcast_in_dim3A_23 = vector.broadcast %broadcast_in_dim3A : f32 to vector<16xf32>
    %scan3A = arith.constant 0 : i32
    %scan3A_24 = arith.constant 256 : i32
    %scan3A_25 = arith.addi %scan3A, %scan3A_24 : i32
    %scan3A_26 = arith.constant 2 : i32
    %scan3A_27:4 = scf.for %scan3A_1734 = %scan3A to %scan3A_25 step %scan3A_26 iter_args(%scan3A_1735 = %broadcast_in_dim3A_23, %scan3A_1736 = %broadcast_in_dim3A_23, %scan3A_1737 = %broadcast_in_dim3A_23, %scan3A_1738 = %broadcast_in_dim3A_23) -> (vector<16xf32>, vector<16xf32>, vector<16xf32>, vector<16xf32>)  : i32 {
      %mul3A_1739 = arith.constant 128 : i32
      %mul3A_1740 = arith.muli %scan3A_1734, %mul3A_1739 : i32
      %add3A_1741 = arith.constant 0 : i32
      %add3A_1742 = arith.addi %mul3A_1740, %add3A_1741 : i32
      %get3A = arith.index_cast %add3A_1742 : i32 to index
      %get3A_1743 = tpu.vector_load %arg5[%get3A] {strides = array<i32>} : memref<32768xf32, #tpu.memory_space<vmem>>, vector<16xf32>,
      %add3A_1744 = arith.constant 16 : i32
      %add3A_1745 = arith.addi %mul3A_1740, %add3A_1744 : i32
      %get3A_1746 = arith.index_cast %add3A_1745 : i32 to index
      %get3A_1747 = tpu.vector_load %arg5[%get3A_1746] {strides = array<i32>} : memref<32768xf32, #tpu.memory_space<vmem>>, vector<16xf32>,
      %add3A_1748 = arith.constant 32 : i32
      %add3A_1749 = arith.addi %mul3A_1740, %add3A_1748 : i32
      %get3A_1750 = arith.index_cast %add3A_1749 : i32 to index
      %get3A_1751 = tpu.vector_load %arg5[%get3A_1750] {strides = array<i32>} : memref<32768xf32, #tpu.memory_space<vmem>>, vector<16xf32>,
      %add3A_1752 = arith.constant 48 : i32
      %add3A_1753 = arith.addi %mul3A_1740, %add3A_1752 : i32
      %get3A_1754 = arith.index_cast %add3A_1753 : i32 to index
      %get3A_1755 = tpu.vector_load %arg5[%get3A_1754] {strides = array<i32>} : memref<32768xf32, #tpu.memory_space<vmem>>, vector<16xf32>,
      %add3A_1756 = arith.constant 64 : i32
      %add3A_1757 = arith.addi %mul3A_1740, %add3A_1756 : i32
      %get3A_1758 = arith.index_cast %add3A_1757 : i32 to index
      %get3A_1759 = tpu.vector_load %arg5[%get3A_1758] {strides = array<i32>} : memref<32768xf32, #tpu.memory_space<vmem>>, vector<16xf32>,
      %add3A_1760 = arith.constant 80 : i32
      %add3A_1761 = arith.addi %mul3A_1740, %add3A_1760 : i32
      %get3A_1762 = arith.index_cast %add3A_1761 : i32 to index
      %get3A_1763 = tpu.vector_load %arg5[%get3A_1762] {strides = array<i32>} : memref<32768xf32, #tpu.memory_space<vmem>>, vector<16xf32>,
      %add3A_1764 = arith.constant 96 : i32
      %add3A_1765 = arith.addi %mul3A_1740, %add3A_1764 : i32
      %get3A_1766 = arith.index_cast %add3A_1765 : i32 to index
      %get3A_1767 = tpu.vector_load %arg5[%get3A_1766] {strides = array<i32>} : memref<32768xf32, #tpu.memory_space<vmem>>, vector<16xf32>,
      %add3A_1768 = arith.constant 112 : i32
      %add3A_1769 = arith.addi %mul3A_1740, %add3A_1768 : i32
      %get3A_1770 = arith.index_cast %add3A_1769 : i32 to index
      %get3A_1771 = tpu.vector_load %arg5[%get3A_1770] {strides = array<i32>} : memref<32768xf32, #tpu.memory_space<vmem>>, vector<16xf32>,
      %max3A_1772 = arith.maximumf %get3A_1743, %get3A_1747 : vector<16xf32>
      %max3A_1773 = arith.maximumf %get3A_1751, %get3A_1755 : vector<16xf32>
      %max3A_1774 = arith.maximumf %get3A_1759, %get3A_1763 : vector<16xf32>
      %max3A_1775 = arith.maximumf %get3A_1767, %get3A_1771 : vector<16xf32>
      %max3A_1776 = arith.maximumf %max3A_1772, %max3A_1773 : vector<16xf32>
      %max3A_1777 = arith.maximumf %max3A_1774, %max3A_1775 : vector<16xf32>
      %max3A_1778 = arith.maximumf %max3A_1776, %max3A_1777 : vector<16xf32>
      %mul3A_1779 = arith.constant 16 : i32
      %mul3A_1780 = arith.muli %scan3A_1734, %mul3A_1779 : i32
      %swap3A_1781 = arith.index_cast %mul3A_1780 : i32 to index
      %swap3A_1782 = tpu.vector_load %arg7[%swap3A_1781] {strides = array<i32>} : memref<4096xf32, #tpu.memory_space<vmem>>, vector<16xf32>,
      tpu.vector_store %arg7[%swap3A_1781], %max3A_1778 {strides = array<i32>} : memref<4096xf32, #tpu.memory_space<vmem>>, vector<16xf32>,
      %max3A_1783 = arith.maximumf %scan3A_1735, %max3A_1772 : vector<16xf32>
      %max3A_1784 = arith.maximumf %scan3A_1736, %max3A_1773 : vector<16xf32>
      %max3A_1785 = arith.maximumf %scan3A_1737, %max3A_1774 : vector<16xf32>
      %max3A_1786 = arith.maximumf %scan3A_1738, %max3A_1775 : vector<16xf32>
      %scan3A_1787 = arith.constant 1 : i32
      %scan3A_1788 = arith.addi %scan3A_1734, %scan3A_1787 : i32
      %mul3A_1789 = arith.constant 128 : i32
      %mul3A_1790 = arith.muli %scan3A_1788, %mul3A_1789 : i32
      %add3A_1791 = arith.constant 0 : i32
      %add3A_1792 = arith.addi %mul3A_1790, %add3A_1791 : i32
      %get3A_1793 = arith.index_cast %add3A_1792 : i32 to index
      %get3A_1794 = tpu.vector_load %arg5[%get3A_1793] {strides = array<i32>} : memref<32768xf32, #tpu.memory_space<vmem>>, vector<16xf32>,
      %add3A_1795 = arith.constant 16 : i32
      %add3A_1796 = arith.addi %mul3A_1790, %add3A_1795 : i32
      %get3A_1797 = arith.index_cast %add3A_1796 : i32 to index
      %get3A_1798 = tpu.vector_load %arg5[%get3A_1797] {strides = array<i32>} : memref<32768xf32, #tpu.memory_space<vmem>>, vector<16xf32>,
      %add3A_1799 = arith.constant 32 : i32
      %add3A_1800 = arith.addi %mul3A_1790, %add3A_1799 : i32
      %get3A_1801 = arith.index_cast %add3A_1800 : i32 to index
      %get3A_1802 = tpu.vector_load %arg5[%get3A_1801] {strides = array<i32>} : memref<32768xf32, #tpu.memory_space<vmem>>, vector<16xf32>,
      %add3A_1803 = arith.constant 48 : i32
      %add3A_1804 = arith.addi %mul3A_1790, %add3A_1803 : i32
      %get3A_1805 = arith.index_cast %add3A_1804 : i32 to index
      %get3A_1806 = tpu.vector_load %arg5[%get3A_1805] {strides = array<i32>} : memref<32768xf32, #tpu.memory_space<vmem>>, vector<16xf32>,
      %add3A_1807 = arith.constant 64 : i32
      %add3A_1808 = arith.addi %mul3A_1790, %add3A_1807 : i32
      %get3A_1809 = arith.index_cast %add3A_1808 : i32 to index
      %get3A_1810 = tpu.vector_load %arg5[%get3A_1809] {strides = array<i32>} : memref<32768xf32, #tpu.memory_space<vmem>>, vector<16xf32>,
      %add3A_1811 = arith.constant 80 : i32
      %add3A_1812 = arith.addi %mul3A_1790, %add3A_1811 : i32
      %get3A_1813 = arith.index_cast %add3A_1812 : i32 to index
      %get3A_1814 = tpu.vector_load %arg5[%get3A_1813] {strides = array<i32>} : memref<32768xf32, #tpu.memory_space<vmem>>, vector<16xf32>,
      %add3A_1815 = arith.constant 96 : i32
      %add3A_1816 = arith.addi %mul3A_1790, %add3A_1815 : i32
      %get3A_1817 = arith.index_cast %add3A_1816 : i32 to index
      %get3A_1818 = tpu.vector_load %arg5[%get3A_1817] {strides = array<i32>} : memref<32768xf32, #tpu.memory_space<vmem>>, vector<16xf32>,
      %add3A_1819 = arith.constant 112 : i32
      %add3A_1820 = arith.addi %mul3A_1790, %add3A_1819 : i32
      %get3A_1821 = arith.index_cast %add3A_1820 : i32 to index
      %get3A_1822 = tpu.vector_load %arg5[%get3A_1821] {strides = array<i32>} : memref<32768xf32, #tpu.memory_space<vmem>>, vector<16xf32>,
      %max3A_1823 = arith.maximumf %get3A_1794, %get3A_1798 : vector<16xf32>
      %max3A_1824 = arith.maximumf %get3A_1802, %get3A_1806 : vector<16xf32>
      %max3A_1825 = arith.maximumf %get3A_1810, %get3A_1814 : vector<16xf32>
      %max3A_1826 = arith.maximumf %get3A_1818, %get3A_1822 : vector<16xf32>
      %max3A_1827 = arith.maximumf %max3A_1823, %max3A_1824 : vector<16xf32>
      %max3A_1828 = arith.maximumf %max3A_1825, %max3A_1826 : vector<16xf32>
      %max3A_1829 = arith.maximumf %max3A_1827, %max3A_1828 : vector<16xf32>
      %mul3A_1830 = arith.constant 16 : i32
      %mul3A_1831 = arith.muli %scan3A_1788, %mul3A_1830 : i32
      %swap3A_1832 = arith.index_cast %mul3A_1831 : i32 to index
      %swap3A_1833 = tpu.vector_load %arg7[%swap3A_1832] {strides = array<i32>} : memref<4096xf32, #tpu.memory_space<vmem>>, vector<16xf32>,
      tpu.vector_store %arg7[%swap3A_1832], %max3A_1829 {strides = array<i32>} : memref<4096xf32, #tpu.memory_space<vmem>>, vector<16xf32>,
      %max3A_1834 = arith.maximumf %max3A_1783, %max3A_1823 : vector<16xf32>
      %max3A_1835 = arith.maximumf %max3A_1784, %max3A_1824 : vector<16xf32>
      %max3A_1836 = arith.maximumf %max3A_1785, %max3A_1825 : vector<16xf32>
      %max3A_1837 = arith.maximumf %max3A_1786, %max3A_1826 : vector<16xf32>
      scf.yield %max3A_1834, %max3A_1835, %max3A_1836, %max3A_1837 : vector<16xf32>, vector<16xf32>, vector<16xf32>, vector<16xf32>
    }
    %scan3A_28 = arith.constant 256 : i32
    %masked_sort3A = arith.constant dense<true> : vector<16xi1>
    %masked_sort3A_29, %masked_sort3A_30, %masked_sort3A_31 = tpu.sort %scan3A_27#0, %scan3A_27#0 masked %masked_sort3A {descending = true} : (vector<16xf32>, vector<16xf32>, vector<16xi1>) -> (vector<16xi1>, vector<16xf32>, vector<16xf32>)
    %masked_sort3A_32 = arith.constant dense<true> : vector<16xi1>
    %masked_sort3A_33, %masked_sort3A_34, %masked_sort3A_35 = tpu.sort %scan3A_27#1, %scan3A_27#1 masked %masked_sort3A_32 {descending = true} : (vector<16xf32>, vector<16xf32>, vector<16xi1>) -> (vector<16xi1>, vector<16xf32>, vector<16xf32>)
    %rev3A = arith.constant 15 : i32
    %rev3A_36 = vector.broadcast %rev3A : i32 to vector<16xi32>
    %rev3A_37 = tpu.iota {dimensions = array<i32: 0>} : vector<16xi32>
    %rev3A_38 = arith.subi %rev3A_36, %rev3A_37 : vector<16xi32>
    %rev3A_39 = tpu.dynamic_gather %masked_sort3A_34[%rev3A_38] in [0] : vector<16xf32>, vector<16xi32> -> vector<16xf32>
    %max3A = arith.maximumf %masked_sort3A_30, %rev3A_39 : vector<16xf32>
    %masked_sort3A_40 = arith.constant dense<true> : vector<16xi1>
    %masked_sort3A_41, %masked_sort3A_42, %masked_sort3A_43 = tpu.sort %max3A, %max3A masked %masked_sort3A_40 {descending = true} : (vector<16xf32>, vector<16xf32>, vector<16xi1>) -> (vector<16xi1>, vector<16xf32>, vector<16xf32>)
    %min3A = arith.minimumf %masked_sort3A_30, %rev3A_39 : vector<16xf32>
    %masked_sort3A_44 = arith.constant dense<true> : vector<16xi1>
    %masked_sort3A_45, %masked_sort3A_46, %masked_sort3A_47 = tpu.sort %min3A, %min3A masked %masked_sort3A_44 {descending = true} : (vector<16xf32>, vector<16xf32>, vector<16xi1>) -> (vector<16xi1>, vector<16xf32>, vector<16xf32>)
    %masked_sort3A_48 = arith.constant dense<true> : vector<16xi1>
    %masked_sort3A_49, %masked_sort3A_50, %masked_sort3A_51 = tpu.sort %scan3A_27#2, %scan3A_27#2 masked %masked_sort3A_48 {descending = true} : (vector<16xf32>, vector<16xf32>, vector<16xi1>) -> (vector<16xi1>, vector<16xf32>, vector<16xf32>)
    %rev3A_52 = arith.constant 15 : i32
    %rev3A_53 = vector.broadcast %rev3A_52 : i32 to vector<16xi32>
    %rev3A_54 = tpu.iota {dimensions = array<i32: 0>} : vector<16xi32>
    %rev3A_55 = arith.subi %rev3A_53, %rev3A_54 : vector<16xi32>
    %rev3A_56 = tpu.dynamic_gather %masked_sort3A_50[%rev3A_55] in [0] : vector<16xf32>, vector<16xi32> -> vector<16xf32>
    %max3A_57 = arith.maximumf %masked_sort3A_42, %rev3A_56 : vector<16xf32>
    %masked_sort3A_58 = arith.constant dense<true> : vector<16xi1>
    %masked_sort3A_59, %masked_sort3A_60, %masked_sort3A_61 = tpu.sort %max3A_57, %max3A_57 masked %masked_sort3A_58 {descending = true} : (vector<16xf32>, vector<16xf32>, vector<16xi1>) -> (vector<16xi1>, vector<16xf32>, vector<16xf32>)
    %min3A_62 = arith.minimumf %masked_sort3A_42, %rev3A_56 : vector<16xf32>
    %masked_sort3A_63 = arith.constant dense<true> : vector<16xi1>
    %masked_sort3A_64, %masked_sort3A_65, %masked_sort3A_66 = tpu.sort %min3A_62, %min3A_62 masked %masked_sort3A_63 {descending = true} : (vector<16xf32>, vector<16xf32>, vector<16xi1>) -> (vector<16xi1>, vector<16xf32>, vector<16xf32>)
    %rev3A_67 = arith.constant 15 : i32
    %rev3A_68 = vector.broadcast %rev3A_67 : i32 to vector<16xi32>
    %rev3A_69 = tpu.iota {dimensions = array<i32: 0>} : vector<16xi32>
    %rev3A_70 = arith.subi %rev3A_68, %rev3A_69 : vector<16xi32>
    %rev3A_71 = tpu.dynamic_gather %masked_sort3A_65[%rev3A_70] in [0] : vector<16xf32>, vector<16xi32> -> vector<16xf32>
    %max3A_72 = arith.maximumf %masked_sort3A_46, %rev3A_71 : vector<16xf32>
    %masked_sort3A_73 = arith.constant dense<true> : vector<16xi1>
    %masked_sort3A_74, %masked_sort3A_75, %masked_sort3A_76 = tpu.sort %max3A_72, %max3A_72 masked %masked_sort3A_73 {descending = true} : (vector<16xf32>, vector<16xf32>, vector<16xi1>) -> (vector<16xi1>, vector<16xf32>, vector<16xf32>)
    %masked_sort3A_77 = arith.constant dense<true> : vector<16xi1>
    %masked_sort3A_78, %masked_sort3A_79, %masked_sort3A_80 = tpu.sort %scan3A_27#3, %scan3A_27#3 masked %masked_sort3A_77 {descending = true} : (vector<16xf32>, vector<16xf32>, vector<16xi1>) -> (vector<16xi1>, vector<16xf32>, vector<16xf32>)
    %rev3A_81 = arith.constant 15 : i32
    %rev3A_82 = vector.broadcast %rev3A_81 : i32 to vector<16xi32>
    %rev3A_83 = tpu.iota {dimensions = array<i32: 0>} : vector<16xi32>
    %rev3A_84 = arith.subi %rev3A_82, %rev3A_83 : vector<16xi32>
    %rev3A_85 = tpu.dynamic_gather %masked_sort3A_79[%rev3A_84] in [0] : vector<16xf32>, vector<16xi32> -> vector<16xf32>
    %max3A_86 = arith.maximumf %masked_sort3A_60, %rev3A_85 : vector<16xf32>
    %masked_sort3A_87 = arith.constant dense<true> : vector<16xi1>
    %masked_sort3A_88, %masked_sort3A_89, %masked_sort3A_90 = tpu.sort %max3A_86, %max3A_86 masked %masked_sort3A_87 {descending = true} : (vector<16xf32>, vector<16xf32>, vector<16xi1>) -> (vector<16xi1>, vector<16xf32>, vector<16xf32>)
    %min3A_91 = arith.minimumf %masked_sort3A_60, %rev3A_85 : vector<16xf32>
    %masked_sort3A_92 = arith.constant dense<true> : vector<16xi1>
    %masked_sort3A_93, %masked_sort3A_94, %masked_sort3A_95 = tpu.sort %min3A_91, %min3A_91 masked %masked_sort3A_92 {descending = true} : (vector<16xf32>, vector<16xf32>, vector<16xi1>) -> (vector<16xi1>, vector<16xf32>, vector<16xf32>)
    %rev3A_96 = arith.constant 15 : i32
    %rev3A_97 = vector.broadcast %rev3A_96 : i32 to vector<16xi32>
    %rev3A_98 = tpu.iota {dimensions = array<i32: 0>} : vector<16xi32>
    %rev3A_99 = arith.subi %rev3A_97, %rev3A_98 : vector<16xi32>
    %rev3A_100 = tpu.dynamic_gather %masked_sort3A_94[%rev3A_99] in [0] : vector<16xf32>, vector<16xi32> -> vector<16xf32>
    %max3A_101 = arith.maximumf %masked_sort3A_75, %rev3A_100 : vector<16xf32>
    %masked_sort3A_102 = arith.constant dense<true> : vector<16xi1>
    %masked_sort3A_103, %masked_sort3A_104, %masked_sort3A_105 = tpu.sort %max3A_101, %max3A_101 masked %masked_sort3A_102 {descending = true} : (vector<16xf32>, vector<16xf32>, vector<16xi1>) -> (vector<16xi1>, vector<16xf32>, vector<16xf32>)
    %broadcast_in_dim3A_106 = arith.constant 15 : i32
    %broadcast_in_dim3A_107 = vector.broadcast %broadcast_in_dim3A_106 : i32 to vector<16xi32>
    %lt3A = arith.constant 0 : i32
    %lt3A_108 = vector.broadcast %lt3A : i32 to vector<16xi32>
    %lt3A_109 = arith.cmpi slt, %broadcast_in_dim3A_107, %lt3A_108 : vector<16xi32>
    %add3A_110 = arith.constant 16 : i32
    %add3A_111 = vector.broadcast %add3A_110 : i32 to vector<16xi32>
    %add3A_112 = arith.addi %broadcast_in_dim3A_107, %add3A_111 : vector<16xi32>
    %select_n3A = arith.select %lt3A_109, %add3A_112, %broadcast_in_dim3A_107 : vector<16xi1>, vector<16xi32>
    %broadcast_in_dim3A_113 = vector.shape_cast %select_n3A : vector<16xi32> to vector<16x1xi32>
    %gather3A = vector.shape_cast %broadcast_in_dim3A_113 : vector<16x1xi32> to vector<16xi32>
    %gather3A_114 = tpu.dynamic_gather %masked_sort3A_104[%gather3A] in [0] : vector<16xf32>, vector<16xi32> -> vector<16xf32>
    %iota3A = tpu.iota {dimensions = array<i32: 0>} : vector<16xi32>
    %broadcast_in_dim3A_115 = arith.constant 0 : i32
    %broadcast_in_dim3A_116 = vector.broadcast %broadcast_in_dim3A_115 : i32 to vector<16xi32>
    %scan3A_117 = arith.constant 0 : i32
    %scan3A_118 = arith.constant 256 : i32
    %scan3A_119 = arith.addi %scan3A_117, %scan3A_118 : i32
    %scan3A_120 = arith.constant 2 : i32
    %scan3A_121 = scf.for %scan3A_1734 = %scan3A_117 to %scan3A_119 step %scan3A_120 iter_args(%scan3A_1735 = %broadcast_in_dim3A_116) -> (vector<16xi32>)  : i32 {
      %mul3A_1736 = arith.constant 16 : i32
      %mul3A_1737 = arith.muli %scan3A_1734, %mul3A_1736 : i32
      %get3A = arith.index_cast %mul3A_1737 : i32 to index
      %get3A_1738 = tpu.vector_load %arg7[%get3A] {strides = array<i32>} : memref<4096xf32, #tpu.memory_space<vmem>>, vector<16xf32>,
      %ge3A_1739 = arith.cmpf oge, %get3A_1738, %gather3A_114 : vector<16xf32>
      %mul3A_1740 = arith.constant 32 : i32
      %mul3A_1741 = vector.broadcast %mul3A_1740 : i32 to vector<16xi32>
      %mul3A_1742 = arith.muli %iota3A, %mul3A_1741 : vector<16xi32>
      %add3A_1743 = arith.addi %mul3A_1742, %scan3A_1735 : vector<16xi32>
      %add3A_1744 = arith.constant 512 : i32
      %add3A_1745 = vector.broadcast %add3A_1744 : i32 to vector<16xi32>
      %add3A_1746 = arith.addi %add3A_1745, %iota3A : vector<16xi32>
      %select_n3A_1747 = arith.select %ge3A_1739, %add3A_1743, %add3A_1746 : vector<16xi1>, vector<16xi32>
      %add3A_1748 = vector.broadcast %scan3A_1734 : i32 to vector<16xi32>
      %add3A_1749 = arith.addi %broadcast_in_dim3A_116, %add3A_1748 : vector<16xi32>
      tpu.vector_store_idx %arg8[%select_n3A_1747], %add3A_1749 : memref<528xi32, #tpu.memory_space<vmem>>[vector<16xi32>], vector<16xi32>,
      %convert_element_type3A = arith.extui %ge3A_1739 : vector<16xi1> to vector<16xi32>
      %add3A_1750 = arith.addi %scan3A_1735, %convert_element_type3A : vector<16xi32>
      %min3A_1751 = arith.constant 32 : i32
      %min3A_1752 = vector.broadcast %min3A_1751 : i32 to vector<16xi32>
      %min3A_1753 = arith.minsi %add3A_1750, %min3A_1752 : vector<16xi32>
      %scan3A_1754 = arith.constant 1 : i32
      %scan3A_1755 = arith.addi %scan3A_1734, %scan3A_1754 : i32
      %mul3A_1756 = arith.constant 16 : i32
      %mul3A_1757 = arith.muli %scan3A_1755, %mul3A_1756 : i32
      %get3A_1758 = arith.index_cast %mul3A_1757 : i32 to index
      %get3A_1759 = tpu.vector_load %arg7[%get3A_1758] {strides = array<i32>} : memref<4096xf32, #tpu.memory_space<vmem>>, vector<16xf32>,
      %ge3A_1760 = arith.cmpf oge, %get3A_1759, %gather3A_114 : vector<16xf32>
      %mul3A_1761 = arith.constant 32 : i32
      %mul3A_1762 = vector.broadcast %mul3A_1761 : i32 to vector<16xi32>
      %mul3A_1763 = arith.muli %iota3A, %mul3A_1762 : vector<16xi32>
      %add3A_1764 = arith.addi %mul3A_1763, %min3A_1753 : vector<16xi32>
      %add3A_1765 = arith.constant 512 : i32
      %add3A_1766 = vector.broadcast %add3A_1765 : i32 to vector<16xi32>
      %add3A_1767 = arith.addi %add3A_1766, %iota3A : vector<16xi32>
      %select_n3A_1768 = arith.select %ge3A_1760, %add3A_1764, %add3A_1767 : vector<16xi1>, vector<16xi32>
      %add3A_1769 = vector.broadcast %scan3A_1755 : i32 to vector<16xi32>
      %add3A_1770 = arith.addi %broadcast_in_dim3A_116, %add3A_1769 : vector<16xi32>
      tpu.vector_store_idx %arg8[%select_n3A_1768], %add3A_1770 : memref<528xi32, #tpu.memory_space<vmem>>[vector<16xi32>], vector<16xi32>,
      %convert_element_type3A_1771 = arith.extui %ge3A_1760 : vector<16xi1> to vector<16xi32>
      %add3A_1772 = arith.addi %min3A_1753, %convert_element_type3A_1771 : vector<16xi32>
      %min3A_1773 = arith.constant 32 : i32
      %min3A_1774 = vector.broadcast %min3A_1773 : i32 to vector<16xi32>
      %min3A_1775 = arith.minsi %add3A_1772, %min3A_1774 : vector<16xi32>
      scf.yield %min3A_1775 : vector<16xi32>
    }
    %scan3A_122 = arith.constant 256 : i32
    %xor3A = arith.constant 8 : i32
    %xor3A_123 = vector.broadcast %xor3A : i32 to vector<16xi32>
    %xor3A_124 = arith.xori %iota3A, %xor3A_123 : vector<16xi32>
    %lt3A_125 = arith.constant 0 : i32
    %lt3A_126 = vector.broadcast %lt3A_125 : i32 to vector<16xi32>
    %lt3A_127 = arith.cmpi slt, %xor3A_124, %lt3A_126 : vector<16xi32>
    %add3A_128 = arith.constant 16 : i32
    %add3A_129 = vector.broadcast %add3A_128 : i32 to vector<16xi32>
    %add3A_130 = arith.addi %xor3A_124, %add3A_129 : vector<16xi32>
    %select_n3A_131 = arith.select %lt3A_127, %add3A_130, %xor3A_124 : vector<16xi1>, vector<16xi32>
    %broadcast_in_dim3A_132 = vector.shape_cast %select_n3A_131 : vector<16xi32> to vector<16x1xi32>
    %gather3A_133 = vector.shape_cast %broadcast_in_dim3A_132 : vector<16x1xi32> to vector<16xi32>
    %gather3A_134 = tpu.dynamic_gather %scan3A_121[%gather3A_133] in [0] : vector<16xi32>, vector<16xi32> -> vector<16xi32>
    %max3A_135 = arith.maxsi %scan3A_121, %gather3A_134 : vector<16xi32>
    %xor3A_136 = arith.constant 4 : i32
    %xor3A_137 = vector.broadcast %xor3A_136 : i32 to vector<16xi32>
    %xor3A_138 = arith.xori %iota3A, %xor3A_137 : vector<16xi32>
    %lt3A_139 = arith.constant 0 : i32
    %lt3A_140 = vector.broadcast %lt3A_139 : i32 to vector<16xi32>
    %lt3A_141 = arith.cmpi slt, %xor3A_138, %lt3A_140 : vector<16xi32>
    %add3A_142 = arith.constant 16 : i32
    %add3A_143 = vector.broadcast %add3A_142 : i32 to vector<16xi32>
    %add3A_144 = arith.addi %xor3A_138, %add3A_143 : vector<16xi32>
    %select_n3A_145 = arith.select %lt3A_141, %add3A_144, %xor3A_138 : vector<16xi1>, vector<16xi32>
    %broadcast_in_dim3A_146 = vector.shape_cast %select_n3A_145 : vector<16xi32> to vector<16x1xi32>
    %gather3A_147 = vector.shape_cast %broadcast_in_dim3A_146 : vector<16x1xi32> to vector<16xi32>
    %gather3A_148 = tpu.dynamic_gather %max3A_135[%gather3A_147] in [0] : vector<16xi32>, vector<16xi32> -> vector<16xi32>
    %max3A_149 = arith.maxsi %max3A_135, %gather3A_148 : vector<16xi32>
    %xor3A_150 = arith.constant 2 : i32
    %xor3A_151 = vector.broadcast %xor3A_150 : i32 to vector<16xi32>
    %xor3A_152 = arith.xori %iota3A, %xor3A_151 : vector<16xi32>
    %lt3A_153 = arith.constant 0 : i32
    %lt3A_154 = vector.broadcast %lt3A_153 : i32 to vector<16xi32>
    %lt3A_155 = arith.cmpi slt, %xor3A_152, %lt3A_154 : vector<16xi32>
    %add3A_156 = arith.constant 16 : i32
    %add3A_157 = vector.broadcast %add3A_156 : i32 to vector<16xi32>
    %add3A_158 = arith.addi %xor3A_152, %add3A_157 : vector<16xi32>
    %select_n3A_159 = arith.select %lt3A_155, %add3A_158, %xor3A_152 : vector<16xi1>, vector<16xi32>
    %broadcast_in_dim3A_160 = vector.shape_cast %select_n3A_159 : vector<16xi32> to vector<16x1xi32>
    %gather3A_161 = vector.shape_cast %broadcast_in_dim3A_160 : vector<16x1xi32> to vector<16xi32>
    %gather3A_162 = tpu.dynamic_gather %max3A_149[%gather3A_161] in [0] : vector<16xi32>, vector<16xi32> -> vector<16xi32>
    %max3A_163 = arith.maxsi %max3A_149, %gather3A_162 : vector<16xi32>
    %xor3A_164 = arith.constant 1 : i32
    %xor3A_165 = vector.broadcast %xor3A_164 : i32 to vector<16xi32>
    %xor3A_166 = arith.xori %iota3A, %xor3A_165 : vector<16xi32>
    %lt3A_167 = arith.constant 0 : i32
    %lt3A_168 = vector.broadcast %lt3A_167 : i32 to vector<16xi32>
    %lt3A_169 = arith.cmpi slt, %xor3A_166, %lt3A_168 : vector<16xi32>
    %add3A_170 = arith.constant 16 : i32
    %add3A_171 = vector.broadcast %add3A_170 : i32 to vector<16xi32>
    %add3A_172 = arith.addi %xor3A_166, %add3A_171 : vector<16xi32>
    %select_n3A_173 = arith.select %lt3A_169, %add3A_172, %xor3A_166 : vector<16xi1>, vector<16xi32>
    %broadcast_in_dim3A_174 = vector.shape_cast %select_n3A_173 : vector<16xi32> to vector<16x1xi32>
    %gather3A_175 = vector.shape_cast %broadcast_in_dim3A_174 : vector<16x1xi32> to vector<16xi32>
    %gather3A_176 = tpu.dynamic_gather %max3A_163[%gather3A_175] in [0] : vector<16xi32>, vector<16xi32> -> vector<16xi32>
    %max3A_177 = arith.maxsi %max3A_163, %gather3A_176 : vector<16xi32>
    %slice3A = vector.extract_strided_slice %max3A_177 {offsets = [0], sizes = [1], strides = [1]} : vector<16xi32> to vector<1xi32>
    %squeeze3A = vector.extract %slice3A[0] : i32 from vector<1xi32>
    %while3A = arith.constant 0 : i32
    %while3A_178 = arith.subi %squeeze3A, %while3A : i32
    %while3A_179 = arith.addi %while3A, %while3A_178 : i32
    %while3A_180 = arith.constant 1 : i32
    %while3A_181 = arith.divsi %while3A_178, %while3A_180 : i32
    %while3A_182 = arith.muli %while3A_181, %while3A_180 : i32
    %while3A_183 = arith.addi %while3A, %while3A_182 : i32
    %while3A_184 = arith.constant 1 : i32
    %while3A_185 = scf.for %while3A_1734 = %while3A to %while3A_183 step %while3A_184 iter_args(%while3A_1735 = %broadcast_in_dim3A_116) -> (vector<16xi32>)  : i32 {
      %lt3A_1736 = vector.broadcast %while3A_1734 : i32 to vector<16xi32>
      %lt3A_1737 = arith.cmpi slt, %lt3A_1736, %scan3A_121 : vector<16xi32>
      %mul3A_1738 = arith.constant 32 : i32
      %mul3A_1739 = vector.broadcast %mul3A_1738 : i32 to vector<16xi32>
      %mul3A_1740 = arith.muli %iota3A, %mul3A_1739 : vector<16xi32>
      %add3A_1741 = vector.broadcast %while3A_1734 : i32 to vector<16xi32>
      %add3A_1742 = arith.addi %mul3A_1740, %add3A_1741 : vector<16xi32>
      %gather3A_1743 = tpu.vector_load_idx %arg8[%add3A_1742] : memref<528xi32, #tpu.memory_space<vmem>>[vector<16xi32>], vector<16xi32>,
      %max3A_1744 = arith.constant 0 : i32
      %max3A_1745 = vector.broadcast %max3A_1744 : i32 to vector<16xi32>
      %max3A_1746 = arith.maxsi %gather3A_1743, %max3A_1745 : vector<16xi32>
      %min3A_1747 = arith.constant 255 : i32
      %min3A_1748 = vector.broadcast %min3A_1747 : i32 to vector<16xi32>
      %min3A_1749 = arith.minsi %max3A_1746, %min3A_1748 : vector<16xi32>
      %mul3A_1750 = arith.constant 128 : i32
      %mul3A_1751 = vector.broadcast %mul3A_1750 : i32 to vector<16xi32>
      %mul3A_1752 = arith.muli %min3A_1749, %mul3A_1751 : vector<16xi32>
      %add3A_1753 = arith.constant 0 : i32
      %add3A_1754 = vector.broadcast %add3A_1753 : i32 to vector<16xi32>
      %add3A_1755 = arith.addi %mul3A_1752, %add3A_1754 : vector<16xi32>
      %add3A_1756 = arith.addi %add3A_1755, %iota3A : vector<16xi32>
      %gather3A_1757 = tpu.vector_load_idx %arg5[%add3A_1756] : memref<32768xf32, #tpu.memory_space<vmem>>[vector<16xi32>], vector<16xf32>,
      %ge3A_1758 = arith.cmpf oge, %gather3A_1757, %gather3A_114 : vector<16xf32>
      %and3A_1759 = arith.andi %ge3A_1758, %lt3A_1737 : vector<16xi1>
      %mul3A_1760 = arith.constant 64 : i32
      %mul3A_1761 = vector.broadcast %mul3A_1760 : i32 to vector<16xi32>
      %mul3A_1762 = arith.muli %iota3A, %mul3A_1761 : vector<16xi32>
      %add3A_1763 = arith.addi %mul3A_1762, %while3A_1735 : vector<16xi32>
      %add3A_1764 = arith.constant 1024 : i32
      %add3A_1765 = vector.broadcast %add3A_1764 : i32 to vector<16xi32>
      %add3A_1766 = arith.addi %add3A_1765, %iota3A : vector<16xi32>
      %select_n3A_1767 = arith.select %and3A_1759, %add3A_1763, %add3A_1766 : vector<16xi1>, vector<16xi32>
      tpu.vector_store_idx %arg9[%select_n3A_1767], %gather3A_1757 : memref<1040xf32, #tpu.memory_space<vmem>>[vector<16xi32>], vector<16xf32>,
      tpu.vector_store_idx %arg10[%select_n3A_1767], %add3A_1756 : memref<1040xi32, #tpu.memory_space<vmem>>[vector<16xi32>], vector<16xi32>,
      %convert_element_type3A = arith.extui %and3A_1759 : vector<16xi1> to vector<16xi32>
      %add3A_1768 = arith.addi %while3A_1735, %convert_element_type3A : vector<16xi32>
      %min3A_1769 = arith.constant 64 : i32
      %min3A_1770 = vector.broadcast %min3A_1769 : i32 to vector<16xi32>
      %min3A_1771 = arith.minsi %add3A_1768, %min3A_1770 : vector<16xi32>
      %add3A_1772 = arith.constant 16 : i32
      %add3A_1773 = vector.broadcast %add3A_1772 : i32 to vector<16xi32>
      %add3A_1774 = arith.addi %mul3A_1752, %add3A_1773 : vector<16xi32>
      %add3A_1775 = arith.addi %add3A_1774, %iota3A : vector<16xi32>
      %gather3A_1776 = tpu.vector_load_idx %arg5[%add3A_1775] : memref<32768xf32, #tpu.memory_space<vmem>>[vector<16xi32>], vector<16xf32>,
      %ge3A_1777 = arith.cmpf oge, %gather3A_1776, %gather3A_114 : vector<16xf32>
      %and3A_1778 = arith.andi %ge3A_1777, %lt3A_1737 : vector<16xi1>
      %mul3A_1779 = arith.constant 64 : i32
      %mul3A_1780 = vector.broadcast %mul3A_1779 : i32 to vector<16xi32>
      %mul3A_1781 = arith.muli %iota3A, %mul3A_1780 : vector<16xi32>
      %add3A_1782 = arith.addi %mul3A_1781, %min3A_1771 : vector<16xi32>
      %add3A_1783 = arith.constant 1024 : i32
      %add3A_1784 = vector.broadcast %add3A_1783 : i32 to vector<16xi32>
      %add3A_1785 = arith.addi %add3A_1784, %iota3A : vector<16xi32>
      %select_n3A_1786 = arith.select %and3A_1778, %add3A_1782, %add3A_1785 : vector<16xi1>, vector<16xi32>
      tpu.vector_store_idx %arg9[%select_n3A_1786], %gather3A_1776 : memref<1040xf32, #tpu.memory_space<vmem>>[vector<16xi32>], vector<16xf32>,
      tpu.vector_store_idx %arg10[%select_n3A_1786], %add3A_1775 : memref<1040xi32, #tpu.memory_space<vmem>>[vector<16xi32>], vector<16xi32>,
      %convert_element_type3A_1787 = arith.extui %and3A_1778 : vector<16xi1> to vector<16xi32>
      %add3A_1788 = arith.addi %min3A_1771, %convert_element_type3A_1787 : vector<16xi32>
      %min3A_1789 = arith.constant 64 : i32
      %min3A_1790 = vector.broadcast %min3A_1789 : i32 to vector<16xi32>
      %min3A_1791 = arith.minsi %add3A_1788, %min3A_1790 : vector<16xi32>
      %add3A_1792 = arith.constant 32 : i32
      %add3A_1793 = vector.broadcast %add3A_1792 : i32 to vector<16xi32>
      %add3A_1794 = arith.addi %mul3A_1752, %add3A_1793 : vector<16xi32>
      %add3A_1795 = arith.addi %add3A_1794, %iota3A : vector<16xi32>
      %gather3A_1796 = tpu.vector_load_idx %arg5[%add3A_1795] : memref<32768xf32, #tpu.memory_space<vmem>>[vector<16xi32>], vector<16xf32>,
      %ge3A_1797 = arith.cmpf oge, %gather3A_1796, %gather3A_114 : vector<16xf32>
      %and3A_1798 = arith.andi %ge3A_1797, %lt3A_1737 : vector<16xi1>
      %mul3A_1799 = arith.constant 64 : i32
      %mul3A_1800 = vector.broadcast %mul3A_1799 : i32 to vector<16xi32>
      %mul3A_1801 = arith.muli %iota3A, %mul3A_1800 : vector<16xi32>
      %add3A_1802 = arith.addi %mul3A_1801, %min3A_1791 : vector<16xi32>
      %add3A_1803 = arith.constant 1024 : i32
      %add3A_1804 = vector.broadcast %add3A_1803 : i32 to vector<16xi32>
      %add3A_1805 = arith.addi %add3A_1804, %iota3A : vector<16xi32>
      %select_n3A_1806 = arith.select %and3A_1798, %add3A_1802, %add3A_1805 : vector<16xi1>, vector<16xi32>
      tpu.vector_store_idx %arg9[%select_n3A_1806], %gather3A_1796 : memref<1040xf32, #tpu.memory_space<vmem>>[vector<16xi32>], vector<16xf32>,
      tpu.vector_store_idx %arg10[%select_n3A_1806], %add3A_1795 : memref<1040xi32, #tpu.memory_space<vmem>>[vector<16xi32>], vector<16xi32>,
      %convert_element_type3A_1807 = arith.extui %and3A_1798 : vector<16xi1> to vector<16xi32>
      %add3A_1808 = arith.addi %min3A_1791, %convert_element_type3A_1807 : vector<16xi32>
      %min3A_1809 = arith.constant 64 : i32
      %min3A_1810 = vector.broadcast %min3A_1809 : i32 to vector<16xi32>
      %min3A_1811 = arith.minsi %add3A_1808, %min3A_1810 : vector<16xi32>
      %add3A_1812 = arith.constant 48 : i32
      %add3A_1813 = vector.broadcast %add3A_1812 : i32 to vector<16xi32>
      %add3A_1814 = arith.addi %mul3A_1752, %add3A_1813 : vector<16xi32>
      %add3A_1815 = arith.addi %add3A_1814, %iota3A : vector<16xi32>
      %gather3A_1816 = tpu.vector_load_idx %arg5[%add3A_1815] : memref<32768xf32, #tpu.memory_space<vmem>>[vector<16xi32>], vector<16xf32>,
      %ge3A_1817 = arith.cmpf oge, %gather3A_1816, %gather3A_114 : vector<16xf32>
      %and3A_1818 = arith.andi %ge3A_1817, %lt3A_1737 : vector<16xi1>
      %mul3A_1819 = arith.constant 64 : i32
      %mul3A_1820 = vector.broadcast %mul3A_1819 : i32 to vector<16xi32>
      %mul3A_1821 = arith.muli %iota3A, %mul3A_1820 : vector<16xi32>
      %add3A_1822 = arith.addi %mul3A_1821, %min3A_1811 : vector<16xi32>
      %add3A_1823 = arith.constant 1024 : i32
      %add3A_1824 = vector.broadcast %add3A_1823 : i32 to vector<16xi32>
      %add3A_1825 = arith.addi %add3A_1824, %iota3A : vector<16xi32>
      %select_n3A_1826 = arith.select %and3A_1818, %add3A_1822, %add3A_1825 : vector<16xi1>, vector<16xi32>
      tpu.vector_store_idx %arg9[%select_n3A_1826], %gather3A_1816 : memref<1040xf32, #tpu.memory_space<vmem>>[vector<16xi32>], vector<16xf32>,
      tpu.vector_store_idx %arg10[%select_n3A_1826], %add3A_1815 : memref<1040xi32, #tpu.memory_space<vmem>>[vector<16xi32>], vector<16xi32>,
      %convert_element_type3A_1827 = arith.extui %and3A_1818 : vector<16xi1> to vector<16xi32>
      %add3A_1828 = arith.addi %min3A_1811, %convert_element_type3A_1827 : vector<16xi32>
      %min3A_1829 = arith.constant 64 : i32
      %min3A_1830 = vector.broadcast %min3A_1829 : i32 to vector<16xi32>
      %min3A_1831 = arith.minsi %add3A_1828, %min3A_1830 : vector<16xi32>
      %add3A_1832 = arith.constant 64 : i32
      %add3A_1833 = vector.broadcast %add3A_1832 : i32 to vector<16xi32>
      %add3A_1834 = arith.addi %mul3A_1752, %add3A_1833 : vector<16xi32>
      %add3A_1835 = arith.addi %add3A_1834, %iota3A : vector<16xi32>
      %gather3A_1836 = tpu.vector_load_idx %arg5[%add3A_1835] : memref<32768xf32, #tpu.memory_space<vmem>>[vector<16xi32>], vector<16xf32>,
      %ge3A_1837 = arith.cmpf oge, %gather3A_1836, %gather3A_114 : vector<16xf32>
      %and3A_1838 = arith.andi %ge3A_1837, %lt3A_1737 : vector<16xi1>
      %mul3A_1839 = arith.constant 64 : i32
      %mul3A_1840 = vector.broadcast %mul3A_1839 : i32 to vector<16xi32>
      %mul3A_1841 = arith.muli %iota3A, %mul3A_1840 : vector<16xi32>
      %add3A_1842 = arith.addi %mul3A_1841, %min3A_1831 : vector<16xi32>
      %add3A_1843 = arith.constant 1024 : i32
      %add3A_1844 = vector.broadcast %add3A_1843 : i32 to vector<16xi32>
      %add3A_1845 = arith.addi %add3A_1844, %iota3A : vector<16xi32>
      %select_n3A_1846 = arith.select %and3A_1838, %add3A_1842, %add3A_1845 : vector<16xi1>, vector<16xi32>
      tpu.vector_store_idx %arg9[%select_n3A_1846], %gather3A_1836 : memref<1040xf32, #tpu.memory_space<vmem>>[vector<16xi32>], vector<16xf32>,
      tpu.vector_store_idx %arg10[%select_n3A_1846], %add3A_1835 : memref<1040xi32, #tpu.memory_space<vmem>>[vector<16xi32>], vector<16xi32>,
      %convert_element_type3A_1847 = arith.extui %and3A_1838 : vector<16xi1> to vector<16xi32>
      %add3A_1848 = arith.addi %min3A_1831, %convert_element_type3A_1847 : vector<16xi32>
      %min3A_1849 = arith.constant 64 : i32
      %min3A_1850 = vector.broadcast %min3A_1849 : i32 to vector<16xi32>
      %min3A_1851 = arith.minsi %add3A_1848, %min3A_1850 : vector<16xi32>
      %add3A_1852 = arith.constant 80 : i32
      %add3A_1853 = vector.broadcast %add3A_1852 : i32 to vector<16xi32>
      %add3A_1854 = arith.addi %mul3A_1752, %add3A_1853 : vector<16xi32>
      %add3A_1855 = arith.addi %add3A_1854, %iota3A : vector<16xi32>
      %gather3A_1856 = tpu.vector_load_idx %arg5[%add3A_1855] : memref<32768xf32, #tpu.memory_space<vmem>>[vector<16xi32>], vector<16xf32>,
      %ge3A_1857 = arith.cmpf oge, %gather3A_1856, %gather3A_114 : vector<16xf32>
      %and3A_1858 = arith.andi %ge3A_1857, %lt3A_1737 : vector<16xi1>
      %mul3A_1859 = arith.constant 64 : i32
      %mul3A_1860 = vector.broadcast %mul3A_1859 : i32 to vector<16xi32>
      %mul3A_1861 = arith.muli %iota3A, %mul3A_1860 : vector<16xi32>
      %add3A_1862 = arith.addi %mul3A_1861, %min3A_1851 : vector<16xi32>
      %add3A_1863 = arith.constant 1024 : i32
      %add3A_1864 = vector.broadcast %add3A_1863 : i32 to vector<16xi32>
      %add3A_1865 = arith.addi %add3A_1864, %iota3A : vector<16xi32>
      %select_n3A_1866 = arith.select %and3A_1858, %add3A_1862, %add3A_1865 : vector<16xi1>, vector<16xi32>
      tpu.vector_store_idx %arg9[%select_n3A_1866], %gather3A_1856 : memref<1040xf32, #tpu.memory_space<vmem>>[vector<16xi32>], vector<16xf32>,
      tpu.vector_store_idx %arg10[%select_n3A_1866], %add3A_1855 : memref<1040xi32, #tpu.memory_space<vmem>>[vector<16xi32>], vector<16xi32>,
      %convert_element_type3A_1867 = arith.extui %and3A_1858 : vector<16xi1> to vector<16xi32>
      %add3A_1868 = arith.addi %min3A_1851, %convert_element_type3A_1867 : vector<16xi32>
      %min3A_1869 = arith.constant 64 : i32
      %min3A_1870 = vector.broadcast %min3A_1869 : i32 to vector<16xi32>
      %min3A_1871 = arith.minsi %add3A_1868, %min3A_1870 : vector<16xi32>
      %add3A_1872 = arith.constant 96 : i32
      %add3A_1873 = vector.broadcast %add3A_1872 : i32 to vector<16xi32>
      %add3A_1874 = arith.addi %mul3A_1752, %add3A_1873 : vector<16xi32>
      %add3A_1875 = arith.addi %add3A_1874, %iota3A : vector<16xi32>
      %gather3A_1876 = tpu.vector_load_idx %arg5[%add3A_1875] : memref<32768xf32, #tpu.memory_space<vmem>>[vector<16xi32>], vector<16xf32>,
      %ge3A_1877 = arith.cmpf oge, %gather3A_1876, %gather3A_114 : vector<16xf32>
      %and3A_1878 = arith.andi %ge3A_1877, %lt3A_1737 : vector<16xi1>
      %mul3A_1879 = arith.constant 64 : i32
      %mul3A_1880 = vector.broadcast %mul3A_1879 : i32 to vector<16xi32>
      %mul3A_1881 = arith.muli %iota3A, %mul3A_1880 : vector<16xi32>
      %add3A_1882 = arith.addi %mul3A_1881, %min3A_1871 : vector<16xi32>
      %add3A_1883 = arith.constant 1024 : i32
      %add3A_1884 = vector.broadcast %add3A_1883 : i32 to vector<16xi32>
      %add3A_1885 = arith.addi %add3A_1884, %iota3A : vector<16xi32>
      %select_n3A_1886 = arith.select %and3A_1878, %add3A_1882, %add3A_1885 : vector<16xi1>, vector<16xi32>
      tpu.vector_store_idx %arg9[%select_n3A_1886], %gather3A_1876 : memref<1040xf32, #tpu.memory_space<vmem>>[vector<16xi32>], vector<16xf32>,
      tpu.vector_store_idx %arg10[%select_n3A_1886], %add3A_1875 : memref<1040xi32, #tpu.memory_space<vmem>>[vector<16xi32>], vector<16xi32>,
      %convert_element_type3A_1887 = arith.extui %and3A_1878 : vector<16xi1> to vector<16xi32>
      %add3A_1888 = arith.addi %min3A_1871, %convert_element_type3A_1887 : vector<16xi32>
      %min3A_1889 = arith.constant 64 : i32
      %min3A_1890 = vector.broadcast %min3A_1889 : i32 to vector<16xi32>
      %min3A_1891 = arith.minsi %add3A_1888, %min3A_1890 : vector<16xi32>
      %add3A_1892 = arith.constant 112 : i32
      %add3A_1893 = vector.broadcast %add3A_1892 : i32 to vector<16xi32>
      %add3A_1894 = arith.addi %mul3A_1752, %add3A_1893 : vector<16xi32>
      %add3A_1895 = arith.addi %add3A_1894, %iota3A : vector<16xi32>
      %gather3A_1896 = tpu.vector_load_idx %arg5[%add3A_1895] : memref<32768xf32, #tpu.memory_space<vmem>>[vector<16xi32>], vector<16xf32>,
      %ge3A_1897 = arith.cmpf oge, %gather3A_1896, %gather3A_114 : vector<16xf32>
      %and3A_1898 = arith.andi %ge3A_1897, %lt3A_1737 : vector<16xi1>
      %mul3A_1899 = arith.constant 64 : i32
      %mul3A_1900 = vector.broadcast %mul3A_1899 : i32 to vector<16xi32>
      %mul3A_1901 = arith.muli %iota3A, %mul3A_1900 : vector<16xi32>
      %add3A_1902 = arith.addi %mul3A_1901, %min3A_1891 : vector<16xi32>
      %add3A_1903 = arith.constant 1024 : i32
      %add3A_1904 = vector.broadcast %add3A_1903 : i32 to vector<16xi32>
      %add3A_1905 = arith.addi %add3A_1904, %iota3A : vector<16xi32>
      %select_n3A_1906 = arith.select %and3A_1898, %add3A_1902, %add3A_1905 : vector<16xi1>, vector<16xi32>
      tpu.vector_store_idx %arg9[%select_n3A_1906], %gather3A_1896 : memref<1040xf32, #tpu.memory_space<vmem>>[vector<16xi32>], vector<16xf32>,
      tpu.vector_store_idx %arg10[%select_n3A_1906], %add3A_1895 : memref<1040xi32, #tpu.memory_space<vmem>>[vector<16xi32>], vector<16xi32>,
      %convert_element_type3A_1907 = arith.extui %and3A_1898 : vector<16xi1> to vector<16xi32>
      %add3A_1908 = arith.addi %min3A_1891, %convert_element_type3A_1907 : vector<16xi32>
      %min3A_1909 = arith.constant 64 : i32
      %min3A_1910 = vector.broadcast %min3A_1909 : i32 to vector<16xi32>
      %min3A_1911 = arith.minsi %add3A_1908, %min3A_1910 : vector<16xi32>
      scf.yield %min3A_1911 : vector<16xi32>
    }
    %while3A_186 = arith.constant 1 : i32
    %while3A_187 = scf.for %while3A_1734 = %while3A_183 to %while3A_179 step %while3A_186 iter_args(%while3A_1735 = %while3A_185) -> (vector<16xi32>)  : i32 {
      %lt3A_1736 = vector.broadcast %while3A_1734 : i32 to vector<16xi32>
      %lt3A_1737 = arith.cmpi slt, %lt3A_1736, %scan3A_121 : vector<16xi32>
      %mul3A_1738 = arith.constant 32 : i32
      %mul3A_1739 = vector.broadcast %mul3A_1738 : i32 to vector<16xi32>
      %mul3A_1740 = arith.muli %iota3A, %mul3A_1739 : vector<16xi32>
      %add3A_1741 = vector.broadcast %while3A_1734 : i32 to vector<16xi32>
      %add3A_1742 = arith.addi %mul3A_1740, %add3A_1741 : vector<16xi32>
      %gather3A_1743 = tpu.vector_load_idx %arg8[%add3A_1742] : memref<528xi32, #tpu.memory_space<vmem>>[vector<16xi32>], vector<16xi32>,
      %max3A_1744 = arith.constant 0 : i32
      %max3A_1745 = vector.broadcast %max3A_1744 : i32 to vector<16xi32>
      %max3A_1746 = arith.maxsi %gather3A_1743, %max3A_1745 : vector<16xi32>
      %min3A_1747 = arith.constant 255 : i32
      %min3A_1748 = vector.broadcast %min3A_1747 : i32 to vector<16xi32>
      %min3A_1749 = arith.minsi %max3A_1746, %min3A_1748 : vector<16xi32>
      %mul3A_1750 = arith.constant 128 : i32
      %mul3A_1751 = vector.broadcast %mul3A_1750 : i32 to vector<16xi32>
      %mul3A_1752 = arith.muli %min3A_1749, %mul3A_1751 : vector<16xi32>
      %add3A_1753 = arith.constant 0 : i32
      %add3A_1754 = vector.broadcast %add3A_1753 : i32 to vector<16xi32>
      %add3A_1755 = arith.addi %mul3A_1752, %add3A_1754 : vector<16xi32>
      %add3A_1756 = arith.addi %add3A_1755, %iota3A : vector<16xi32>
      %gather3A_1757 = tpu.vector_load_idx %arg5[%add3A_1756] : memref<32768xf32, #tpu.memory_space<vmem>>[vector<16xi32>], vector<16xf32>,
      %ge3A_1758 = arith.cmpf oge, %gather3A_1757, %gather3A_114 : vector<16xf32>
      %and3A_1759 = arith.andi %ge3A_1758, %lt3A_1737 : vector<16xi1>
      %mul3A_1760 = arith.constant 64 : i32
      %mul3A_1761 = vector.broadcast %mul3A_1760 : i32 to vector<16xi32>
      %mul3A_1762 = arith.muli %iota3A, %mul3A_1761 : vector<16xi32>
      %add3A_1763 = arith.addi %mul3A_1762, %while3A_1735 : vector<16xi32>
      %add3A_1764 = arith.constant 1024 : i32
      %add3A_1765 = vector.broadcast %add3A_1764 : i32 to vector<16xi32>
      %add3A_1766 = arith.addi %add3A_1765, %iota3A : vector<16xi32>
      %select_n3A_1767 = arith.select %and3A_1759, %add3A_1763, %add3A_1766 : vector<16xi1>, vector<16xi32>
      tpu.vector_store_idx %arg9[%select_n3A_1767], %gather3A_1757 : memref<1040xf32, #tpu.memory_space<vmem>>[vector<16xi32>], vector<16xf32>,
      tpu.vector_store_idx %arg10[%select_n3A_1767], %add3A_1756 : memref<1040xi32, #tpu.memory_space<vmem>>[vector<16xi32>], vector<16xi32>,
      %convert_element_type3A = arith.extui %and3A_1759 : vector<16xi1> to vector<16xi32>
      %add3A_1768 = arith.addi %while3A_1735, %convert_element_type3A : vector<16xi32>
      %min3A_1769 = arith.constant 64 : i32
      %min3A_1770 = vector.broadcast %min3A_1769 : i32 to vector<16xi32>
      %min3A_1771 = arith.minsi %add3A_1768, %min3A_1770 : vector<16xi32>
      %add3A_1772 = arith.constant 16 : i32
      %add3A_1773 = vector.broadcast %add3A_1772 : i32 to vector<16xi32>
      %add3A_1774 = arith.addi %mul3A_1752, %add3A_1773 : vector<16xi32>
      %add3A_1775 = arith.addi %add3A_1774, %iota3A : vector<16xi32>
      %gather3A_1776 = tpu.vector_load_idx %arg5[%add3A_1775] : memref<32768xf32, #tpu.memory_space<vmem>>[vector<16xi32>], vector<16xf32>,
      %ge3A_1777 = arith.cmpf oge, %gather3A_1776, %gather3A_114 : vector<16xf32>
      %and3A_1778 = arith.andi %ge3A_1777, %lt3A_1737 : vector<16xi1>
      %mul3A_1779 = arith.constant 64 : i32
      %mul3A_1780 = vector.broadcast %mul3A_1779 : i32 to vector<16xi32>
      %mul3A_1781 = arith.muli %iota3A, %mul3A_1780 : vector<16xi32>
      %add3A_1782 = arith.addi %mul3A_1781, %min3A_1771 : vector<16xi32>
      %add3A_1783 = arith.constant 1024 : i32
      %add3A_1784 = vector.broadcast %add3A_1783 : i32 to vector<16xi32>
      %add3A_1785 = arith.addi %add3A_1784, %iota3A : vector<16xi32>
      %select_n3A_1786 = arith.select %and3A_1778, %add3A_1782, %add3A_1785 : vector<16xi1>, vector<16xi32>
      tpu.vector_store_idx %arg9[%select_n3A_1786], %gather3A_1776 : memref<1040xf32, #tpu.memory_space<vmem>>[vector<16xi32>], vector<16xf32>,
      tpu.vector_store_idx %arg10[%select_n3A_1786], %add3A_1775 : memref<1040xi32, #tpu.memory_space<vmem>>[vector<16xi32>], vector<16xi32>,
      %convert_element_type3A_1787 = arith.extui %and3A_1778 : vector<16xi1> to vector<16xi32>
      %add3A_1788 = arith.addi %min3A_1771, %convert_element_type3A_1787 : vector<16xi32>
      %min3A_1789 = arith.constant 64 : i32
      %min3A_1790 = vector.broadcast %min3A_1789 : i32 to vector<16xi32>
      %min3A_1791 = arith.minsi %add3A_1788, %min3A_1790 : vector<16xi32>
      %add3A_1792 = arith.constant 32 : i32
      %add3A_1793 = vector.broadcast %add3A_1792 : i32 to vector<16xi32>
      %add3A_1794 = arith.addi %mul3A_1752, %add3A_1793 : vector<16xi32>
      %add3A_1795 = arith.addi %add3A_1794, %iota3A : vector<16xi32>
      %gather3A_1796 = tpu.vector_load_idx %arg5[%add3A_1795] : memref<32768xf32, #tpu.memory_space<vmem>>[vector<16xi32>], vector<16xf32>,
      %ge3A_1797 = arith.cmpf oge, %gather3A_1796, %gather3A_114 : vector<16xf32>
      %and3A_1798 = arith.andi %ge3A_1797, %lt3A_1737 : vector<16xi1>
      %mul3A_1799 = arith.constant 64 : i32
      %mul3A_1800 = vector.broadcast %mul3A_1799 : i32 to vector<16xi32>
      %mul3A_1801 = arith.muli %iota3A, %mul3A_1800 : vector<16xi32>
      %add3A_1802 = arith.addi %mul3A_1801, %min3A_1791 : vector<16xi32>
      %add3A_1803 = arith.constant 1024 : i32
      %add3A_1804 = vector.broadcast %add3A_1803 : i32 to vector<16xi32>
      %add3A_1805 = arith.addi %add3A_1804, %iota3A : vector<16xi32>
      %select_n3A_1806 = arith.select %and3A_1798, %add3A_1802, %add3A_1805 : vector<16xi1>, vector<16xi32>
      tpu.vector_store_idx %arg9[%select_n3A_1806], %gather3A_1796 : memref<1040xf32, #tpu.memory_space<vmem>>[vector<16xi32>], vector<16xf32>,
      tpu.vector_store_idx %arg10[%select_n3A_1806], %add3A_1795 : memref<1040xi32, #tpu.memory_space<vmem>>[vector<16xi32>], vector<16xi32>,
      %convert_element_type3A_1807 = arith.extui %and3A_1798 : vector<16xi1> to vector<16xi32>
      %add3A_1808 = arith.addi %min3A_1791, %convert_element_type3A_1807 : vector<16xi32>
      %min3A_1809 = arith.constant 64 : i32
      %min3A_1810 = vector.broadcast %min3A_1809 : i32 to vector<16xi32>
      %min3A_1811 = arith.minsi %add3A_1808, %min3A_1810 : vector<16xi32>
      %add3A_1812 = arith.constant 48 : i32
      %add3A_1813 = vector.broadcast %add3A_1812 : i32 to vector<16xi32>
      %add3A_1814 = arith.addi %mul3A_1752, %add3A_1813 : vector<16xi32>
      %add3A_1815 = arith.addi %add3A_1814, %iota3A : vector<16xi32>
      %gather3A_1816 = tpu.vector_load_idx %arg5[%add3A_1815] : memref<32768xf32, #tpu.memory_space<vmem>>[vector<16xi32>], vector<16xf32>,
      %ge3A_1817 = arith.cmpf oge, %gather3A_1816, %gather3A_114 : vector<16xf32>
      %and3A_1818 = arith.andi %ge3A_1817, %lt3A_1737 : vector<16xi1>
      %mul3A_1819 = arith.constant 64 : i32
      %mul3A_1820 = vector.broadcast %mul3A_1819 : i32 to vector<16xi32>
      %mul3A_1821 = arith.muli %iota3A, %mul3A_1820 : vector<16xi32>
      %add3A_1822 = arith.addi %mul3A_1821, %min3A_1811 : vector<16xi32>
      %add3A_1823 = arith.constant 1024 : i32
      %add3A_1824 = vector.broadcast %add3A_1823 : i32 to vector<16xi32>
      %add3A_1825 = arith.addi %add3A_1824, %iota3A : vector<16xi32>
      %select_n3A_1826 = arith.select %and3A_1818, %add3A_1822, %add3A_1825 : vector<16xi1>, vector<16xi32>
      tpu.vector_store_idx %arg9[%select_n3A_1826], %gather3A_1816 : memref<1040xf32, #tpu.memory_space<vmem>>[vector<16xi32>], vector<16xf32>,
      tpu.vector_store_idx %arg10[%select_n3A_1826], %add3A_1815 : memref<1040xi32, #tpu.memory_space<vmem>>[vector<16xi32>], vector<16xi32>,
      %convert_element_type3A_1827 = arith.extui %and3A_1818 : vector<16xi1> to vector<16xi32>
      %add3A_1828 = arith.addi %min3A_1811, %convert_element_type3A_1827 : vector<16xi32>
      %min3A_1829 = arith.constant 64 : i32
      %min3A_1830 = vector.broadcast %min3A_1829 : i32 to vector<16xi32>
      %min3A_1831 = arith.minsi %add3A_1828, %min3A_1830 : vector<16xi32>
      %add3A_1832 = arith.constant 64 : i32
      %add3A_1833 = vector.broadcast %add3A_1832 : i32 to vector<16xi32>
      %add3A_1834 = arith.addi %mul3A_1752, %add3A_1833 : vector<16xi32>
      %add3A_1835 = arith.addi %add3A_1834, %iota3A : vector<16xi32>
      %gather3A_1836 = tpu.vector_load_idx %arg5[%add3A_1835] : memref<32768xf32, #tpu.memory_space<vmem>>[vector<16xi32>], vector<16xf32>,
      %ge3A_1837 = arith.cmpf oge, %gather3A_1836, %gather3A_114 : vector<16xf32>
      %and3A_1838 = arith.andi %ge3A_1837, %lt3A_1737 : vector<16xi1>
      %mul3A_1839 = arith.constant 64 : i32
      %mul3A_1840 = vector.broadcast %mul3A_1839 : i32 to vector<16xi32>
      %mul3A_1841 = arith.muli %iota3A, %mul3A_1840 : vector<16xi32>
      %add3A_1842 = arith.addi %mul3A_1841, %min3A_1831 : vector<16xi32>
      %add3A_1843 = arith.constant 1024 : i32
      %add3A_1844 = vector.broadcast %add3A_1843 : i32 to vector<16xi32>
      %add3A_1845 = arith.addi %add3A_1844, %iota3A : vector<16xi32>
      %select_n3A_1846 = arith.select %and3A_1838, %add3A_1842, %add3A_1845 : vector<16xi1>, vector<16xi32>
      tpu.vector_store_idx %arg9[%select_n3A_1846], %gather3A_1836 : memref<1040xf32, #tpu.memory_space<vmem>>[vector<16xi32>], vector<16xf32>,
      tpu.vector_store_idx %arg10[%select_n3A_1846], %add3A_1835 : memref<1040xi32, #tpu.memory_space<vmem>>[vector<16xi32>], vector<16xi32>,
      %convert_element_type3A_1847 = arith.extui %and3A_1838 : vector<16xi1> to vector<16xi32>
      %add3A_1848 = arith.addi %min3A_1831, %convert_element_type3A_1847 : vector<16xi32>
      %min3A_1849 = arith.constant 64 : i32
      %min3A_1850 = vector.broadcast %min3A_1849 : i32 to vector<16xi32>
      %min3A_1851 = arith.minsi %add3A_1848, %min3A_1850 : vector<16xi32>
      %add3A_1852 = arith.constant 80 : i32
      %add3A_1853 = vector.broadcast %add3A_1852 : i32 to vector<16xi32>
      %add3A_1854 = arith.addi %mul3A_1752, %add3A_1853 : vector<16xi32>
      %add3A_1855 = arith.addi %add3A_1854, %iota3A : vector<16xi32>
      %gather3A_1856 = tpu.vector_load_idx %arg5[%add3A_1855] : memref<32768xf32, #tpu.memory_space<vmem>>[vector<16xi32>], vector<16xf32>,
      %ge3A_1857 = arith.cmpf oge, %gather3A_1856, %gather3A_114 : vector<16xf32>
      %and3A_1858 = arith.andi %ge3A_1857, %lt3A_1737 : vector<16xi1>
      %mul3A_1859 = arith.constant 64 : i32
      %mul3A_1860 = vector.broadcast %mul3A_1859 : i32 to vector<16xi32>
      %mul3A_1861 = arith.muli %iota3A, %mul3A_1860 : vector<16xi32>
      %add3A_1862 = arith.addi %mul3A_1861, %min3A_1851 : vector<16xi32>
      %add3A_1863 = arith.constant 1024 : i32
      %add3A_1864 = vector.broadcast %add3A_1863 : i32 to vector<16xi32>
      %add3A_1865 = arith.addi %add3A_1864, %iota3A : vector<16xi32>
      %select_n3A_1866 = arith.select %and3A_1858, %add3A_1862, %add3A_1865 : vector<16xi1>, vector<16xi32>
      tpu.vector_store_idx %arg9[%select_n3A_1866], %gather3A_1856 : memref<1040xf32, #tpu.memory_space<vmem>>[vector<16xi32>], vector<16xf32>,
      tpu.vector_store_idx %arg10[%select_n3A_1866], %add3A_1855 : memref<1040xi32, #tpu.memory_space<vmem>>[vector<16xi32>], vector<16xi32>,
      %convert_element_type3A_1867 = arith.extui %and3A_1858 : vector<16xi1> to vector<16xi32>
      %add3A_1868 = arith.addi %min3A_1851, %convert_element_type3A_1867 : vector<16xi32>
      %min3A_1869 = arith.constant 64 : i32
      %min3A_1870 = vector.broadcast %min3A_1869 : i32 to vector<16xi32>
      %min3A_1871 = arith.minsi %add3A_1868, %min3A_1870 : vector<16xi32>
      %add3A_1872 = arith.constant 96 : i32
      %add3A_1873 = vector.broadcast %add3A_1872 : i32 to vector<16xi32>
      %add3A_1874 = arith.addi %mul3A_1752, %add3A_1873 : vector<16xi32>
      %add3A_1875 = arith.addi %add3A_1874, %iota3A : vector<16xi32>
      %gather3A_1876 = tpu.vector_load_idx %arg5[%add3A_1875] : memref<32768xf32, #tpu.memory_space<vmem>>[vector<16xi32>], vector<16xf32>,
      %ge3A_1877 = arith.cmpf oge, %gather3A_1876, %gather3A_114 : vector<16xf32>
      %and3A_1878 = arith.andi %ge3A_1877, %lt3A_1737 : vector<16xi1>
      %mul3A_1879 = arith.constant 64 : i32
      %mul3A_1880 = vector.broadcast %mul3A_1879 : i32 to vector<16xi32>
      %mul3A_1881 = arith.muli %iota3A, %mul3A_1880 : vector<16xi32>
      %add3A_1882 = arith.addi %mul3A_1881, %min3A_1871 : vector<16xi32>
      %add3A_1883 = arith.constant 1024 : i32
      %add3A_1884 = vector.broadcast %add3A_1883 : i32 to vector<16xi32>
      %add3A_1885 = arith.addi %add3A_1884, %iota3A : vector<16xi32>
      %select_n3A_1886 = arith.select %and3A_1878, %add3A_1882, %add3A_1885 : vector<16xi1>, vector<16xi32>
      tpu.vector_store_idx %arg9[%select_n3A_1886], %gather3A_1876 : memref<1040xf32, #tpu.memory_space<vmem>>[vector<16xi32>], vector<16xf32>,
      tpu.vector_store_idx %arg10[%select_n3A_1886], %add3A_1875 : memref<1040xi32, #tpu.memory_space<vmem>>[vector<16xi32>], vector<16xi32>,
      %convert_element_type3A_1887 = arith.extui %and3A_1878 : vector<16xi1> to vector<16xi32>
      %add3A_1888 = arith.addi %min3A_1871, %convert_element_type3A_1887 : vector<16xi32>
      %min3A_1889 = arith.constant 64 : i32
      %min3A_1890 = vector.broadcast %min3A_1889 : i32 to vector<16xi32>
      %min3A_1891 = arith.minsi %add3A_1888, %min3A_1890 : vector<16xi32>
      %add3A_1892 = arith.constant 112 : i32
      %add3A_1893 = vector.broadcast %add3A_1892 : i32 to vector<16xi32>
      %add3A_1894 = arith.addi %mul3A_1752, %add3A_1893 : vector<16xi32>
      %add3A_1895 = arith.addi %add3A_1894, %iota3A : vector<16xi32>
      %gather3A_1896 = tpu.vector_load_idx %arg5[%add3A_1895] : memref<32768xf32, #tpu.memory_space<vmem>>[vector<16xi32>], vector<16xf32>,
      %ge3A_1897 = arith.cmpf oge, %gather3A_1896, %gather3A_114 : vector<16xf32>
      %and3A_1898 = arith.andi %ge3A_1897, %lt3A_1737 : vector<16xi1>
      %mul3A_1899 = arith.constant 64 : i32
      %mul3A_1900 = vector.broadcast %mul3A_1899 : i32 to vector<16xi32>
      %mul3A_1901 = arith.muli %iota3A, %mul3A_1900 : vector<16xi32>
      %add3A_1902 = arith.addi %mul3A_1901, %min3A_1891 : vector<16xi32>
      %add3A_1903 = arith.constant 1024 : i32
      %add3A_1904 = vector.broadcast %add3A_1903 : i32 to vector<16xi32>
      %add3A_1905 = arith.addi %add3A_1904, %iota3A : vector<16xi32>
      %select_n3A_1906 = arith.select %and3A_1898, %add3A_1902, %add3A_1905 : vector<16xi1>, vector<16xi32>
      tpu.vector_store_idx %arg9[%select_n3A_1906], %gather3A_1896 : memref<1040xf32, #tpu.memory_space<vmem>>[vector<16xi32>], vector<16xf32>,
      tpu.vector_store_idx %arg10[%select_n3A_1906], %add3A_1895 : memref<1040xi32, #tpu.memory_space<vmem>>[vector<16xi32>], vector<16xi32>,
      %convert_element_type3A_1907 = arith.extui %and3A_1898 : vector<16xi1> to vector<16xi32>
      %add3A_1908 = arith.addi %min3A_1891, %convert_element_type3A_1907 : vector<16xi32>
      %min3A_1909 = arith.constant 64 : i32
      %min3A_1910 = vector.broadcast %min3A_1909 : i32 to vector<16xi32>
      %min3A_1911 = arith.minsi %add3A_1908, %min3A_1910 : vector<16xi32>
      scf.yield %min3A_1911 : vector<16xi32>
    }
    %sub3A = arith.constant 1 : i32
    %sub3A_188 = vector.broadcast %sub3A : i32 to vector<16xi32>
    %sub3A_189 = arith.subi %iota3A, %sub3A_188 : vector<16xi32>
    %max3A_190 = arith.constant 0 : i32
    %max3A_191 = vector.broadcast %max3A_190 : i32 to vector<16xi32>
    %max3A_192 = arith.maxsi %sub3A_189, %max3A_191 : vector<16xi32>
    %lt3A_193 = arith.constant 0 : i32
    %lt3A_194 = vector.broadcast %lt3A_193 : i32 to vector<16xi32>
    %lt3A_195 = arith.cmpi slt, %max3A_192, %lt3A_194 : vector<16xi32>
    %add3A_196 = arith.constant 16 : i32
    %add3A_197 = vector.broadcast %add3A_196 : i32 to vector<16xi32>
    %add3A_198 = arith.addi %max3A_192, %add3A_197 : vector<16xi32>
    %select_n3A_199 = arith.select %lt3A_195, %add3A_198, %max3A_192 : vector<16xi1>, vector<16xi32>
    %broadcast_in_dim3A_200 = vector.shape_cast %select_n3A_199 : vector<16xi32> to vector<16x1xi32>
    %gather3A_201 = vector.shape_cast %broadcast_in_dim3A_200 : vector<16x1xi32> to vector<16xi32>
    %gather3A_202 = tpu.dynamic_gather %while3A_187[%gather3A_201] in [0] : vector<16xi32>, vector<16xi32> -> vector<16xi32>
    %ge3A = arith.constant 1 : i32
    %ge3A_203 = vector.broadcast %ge3A : i32 to vector<16xi32>
    %ge3A_204 = arith.cmpi sge, %iota3A, %ge3A_203 : vector<16xi32>
    %jit3A = arith.constant 0 : i32
    %broadcast_in_dim3A_205 = vector.broadcast %jit3A : i32 to vector<16xi32>
    %select_n3A_206 = arith.select %ge3A_204, %gather3A_202, %broadcast_in_dim3A_205 : vector<16xi1>, vector<16xi32>
    %add3A_207 = arith.addi %while3A_187, %select_n3A_206 : vector<16xi32>
    %sub3A_208 = arith.constant 2 : i32
    %sub3A_209 = vector.broadcast %sub3A_208 : i32 to vector<16xi32>
    %sub3A_210 = arith.subi %iota3A, %sub3A_209 : vector<16xi32>
    %max3A_211 = arith.constant 0 : i32
    %max3A_212 = vector.broadcast %max3A_211 : i32 to vector<16xi32>
    %max3A_213 = arith.maxsi %sub3A_210, %max3A_212 : vector<16xi32>
    %lt3A_214 = arith.constant 0 : i32
    %lt3A_215 = vector.broadcast %lt3A_214 : i32 to vector<16xi32>
    %lt3A_216 = arith.cmpi slt, %max3A_213, %lt3A_215 : vector<16xi32>
    %add3A_217 = arith.constant 16 : i32
    %add3A_218 = vector.broadcast %add3A_217 : i32 to vector<16xi32>
    %add3A_219 = arith.addi %max3A_213, %add3A_218 : vector<16xi32>
    %select_n3A_220 = arith.select %lt3A_216, %add3A_219, %max3A_213 : vector<16xi1>, vector<16xi32>
    %broadcast_in_dim3A_221 = vector.shape_cast %select_n3A_220 : vector<16xi32> to vector<16x1xi32>
    %gather3A_222 = vector.shape_cast %broadcast_in_dim3A_221 : vector<16x1xi32> to vector<16xi32>
    %gather3A_223 = tpu.dynamic_gather %add3A_207[%gather3A_222] in [0] : vector<16xi32>, vector<16xi32> -> vector<16xi32>
    %ge3A_224 = arith.constant 2 : i32
    %ge3A_225 = vector.broadcast %ge3A_224 : i32 to vector<16xi32>
    %ge3A_226 = arith.cmpi sge, %iota3A, %ge3A_225 : vector<16xi32>
    %jit3A_227 = arith.constant 0 : i32
    %broadcast_in_dim3A_228 = vector.broadcast %jit3A_227 : i32 to vector<16xi32>
    %select_n3A_229 = arith.select %ge3A_226, %gather3A_223, %broadcast_in_dim3A_228 : vector<16xi1>, vector<16xi32>
    %add3A_230 = arith.addi %add3A_207, %select_n3A_229 : vector<16xi32>
    %sub3A_231 = arith.constant 4 : i32
    %sub3A_232 = vector.broadcast %sub3A_231 : i32 to vector<16xi32>
    %sub3A_233 = arith.subi %iota3A, %sub3A_232 : vector<16xi32>
    %max3A_234 = arith.constant 0 : i32
    %max3A_235 = vector.broadcast %max3A_234 : i32 to vector<16xi32>
    %max3A_236 = arith.maxsi %sub3A_233, %max3A_235 : vector<16xi32>
    %lt3A_237 = arith.constant 0 : i32
    %lt3A_238 = vector.broadcast %lt3A_237 : i32 to vector<16xi32>
    %lt3A_239 = arith.cmpi slt, %max3A_236, %lt3A_238 : vector<16xi32>
    %add3A_240 = arith.constant 16 : i32
    %add3A_241 = vector.broadcast %add3A_240 : i32 to vector<16xi32>
    %add3A_242 = arith.addi %max3A_236, %add3A_241 : vector<16xi32>
    %select_n3A_243 = arith.select %lt3A_239, %add3A_242, %max3A_236 : vector<16xi1>, vector<16xi32>
    %broadcast_in_dim3A_244 = vector.shape_cast %select_n3A_243 : vector<16xi32> to vector<16x1xi32>
    %gather3A_245 = vector.shape_cast %broadcast_in_dim3A_244 : vector<16x1xi32> to vector<16xi32>
    %gather3A_246 = tpu.dynamic_gather %add3A_230[%gather3A_245] in [0] : vector<16xi32>, vector<16xi32> -> vector<16xi32>
    %ge3A_247 = arith.constant 4 : i32
    %ge3A_248 = vector.broadcast %ge3A_247 : i32 to vector<16xi32>
    %ge3A_249 = arith.cmpi sge, %iota3A, %ge3A_248 : vector<16xi32>
    %jit3A_250 = arith.constant 0 : i32
    %broadcast_in_dim3A_251 = vector.broadcast %jit3A_250 : i32 to vector<16xi32>
    %select_n3A_252 = arith.select %ge3A_249, %gather3A_246, %broadcast_in_dim3A_251 : vector<16xi1>, vector<16xi32>
    %add3A_253 = arith.addi %add3A_230, %select_n3A_252 : vector<16xi32>
    %sub3A_254 = arith.constant 8 : i32
    %sub3A_255 = vector.broadcast %sub3A_254 : i32 to vector<16xi32>
    %sub3A_256 = arith.subi %iota3A, %sub3A_255 : vector<16xi32>
    %max3A_257 = arith.constant 0 : i32
    %max3A_258 = vector.broadcast %max3A_257 : i32 to vector<16xi32>
    %max3A_259 = arith.maxsi %sub3A_256, %max3A_258 : vector<16xi32>
    %lt3A_260 = arith.constant 0 : i32
    %lt3A_261 = vector.broadcast %lt3A_260 : i32 to vector<16xi32>
    %lt3A_262 = arith.cmpi slt, %max3A_259, %lt3A_261 : vector<16xi32>
    %add3A_263 = arith.constant 16 : i32
    %add3A_264 = vector.broadcast %add3A_263 : i32 to vector<16xi32>
    %add3A_265 = arith.addi %max3A_259, %add3A_264 : vector<16xi32>
    %select_n3A_266 = arith.select %lt3A_262, %add3A_265, %max3A_259 : vector<16xi1>, vector<16xi32>
    %broadcast_in_dim3A_267 = vector.shape_cast %select_n3A_266 : vector<16xi32> to vector<16x1xi32>
    %gather3A_268 = vector.shape_cast %broadcast_in_dim3A_267 : vector<16x1xi32> to vector<16xi32>
    %gather3A_269 = tpu.dynamic_gather %add3A_253[%gather3A_268] in [0] : vector<16xi32>, vector<16xi32> -> vector<16xi32>
    %ge3A_270 = arith.constant 8 : i32
    %ge3A_271 = vector.broadcast %ge3A_270 : i32 to vector<16xi32>
    %ge3A_272 = arith.cmpi sge, %iota3A, %ge3A_271 : vector<16xi32>
    %jit3A_273 = arith.constant 0 : i32
    %broadcast_in_dim3A_274 = vector.broadcast %jit3A_273 : i32 to vector<16xi32>
    %select_n3A_275 = arith.select %ge3A_272, %gather3A_269, %broadcast_in_dim3A_274 : vector<16xi1>, vector<16xi32>
    %add3A_276 = arith.addi %add3A_253, %select_n3A_275 : vector<16xi32>
    %sub3A_277 = arith.subi %add3A_276, %while3A_187 : vector<16xi32>
    %xor3A_278 = arith.constant 8 : i32
    %xor3A_279 = vector.broadcast %xor3A_278 : i32 to vector<16xi32>
    %xor3A_280 = arith.xori %iota3A, %xor3A_279 : vector<16xi32>
    %lt3A_281 = arith.constant 0 : i32
    %lt3A_282 = vector.broadcast %lt3A_281 : i32 to vector<16xi32>
    %lt3A_283 = arith.cmpi slt, %xor3A_280, %lt3A_282 : vector<16xi32>
    %add3A_284 = arith.constant 16 : i32
    %add3A_285 = vector.broadcast %add3A_284 : i32 to vector<16xi32>
    %add3A_286 = arith.addi %xor3A_280, %add3A_285 : vector<16xi32>
    %select_n3A_287 = arith.select %lt3A_283, %add3A_286, %xor3A_280 : vector<16xi1>, vector<16xi32>
    %broadcast_in_dim3A_288 = vector.shape_cast %select_n3A_287 : vector<16xi32> to vector<16x1xi32>
    %gather3A_289 = vector.shape_cast %broadcast_in_dim3A_288 : vector<16x1xi32> to vector<16xi32>
    %gather3A_290 = tpu.dynamic_gather %while3A_187[%gather3A_289] in [0] : vector<16xi32>, vector<16xi32> -> vector<16xi32>
    %max3A_291 = arith.maxsi %while3A_187, %gather3A_290 : vector<16xi32>
    %xor3A_292 = arith.constant 4 : i32
    %xor3A_293 = vector.broadcast %xor3A_292 : i32 to vector<16xi32>
    %xor3A_294 = arith.xori %iota3A, %xor3A_293 : vector<16xi32>
    %lt3A_295 = arith.constant 0 : i32
    %lt3A_296 = vector.broadcast %lt3A_295 : i32 to vector<16xi32>
    %lt3A_297 = arith.cmpi slt, %xor3A_294, %lt3A_296 : vector<16xi32>
    %add3A_298 = arith.constant 16 : i32
    %add3A_299 = vector.broadcast %add3A_298 : i32 to vector<16xi32>
    %add3A_300 = arith.addi %xor3A_294, %add3A_299 : vector<16xi32>
    %select_n3A_301 = arith.select %lt3A_297, %add3A_300, %xor3A_294 : vector<16xi1>, vector<16xi32>
    %broadcast_in_dim3A_302 = vector.shape_cast %select_n3A_301 : vector<16xi32> to vector<16x1xi32>
    %gather3A_303 = vector.shape_cast %broadcast_in_dim3A_302 : vector<16x1xi32> to vector<16xi32>
    %gather3A_304 = tpu.dynamic_gather %max3A_291[%gather3A_303] in [0] : vector<16xi32>, vector<16xi32> -> vector<16xi32>
    %max3A_305 = arith.maxsi %max3A_291, %gather3A_304 : vector<16xi32>
    %xor3A_306 = arith.constant 2 : i32
    %xor3A_307 = vector.broadcast %xor3A_306 : i32 to vector<16xi32>
    %xor3A_308 = arith.xori %iota3A, %xor3A_307 : vector<16xi32>
    %lt3A_309 = arith.constant 0 : i32
    %lt3A_310 = vector.broadcast %lt3A_309 : i32 to vector<16xi32>
    %lt3A_311 = arith.cmpi slt, %xor3A_308, %lt3A_310 : vector<16xi32>
    %add3A_312 = arith.constant 16 : i32
    %add3A_313 = vector.broadcast %add3A_312 : i32 to vector<16xi32>
    %add3A_314 = arith.addi %xor3A_308, %add3A_313 : vector<16xi32>
    %select_n3A_315 = arith.select %lt3A_311, %add3A_314, %xor3A_308 : vector<16xi1>, vector<16xi32>
    %broadcast_in_dim3A_316 = vector.shape_cast %select_n3A_315 : vector<16xi32> to vector<16x1xi32>
    %gather3A_317 = vector.shape_cast %broadcast_in_dim3A_316 : vector<16x1xi32> to vector<16xi32>
    %gather3A_318 = tpu.dynamic_gather %max3A_305[%gather3A_317] in [0] : vector<16xi32>, vector<16xi32> -> vector<16xi32>
    %max3A_319 = arith.maxsi %max3A_305, %gather3A_318 : vector<16xi32>
    %xor3A_320 = arith.constant 1 : i32
    %xor3A_321 = vector.broadcast %xor3A_320 : i32 to vector<16xi32>
    %xor3A_322 = arith.xori %iota3A, %xor3A_321 : vector<16xi32>
    %lt3A_323 = arith.constant 0 : i32
    %lt3A_324 = vector.broadcast %lt3A_323 : i32 to vector<16xi32>
    %lt3A_325 = arith.cmpi slt, %xor3A_322, %lt3A_324 : vector<16xi32>
    %add3A_326 = arith.constant 16 : i32
    %add3A_327 = vector.broadcast %add3A_326 : i32 to vector<16xi32>
    %add3A_328 = arith.addi %xor3A_322, %add3A_327 : vector<16xi32>
    %select_n3A_329 = arith.select %lt3A_325, %add3A_328, %xor3A_322 : vector<16xi1>, vector<16xi32>
    %broadcast_in_dim3A_330 = vector.shape_cast %select_n3A_329 : vector<16xi32> to vector<16x1xi32>
    %gather3A_331 = vector.shape_cast %broadcast_in_dim3A_330 : vector<16x1xi32> to vector<16xi32>
    %gather3A_332 = tpu.dynamic_gather %max3A_319[%gather3A_331] in [0] : vector<16xi32>, vector<16xi32> -> vector<16xi32>
    %max3A_333 = arith.maxsi %max3A_319, %gather3A_332 : vector<16xi32>
    %slice3A_334 = vector.extract_strided_slice %max3A_333 {offsets = [0], sizes = [1], strides = [1]} : vector<16xi32> to vector<1xi32>
    %squeeze3A_335 = vector.extract %slice3A_334[0] : i32 from vector<1xi32>
    %broadcast_in_dim3A_336 = arith.constant 15 : i32
    %broadcast_in_dim3A_337 = vector.broadcast %broadcast_in_dim3A_336 : i32 to vector<16xi32>
    %lt3A_338 = arith.constant 0 : i32
    %lt3A_339 = vector.broadcast %lt3A_338 : i32 to vector<16xi32>
    %lt3A_340 = arith.cmpi slt, %broadcast_in_dim3A_337, %lt3A_339 : vector<16xi32>
    %add3A_341 = arith.constant 16 : i32
    %add3A_342 = vector.broadcast %add3A_341 : i32 to vector<16xi32>
    %add3A_343 = arith.addi %broadcast_in_dim3A_337, %add3A_342 : vector<16xi32>
    %select_n3A_344 = arith.select %lt3A_340, %add3A_343, %broadcast_in_dim3A_337 : vector<16xi1>, vector<16xi32>
    %broadcast_in_dim3A_345 = vector.shape_cast %select_n3A_344 : vector<16xi32> to vector<16x1xi32>
    %gather3A_346 = vector.shape_cast %broadcast_in_dim3A_345 : vector<16x1xi32> to vector<16xi32>
    %gather3A_347 = tpu.dynamic_gather %add3A_276[%gather3A_346] in [0] : vector<16xi32>, vector<16xi32> -> vector<16xi32>
    %slice3A_348 = vector.extract_strided_slice %gather3A_347 {offsets = [0], sizes = [1], strides = [1]} : vector<16xi32> to vector<1xi32>
    %squeeze3A_349 = vector.extract %slice3A_348[0] : i32 from vector<1xi32>
    %while3A_350 = arith.constant 0 : i32
    %while3A_351 = arith.constant 0 : i32
    %while3A_352 = arith.subi %squeeze3A_335, %while3A_350 : i32
    %while3A_353 = arith.addi %while3A_350, %while3A_352 : i32
    %while3A_354 = arith.constant 1 : i32
    %while3A_355 = arith.divsi %while3A_352, %while3A_354 : i32
    %while3A_356 = arith.muli %while3A_355, %while3A_354 : i32
    %while3A_357 = arith.addi %while3A_350, %while3A_356 : i32
    %while3A_358 = arith.constant 1 : i32
    %while3A_359 = scf.for %while3A_1734 = %while3A_350 to %while3A_357 step %while3A_358 iter_args(%while3A_1735 = %while3A_351) -> (i32)  : i32 {
      %mul3A_1736 = arith.constant 64 : i32
      %mul3A_1737 = vector.broadcast %mul3A_1736 : i32 to vector<16xi32>
      %mul3A_1738 = arith.muli %iota3A, %mul3A_1737 : vector<16xi32>
      %add3A_1739 = vector.broadcast %while3A_1734 : i32 to vector<16xi32>
      %add3A_1740 = arith.addi %mul3A_1738, %add3A_1739 : vector<16xi32>
      %gather3A_1741 = tpu.vector_load_idx %arg9[%add3A_1740] : memref<1040xf32, #tpu.memory_space<vmem>>[vector<16xi32>], vector<16xf32>,
      %gather3A_1742 = tpu.vector_load_idx %arg10[%add3A_1740] : memref<1040xi32, #tpu.memory_space<vmem>>[vector<16xi32>], vector<16xi32>,
      %lt3A_1743 = vector.broadcast %while3A_1734 : i32 to vector<16xi32>
      %lt3A_1744 = arith.cmpi slt, %lt3A_1743, %while3A_187 : vector<16xi32>
      %add3A_1745 = vector.broadcast %while3A_1734 : i32 to vector<16xi32>
      %add3A_1746 = arith.addi %sub3A_277, %add3A_1745 : vector<16xi32>
      %add3A_1747 = arith.constant 2048 : i32
      %add3A_1748 = vector.broadcast %add3A_1747 : i32 to vector<16xi32>
      %add3A_1749 = arith.addi %add3A_1748, %iota3A : vector<16xi32>
      %select_n3A_1750 = arith.select %lt3A_1744, %add3A_1746, %add3A_1749 : vector<16xi1>, vector<16xi32>
      tpu.vector_store_idx %arg11[%select_n3A_1750], %gather3A_1741 : memref<2064xf32, #tpu.memory_space<vmem>>[vector<16xi32>], vector<16xf32>,
      tpu.vector_store_idx %arg12[%select_n3A_1750], %gather3A_1742 : memref<2064xi32, #tpu.memory_space<vmem>>[vector<16xi32>], vector<16xi32>,
      %while3A_1751 = arith.constant 0 : i32
      scf.yield %while3A_1751 : i32
    }
    %while3A_360 = arith.constant 1 : i32
    %while3A_361 = scf.for %while3A_1734 = %while3A_357 to %while3A_353 step %while3A_360 iter_args(%while3A_1735 = %while3A_359) -> (i32)  : i32 {
      %mul3A_1736 = arith.constant 64 : i32
      %mul3A_1737 = vector.broadcast %mul3A_1736 : i32 to vector<16xi32>
      %mul3A_1738 = arith.muli %iota3A, %mul3A_1737 : vector<16xi32>
      %add3A_1739 = vector.broadcast %while3A_1734 : i32 to vector<16xi32>
      %add3A_1740 = arith.addi %mul3A_1738, %add3A_1739 : vector<16xi32>
      %gather3A_1741 = tpu.vector_load_idx %arg9[%add3A_1740] : memref<1040xf32, #tpu.memory_space<vmem>>[vector<16xi32>], vector<16xf32>,
      %gather3A_1742 = tpu.vector_load_idx %arg10[%add3A_1740] : memref<1040xi32, #tpu.memory_space<vmem>>[vector<16xi32>], vector<16xi32>,
      %lt3A_1743 = vector.broadcast %while3A_1734 : i32 to vector<16xi32>
      %lt3A_1744 = arith.cmpi slt, %lt3A_1743, %while3A_187 : vector<16xi32>
      %add3A_1745 = vector.broadcast %while3A_1734 : i32 to vector<16xi32>
      %add3A_1746 = arith.addi %sub3A_277, %add3A_1745 : vector<16xi32>
      %add3A_1747 = arith.constant 2048 : i32
      %add3A_1748 = vector.broadcast %add3A_1747 : i32 to vector<16xi32>
      %add3A_1749 = arith.addi %add3A_1748, %iota3A : vector<16xi32>
      %select_n3A_1750 = arith.select %lt3A_1744, %add3A_1746, %add3A_1749 : vector<16xi1>, vector<16xi32>
      tpu.vector_store_idx %arg11[%select_n3A_1750], %gather3A_1741 : memref<2064xf32, #tpu.memory_space<vmem>>[vector<16xi32>], vector<16xf32>,
      tpu.vector_store_idx %arg12[%select_n3A_1750], %gather3A_1742 : memref<2064xi32, #tpu.memory_space<vmem>>[vector<16xi32>], vector<16xi32>,
      %while3A_1751 = arith.constant 0 : i32
      scf.yield %while3A_1751 : i32
    }
    %swap3A = arith.index_cast %squeeze3A_349 : i32 to index
    %swap3A_362 = tpu.vector_load %arg11[%swap3A] {strides = array<i32>} : memref<2064xf32, #tpu.memory_space<vmem>>, vector<16xf32>,
    tpu.vector_store %arg11[%swap3A], %broadcast_in_dim3A_23 {strides = array<i32>} : memref<2064xf32, #tpu.memory_space<vmem>>, vector<16xf32>,
    %add3A_363 = arith.constant 16 : i32
    %add3A_364 = arith.addi %squeeze3A_349, %add3A_363 : i32
    %sub3A_365 = arith.constant 1 : i32
    %sub3A_366 = arith.subi %add3A_364, %sub3A_365 : i32
    %jit3A_367 = arith.constant 16 : i32
    %div3A = arith.divsi %sub3A_366, %jit3A_367 : i32
    %sign3A = arith.constant 0 : i32
    %sign3A_368 = arith.cmpi sgt, %sub3A_366, %sign3A : i32
    %sign3A_369 = arith.extui %sign3A_368 : i1 to i32
    %sign3A_370 = arith.constant 0 : i32
    %sign3A_371 = arith.cmpi slt, %sub3A_366, %sign3A_370 : i32
    %sign3A_372 = arith.extui %sign3A_371 : i1 to i32
    %sign3A_373 = arith.subi %sign3A_369, %sign3A_372 : i32
    %sign3A_374 = arith.constant 0 : i32
    %sign3A_375 = arith.cmpi sgt, %jit3A_367, %sign3A_374 : i32
    %sign3A_376 = arith.extui %sign3A_375 : i1 to i32
    %sign3A_377 = arith.constant 0 : i32
    %sign3A_378 = arith.cmpi slt, %jit3A_367, %sign3A_377 : i32
    %sign3A_379 = arith.extui %sign3A_378 : i1 to i32
    %sign3A_380 = arith.subi %sign3A_376, %sign3A_379 : i32
    %ne3A = arith.cmpi ne, %sign3A_373, %sign3A_380 : i32
    %rem3A = arith.remsi %sub3A_366, %jit3A_367 : i32
    %ne3A_381 = arith.constant 0 : i32
    %ne3A_382 = arith.cmpi ne, %rem3A, %ne3A_381 : i32
    %and3A = arith.andi %ne3A, %ne3A_382 : i1
    %sub3A_383 = arith.constant 1 : i32
    %sub3A_384 = arith.subi %div3A, %sub3A_383 : i32
    %select_n3A_385 = arith.select %and3A, %sub3A_384, %div3A : i32
    %broadcast_in_dim3A_386 = arith.constant 0.000000e+00 : f32
    %broadcast_in_dim3A_387 = vector.broadcast %broadcast_in_dim3A_386 : f32 to vector<16xf32>
    %broadcast_in_dim3A_388 = arith.constant 0 : i32
    %broadcast_in_dim3A_389 = vector.broadcast %broadcast_in_dim3A_388 : i32 to vector<16xi32>
    %broadcast_in_dim3A_390 = arith.constant 0x7F800000 : f32
    %broadcast_in_dim3A_391 = vector.broadcast %broadcast_in_dim3A_390 : f32 to vector<16xf32>
    %broadcast_in_dim3A_392 = arith.constant -1 : i32
    %broadcast_in_dim3A_393 = vector.broadcast %broadcast_in_dim3A_392 : i32 to vector<16xi32>
    %scan3A_394 = arith.constant 0 : i32
    %scan3A_395 = arith.constant 32 : i32
    %scan3A_396 = arith.addi %scan3A_394, %scan3A_395 : i32
    %scan3A_397 = arith.constant 1 : i32
    %scan3A_398:6 = scf.for %scan3A_1734 = %scan3A_394 to %scan3A_396 step %scan3A_397 iter_args(%scan3A_1735 = %broadcast_in_dim3A_391, %scan3A_1736 = %broadcast_in_dim3A_393, %scan3A_1737 = %broadcast_in_dim3A_387, %scan3A_1738 = %broadcast_in_dim3A_387, %scan3A_1739 = %broadcast_in_dim3A_389, %scan3A_1740 = %broadcast_in_dim3A_389) -> (vector<16xf32>, vector<16xi32>, vector<16xf32>, vector<16xf32>, vector<16xi32>, vector<16xi32>)  : i32 {
      %broadcast_in_dim3A_1741 = arith.constant 1073741824 : i32
      %broadcast_in_dim3A_1742 = vector.broadcast %broadcast_in_dim3A_1741 : i32 to vector<16xi32>
      %while3A_1743 = arith.constant 0 : i32
      %while3A_1744 = arith.subi %select_n3A_385, %while3A_1743 : i32
      %while3A_1745 = arith.addi %while3A_1743, %while3A_1744 : i32
      %while3A_1746 = arith.constant 1 : i32
      %while3A_1747 = arith.divsi %while3A_1744, %while3A_1746 : i32
      %while3A_1748 = arith.muli %while3A_1747, %while3A_1746 : i32
      %while3A_1749 = arith.addi %while3A_1743, %while3A_1748 : i32
      %while3A_1750 = arith.constant 1 : i32
      %while3A_1751:2 = scf.for %while3A_1889 = %while3A_1743 to %while3A_1749 step %while3A_1750 iter_args(%while3A_1890 = %broadcast_in_dim3A_23, %while3A_1891 = %broadcast_in_dim3A_1742) -> (vector<16xf32>, vector<16xi32>)  : i32 {
        %mul3A_1892 = arith.constant 16 : i32
        %mul3A_1893 = arith.muli %while3A_1889, %mul3A_1892 : i32
        %get3A = arith.index_cast %mul3A_1893 : i32 to index
        %get3A_1894 = tpu.vector_load %arg11[%get3A] {strides = array<i32>} : memref<2064xf32, #tpu.memory_space<vmem>>, vector<16xf32>,
        %mul3A_1895 = arith.constant 16 : i32
        %mul3A_1896 = arith.muli %while3A_1889, %mul3A_1895 : i32
        %get3A_1897 = arith.index_cast %mul3A_1896 : i32 to index
        %get3A_1898 = tpu.vector_load %arg12[%get3A_1897] {strides = array<i32>} : memref<2064xi32, #tpu.memory_space<vmem>>, vector<16xi32>,
        %lt3A_1899 = arith.cmpf olt, %get3A_1894, %scan3A_1735 : vector<16xf32>
        %eq3A_1900 = arith.cmpf oeq, %get3A_1894, %scan3A_1735 : vector<16xf32>
        %gt3A_1901 = arith.cmpi sgt, %get3A_1898, %scan3A_1736 : vector<16xi32>
        %and3A_1902 = arith.andi %eq3A_1900, %gt3A_1901 : vector<16xi1>
        %or3A_1903 = arith.ori %lt3A_1899, %and3A_1902 : vector<16xi1>
        %jit3A_1904 = arith.constant 0xFF800000 : f32
        %broadcast_in_dim3A_1905 = vector.broadcast %jit3A_1904 : f32 to vector<16xf32>
        %select_n3A_1906 = arith.select %or3A_1903, %get3A_1894, %broadcast_in_dim3A_1905 : vector<16xi1>, vector<16xf32>
        %gt3A_1907 = arith.cmpf ogt, %select_n3A_1906, %while3A_1890 : vector<16xf32>
        %eq3A_1908 = arith.cmpf oeq, %select_n3A_1906, %while3A_1890 : vector<16xf32>
        %lt3A_1909 = arith.cmpi slt, %get3A_1898, %while3A_1891 : vector<16xi32>
        %and3A_1910 = arith.andi %eq3A_1908, %lt3A_1909 : vector<16xi1>
        %or3A_1911 = arith.ori %gt3A_1907, %and3A_1910 : vector<16xi1>
        %select_n3A_1912 = arith.select %or3A_1911, %select_n3A_1906, %while3A_1890 : vector<16xi1>, vector<16xf32>
        %select_n3A_1913 = arith.select %or3A_1911, %get3A_1898, %while3A_1891 : vector<16xi1>, vector<16xi32>
        scf.yield %select_n3A_1912, %select_n3A_1913 : vector<16xf32>, vector<16xi32>
      }
      %while3A_1752 = arith.constant 1 : i32
      %while3A_1753:2 = scf.for %while3A_1889 = %while3A_1749 to %while3A_1745 step %while3A_1752 iter_args(%while3A_1890 = %while3A_1751#0, %while3A_1891 = %while3A_1751#1) -> (vector<16xf32>, vector<16xi32>)  : i32 {
        %mul3A_1892 = arith.constant 16 : i32
        %mul3A_1893 = arith.muli %while3A_1889, %mul3A_1892 : i32
        %get3A = arith.index_cast %mul3A_1893 : i32 to index
        %get3A_1894 = tpu.vector_load %arg11[%get3A] {strides = array<i32>} : memref<2064xf32, #tpu.memory_space<vmem>>, vector<16xf32>,
        %mul3A_1895 = arith.constant 16 : i32
        %mul3A_1896 = arith.muli %while3A_1889, %mul3A_1895 : i32
        %get3A_1897 = arith.index_cast %mul3A_1896 : i32 to index
        %get3A_1898 = tpu.vector_load %arg12[%get3A_1897] {strides = array<i32>} : memref<2064xi32, #tpu.memory_space<vmem>>, vector<16xi32>,
        %lt3A_1899 = arith.cmpf olt, %get3A_1894, %scan3A_1735 : vector<16xf32>
        %eq3A_1900 = arith.cmpf oeq, %get3A_1894, %scan3A_1735 : vector<16xf32>
        %gt3A_1901 = arith.cmpi sgt, %get3A_1898, %scan3A_1736 : vector<16xi32>
        %and3A_1902 = arith.andi %eq3A_1900, %gt3A_1901 : vector<16xi1>
        %or3A_1903 = arith.ori %lt3A_1899, %and3A_1902 : vector<16xi1>
        %jit3A_1904 = arith.constant 0xFF800000 : f32
        %broadcast_in_dim3A_1905 = vector.broadcast %jit3A_1904 : f32 to vector<16xf32>
        %select_n3A_1906 = arith.select %or3A_1903, %get3A_1894, %broadcast_in_dim3A_1905 : vector<16xi1>, vector<16xf32>
        %gt3A_1907 = arith.cmpf ogt, %select_n3A_1906, %while3A_1890 : vector<16xf32>
        %eq3A_1908 = arith.cmpf oeq, %select_n3A_1906, %while3A_1890 : vector<16xf32>
        %lt3A_1909 = arith.cmpi slt, %get3A_1898, %while3A_1891 : vector<16xi32>
        %and3A_1910 = arith.andi %eq3A_1908, %lt3A_1909 : vector<16xi1>
        %or3A_1911 = arith.ori %gt3A_1907, %and3A_1910 : vector<16xi1>
        %select_n3A_1912 = arith.select %or3A_1911, %select_n3A_1906, %while3A_1890 : vector<16xi1>, vector<16xf32>
        %select_n3A_1913 = arith.select %or3A_1911, %get3A_1898, %while3A_1891 : vector<16xi1>, vector<16xi32>
        scf.yield %select_n3A_1912, %select_n3A_1913 : vector<16xf32>, vector<16xi32>
      }
      %xor3A_1754 = arith.constant 8 : i32
      %xor3A_1755 = vector.broadcast %xor3A_1754 : i32 to vector<16xi32>
      %xor3A_1756 = arith.xori %iota3A, %xor3A_1755 : vector<16xi32>
      %lt3A_1757 = arith.constant 0 : i32
      %lt3A_1758 = vector.broadcast %lt3A_1757 : i32 to vector<16xi32>
      %lt3A_1759 = arith.cmpi slt, %xor3A_1756, %lt3A_1758 : vector<16xi32>
      %add3A_1760 = arith.constant 16 : i32
      %add3A_1761 = vector.broadcast %add3A_1760 : i32 to vector<16xi32>
      %add3A_1762 = arith.addi %xor3A_1756, %add3A_1761 : vector<16xi32>
      %select_n3A_1763 = arith.select %lt3A_1759, %add3A_1762, %xor3A_1756 : vector<16xi1>, vector<16xi32>
      %broadcast_in_dim3A_1764 = vector.shape_cast %select_n3A_1763 : vector<16xi32> to vector<16x1xi32>
      %gather3A_1765 = vector.shape_cast %broadcast_in_dim3A_1764 : vector<16x1xi32> to vector<16xi32>
      %gather3A_1766 = tpu.dynamic_gather %while3A_1753#0[%gather3A_1765] in [0] : vector<16xf32>, vector<16xi32> -> vector<16xf32>
      %lt3A_1767 = arith.constant 0 : i32
      %lt3A_1768 = vector.broadcast %lt3A_1767 : i32 to vector<16xi32>
      %lt3A_1769 = arith.cmpi slt, %xor3A_1756, %lt3A_1768 : vector<16xi32>
      %add3A_1770 = arith.constant 16 : i32
      %add3A_1771 = vector.broadcast %add3A_1770 : i32 to vector<16xi32>
      %add3A_1772 = arith.addi %xor3A_1756, %add3A_1771 : vector<16xi32>
      %select_n3A_1773 = arith.select %lt3A_1769, %add3A_1772, %xor3A_1756 : vector<16xi1>, vector<16xi32>
      %broadcast_in_dim3A_1774 = vector.shape_cast %select_n3A_1773 : vector<16xi32> to vector<16x1xi32>
      %gather3A_1775 = vector.shape_cast %broadcast_in_dim3A_1774 : vector<16x1xi32> to vector<16xi32>
      %gather3A_1776 = tpu.dynamic_gather %while3A_1753#1[%gather3A_1775] in [0] : vector<16xi32>, vector<16xi32> -> vector<16xi32>
      %gt3A = arith.cmpf ogt, %gather3A_1766, %while3A_1753#0 : vector<16xf32>
      %eq3A = arith.cmpf oeq, %gather3A_1766, %while3A_1753#0 : vector<16xf32>
      %lt3A_1777 = arith.cmpi slt, %gather3A_1776, %while3A_1753#1 : vector<16xi32>
      %and3A_1778 = arith.andi %eq3A, %lt3A_1777 : vector<16xi1>
      %or3A = arith.ori %gt3A, %and3A_1778 : vector<16xi1>
      %select_n3A_1779 = arith.select %or3A, %gather3A_1766, %while3A_1753#0 : vector<16xi1>, vector<16xf32>
      %select_n3A_1780 = arith.select %or3A, %gather3A_1776, %while3A_1753#1 : vector<16xi1>, vector<16xi32>
      %xor3A_1781 = arith.constant 4 : i32
      %xor3A_1782 = vector.broadcast %xor3A_1781 : i32 to vector<16xi32>
      %xor3A_1783 = arith.xori %iota3A, %xor3A_1782 : vector<16xi32>
      %lt3A_1784 = arith.constant 0 : i32
      %lt3A_1785 = vector.broadcast %lt3A_1784 : i32 to vector<16xi32>
      %lt3A_1786 = arith.cmpi slt, %xor3A_1783, %lt3A_1785 : vector<16xi32>
      %add3A_1787 = arith.constant 16 : i32
      %add3A_1788 = vector.broadcast %add3A_1787 : i32 to vector<16xi32>
      %add3A_1789 = arith.addi %xor3A_1783, %add3A_1788 : vector<16xi32>
      %select_n3A_1790 = arith.select %lt3A_1786, %add3A_1789, %xor3A_1783 : vector<16xi1>, vector<16xi32>
      %broadcast_in_dim3A_1791 = vector.shape_cast %select_n3A_1790 : vector<16xi32> to vector<16x1xi32>
      %gather3A_1792 = vector.shape_cast %broadcast_in_dim3A_1791 : vector<16x1xi32> to vector<16xi32>
      %gather3A_1793 = tpu.dynamic_gather %select_n3A_1779[%gather3A_1792] in [0] : vector<16xf32>, vector<16xi32> -> vector<16xf32>
      %lt3A_1794 = arith.constant 0 : i32
      %lt3A_1795 = vector.broadcast %lt3A_1794 : i32 to vector<16xi32>
      %lt3A_1796 = arith.cmpi slt, %xor3A_1783, %lt3A_1795 : vector<16xi32>
      %add3A_1797 = arith.constant 16 : i32
      %add3A_1798 = vector.broadcast %add3A_1797 : i32 to vector<16xi32>
      %add3A_1799 = arith.addi %xor3A_1783, %add3A_1798 : vector<16xi32>
      %select_n3A_1800 = arith.select %lt3A_1796, %add3A_1799, %xor3A_1783 : vector<16xi1>, vector<16xi32>
      %broadcast_in_dim3A_1801 = vector.shape_cast %select_n3A_1800 : vector<16xi32> to vector<16x1xi32>
      %gather3A_1802 = vector.shape_cast %broadcast_in_dim3A_1801 : vector<16x1xi32> to vector<16xi32>
      %gather3A_1803 = tpu.dynamic_gather %select_n3A_1780[%gather3A_1802] in [0] : vector<16xi32>, vector<16xi32> -> vector<16xi32>
      %gt3A_1804 = arith.cmpf ogt, %gather3A_1793, %select_n3A_1779 : vector<16xf32>
      %eq3A_1805 = arith.cmpf oeq, %gather3A_1793, %select_n3A_1779 : vector<16xf32>
      %lt3A_1806 = arith.cmpi slt, %gather3A_1803, %select_n3A_1780 : vector<16xi32>
      %and3A_1807 = arith.andi %eq3A_1805, %lt3A_1806 : vector<16xi1>
      %or3A_1808 = arith.ori %gt3A_1804, %and3A_1807 : vector<16xi1>
      %select_n3A_1809 = arith.select %or3A_1808, %gather3A_1793, %select_n3A_1779 : vector<16xi1>, vector<16xf32>
      %select_n3A_1810 = arith.select %or3A_1808, %gather3A_1803, %select_n3A_1780 : vector<16xi1>, vector<16xi32>
      %xor3A_1811 = arith.constant 2 : i32
      %xor3A_1812 = vector.broadcast %xor3A_1811 : i32 to vector<16xi32>
      %xor3A_1813 = arith.xori %iota3A, %xor3A_1812 : vector<16xi32>
      %lt3A_1814 = arith.constant 0 : i32
      %lt3A_1815 = vector.broadcast %lt3A_1814 : i32 to vector<16xi32>
      %lt3A_1816 = arith.cmpi slt, %xor3A_1813, %lt3A_1815 : vector<16xi32>
      %add3A_1817 = arith.constant 16 : i32
      %add3A_1818 = vector.broadcast %add3A_1817 : i32 to vector<16xi32>
      %add3A_1819 = arith.addi %xor3A_1813, %add3A_1818 : vector<16xi32>
      %select_n3A_1820 = arith.select %lt3A_1816, %add3A_1819, %xor3A_1813 : vector<16xi1>, vector<16xi32>
      %broadcast_in_dim3A_1821 = vector.shape_cast %select_n3A_1820 : vector<16xi32> to vector<16x1xi32>
      %gather3A_1822 = vector.shape_cast %broadcast_in_dim3A_1821 : vector<16x1xi32> to vector<16xi32>
      %gather3A_1823 = tpu.dynamic_gather %select_n3A_1809[%gather3A_1822] in [0] : vector<16xf32>, vector<16xi32> -> vector<16xf32>
      %lt3A_1824 = arith.constant 0 : i32
      %lt3A_1825 = vector.broadcast %lt3A_1824 : i32 to vector<16xi32>
      %lt3A_1826 = arith.cmpi slt, %xor3A_1813, %lt3A_1825 : vector<16xi32>
      %add3A_1827 = arith.constant 16 : i32
      %add3A_1828 = vector.broadcast %add3A_1827 : i32 to vector<16xi32>
      %add3A_1829 = arith.addi %xor3A_1813, %add3A_1828 : vector<16xi32>
      %select_n3A_1830 = arith.select %lt3A_1826, %add3A_1829, %xor3A_1813 : vector<16xi1>, vector<16xi32>
      %broadcast_in_dim3A_1831 = vector.shape_cast %select_n3A_1830 : vector<16xi32> to vector<16x1xi32>
      %gather3A_1832 = vector.shape_cast %broadcast_in_dim3A_1831 : vector<16x1xi32> to vector<16xi32>
      %gather3A_1833 = tpu.dynamic_gather %select_n3A_1810[%gather3A_1832] in [0] : vector<16xi32>, vector<16xi32> -> vector<16xi32>
      %gt3A_1834 = arith.cmpf ogt, %gather3A_1823, %select_n3A_1809 : vector<16xf32>
      %eq3A_1835 = arith.cmpf oeq, %gather3A_1823, %select_n3A_1809 : vector<16xf32>
      %lt3A_1836 = arith.cmpi slt, %gather3A_1833, %select_n3A_1810 : vector<16xi32>
      %and3A_1837 = arith.andi %eq3A_1835, %lt3A_1836 : vector<16xi1>
      %or3A_1838 = arith.ori %gt3A_1834, %and3A_1837 : vector<16xi1>
      %select_n3A_1839 = arith.select %or3A_1838, %gather3A_1823, %select_n3A_1809 : vector<16xi1>, vector<16xf32>
      %select_n3A_1840 = arith.select %or3A_1838, %gather3A_1833, %select_n3A_1810 : vector<16xi1>, vector<16xi32>
      %xor3A_1841 = arith.constant 1 : i32
      %xor3A_1842 = vector.broadcast %xor3A_1841 : i32 to vector<16xi32>
      %xor3A_1843 = arith.xori %iota3A, %xor3A_1842 : vector<16xi32>
      %lt3A_1844 = arith.constant 0 : i32
      %lt3A_1845 = vector.broadcast %lt3A_1844 : i32 to vector<16xi32>
      %lt3A_1846 = arith.cmpi slt, %xor3A_1843, %lt3A_1845 : vector<16xi32>
      %add3A_1847 = arith.constant 16 : i32
      %add3A_1848 = vector.broadcast %add3A_1847 : i32 to vector<16xi32>
      %add3A_1849 = arith.addi %xor3A_1843, %add3A_1848 : vector<16xi32>
      %select_n3A_1850 = arith.select %lt3A_1846, %add3A_1849, %xor3A_1843 : vector<16xi1>, vector<16xi32>
      %broadcast_in_dim3A_1851 = vector.shape_cast %select_n3A_1850 : vector<16xi32> to vector<16x1xi32>
      %gather3A_1852 = vector.shape_cast %broadcast_in_dim3A_1851 : vector<16x1xi32> to vector<16xi32>
      %gather3A_1853 = tpu.dynamic_gather %select_n3A_1839[%gather3A_1852] in [0] : vector<16xf32>, vector<16xi32> -> vector<16xf32>
      %lt3A_1854 = arith.constant 0 : i32
      %lt3A_1855 = vector.broadcast %lt3A_1854 : i32 to vector<16xi32>
      %lt3A_1856 = arith.cmpi slt, %xor3A_1843, %lt3A_1855 : vector<16xi32>
      %add3A_1857 = arith.constant 16 : i32
      %add3A_1858 = vector.broadcast %add3A_1857 : i32 to vector<16xi32>
      %add3A_1859 = arith.addi %xor3A_1843, %add3A_1858 : vector<16xi32>
      %select_n3A_1860 = arith.select %lt3A_1856, %add3A_1859, %xor3A_1843 : vector<16xi1>, vector<16xi32>
      %broadcast_in_dim3A_1861 = vector.shape_cast %select_n3A_1860 : vector<16xi32> to vector<16x1xi32>
      %gather3A_1862 = vector.shape_cast %broadcast_in_dim3A_1861 : vector<16x1xi32> to vector<16xi32>
      %gather3A_1863 = tpu.dynamic_gather %select_n3A_1840[%gather3A_1862] in [0] : vector<16xi32>, vector<16xi32> -> vector<16xi32>
      %gt3A_1864 = arith.cmpf ogt, %gather3A_1853, %select_n3A_1839 : vector<16xf32>
      %eq3A_1865 = arith.cmpf oeq, %gather3A_1853, %select_n3A_1839 : vector<16xf32>
      %lt3A_1866 = arith.cmpi slt, %gather3A_1863, %select_n3A_1840 : vector<16xi32>
      %and3A_1867 = arith.andi %eq3A_1865, %lt3A_1866 : vector<16xi1>
      %or3A_1868 = arith.ori %gt3A_1864, %and3A_1867 : vector<16xi1>
      %select_n3A_1869 = arith.select %or3A_1868, %gather3A_1853, %select_n3A_1839 : vector<16xi1>, vector<16xf32>
      %select_n3A_1870 = arith.select %or3A_1868, %gather3A_1863, %select_n3A_1840 : vector<16xi1>, vector<16xi32>
      %lt3A_1871 = arith.constant 16 : i32
      %lt3A_1872 = arith.cmpi slt, %scan3A_1734, %lt3A_1871 : i32
      %eq3A_1873 = vector.broadcast %scan3A_1734 : i32 to vector<16xi32>
      %eq3A_1874 = arith.cmpi eq, %iota3A, %eq3A_1873 : vector<16xi32>
      %and3A_1875 = vector.broadcast %lt3A_1872 : i1 to vector<16xi1>
      %and3A_1876 = arith.andi %and3A_1875, %eq3A_1874 : vector<16xi1>
      %ge3A_1877 = arith.constant 16 : i32
      %ge3A_1878 = arith.cmpi sge, %scan3A_1734, %ge3A_1877 : i32
      %sub3A_1879 = arith.constant 16 : i32
      %sub3A_1880 = arith.subi %scan3A_1734, %sub3A_1879 : i32
      %eq3A_1881 = vector.broadcast %sub3A_1880 : i32 to vector<16xi32>
      %eq3A_1882 = arith.cmpi eq, %iota3A, %eq3A_1881 : vector<16xi32>
      %and3A_1883 = vector.broadcast %ge3A_1878 : i1 to vector<16xi1>
      %and3A_1884 = arith.andi %and3A_1883, %eq3A_1882 : vector<16xi1>
      %select_n3A_1885 = arith.select %and3A_1876, %select_n3A_1869, %scan3A_1737 : vector<16xi1>, vector<16xf32>
      %select_n3A_1886 = arith.select %and3A_1884, %select_n3A_1869, %scan3A_1738 : vector<16xi1>, vector<16xf32>
      %select_n3A_1887 = arith.select %and3A_1876, %select_n3A_1870, %scan3A_1739 : vector<16xi1>, vector<16xi32>
      %select_n3A_1888 = arith.select %and3A_1884, %select_n3A_1870, %scan3A_1740 : vector<16xi1>, vector<16xi32>
      scf.yield %select_n3A_1869, %select_n3A_1870, %select_n3A_1885, %select_n3A_1886, %select_n3A_1887, %select_n3A_1888 : vector<16xf32>, vector<16xi32>, vector<16xf32>, vector<16xf32>, vector<16xi32>, vector<16xi32>
    }
    %scan3A_399 = arith.constant 32 : i32
    %swap3A_400 = arith.constant 0 : i32
    %swap3A_401 = arith.constant 0 : i32
    %swap3A_402 = tpu.memref_slice %arg13[%swap3A_400, %swap3A_401] : memref<4x32xf32, #tpu.memory_space<vmem>> -> memref<1x32xf32, #tpu.memory_space<vmem>>
    %swap3A_403 = tpu.memref_squeeze %swap3A_402 : memref<1x32xf32, #tpu.memory_space<vmem>> -> memref<32xf32, #tpu.memory_space<vmem>>
    %swap3A_404 = arith.constant 0 : index
    %swap3A_405 = tpu.vector_load %swap3A_403[%swap3A_404] {strides = array<i32>} : memref<32xf32, #tpu.memory_space<vmem>>, vector<16xf32>,
    tpu.vector_store %swap3A_403[%swap3A_404], %scan3A_398#2 {strides = array<i32>} : memref<32xf32, #tpu.memory_space<vmem>>, vector<16xf32>,
    %swap3A_406 = arith.constant 0 : i32
    %swap3A_407 = arith.constant 0 : i32
    %swap3A_408 = tpu.memref_slice %arg13[%swap3A_406, %swap3A_407] : memref<4x32xf32, #tpu.memory_space<vmem>> -> memref<1x32xf32, #tpu.memory_space<vmem>>
    %swap3A_409 = tpu.memref_squeeze %swap3A_408 : memref<1x32xf32, #tpu.memory_space<vmem>> -> memref<32xf32, #tpu.memory_space<vmem>>
    %swap3A_410 = arith.constant 16 : index
    %swap3A_411 = tpu.vector_load %swap3A_409[%swap3A_410] {strides = array<i32>} : memref<32xf32, #tpu.memory_space<vmem>>, vector<16xf32>,
    tpu.vector_store %swap3A_409[%swap3A_410], %scan3A_398#3 {strides = array<i32>} : memref<32xf32, #tpu.memory_space<vmem>>, vector<16xf32>,
    %swap3A_412 = arith.constant 0 : i32
    %swap3A_413 = arith.constant 0 : i32
    %swap3A_414 = tpu.memref_slice %arg14[%swap3A_412, %swap3A_413] : memref<4x32xi32, #tpu.memory_space<vmem>> -> memref<1x32xi32, #tpu.memory_space<vmem>>
    %swap3A_415 = tpu.memref_squeeze %swap3A_414 : memref<1x32xi32, #tpu.memory_space<vmem>> -> memref<32xi32, #tpu.memory_space<vmem>>
    %swap3A_416 = arith.constant 0 : index
    %swap3A_417 = tpu.vector_load %swap3A_415[%swap3A_416] {strides = array<i32>} : memref<32xi32, #tpu.memory_space<vmem>>, vector<16xi32>,
    tpu.vector_store %swap3A_415[%swap3A_416], %scan3A_398#4 {strides = array<i32>} : memref<32xi32, #tpu.memory_space<vmem>>, vector<16xi32>,
    %swap3A_418 = arith.constant 0 : i32
    %swap3A_419 = arith.constant 0 : i32
    %swap3A_420 = tpu.memref_slice %arg14[%swap3A_418, %swap3A_419] : memref<4x32xi32, #tpu.memory_space<vmem>> -> memref<1x32xi32, #tpu.memory_space<vmem>>
    %swap3A_421 = tpu.memref_squeeze %swap3A_420 : memref<1x32xi32, #tpu.memory_space<vmem>> -> memref<32xi32, #tpu.memory_space<vmem>>
    %swap3A_422 = arith.constant 16 : index
    %swap3A_423 = tpu.vector_load %swap3A_421[%swap3A_422] {strides = array<i32>} : memref<32xi32, #tpu.memory_space<vmem>>, vector<16xi32>,
    tpu.vector_store %swap3A_421[%swap3A_422], %scan3A_398#5 {strides = array<i32>} : memref<32xi32, #tpu.memory_space<vmem>>, vector<16xi32>,
    %add3A_424 = arith.constant 1 : i32
    %add3A_425 = arith.addi %mul3A_2, %add3A_424 : i32
    %add3A_426 = arith.constant 1 : i32
    %add3A_427 = arith.addi %add3A_425, %add3A_426 : i32
    %dma_start3A_428 = arith.constant 0 : i32
    %dma_start3A_429 = tpu.memref_slice %arg2[%add3A_427, %dma_start3A_428] : memref<128x32768xf32, #tpu.memory_space<hbm>> -> memref<1x32768xf32, #tpu.memory_space<hbm>>
    %dma_start3A_430 = tpu.memref_squeeze %dma_start3A_429 : memref<1x32768xf32, #tpu.memory_space<hbm>> -> memref<32768xf32, #tpu.memory_space<hbm>>
    %dma_start3A_431 = arith.constant 0 : i32
    %dma_start3A_432 = tpu.memref_slice %arg2[%add3A_427, %dma_start3A_431] : memref<128x32768xf32, #tpu.memory_space<hbm>> -> memref<1x32768xf32, #tpu.memory_space<hbm>>
    %dma_start3A_433 = tpu.memref_squeeze %dma_start3A_432 : memref<1x32768xf32, #tpu.memory_space<hbm>> -> memref<32768xf32, #tpu.memory_space<hbm>>
    tpu.enqueue_dma source(%dma_start3A_433 : memref<32768xf32, #tpu.memory_space<hbm>>) target(%arg5 : memref<32768xf32, #tpu.memory_space<vmem>>) target_semaphore(%arg15 : memref<!tpu.dma_semaphore, #tpu.memory_space<semaphore_mem>>)
    %dma_wait3A_434 = arith.constant 0 : i32
    %dma_wait3A_435 = tpu.memref_slice %arg2[%add3A_11, %dma_wait3A_434] : memref<128x32768xf32, #tpu.memory_space<hbm>> -> memref<1x32768xf32, #tpu.memory_space<hbm>>
    %dma_wait3A_436 = tpu.memref_squeeze %dma_wait3A_435 : memref<1x32768xf32, #tpu.memory_space<hbm>> -> memref<32768xf32, #tpu.memory_space<hbm>>
    %dma_wait3A_437 = arith.constant 0 : i32
    %dma_wait3A_438 = tpu.memref_slice %arg2[%add3A_11, %dma_wait3A_437] : memref<128x32768xf32, #tpu.memory_space<hbm>> -> memref<1x32768xf32, #tpu.memory_space<hbm>>
    %dma_wait3A_439 = tpu.memref_squeeze %dma_wait3A_438 : memref<1x32768xf32, #tpu.memory_space<hbm>> -> memref<32768xf32, #tpu.memory_space<hbm>>
    tpu.wait_dma2 semaphore(%arg16 : memref<!tpu.dma_semaphore, #tpu.memory_space<semaphore_mem>>) src(%dma_wait3A_439 : memref<32768xf32, #tpu.memory_space<hbm>>) dst(%arg6 : memref<32768xf32, #tpu.memory_space<vmem>>)
    %broadcast_in_dim3A_440 = arith.constant 0xFF800000 : f32
    %broadcast_in_dim3A_441 = vector.broadcast %broadcast_in_dim3A_440 : f32 to vector<16xf32>
    %scan3A_442 = arith.constant 0 : i32
    %scan3A_443 = arith.constant 256 : i32
    %scan3A_444 = arith.addi %scan3A_442, %scan3A_443 : i32
    %scan3A_445 = arith.constant 2 : i32
    %scan3A_446:4 = scf.for %scan3A_1734 = %scan3A_442 to %scan3A_444 step %scan3A_445 iter_args(%scan3A_1735 = %broadcast_in_dim3A_441, %scan3A_1736 = %broadcast_in_dim3A_441, %scan3A_1737 = %broadcast_in_dim3A_441, %scan3A_1738 = %broadcast_in_dim3A_441) -> (vector<16xf32>, vector<16xf32>, vector<16xf32>, vector<16xf32>)  : i32 {
      %mul3A_1739 = arith.constant 128 : i32
      %mul3A_1740 = arith.muli %scan3A_1734, %mul3A_1739 : i32
      %add3A_1741 = arith.constant 0 : i32
      %add3A_1742 = arith.addi %mul3A_1740, %add3A_1741 : i32
      %get3A = arith.index_cast %add3A_1742 : i32 to index
      %get3A_1743 = tpu.vector_load %arg6[%get3A] {strides = array<i32>} : memref<32768xf32, #tpu.memory_space<vmem>>, vector<16xf32>,
      %add3A_1744 = arith.constant 16 : i32
      %add3A_1745 = arith.addi %mul3A_1740, %add3A_1744 : i32
      %get3A_1746 = arith.index_cast %add3A_1745 : i32 to index
      %get3A_1747 = tpu.vector_load %arg6[%get3A_1746] {strides = array<i32>} : memref<32768xf32, #tpu.memory_space<vmem>>, vector<16xf32>,
      %add3A_1748 = arith.constant 32 : i32
      %add3A_1749 = arith.addi %mul3A_1740, %add3A_1748 : i32
      %get3A_1750 = arith.index_cast %add3A_1749 : i32 to index
      %get3A_1751 = tpu.vector_load %arg6[%get3A_1750] {strides = array<i32>} : memref<32768xf32, #tpu.memory_space<vmem>>, vector<16xf32>,
      %add3A_1752 = arith.constant 48 : i32
      %add3A_1753 = arith.addi %mul3A_1740, %add3A_1752 : i32
      %get3A_1754 = arith.index_cast %add3A_1753 : i32 to index
      %get3A_1755 = tpu.vector_load %arg6[%get3A_1754] {strides = array<i32>} : memref<32768xf32, #tpu.memory_space<vmem>>, vector<16xf32>,
      %add3A_1756 = arith.constant 64 : i32
      %add3A_1757 = arith.addi %mul3A_1740, %add3A_1756 : i32
      %get3A_1758 = arith.index_cast %add3A_1757 : i32 to index
      %get3A_1759 = tpu.vector_load %arg6[%get3A_1758] {strides = array<i32>} : memref<32768xf32, #tpu.memory_space<vmem>>, vector<16xf32>,
      %add3A_1760 = arith.constant 80 : i32
      %add3A_1761 = arith.addi %mul3A_1740, %add3A_1760 : i32
      %get3A_1762 = arith.index_cast %add3A_1761 : i32 to index
      %get3A_1763 = tpu.vector_load %arg6[%get3A_1762] {strides = array<i32>} : memref<32768xf32, #tpu.memory_space<vmem>>, vector<16xf32>,
      %add3A_1764 = arith.constant 96 : i32
      %add3A_1765 = arith.addi %mul3A_1740, %add3A_1764 : i32
      %get3A_1766 = arith.index_cast %add3A_1765 : i32 to index
      %get3A_1767 = tpu.vector_load %arg6[%get3A_1766] {strides = array<i32>} : memref<32768xf32, #tpu.memory_space<vmem>>, vector<16xf32>,
      %add3A_1768 = arith.constant 112 : i32
      %add3A_1769 = arith.addi %mul3A_1740, %add3A_1768 : i32
      %get3A_1770 = arith.index_cast %add3A_1769 : i32 to index
      %get3A_1771 = tpu.vector_load %arg6[%get3A_1770] {strides = array<i32>} : memref<32768xf32, #tpu.memory_space<vmem>>, vector<16xf32>,
      %max3A_1772 = arith.maximumf %get3A_1743, %get3A_1747 : vector<16xf32>
      %max3A_1773 = arith.maximumf %get3A_1751, %get3A_1755 : vector<16xf32>
      %max3A_1774 = arith.maximumf %get3A_1759, %get3A_1763 : vector<16xf32>
      %max3A_1775 = arith.maximumf %get3A_1767, %get3A_1771 : vector<16xf32>
      %max3A_1776 = arith.maximumf %max3A_1772, %max3A_1773 : vector<16xf32>
      %max3A_1777 = arith.maximumf %max3A_1774, %max3A_1775 : vector<16xf32>
      %max3A_1778 = arith.maximumf %max3A_1776, %max3A_1777 : vector<16xf32>
      %mul3A_1779 = arith.constant 16 : i32
      %mul3A_1780 = arith.muli %scan3A_1734, %mul3A_1779 : i32
      %swap3A_1781 = arith.index_cast %mul3A_1780 : i32 to index
      %swap3A_1782 = tpu.vector_load %arg7[%swap3A_1781] {strides = array<i32>} : memref<4096xf32, #tpu.memory_space<vmem>>, vector<16xf32>,
      tpu.vector_store %arg7[%swap3A_1781], %max3A_1778 {strides = array<i32>} : memref<4096xf32, #tpu.memory_space<vmem>>, vector<16xf32>,
      %max3A_1783 = arith.maximumf %scan3A_1735, %max3A_1772 : vector<16xf32>
      %max3A_1784 = arith.maximumf %scan3A_1736, %max3A_1773 : vector<16xf32>
      %max3A_1785 = arith.maximumf %scan3A_1737, %max3A_1774 : vector<16xf32>
      %max3A_1786 = arith.maximumf %scan3A_1738, %max3A_1775 : vector<16xf32>
      %scan3A_1787 = arith.constant 1 : i32
      %scan3A_1788 = arith.addi %scan3A_1734, %scan3A_1787 : i32
      %mul3A_1789 = arith.constant 128 : i32
      %mul3A_1790 = arith.muli %scan3A_1788, %mul3A_1789 : i32
      %add3A_1791 = arith.constant 0 : i32
      %add3A_1792 = arith.addi %mul3A_1790, %add3A_1791 : i32
      %get3A_1793 = arith.index_cast %add3A_1792 : i32 to index
      %get3A_1794 = tpu.vector_load %arg6[%get3A_1793] {strides = array<i32>} : memref<32768xf32, #tpu.memory_space<vmem>>, vector<16xf32>,
      %add3A_1795 = arith.constant 16 : i32
      %add3A_1796 = arith.addi %mul3A_1790, %add3A_1795 : i32
      %get3A_1797 = arith.index_cast %add3A_1796 : i32 to index
      %get3A_1798 = tpu.vector_load %arg6[%get3A_1797] {strides = array<i32>} : memref<32768xf32, #tpu.memory_space<vmem>>, vector<16xf32>,
      %add3A_1799 = arith.constant 32 : i32
      %add3A_1800 = arith.addi %mul3A_1790, %add3A_1799 : i32
      %get3A_1801 = arith.index_cast %add3A_1800 : i32 to index
      %get3A_1802 = tpu.vector_load %arg6[%get3A_1801] {strides = array<i32>} : memref<32768xf32, #tpu.memory_space<vmem>>, vector<16xf32>,
      %add3A_1803 = arith.constant 48 : i32
      %add3A_1804 = arith.addi %mul3A_1790, %add3A_1803 : i32
      %get3A_1805 = arith.index_cast %add3A_1804 : i32 to index
      %get3A_1806 = tpu.vector_load %arg6[%get3A_1805] {strides = array<i32>} : memref<32768xf32, #tpu.memory_space<vmem>>, vector<16xf32>,
      %add3A_1807 = arith.constant 64 : i32
      %add3A_1808 = arith.addi %mul3A_1790, %add3A_1807 : i32
      %get3A_1809 = arith.index_cast %add3A_1808 : i32 to index
      %get3A_1810 = tpu.vector_load %arg6[%get3A_1809] {strides = array<i32>} : memref<32768xf32, #tpu.memory_space<vmem>>, vector<16xf32>,
      %add3A_1811 = arith.constant 80 : i32
      %add3A_1812 = arith.addi %mul3A_1790, %add3A_1811 : i32
      %get3A_1813 = arith.index_cast %add3A_1812 : i32 to index
      %get3A_1814 = tpu.vector_load %arg6[%get3A_1813] {strides = array<i32>} : memref<32768xf32, #tpu.memory_space<vmem>>, vector<16xf32>,
      %add3A_1815 = arith.constant 96 : i32
      %add3A_1816 = arith.addi %mul3A_1790, %add3A_1815 : i32
      %get3A_1817 = arith.index_cast %add3A_1816 : i32 to index
      %get3A_1818 = tpu.vector_load %arg6[%get3A_1817] {strides = array<i32>} : memref<32768xf32, #tpu.memory_space<vmem>>, vector<16xf32>,
      %add3A_1819 = arith.constant 112 : i32
      %add3A_1820 = arith.addi %mul3A_1790, %add3A_1819 : i32
      %get3A_1821 = arith.index_cast %add3A_1820 : i32 to index
      %get3A_1822 = tpu.vector_load %arg6[%get3A_1821] {strides = array<i32>} : memref<32768xf32, #tpu.memory_space<vmem>>, vector<16xf32>,
      %max3A_1823 = arith.maximumf %get3A_1794, %get3A_1798 : vector<16xf32>
      %max3A_1824 = arith.maximumf %get3A_1802, %get3A_1806 : vector<16xf32>
      %max3A_1825 = arith.maximumf %get3A_1810, %get3A_1814 : vector<16xf32>
      %max3A_1826 = arith.maximumf %get3A_1818, %get3A_1822 : vector<16xf32>
      %max3A_1827 = arith.maximumf %max3A_1823, %max3A_1824 : vector<16xf32>
      %max3A_1828 = arith.maximumf %max3A_1825, %max3A_1826 : vector<16xf32>
      %max3A_1829 = arith.maximumf %max3A_1827, %max3A_1828 : vector<16xf32>
      %mul3A_1830 = arith.constant 16 : i32
      %mul3A_1831 = arith.muli %scan3A_1788, %mul3A_1830 : i32
      %swap3A_1832 = arith.index_cast %mul3A_1831 : i32 to index
      %swap3A_1833 = tpu.vector_load %arg7[%swap3A_1832] {strides = array<i32>} : memref<4096xf32, #tpu.memory_space<vmem>>, vector<16xf32>,
      tpu.vector_store %arg7[%swap3A_1832], %max3A_1829 {strides = array<i32>} : memref<4096xf32, #tpu.memory_space<vmem>>, vector<16xf32>,
      %max3A_1834 = arith.maximumf %max3A_1783, %max3A_1823 : vector<16xf32>
      %max3A_1835 = arith.maximumf %max3A_1784, %max3A_1824 : vector<16xf32>
      %max3A_1836 = arith.maximumf %max3A_1785, %max3A_1825 : vector<16xf32>
      %max3A_1837 = arith.maximumf %max3A_1786, %max3A_1826 : vector<16xf32>
      scf.yield %max3A_1834, %max3A_1835, %max3A_1836, %max3A_1837 : vector<16xf32>, vector<16xf32>, vector<16xf32>, vector<16xf32>
    }
    %scan3A_447 = arith.constant 256 : i32
    %masked_sort3A_448 = arith.constant dense<true> : vector<16xi1>
    %masked_sort3A_449, %masked_sort3A_450, %masked_sort3A_451 = tpu.sort %scan3A_446#0, %scan3A_446#0 masked %masked_sort3A_448 {descending = true} : (vector<16xf32>, vector<16xf32>, vector<16xi1>) -> (vector<16xi1>, vector<16xf32>, vector<16xf32>)
    %masked_sort3A_452 = arith.constant dense<true> : vector<16xi1>
    %masked_sort3A_453, %masked_sort3A_454, %masked_sort3A_455 = tpu.sort %scan3A_446#1, %scan3A_446#1 masked %masked_sort3A_452 {descending = true} : (vector<16xf32>, vector<16xf32>, vector<16xi1>) -> (vector<16xi1>, vector<16xf32>, vector<16xf32>)
    %rev3A_456 = arith.constant 15 : i32
    %rev3A_457 = vector.broadcast %rev3A_456 : i32 to vector<16xi32>
    %rev3A_458 = tpu.iota {dimensions = array<i32: 0>} : vector<16xi32>
    %rev3A_459 = arith.subi %rev3A_457, %rev3A_458 : vector<16xi32>
    %rev3A_460 = tpu.dynamic_gather %masked_sort3A_454[%rev3A_459] in [0] : vector<16xf32>, vector<16xi32> -> vector<16xf32>
    %max3A_461 = arith.maximumf %masked_sort3A_450, %rev3A_460 : vector<16xf32>
    %masked_sort3A_462 = arith.constant dense<true> : vector<16xi1>
    %masked_sort3A_463, %masked_sort3A_464, %masked_sort3A_465 = tpu.sort %max3A_461, %max3A_461 masked %masked_sort3A_462 {descending = true} : (vector<16xf32>, vector<16xf32>, vector<16xi1>) -> (vector<16xi1>, vector<16xf32>, vector<16xf32>)
    %min3A_466 = arith.minimumf %masked_sort3A_450, %rev3A_460 : vector<16xf32>
    %masked_sort3A_467 = arith.constant dense<true> : vector<16xi1>
    %masked_sort3A_468, %masked_sort3A_469, %masked_sort3A_470 = tpu.sort %min3A_466, %min3A_466 masked %masked_sort3A_467 {descending = true} : (vector<16xf32>, vector<16xf32>, vector<16xi1>) -> (vector<16xi1>, vector<16xf32>, vector<16xf32>)
    %masked_sort3A_471 = arith.constant dense<true> : vector<16xi1>
    %masked_sort3A_472, %masked_sort3A_473, %masked_sort3A_474 = tpu.sort %scan3A_446#2, %scan3A_446#2 masked %masked_sort3A_471 {descending = true} : (vector<16xf32>, vector<16xf32>, vector<16xi1>) -> (vector<16xi1>, vector<16xf32>, vector<16xf32>)
    %rev3A_475 = arith.constant 15 : i32
    %rev3A_476 = vector.broadcast %rev3A_475 : i32 to vector<16xi32>
    %rev3A_477 = tpu.iota {dimensions = array<i32: 0>} : vector<16xi32>
    %rev3A_478 = arith.subi %rev3A_476, %rev3A_477 : vector<16xi32>
    %rev3A_479 = tpu.dynamic_gather %masked_sort3A_473[%rev3A_478] in [0] : vector<16xf32>, vector<16xi32> -> vector<16xf32>
    %max3A_480 = arith.maximumf %masked_sort3A_464, %rev3A_479 : vector<16xf32>
    %masked_sort3A_481 = arith.constant dense<true> : vector<16xi1>
    %masked_sort3A_482, %masked_sort3A_483, %masked_sort3A_484 = tpu.sort %max3A_480, %max3A_480 masked %masked_sort3A_481 {descending = true} : (vector<16xf32>, vector<16xf32>, vector<16xi1>) -> (vector<16xi1>, vector<16xf32>, vector<16xf32>)
    %min3A_485 = arith.minimumf %masked_sort3A_464, %rev3A_479 : vector<16xf32>
    %masked_sort3A_486 = arith.constant dense<true> : vector<16xi1>
    %masked_sort3A_487, %masked_sort3A_488, %masked_sort3A_489 = tpu.sort %min3A_485, %min3A_485 masked %masked_sort3A_486 {descending = true} : (vector<16xf32>, vector<16xf32>, vector<16xi1>) -> (vector<16xi1>, vector<16xf32>, vector<16xf32>)
    %rev3A_490 = arith.constant 15 : i32
    %rev3A_491 = vector.broadcast %rev3A_490 : i32 to vector<16xi32>
    %rev3A_492 = tpu.iota {dimensions = array<i32: 0>} : vector<16xi32>
    %rev3A_493 = arith.subi %rev3A_491, %rev3A_492 : vector<16xi32>
    %rev3A_494 = tpu.dynamic_gather %masked_sort3A_488[%rev3A_493] in [0] : vector<16xf32>, vector<16xi32> -> vector<16xf32>
    %max3A_495 = arith.maximumf %masked_sort3A_469, %rev3A_494 : vector<16xf32>
    %masked_sort3A_496 = arith.constant dense<true> : vector<16xi1>
    %masked_sort3A_497, %masked_sort3A_498, %masked_sort3A_499 = tpu.sort %max3A_495, %max3A_495 masked %masked_sort3A_496 {descending = true} : (vector<16xf32>, vector<16xf32>, vector<16xi1>) -> (vector<16xi1>, vector<16xf32>, vector<16xf32>)
    %masked_sort3A_500 = arith.constant dense<true> : vector<16xi1>
    %masked_sort3A_501, %masked_sort3A_502, %masked_sort3A_503 = tpu.sort %scan3A_446#3, %scan3A_446#3 masked %masked_sort3A_500 {descending = true} : (vector<16xf32>, vector<16xf32>, vector<16xi1>) -> (vector<16xi1>, vector<16xf32>, vector<16xf32>)
    %rev3A_504 = arith.constant 15 : i32
    %rev3A_505 = vector.broadcast %rev3A_504 : i32 to vector<16xi32>
    %rev3A_506 = tpu.iota {dimensions = array<i32: 0>} : vector<16xi32>
    %rev3A_507 = arith.subi %rev3A_505, %rev3A_506 : vector<16xi32>
    %rev3A_508 = tpu.dynamic_gather %masked_sort3A_502[%rev3A_507] in [0] : vector<16xf32>, vector<16xi32> -> vector<16xf32>
    %max3A_509 = arith.maximumf %masked_sort3A_483, %rev3A_508 : vector<16xf32>
    %masked_sort3A_510 = arith.constant dense<true> : vector<16xi1>
    %masked_sort3A_511, %masked_sort3A_512, %masked_sort3A_513 = tpu.sort %max3A_509, %max3A_509 masked %masked_sort3A_510 {descending = true} : (vector<16xf32>, vector<16xf32>, vector<16xi1>) -> (vector<16xi1>, vector<16xf32>, vector<16xf32>)
    %min3A_514 = arith.minimumf %masked_sort3A_483, %rev3A_508 : vector<16xf32>
    %masked_sort3A_515 = arith.constant dense<true> : vector<16xi1>
    %masked_sort3A_516, %masked_sort3A_517, %masked_sort3A_518 = tpu.sort %min3A_514, %min3A_514 masked %masked_sort3A_515 {descending = true} : (vector<16xf32>, vector<16xf32>, vector<16xi1>) -> (vector<16xi1>, vector<16xf32>, vector<16xf32>)
    %rev3A_519 = arith.constant 15 : i32
    %rev3A_520 = vector.broadcast %rev3A_519 : i32 to vector<16xi32>
    %rev3A_521 = tpu.iota {dimensions = array<i32: 0>} : vector<16xi32>
    %rev3A_522 = arith.subi %rev3A_520, %rev3A_521 : vector<16xi32>
    %rev3A_523 = tpu.dynamic_gather %masked_sort3A_517[%rev3A_522] in [0] : vector<16xf32>, vector<16xi32> -> vector<16xf32>
    %max3A_524 = arith.maximumf %masked_sort3A_498, %rev3A_523 : vector<16xf32>
    %masked_sort3A_525 = arith.constant dense<true> : vector<16xi1>
    %masked_sort3A_526, %masked_sort3A_527, %masked_sort3A_528 = tpu.sort %max3A_524, %max3A_524 masked %masked_sort3A_525 {descending = true} : (vector<16xf32>, vector<16xf32>, vector<16xi1>) -> (vector<16xi1>, vector<16xf32>, vector<16xf32>)
    %broadcast_in_dim3A_529 = arith.constant 15 : i32
    %broadcast_in_dim3A_530 = vector.broadcast %broadcast_in_dim3A_529 : i32 to vector<16xi32>
    %lt3A_531 = arith.constant 0 : i32
    %lt3A_532 = vector.broadcast %lt3A_531 : i32 to vector<16xi32>
    %lt3A_533 = arith.cmpi slt, %broadcast_in_dim3A_530, %lt3A_532 : vector<16xi32>
    %add3A_534 = arith.constant 16 : i32
    %add3A_535 = vector.broadcast %add3A_534 : i32 to vector<16xi32>
    %add3A_536 = arith.addi %broadcast_in_dim3A_530, %add3A_535 : vector<16xi32>
    %select_n3A_537 = arith.select %lt3A_533, %add3A_536, %broadcast_in_dim3A_530 : vector<16xi1>, vector<16xi32>
    %broadcast_in_dim3A_538 = vector.shape_cast %select_n3A_537 : vector<16xi32> to vector<16x1xi32>
    %gather3A_539 = vector.shape_cast %broadcast_in_dim3A_538 : vector<16x1xi32> to vector<16xi32>
    %gather3A_540 = tpu.dynamic_gather %masked_sort3A_527[%gather3A_539] in [0] : vector<16xf32>, vector<16xi32> -> vector<16xf32>
    %iota3A_541 = tpu.iota {dimensions = array<i32: 0>} : vector<16xi32>
    %broadcast_in_dim3A_542 = arith.constant 0 : i32
    %broadcast_in_dim3A_543 = vector.broadcast %broadcast_in_dim3A_542 : i32 to vector<16xi32>
    %scan3A_544 = arith.constant 0 : i32
    %scan3A_545 = arith.constant 256 : i32
    %scan3A_546 = arith.addi %scan3A_544, %scan3A_545 : i32
    %scan3A_547 = arith.constant 2 : i32
    %scan3A_548 = scf.for %scan3A_1734 = %scan3A_544 to %scan3A_546 step %scan3A_547 iter_args(%scan3A_1735 = %broadcast_in_dim3A_543) -> (vector<16xi32>)  : i32 {
      %mul3A_1736 = arith.constant 16 : i32
      %mul3A_1737 = arith.muli %scan3A_1734, %mul3A_1736 : i32
      %get3A = arith.index_cast %mul3A_1737 : i32 to index
      %get3A_1738 = tpu.vector_load %arg7[%get3A] {strides = array<i32>} : memref<4096xf32, #tpu.memory_space<vmem>>, vector<16xf32>,
      %ge3A_1739 = arith.cmpf oge, %get3A_1738, %gather3A_540 : vector<16xf32>
      %mul3A_1740 = arith.constant 32 : i32
      %mul3A_1741 = vector.broadcast %mul3A_1740 : i32 to vector<16xi32>
      %mul3A_1742 = arith.muli %iota3A_541, %mul3A_1741 : vector<16xi32>
      %add3A_1743 = arith.addi %mul3A_1742, %scan3A_1735 : vector<16xi32>
      %add3A_1744 = arith.constant 512 : i32
      %add3A_1745 = vector.broadcast %add3A_1744 : i32 to vector<16xi32>
      %add3A_1746 = arith.addi %add3A_1745, %iota3A_541 : vector<16xi32>
      %select_n3A_1747 = arith.select %ge3A_1739, %add3A_1743, %add3A_1746 : vector<16xi1>, vector<16xi32>
      %add3A_1748 = vector.broadcast %scan3A_1734 : i32 to vector<16xi32>
      %add3A_1749 = arith.addi %broadcast_in_dim3A_543, %add3A_1748 : vector<16xi32>
      tpu.vector_store_idx %arg8[%select_n3A_1747], %add3A_1749 : memref<528xi32, #tpu.memory_space<vmem>>[vector<16xi32>], vector<16xi32>,
      %convert_element_type3A = arith.extui %ge3A_1739 : vector<16xi1> to vector<16xi32>
      %add3A_1750 = arith.addi %scan3A_1735, %convert_element_type3A : vector<16xi32>
      %min3A_1751 = arith.constant 32 : i32
      %min3A_1752 = vector.broadcast %min3A_1751 : i32 to vector<16xi32>
      %min3A_1753 = arith.minsi %add3A_1750, %min3A_1752 : vector<16xi32>
      %scan3A_1754 = arith.constant 1 : i32
      %scan3A_1755 = arith.addi %scan3A_1734, %scan3A_1754 : i32
      %mul3A_1756 = arith.constant 16 : i32
      %mul3A_1757 = arith.muli %scan3A_1755, %mul3A_1756 : i32
      %get3A_1758 = arith.index_cast %mul3A_1757 : i32 to index
      %get3A_1759 = tpu.vector_load %arg7[%get3A_1758] {strides = array<i32>} : memref<4096xf32, #tpu.memory_space<vmem>>, vector<16xf32>,
      %ge3A_1760 = arith.cmpf oge, %get3A_1759, %gather3A_540 : vector<16xf32>
      %mul3A_1761 = arith.constant 32 : i32
      %mul3A_1762 = vector.broadcast %mul3A_1761 : i32 to vector<16xi32>
      %mul3A_1763 = arith.muli %iota3A_541, %mul3A_1762 : vector<16xi32>
      %add3A_1764 = arith.addi %mul3A_1763, %min3A_1753 : vector<16xi32>
      %add3A_1765 = arith.constant 512 : i32
      %add3A_1766 = vector.broadcast %add3A_1765 : i32 to vector<16xi32>
      %add3A_1767 = arith.addi %add3A_1766, %iota3A_541 : vector<16xi32>
      %select_n3A_1768 = arith.select %ge3A_1760, %add3A_1764, %add3A_1767 : vector<16xi1>, vector<16xi32>
      %add3A_1769 = vector.broadcast %scan3A_1755 : i32 to vector<16xi32>
      %add3A_1770 = arith.addi %broadcast_in_dim3A_543, %add3A_1769 : vector<16xi32>
      tpu.vector_store_idx %arg8[%select_n3A_1768], %add3A_1770 : memref<528xi32, #tpu.memory_space<vmem>>[vector<16xi32>], vector<16xi32>,
      %convert_element_type3A_1771 = arith.extui %ge3A_1760 : vector<16xi1> to vector<16xi32>
      %add3A_1772 = arith.addi %min3A_1753, %convert_element_type3A_1771 : vector<16xi32>
      %min3A_1773 = arith.constant 32 : i32
      %min3A_1774 = vector.broadcast %min3A_1773 : i32 to vector<16xi32>
      %min3A_1775 = arith.minsi %add3A_1772, %min3A_1774 : vector<16xi32>
      scf.yield %min3A_1775 : vector<16xi32>
    }
    %scan3A_549 = arith.constant 256 : i32
    %xor3A_550 = arith.constant 8 : i32
    %xor3A_551 = vector.broadcast %xor3A_550 : i32 to vector<16xi32>
    %xor3A_552 = arith.xori %iota3A_541, %xor3A_551 : vector<16xi32>
    %lt3A_553 = arith.constant 0 : i32
    %lt3A_554 = vector.broadcast %lt3A_553 : i32 to vector<16xi32>
    %lt3A_555 = arith.cmpi slt, %xor3A_552, %lt3A_554 : vector<16xi32>
    %add3A_556 = arith.constant 16 : i32
    %add3A_557 = vector.broadcast %add3A_556 : i32 to vector<16xi32>
    %add3A_558 = arith.addi %xor3A_552, %add3A_557 : vector<16xi32>
    %select_n3A_559 = arith.select %lt3A_555, %add3A_558, %xor3A_552 : vector<16xi1>, vector<16xi32>
    %broadcast_in_dim3A_560 = vector.shape_cast %select_n3A_559 : vector<16xi32> to vector<16x1xi32>
    %gather3A_561 = vector.shape_cast %broadcast_in_dim3A_560 : vector<16x1xi32> to vector<16xi32>
    %gather3A_562 = tpu.dynamic_gather %scan3A_548[%gather3A_561] in [0] : vector<16xi32>, vector<16xi32> -> vector<16xi32>
    %max3A_563 = arith.maxsi %scan3A_548, %gather3A_562 : vector<16xi32>
    %xor3A_564 = arith.constant 4 : i32
    %xor3A_565 = vector.broadcast %xor3A_564 : i32 to vector<16xi32>
    %xor3A_566 = arith.xori %iota3A_541, %xor3A_565 : vector<16xi32>
    %lt3A_567 = arith.constant 0 : i32
    %lt3A_568 = vector.broadcast %lt3A_567 : i32 to vector<16xi32>
    %lt3A_569 = arith.cmpi slt, %xor3A_566, %lt3A_568 : vector<16xi32>
    %add3A_570 = arith.constant 16 : i32
    %add3A_571 = vector.broadcast %add3A_570 : i32 to vector<16xi32>
    %add3A_572 = arith.addi %xor3A_566, %add3A_571 : vector<16xi32>
    %select_n3A_573 = arith.select %lt3A_569, %add3A_572, %xor3A_566 : vector<16xi1>, vector<16xi32>
    %broadcast_in_dim3A_574 = vector.shape_cast %select_n3A_573 : vector<16xi32> to vector<16x1xi32>
    %gather3A_575 = vector.shape_cast %broadcast_in_dim3A_574 : vector<16x1xi32> to vector<16xi32>
    %gather3A_576 = tpu.dynamic_gather %max3A_563[%gather3A_575] in [0] : vector<16xi32>, vector<16xi32> -> vector<16xi32>
    %max3A_577 = arith.maxsi %max3A_563, %gather3A_576 : vector<16xi32>
    %xor3A_578 = arith.constant 2 : i32
    %xor3A_579 = vector.broadcast %xor3A_578 : i32 to vector<16xi32>
    %xor3A_580 = arith.xori %iota3A_541, %xor3A_579 : vector<16xi32>
    %lt3A_581 = arith.constant 0 : i32
    %lt3A_582 = vector.broadcast %lt3A_581 : i32 to vector<16xi32>
    %lt3A_583 = arith.cmpi slt, %xor3A_580, %lt3A_582 : vector<16xi32>
    %add3A_584 = arith.constant 16 : i32
    %add3A_585 = vector.broadcast %add3A_584 : i32 to vector<16xi32>
    %add3A_586 = arith.addi %xor3A_580, %add3A_585 : vector<16xi32>
    %select_n3A_587 = arith.select %lt3A_583, %add3A_586, %xor3A_580 : vector<16xi1>, vector<16xi32>
    %broadcast_in_dim3A_588 = vector.shape_cast %select_n3A_587 : vector<16xi32> to vector<16x1xi32>
    %gather3A_589 = vector.shape_cast %broadcast_in_dim3A_588 : vector<16x1xi32> to vector<16xi32>
    %gather3A_590 = tpu.dynamic_gather %max3A_577[%gather3A_589] in [0] : vector<16xi32>, vector<16xi32> -> vector<16xi32>
    %max3A_591 = arith.maxsi %max3A_577, %gather3A_590 : vector<16xi32>
    %xor3A_592 = arith.constant 1 : i32
    %xor3A_593 = vector.broadcast %xor3A_592 : i32 to vector<16xi32>
    %xor3A_594 = arith.xori %iota3A_541, %xor3A_593 : vector<16xi32>
    %lt3A_595 = arith.constant 0 : i32
    %lt3A_596 = vector.broadcast %lt3A_595 : i32 to vector<16xi32>
    %lt3A_597 = arith.cmpi slt, %xor3A_594, %lt3A_596 : vector<16xi32>
    %add3A_598 = arith.constant 16 : i32
    %add3A_599 = vector.broadcast %add3A_598 : i32 to vector<16xi32>
    %add3A_600 = arith.addi %xor3A_594, %add3A_599 : vector<16xi32>
    %select_n3A_601 = arith.select %lt3A_597, %add3A_600, %xor3A_594 : vector<16xi1>, vector<16xi32>
    %broadcast_in_dim3A_602 = vector.shape_cast %select_n3A_601 : vector<16xi32> to vector<16x1xi32>
    %gather3A_603 = vector.shape_cast %broadcast_in_dim3A_602 : vector<16x1xi32> to vector<16xi32>
    %gather3A_604 = tpu.dynamic_gather %max3A_591[%gather3A_603] in [0] : vector<16xi32>, vector<16xi32> -> vector<16xi32>
    %max3A_605 = arith.maxsi %max3A_591, %gather3A_604 : vector<16xi32>
    %slice3A_606 = vector.extract_strided_slice %max3A_605 {offsets = [0], sizes = [1], strides = [1]} : vector<16xi32> to vector<1xi32>
    %squeeze3A_607 = vector.extract %slice3A_606[0] : i32 from vector<1xi32>
    %while3A_608 = arith.constant 0 : i32
    %while3A_609 = arith.subi %squeeze3A_607, %while3A_608 : i32
    %while3A_610 = arith.addi %while3A_608, %while3A_609 : i32
    %while3A_611 = arith.constant 1 : i32
    %while3A_612 = arith.divsi %while3A_609, %while3A_611 : i32
    %while3A_613 = arith.muli %while3A_612, %while3A_611 : i32
    %while3A_614 = arith.addi %while3A_608, %while3A_613 : i32
    %while3A_615 = arith.constant 1 : i32
    %while3A_616 = scf.for %while3A_1734 = %while3A_608 to %while3A_614 step %while3A_615 iter_args(%while3A_1735 = %broadcast_in_dim3A_543) -> (vector<16xi32>)  : i32 {
      %lt3A_1736 = vector.broadcast %while3A_1734 : i32 to vector<16xi32>
      %lt3A_1737 = arith.cmpi slt, %lt3A_1736, %scan3A_548 : vector<16xi32>
      %mul3A_1738 = arith.constant 32 : i32
      %mul3A_1739 = vector.broadcast %mul3A_1738 : i32 to vector<16xi32>
      %mul3A_1740 = arith.muli %iota3A_541, %mul3A_1739 : vector<16xi32>
      %add3A_1741 = vector.broadcast %while3A_1734 : i32 to vector<16xi32>
      %add3A_1742 = arith.addi %mul3A_1740, %add3A_1741 : vector<16xi32>
      %gather3A_1743 = tpu.vector_load_idx %arg8[%add3A_1742] : memref<528xi32, #tpu.memory_space<vmem>>[vector<16xi32>], vector<16xi32>,
      %max3A_1744 = arith.constant 0 : i32
      %max3A_1745 = vector.broadcast %max3A_1744 : i32 to vector<16xi32>
      %max3A_1746 = arith.maxsi %gather3A_1743, %max3A_1745 : vector<16xi32>
      %min3A_1747 = arith.constant 255 : i32
      %min3A_1748 = vector.broadcast %min3A_1747 : i32 to vector<16xi32>
      %min3A_1749 = arith.minsi %max3A_1746, %min3A_1748 : vector<16xi32>
      %mul3A_1750 = arith.constant 128 : i32
      %mul3A_1751 = vector.broadcast %mul3A_1750 : i32 to vector<16xi32>
      %mul3A_1752 = arith.muli %min3A_1749, %mul3A_1751 : vector<16xi32>
      %add3A_1753 = arith.constant 0 : i32
      %add3A_1754 = vector.broadcast %add3A_1753 : i32 to vector<16xi32>
      %add3A_1755 = arith.addi %mul3A_1752, %add3A_1754 : vector<16xi32>
      %add3A_1756 = arith.addi %add3A_1755, %iota3A_541 : vector<16xi32>
      %gather3A_1757 = tpu.vector_load_idx %arg6[%add3A_1756] : memref<32768xf32, #tpu.memory_space<vmem>>[vector<16xi32>], vector<16xf32>,
      %ge3A_1758 = arith.cmpf oge, %gather3A_1757, %gather3A_540 : vector<16xf32>
      %and3A_1759 = arith.andi %ge3A_1758, %lt3A_1737 : vector<16xi1>
      %mul3A_1760 = arith.constant 64 : i32
      %mul3A_1761 = vector.broadcast %mul3A_1760 : i32 to vector<16xi32>
      %mul3A_1762 = arith.muli %iota3A_541, %mul3A_1761 : vector<16xi32>
      %add3A_1763 = arith.addi %mul3A_1762, %while3A_1735 : vector<16xi32>
      %add3A_1764 = arith.constant 1024 : i32
      %add3A_1765 = vector.broadcast %add3A_1764 : i32 to vector<16xi32>
      %add3A_1766 = arith.addi %add3A_1765, %iota3A_541 : vector<16xi32>
      %select_n3A_1767 = arith.select %and3A_1759, %add3A_1763, %add3A_1766 : vector<16xi1>, vector<16xi32>
      tpu.vector_store_idx %arg9[%select_n3A_1767], %gather3A_1757 : memref<1040xf32, #tpu.memory_space<vmem>>[vector<16xi32>], vector<16xf32>,
      tpu.vector_store_idx %arg10[%select_n3A_1767], %add3A_1756 : memref<1040xi32, #tpu.memory_space<vmem>>[vector<16xi32>], vector<16xi32>,
      %convert_element_type3A = arith.extui %and3A_1759 : vector<16xi1> to vector<16xi32>
      %add3A_1768 = arith.addi %while3A_1735, %convert_element_type3A : vector<16xi32>
      %min3A_1769 = arith.constant 64 : i32
      %min3A_1770 = vector.broadcast %min3A_1769 : i32 to vector<16xi32>
      %min3A_1771 = arith.minsi %add3A_1768, %min3A_1770 : vector<16xi32>
      %add3A_1772 = arith.constant 16 : i32
      %add3A_1773 = vector.broadcast %add3A_1772 : i32 to vector<16xi32>
      %add3A_1774 = arith.addi %mul3A_1752, %add3A_1773 : vector<16xi32>
      %add3A_1775 = arith.addi %add3A_1774, %iota3A_541 : vector<16xi32>
      %gather3A_1776 = tpu.vector_load_idx %arg6[%add3A_1775] : memref<32768xf32, #tpu.memory_space<vmem>>[vector<16xi32>], vector<16xf32>,
      %ge3A_1777 = arith.cmpf oge, %gather3A_1776, %gather3A_540 : vector<16xf32>
      %and3A_1778 = arith.andi %ge3A_1777, %lt3A_1737 : vector<16xi1>
      %mul3A_1779 = arith.constant 64 : i32
      %mul3A_1780 = vector.broadcast %mul3A_1779 : i32 to vector<16xi32>
      %mul3A_1781 = arith.muli %iota3A_541, %mul3A_1780 : vector<16xi32>
      %add3A_1782 = arith.addi %mul3A_1781, %min3A_1771 : vector<16xi32>
      %add3A_1783 = arith.constant 1024 : i32
      %add3A_1784 = vector.broadcast %add3A_1783 : i32 to vector<16xi32>
      %add3A_1785 = arith.addi %add3A_1784, %iota3A_541 : vector<16xi32>
      %select_n3A_1786 = arith.select %and3A_1778, %add3A_1782, %add3A_1785 : vector<16xi1>, vector<16xi32>
      tpu.vector_store_idx %arg9[%select_n3A_1786], %gather3A_1776 : memref<1040xf32, #tpu.memory_space<vmem>>[vector<16xi32>], vector<16xf32>,
      tpu.vector_store_idx %arg10[%select_n3A_1786], %add3A_1775 : memref<1040xi32, #tpu.memory_space<vmem>>[vector<16xi32>], vector<16xi32>,
      %convert_element_type3A_1787 = arith.extui %and3A_1778 : vector<16xi1> to vector<16xi32>
      %add3A_1788 = arith.addi %min3A_1771, %convert_element_type3A_1787 : vector<16xi32>
      %min3A_1789 = arith.constant 64 : i32
      %min3A_1790 = vector.broadcast %min3A_1789 : i32 to vector<16xi32>
      %min3A_1791 = arith.minsi %add3A_1788, %min3A_1790 : vector<16xi32>
      %add3A_1792 = arith.constant 32 : i32
      %add3A_1793 = vector.broadcast %add3A_1792 : i32 to vector<16xi32>
      %add3A_1794 = arith.addi %mul3A_1752, %add3A_1793 : vector<16xi32>
      %add3A_1795 = arith.addi %add3A_1794, %iota3A_541 : vector<16xi32>
      %gather3A_1796 = tpu.vector_load_idx %arg6[%add3A_1795] : memref<32768xf32, #tpu.memory_space<vmem>>[vector<16xi32>], vector<16xf32>,
      %ge3A_1797 = arith.cmpf oge, %gather3A_1796, %gather3A_540 : vector<16xf32>
      %and3A_1798 = arith.andi %ge3A_1797, %lt3A_1737 : vector<16xi1>
      %mul3A_1799 = arith.constant 64 : i32
      %mul3A_1800 = vector.broadcast %mul3A_1799 : i32 to vector<16xi32>
      %mul3A_1801 = arith.muli %iota3A_541, %mul3A_1800 : vector<16xi32>
      %add3A_1802 = arith.addi %mul3A_1801, %min3A_1791 : vector<16xi32>
      %add3A_1803 = arith.constant 1024 : i32
      %add3A_1804 = vector.broadcast %add3A_1803 : i32 to vector<16xi32>
      %add3A_1805 = arith.addi %add3A_1804, %iota3A_541 : vector<16xi32>
      %select_n3A_1806 = arith.select %and3A_1798, %add3A_1802, %add3A_1805 : vector<16xi1>, vector<16xi32>
      tpu.vector_store_idx %arg9[%select_n3A_1806], %gather3A_1796 : memref<1040xf32, #tpu.memory_space<vmem>>[vector<16xi32>], vector<16xf32>,
      tpu.vector_store_idx %arg10[%select_n3A_1806], %add3A_1795 : memref<1040xi32, #tpu.memory_space<vmem>>[vector<16xi32>], vector<16xi32>,
      %convert_element_type3A_1807 = arith.extui %and3A_1798 : vector<16xi1> to vector<16xi32>
      %add3A_1808 = arith.addi %min3A_1791, %convert_element_type3A_1807 : vector<16xi32>
      %min3A_1809 = arith.constant 64 : i32
      %min3A_1810 = vector.broadcast %min3A_1809 : i32 to vector<16xi32>
      %min3A_1811 = arith.minsi %add3A_1808, %min3A_1810 : vector<16xi32>
      %add3A_1812 = arith.constant 48 : i32
      %add3A_1813 = vector.broadcast %add3A_1812 : i32 to vector<16xi32>
      %add3A_1814 = arith.addi %mul3A_1752, %add3A_1813 : vector<16xi32>
      %add3A_1815 = arith.addi %add3A_1814, %iota3A_541 : vector<16xi32>
      %gather3A_1816 = tpu.vector_load_idx %arg6[%add3A_1815] : memref<32768xf32, #tpu.memory_space<vmem>>[vector<16xi32>], vector<16xf32>,
      %ge3A_1817 = arith.cmpf oge, %gather3A_1816, %gather3A_540 : vector<16xf32>
      %and3A_1818 = arith.andi %ge3A_1817, %lt3A_1737 : vector<16xi1>
      %mul3A_1819 = arith.constant 64 : i32
      %mul3A_1820 = vector.broadcast %mul3A_1819 : i32 to vector<16xi32>
      %mul3A_1821 = arith.muli %iota3A_541, %mul3A_1820 : vector<16xi32>
      %add3A_1822 = arith.addi %mul3A_1821, %min3A_1811 : vector<16xi32>
      %add3A_1823 = arith.constant 1024 : i32
      %add3A_1824 = vector.broadcast %add3A_1823 : i32 to vector<16xi32>
      %add3A_1825 = arith.addi %add3A_1824, %iota3A_541 : vector<16xi32>
      %select_n3A_1826 = arith.select %and3A_1818, %add3A_1822, %add3A_1825 : vector<16xi1>, vector<16xi32>
      tpu.vector_store_idx %arg9[%select_n3A_1826], %gather3A_1816 : memref<1040xf32, #tpu.memory_space<vmem>>[vector<16xi32>], vector<16xf32>,
      tpu.vector_store_idx %arg10[%select_n3A_1826], %add3A_1815 : memref<1040xi32, #tpu.memory_space<vmem>>[vector<16xi32>], vector<16xi32>,
      %convert_element_type3A_1827 = arith.extui %and3A_1818 : vector<16xi1> to vector<16xi32>
      %add3A_1828 = arith.addi %min3A_1811, %convert_element_type3A_1827 : vector<16xi32>
      %min3A_1829 = arith.constant 64 : i32
      %min3A_1830 = vector.broadcast %min3A_1829 : i32 to vector<16xi32>
      %min3A_1831 = arith.minsi %add3A_1828, %min3A_1830 : vector<16xi32>
      %add3A_1832 = arith.constant 64 : i32
      %add3A_1833 = vector.broadcast %add3A_1832 : i32 to vector<16xi32>
      %add3A_1834 = arith.addi %mul3A_1752, %add3A_1833 : vector<16xi32>
      %add3A_1835 = arith.addi %add3A_1834, %iota3A_541 : vector<16xi32>
      %gather3A_1836 = tpu.vector_load_idx %arg6[%add3A_1835] : memref<32768xf32, #tpu.memory_space<vmem>>[vector<16xi32>], vector<16xf32>,
      %ge3A_1837 = arith.cmpf oge, %gather3A_1836, %gather3A_540 : vector<16xf32>
      %and3A_1838 = arith.andi %ge3A_1837, %lt3A_1737 : vector<16xi1>
      %mul3A_1839 = arith.constant 64 : i32
      %mul3A_1840 = vector.broadcast %mul3A_1839 : i32 to vector<16xi32>
      %mul3A_1841 = arith.muli %iota3A_541, %mul3A_1840 : vector<16xi32>
      %add3A_1842 = arith.addi %mul3A_1841, %min3A_1831 : vector<16xi32>
      %add3A_1843 = arith.constant 1024 : i32
      %add3A_1844 = vector.broadcast %add3A_1843 : i32 to vector<16xi32>
      %add3A_1845 = arith.addi %add3A_1844, %iota3A_541 : vector<16xi32>
      %select_n3A_1846 = arith.select %and3A_1838, %add3A_1842, %add3A_1845 : vector<16xi1>, vector<16xi32>
      tpu.vector_store_idx %arg9[%select_n3A_1846], %gather3A_1836 : memref<1040xf32, #tpu.memory_space<vmem>>[vector<16xi32>], vector<16xf32>,
      tpu.vector_store_idx %arg10[%select_n3A_1846], %add3A_1835 : memref<1040xi32, #tpu.memory_space<vmem>>[vector<16xi32>], vector<16xi32>,
      %convert_element_type3A_1847 = arith.extui %and3A_1838 : vector<16xi1> to vector<16xi32>
      %add3A_1848 = arith.addi %min3A_1831, %convert_element_type3A_1847 : vector<16xi32>
      %min3A_1849 = arith.constant 64 : i32
      %min3A_1850 = vector.broadcast %min3A_1849 : i32 to vector<16xi32>
      %min3A_1851 = arith.minsi %add3A_1848, %min3A_1850 : vector<16xi32>
      %add3A_1852 = arith.constant 80 : i32
      %add3A_1853 = vector.broadcast %add3A_1852 : i32 to vector<16xi32>
      %add3A_1854 = arith.addi %mul3A_1752, %add3A_1853 : vector<16xi32>
      %add3A_1855 = arith.addi %add3A_1854, %iota3A_541 : vector<16xi32>
      %gather3A_1856 = tpu.vector_load_idx %arg6[%add3A_1855] : memref<32768xf32, #tpu.memory_space<vmem>>[vector<16xi32>], vector<16xf32>,
      %ge3A_1857 = arith.cmpf oge, %gather3A_1856, %gather3A_540 : vector<16xf32>
      %and3A_1858 = arith.andi %ge3A_1857, %lt3A_1737 : vector<16xi1>
      %mul3A_1859 = arith.constant 64 : i32
      %mul3A_1860 = vector.broadcast %mul3A_1859 : i32 to vector<16xi32>
      %mul3A_1861 = arith.muli %iota3A_541, %mul3A_1860 : vector<16xi32>
      %add3A_1862 = arith.addi %mul3A_1861, %min3A_1851 : vector<16xi32>
      %add3A_1863 = arith.constant 1024 : i32
      %add3A_1864 = vector.broadcast %add3A_1863 : i32 to vector<16xi32>
      %add3A_1865 = arith.addi %add3A_1864, %iota3A_541 : vector<16xi32>
      %select_n3A_1866 = arith.select %and3A_1858, %add3A_1862, %add3A_1865 : vector<16xi1>, vector<16xi32>
      tpu.vector_store_idx %arg9[%select_n3A_1866], %gather3A_1856 : memref<1040xf32, #tpu.memory_space<vmem>>[vector<16xi32>], vector<16xf32>,
      tpu.vector_store_idx %arg10[%select_n3A_1866], %add3A_1855 : memref<1040xi32, #tpu.memory_space<vmem>>[vector<16xi32>], vector<16xi32>,
      %convert_element_type3A_1867 = arith.extui %and3A_1858 : vector<16xi1> to vector<16xi32>
      %add3A_1868 = arith.addi %min3A_1851, %convert_element_type3A_1867 : vector<16xi32>
      %min3A_1869 = arith.constant 64 : i32
      %min3A_1870 = vector.broadcast %min3A_1869 : i32 to vector<16xi32>
      %min3A_1871 = arith.minsi %add3A_1868, %min3A_1870 : vector<16xi32>
      %add3A_1872 = arith.constant 96 : i32
      %add3A_1873 = vector.broadcast %add3A_1872 : i32 to vector<16xi32>
      %add3A_1874 = arith.addi %mul3A_1752, %add3A_1873 : vector<16xi32>
      %add3A_1875 = arith.addi %add3A_1874, %iota3A_541 : vector<16xi32>
      %gather3A_1876 = tpu.vector_load_idx %arg6[%add3A_1875] : memref<32768xf32, #tpu.memory_space<vmem>>[vector<16xi32>], vector<16xf32>,
      %ge3A_1877 = arith.cmpf oge, %gather3A_1876, %gather3A_540 : vector<16xf32>
      %and3A_1878 = arith.andi %ge3A_1877, %lt3A_1737 : vector<16xi1>
      %mul3A_1879 = arith.constant 64 : i32
      %mul3A_1880 = vector.broadcast %mul3A_1879 : i32 to vector<16xi32>
      %mul3A_1881 = arith.muli %iota3A_541, %mul3A_1880 : vector<16xi32>
      %add3A_1882 = arith.addi %mul3A_1881, %min3A_1871 : vector<16xi32>
      %add3A_1883 = arith.constant 1024 : i32
      %add3A_1884 = vector.broadcast %add3A_1883 : i32 to vector<16xi32>
      %add3A_1885 = arith.addi %add3A_1884, %iota3A_541 : vector<16xi32>
      %select_n3A_1886 = arith.select %and3A_1878, %add3A_1882, %add3A_1885 : vector<16xi1>, vector<16xi32>
      tpu.vector_store_idx %arg9[%select_n3A_1886], %gather3A_1876 : memref<1040xf32, #tpu.memory_space<vmem>>[vector<16xi32>], vector<16xf32>,
      tpu.vector_store_idx %arg10[%select_n3A_1886], %add3A_1875 : memref<1040xi32, #tpu.memory_space<vmem>>[vector<16xi32>], vector<16xi32>,
      %convert_element_type3A_1887 = arith.extui %and3A_1878 : vector<16xi1> to vector<16xi32>
      %add3A_1888 = arith.addi %min3A_1871, %convert_element_type3A_1887 : vector<16xi32>
      %min3A_1889 = arith.constant 64 : i32
      %min3A_1890 = vector.broadcast %min3A_1889 : i32 to vector<16xi32>
      %min3A_1891 = arith.minsi %add3A_1888, %min3A_1890 : vector<16xi32>
      %add3A_1892 = arith.constant 112 : i32
      %add3A_1893 = vector.broadcast %add3A_1892 : i32 to vector<16xi32>
      %add3A_1894 = arith.addi %mul3A_1752, %add3A_1893 : vector<16xi32>
      %add3A_1895 = arith.addi %add3A_1894, %iota3A_541 : vector<16xi32>
      %gather3A_1896 = tpu.vector_load_idx %arg6[%add3A_1895] : memref<32768xf32, #tpu.memory_space<vmem>>[vector<16xi32>], vector<16xf32>,
      %ge3A_1897 = arith.cmpf oge, %gather3A_1896, %gather3A_540 : vector<16xf32>
      %and3A_1898 = arith.andi %ge3A_1897, %lt3A_1737 : vector<16xi1>
      %mul3A_1899 = arith.constant 64 : i32
      %mul3A_1900 = vector.broadcast %mul3A_1899 : i32 to vector<16xi32>
      %mul3A_1901 = arith.muli %iota3A_541, %mul3A_1900 : vector<16xi32>
      %add3A_1902 = arith.addi %mul3A_1901, %min3A_1891 : vector<16xi32>
      %add3A_1903 = arith.constant 1024 : i32
      %add3A_1904 = vector.broadcast %add3A_1903 : i32 to vector<16xi32>
      %add3A_1905 = arith.addi %add3A_1904, %iota3A_541 : vector<16xi32>
      %select_n3A_1906 = arith.select %and3A_1898, %add3A_1902, %add3A_1905 : vector<16xi1>, vector<16xi32>
      tpu.vector_store_idx %arg9[%select_n3A_1906], %gather3A_1896 : memref<1040xf32, #tpu.memory_space<vmem>>[vector<16xi32>], vector<16xf32>,
      tpu.vector_store_idx %arg10[%select_n3A_1906], %add3A_1895 : memref<1040xi32, #tpu.memory_space<vmem>>[vector<16xi32>], vector<16xi32>,
      %convert_element_type3A_1907 = arith.extui %and3A_1898 : vector<16xi1> to vector<16xi32>
      %add3A_1908 = arith.addi %min3A_1891, %convert_element_type3A_1907 : vector<16xi32>
      %min3A_1909 = arith.constant 64 : i32
      %min3A_1910 = vector.broadcast %min3A_1909 : i32 to vector<16xi32>
      %min3A_1911 = arith.minsi %add3A_1908, %min3A_1910 : vector<16xi32>
      scf.yield %min3A_1911 : vector<16xi32>
    }
    %while3A_617 = arith.constant 1 : i32
    %while3A_618 = scf.for %while3A_1734 = %while3A_614 to %while3A_610 step %while3A_617 iter_args(%while3A_1735 = %while3A_616) -> (vector<16xi32>)  : i32 {
      %lt3A_1736 = vector.broadcast %while3A_1734 : i32 to vector<16xi32>
      %lt3A_1737 = arith.cmpi slt, %lt3A_1736, %scan3A_548 : vector<16xi32>
      %mul3A_1738 = arith.constant 32 : i32
      %mul3A_1739 = vector.broadcast %mul3A_1738 : i32 to vector<16xi32>
      %mul3A_1740 = arith.muli %iota3A_541, %mul3A_1739 : vector<16xi32>
      %add3A_1741 = vector.broadcast %while3A_1734 : i32 to vector<16xi32>
      %add3A_1742 = arith.addi %mul3A_1740, %add3A_1741 : vector<16xi32>
      %gather3A_1743 = tpu.vector_load_idx %arg8[%add3A_1742] : memref<528xi32, #tpu.memory_space<vmem>>[vector<16xi32>], vector<16xi32>,
      %max3A_1744 = arith.constant 0 : i32
      %max3A_1745 = vector.broadcast %max3A_1744 : i32 to vector<16xi32>
      %max3A_1746 = arith.maxsi %gather3A_1743, %max3A_1745 : vector<16xi32>
      %min3A_1747 = arith.constant 255 : i32
      %min3A_1748 = vector.broadcast %min3A_1747 : i32 to vector<16xi32>
      %min3A_1749 = arith.minsi %max3A_1746, %min3A_1748 : vector<16xi32>
      %mul3A_1750 = arith.constant 128 : i32
      %mul3A_1751 = vector.broadcast %mul3A_1750 : i32 to vector<16xi32>
      %mul3A_1752 = arith.muli %min3A_1749, %mul3A_1751 : vector<16xi32>
      %add3A_1753 = arith.constant 0 : i32
      %add3A_1754 = vector.broadcast %add3A_1753 : i32 to vector<16xi32>
      %add3A_1755 = arith.addi %mul3A_1752, %add3A_1754 : vector<16xi32>
      %add3A_1756 = arith.addi %add3A_1755, %iota3A_541 : vector<16xi32>
      %gather3A_1757 = tpu.vector_load_idx %arg6[%add3A_1756] : memref<32768xf32, #tpu.memory_space<vmem>>[vector<16xi32>], vector<16xf32>,
      %ge3A_1758 = arith.cmpf oge, %gather3A_1757, %gather3A_540 : vector<16xf32>
      %and3A_1759 = arith.andi %ge3A_1758, %lt3A_1737 : vector<16xi1>
      %mul3A_1760 = arith.constant 64 : i32
      %mul3A_1761 = vector.broadcast %mul3A_1760 : i32 to vector<16xi32>
      %mul3A_1762 = arith.muli %iota3A_541, %mul3A_1761 : vector<16xi32>
      %add3A_1763 = arith.addi %mul3A_1762, %while3A_1735 : vector<16xi32>
      %add3A_1764 = arith.constant 1024 : i32
      %add3A_1765 = vector.broadcast %add3A_1764 : i32 to vector<16xi32>
      %add3A_1766 = arith.addi %add3A_1765, %iota3A_541 : vector<16xi32>
      %select_n3A_1767 = arith.select %and3A_1759, %add3A_1763, %add3A_1766 : vector<16xi1>, vector<16xi32>
      tpu.vector_store_idx %arg9[%select_n3A_1767], %gather3A_1757 : memref<1040xf32, #tpu.memory_space<vmem>>[vector<16xi32>], vector<16xf32>,
      tpu.vector_store_idx %arg10[%select_n3A_1767], %add3A_1756 : memref<1040xi32, #tpu.memory_space<vmem>>[vector<16xi32>], vector<16xi32>,
      %convert_element_type3A = arith.extui %and3A_1759 : vector<16xi1> to vector<16xi32>
      %add3A_1768 = arith.addi %while3A_1735, %convert_element_type3A : vector<16xi32>
      %min3A_1769 = arith.constant 64 : i32
      %min3A_1770 = vector.broadcast %min3A_1769 : i32 to vector<16xi32>
      %min3A_1771 = arith.minsi %add3A_1768, %min3A_1770 : vector<16xi32>
      %add3A_1772 = arith.constant 16 : i32
      %add3A_1773 = vector.broadcast %add3A_1772 : i32 to vector<16xi32>
      %add3A_1774 = arith.addi %mul3A_1752, %add3A_1773 : vector<16xi32>
      %add3A_1775 = arith.addi %add3A_1774, %iota3A_541 : vector<16xi32>
      %gather3A_1776 = tpu.vector_load_idx %arg6[%add3A_1775] : memref<32768xf32, #tpu.memory_space<vmem>>[vector<16xi32>], vector<16xf32>,
      %ge3A_1777 = arith.cmpf oge, %gather3A_1776, %gather3A_540 : vector<16xf32>
      %and3A_1778 = arith.andi %ge3A_1777, %lt3A_1737 : vector<16xi1>
      %mul3A_1779 = arith.constant 64 : i32
      %mul3A_1780 = vector.broadcast %mul3A_1779 : i32 to vector<16xi32>
      %mul3A_1781 = arith.muli %iota3A_541, %mul3A_1780 : vector<16xi32>
      %add3A_1782 = arith.addi %mul3A_1781, %min3A_1771 : vector<16xi32>
      %add3A_1783 = arith.constant 1024 : i32
      %add3A_1784 = vector.broadcast %add3A_1783 : i32 to vector<16xi32>
      %add3A_1785 = arith.addi %add3A_1784, %iota3A_541 : vector<16xi32>
      %select_n3A_1786 = arith.select %and3A_1778, %add3A_1782, %add3A_1785 : vector<16xi1>, vector<16xi32>
      tpu.vector_store_idx %arg9[%select_n3A_1786], %gather3A_1776 : memref<1040xf32, #tpu.memory_space<vmem>>[vector<16xi32>], vector<16xf32>,
      tpu.vector_store_idx %arg10[%select_n3A_1786], %add3A_1775 : memref<1040xi32, #tpu.memory_space<vmem>>[vector<16xi32>], vector<16xi32>,
      %convert_element_type3A_1787 = arith.extui %and3A_1778 : vector<16xi1> to vector<16xi32>
      %add3A_1788 = arith.addi %min3A_1771, %convert_element_type3A_1787 : vector<16xi32>
      %min3A_1789 = arith.constant 64 : i32
      %min3A_1790 = vector.broadcast %min3A_1789 : i32 to vector<16xi32>
      %min3A_1791 = arith.minsi %add3A_1788, %min3A_1790 : vector<16xi32>
      %add3A_1792 = arith.constant 32 : i32
      %add3A_1793 = vector.broadcast %add3A_1792 : i32 to vector<16xi32>
      %add3A_1794 = arith.addi %mul3A_1752, %add3A_1793 : vector<16xi32>
      %add3A_1795 = arith.addi %add3A_1794, %iota3A_541 : vector<16xi32>
      %gather3A_1796 = tpu.vector_load_idx %arg6[%add3A_1795] : memref<32768xf32, #tpu.memory_space<vmem>>[vector<16xi32>], vector<16xf32>,
      %ge3A_1797 = arith.cmpf oge, %gather3A_1796, %gather3A_540 : vector<16xf32>
      %and3A_1798 = arith.andi %ge3A_1797, %lt3A_1737 : vector<16xi1>
      %mul3A_1799 = arith.constant 64 : i32
      %mul3A_1800 = vector.broadcast %mul3A_1799 : i32 to vector<16xi32>
      %mul3A_1801 = arith.muli %iota3A_541, %mul3A_1800 : vector<16xi32>
      %add3A_1802 = arith.addi %mul3A_1801, %min3A_1791 : vector<16xi32>
      %add3A_1803 = arith.constant 1024 : i32
      %add3A_1804 = vector.broadcast %add3A_1803 : i32 to vector<16xi32>
      %add3A_1805 = arith.addi %add3A_1804, %iota3A_541 : vector<16xi32>
      %select_n3A_1806 = arith.select %and3A_1798, %add3A_1802, %add3A_1805 : vector<16xi1>, vector<16xi32>
      tpu.vector_store_idx %arg9[%select_n3A_1806], %gather3A_1796 : memref<1040xf32, #tpu.memory_space<vmem>>[vector<16xi32>], vector<16xf32>,
      tpu.vector_store_idx %arg10[%select_n3A_1806], %add3A_1795 : memref<1040xi32, #tpu.memory_space<vmem>>[vector<16xi32>], vector<16xi32>,
      %convert_element_type3A_1807 = arith.extui %and3A_1798 : vector<16xi1> to vector<16xi32>
      %add3A_1808 = arith.addi %min3A_1791, %convert_element_type3A_1807 : vector<16xi32>
      %min3A_1809 = arith.constant 64 : i32
      %min3A_1810 = vector.broadcast %min3A_1809 : i32 to vector<16xi32>
      %min3A_1811 = arith.minsi %add3A_1808, %min3A_1810 : vector<16xi32>
      %add3A_1812 = arith.constant 48 : i32
      %add3A_1813 = vector.broadcast %add3A_1812 : i32 to vector<16xi32>
      %add3A_1814 = arith.addi %mul3A_1752, %add3A_1813 : vector<16xi32>
      %add3A_1815 = arith.addi %add3A_1814, %iota3A_541 : vector<16xi32>
      %gather3A_1816 = tpu.vector_load_idx %arg6[%add3A_1815] : memref<32768xf32, #tpu.memory_space<vmem>>[vector<16xi32>], vector<16xf32>,
      %ge3A_1817 = arith.cmpf oge, %gather3A_1816, %gather3A_540 : vector<16xf32>
      %and3A_1818 = arith.andi %ge3A_1817, %lt3A_1737 : vector<16xi1>
      %mul3A_1819 = arith.constant 64 : i32
      %mul3A_1820 = vector.broadcast %mul3A_1819 : i32 to vector<16xi32>
      %mul3A_1821 = arith.muli %iota3A_541, %mul3A_1820 : vector<16xi32>
      %add3A_1822 = arith.addi %mul3A_1821, %min3A_1811 : vector<16xi32>
      %add3A_1823 = arith.constant 1024 : i32
      %add3A_1824 = vector.broadcast %add3A_1823 : i32 to vector<16xi32>
      %add3A_1825 = arith.addi %add3A_1824, %iota3A_541 : vector<16xi32>
      %select_n3A_1826 = arith.select %and3A_1818, %add3A_1822, %add3A_1825 : vector<16xi1>, vector<16xi32>
      tpu.vector_store_idx %arg9[%select_n3A_1826], %gather3A_1816 : memref<1040xf32, #tpu.memory_space<vmem>>[vector<16xi32>], vector<16xf32>,
      tpu.vector_store_idx %arg10[%select_n3A_1826], %add3A_1815 : memref<1040xi32, #tpu.memory_space<vmem>>[vector<16xi32>], vector<16xi32>,
      %convert_element_type3A_1827 = arith.extui %and3A_1818 : vector<16xi1> to vector<16xi32>
      %add3A_1828 = arith.addi %min3A_1811, %convert_element_type3A_1827 : vector<16xi32>
      %min3A_1829 = arith.constant 64 : i32
      %min3A_1830 = vector.broadcast %min3A_1829 : i32 to vector<16xi32>
      %min3A_1831 = arith.minsi %add3A_1828, %min3A_1830 : vector<16xi32>
      %add3A_1832 = arith.constant 64 : i32
      %add3A_1833 = vector.broadcast %add3A_1832 : i32 to vector<16xi32>
      %add3A_1834 = arith.addi %mul3A_1752, %add3A_1833 : vector<16xi32>
      %add3A_1835 = arith.addi %add3A_1834, %iota3A_541 : vector<16xi32>
      %gather3A_1836 = tpu.vector_load_idx %arg6[%add3A_1835] : memref<32768xf32, #tpu.memory_space<vmem>>[vector<16xi32>], vector<16xf32>,
      %ge3A_1837 = arith.cmpf oge, %gather3A_1836, %gather3A_540 : vector<16xf32>
      %and3A_1838 = arith.andi %ge3A_1837, %lt3A_1737 : vector<16xi1>
      %mul3A_1839 = arith.constant 64 : i32
      %mul3A_1840 = vector.broadcast %mul3A_1839 : i32 to vector<16xi32>
      %mul3A_1841 = arith.muli %iota3A_541, %mul3A_1840 : vector<16xi32>
      %add3A_1842 = arith.addi %mul3A_1841, %min3A_1831 : vector<16xi32>
      %add3A_1843 = arith.constant 1024 : i32
      %add3A_1844 = vector.broadcast %add3A_1843 : i32 to vector<16xi32>
      %add3A_1845 = arith.addi %add3A_1844, %iota3A_541 : vector<16xi32>
      %select_n3A_1846 = arith.select %and3A_1838, %add3A_1842, %add3A_1845 : vector<16xi1>, vector<16xi32>
      tpu.vector_store_idx %arg9[%select_n3A_1846], %gather3A_1836 : memref<1040xf32, #tpu.memory_space<vmem>>[vector<16xi32>], vector<16xf32>,
      tpu.vector_store_idx %arg10[%select_n3A_1846], %add3A_1835 : memref<1040xi32, #tpu.memory_space<vmem>>[vector<16xi32>], vector<16xi32>,
      %convert_element_type3A_1847 = arith.extui %and3A_1838 : vector<16xi1> to vector<16xi32>
      %add3A_1848 = arith.addi %min3A_1831, %convert_element_type3A_1847 : vector<16xi32>
      %min3A_1849 = arith.constant 64 : i32
      %min3A_1850 = vector.broadcast %min3A_1849 : i32 to vector<16xi32>
      %min3A_1851 = arith.minsi %add3A_1848, %min3A_1850 : vector<16xi32>
      %add3A_1852 = arith.constant 80 : i32
      %add3A_1853 = vector.broadcast %add3A_1852 : i32 to vector<16xi32>
      %add3A_1854 = arith.addi %mul3A_1752, %add3A_1853 : vector<16xi32>
      %add3A_1855 = arith.addi %add3A_1854, %iota3A_541 : vector<16xi32>
      %gather3A_1856 = tpu.vector_load_idx %arg6[%add3A_1855] : memref<32768xf32, #tpu.memory_space<vmem>>[vector<16xi32>], vector<16xf32>,
      %ge3A_1857 = arith.cmpf oge, %gather3A_1856, %gather3A_540 : vector<16xf32>
      %and3A_1858 = arith.andi %ge3A_1857, %lt3A_1737 : vector<16xi1>
      %mul3A_1859 = arith.constant 64 : i32
      %mul3A_1860 = vector.broadcast %mul3A_1859 : i32 to vector<16xi32>
      %mul3A_1861 = arith.muli %iota3A_541, %mul3A_1860 : vector<16xi32>
      %add3A_1862 = arith.addi %mul3A_1861, %min3A_1851 : vector<16xi32>
      %add3A_1863 = arith.constant 1024 : i32
      %add3A_1864 = vector.broadcast %add3A_1863 : i32 to vector<16xi32>
      %add3A_1865 = arith.addi %add3A_1864, %iota3A_541 : vector<16xi32>
      %select_n3A_1866 = arith.select %and3A_1858, %add3A_1862, %add3A_1865 : vector<16xi1>, vector<16xi32>
      tpu.vector_store_idx %arg9[%select_n3A_1866], %gather3A_1856 : memref<1040xf32, #tpu.memory_space<vmem>>[vector<16xi32>], vector<16xf32>,
      tpu.vector_store_idx %arg10[%select_n3A_1866], %add3A_1855 : memref<1040xi32, #tpu.memory_space<vmem>>[vector<16xi32>], vector<16xi32>,
      %convert_element_type3A_1867 = arith.extui %and3A_1858 : vector<16xi1> to vector<16xi32>
      %add3A_1868 = arith.addi %min3A_1851, %convert_element_type3A_1867 : vector<16xi32>
      %min3A_1869 = arith.constant 64 : i32
      %min3A_1870 = vector.broadcast %min3A_1869 : i32 to vector<16xi32>
      %min3A_1871 = arith.minsi %add3A_1868, %min3A_1870 : vector<16xi32>
      %add3A_1872 = arith.constant 96 : i32
      %add3A_1873 = vector.broadcast %add3A_1872 : i32 to vector<16xi32>
      %add3A_1874 = arith.addi %mul3A_1752, %add3A_1873 : vector<16xi32>
      %add3A_1875 = arith.addi %add3A_1874, %iota3A_541 : vector<16xi32>
      %gather3A_1876 = tpu.vector_load_idx %arg6[%add3A_1875] : memref<32768xf32, #tpu.memory_space<vmem>>[vector<16xi32>], vector<16xf32>,
      %ge3A_1877 = arith.cmpf oge, %gather3A_1876, %gather3A_540 : vector<16xf32>
      %and3A_1878 = arith.andi %ge3A_1877, %lt3A_1737 : vector<16xi1>
      %mul3A_1879 = arith.constant 64 : i32
      %mul3A_1880 = vector.broadcast %mul3A_1879 : i32 to vector<16xi32>
      %mul3A_1881 = arith.muli %iota3A_541, %mul3A_1880 : vector<16xi32>
      %add3A_1882 = arith.addi %mul3A_1881, %min3A_1871 : vector<16xi32>
      %add3A_1883 = arith.constant 1024 : i32
      %add3A_1884 = vector.broadcast %add3A_1883 : i32 to vector<16xi32>
      %add3A_1885 = arith.addi %add3A_1884, %iota3A_541 : vector<16xi32>
      %select_n3A_1886 = arith.select %and3A_1878, %add3A_1882, %add3A_1885 : vector<16xi1>, vector<16xi32>
      tpu.vector_store_idx %arg9[%select_n3A_1886], %gather3A_1876 : memref<1040xf32, #tpu.memory_space<vmem>>[vector<16xi32>], vector<16xf32>,
      tpu.vector_store_idx %arg10[%select_n3A_1886], %add3A_1875 : memref<1040xi32, #tpu.memory_space<vmem>>[vector<16xi32>], vector<16xi32>,
      %convert_element_type3A_1887 = arith.extui %and3A_1878 : vector<16xi1> to vector<16xi32>
      %add3A_1888 = arith.addi %min3A_1871, %convert_element_type3A_1887 : vector<16xi32>
      %min3A_1889 = arith.constant 64 : i32
      %min3A_1890 = vector.broadcast %min3A_1889 : i32 to vector<16xi32>
      %min3A_1891 = arith.minsi %add3A_1888, %min3A_1890 : vector<16xi32>
      %add3A_1892 = arith.constant 112 : i32
      %add3A_1893 = vector.broadcast %add3A_1892 : i32 to vector<16xi32>
      %add3A_1894 = arith.addi %mul3A_1752, %add3A_1893 : vector<16xi32>
      %add3A_1895 = arith.addi %add3A_1894, %iota3A_541 : vector<16xi32>
      %gather3A_1896 = tpu.vector_load_idx %arg6[%add3A_1895] : memref<32768xf32, #tpu.memory_space<vmem>>[vector<16xi32>], vector<16xf32>,
      %ge3A_1897 = arith.cmpf oge, %gather3A_1896, %gather3A_540 : vector<16xf32>
      %and3A_1898 = arith.andi %ge3A_1897, %lt3A_1737 : vector<16xi1>
      %mul3A_1899 = arith.constant 64 : i32
      %mul3A_1900 = vector.broadcast %mul3A_1899 : i32 to vector<16xi32>
      %mul3A_1901 = arith.muli %iota3A_541, %mul3A_1900 : vector<16xi32>
      %add3A_1902 = arith.addi %mul3A_1901, %min3A_1891 : vector<16xi32>
      %add3A_1903 = arith.constant 1024 : i32
      %add3A_1904 = vector.broadcast %add3A_1903 : i32 to vector<16xi32>
      %add3A_1905 = arith.addi %add3A_1904, %iota3A_541 : vector<16xi32>
      %select_n3A_1906 = arith.select %and3A_1898, %add3A_1902, %add3A_1905 : vector<16xi1>, vector<16xi32>
      tpu.vector_store_idx %arg9[%select_n3A_1906], %gather3A_1896 : memref<1040xf32, #tpu.memory_space<vmem>>[vector<16xi32>], vector<16xf32>,
      tpu.vector_store_idx %arg10[%select_n3A_1906], %add3A_1895 : memref<1040xi32, #tpu.memory_space<vmem>>[vector<16xi32>], vector<16xi32>,
      %convert_element_type3A_1907 = arith.extui %and3A_1898 : vector<16xi1> to vector<16xi32>
      %add3A_1908 = arith.addi %min3A_1891, %convert_element_type3A_1907 : vector<16xi32>
      %min3A_1909 = arith.constant 64 : i32
      %min3A_1910 = vector.broadcast %min3A_1909 : i32 to vector<16xi32>
      %min3A_1911 = arith.minsi %add3A_1908, %min3A_1910 : vector<16xi32>
      scf.yield %min3A_1911 : vector<16xi32>
    }
    %sub3A_619 = arith.constant 1 : i32
    %sub3A_620 = vector.broadcast %sub3A_619 : i32 to vector<16xi32>
    %sub3A_621 = arith.subi %iota3A_541, %sub3A_620 : vector<16xi32>
    %max3A_622 = arith.constant 0 : i32
    %max3A_623 = vector.broadcast %max3A_622 : i32 to vector<16xi32>
    %max3A_624 = arith.maxsi %sub3A_621, %max3A_623 : vector<16xi32>
    %lt3A_625 = arith.constant 0 : i32
    %lt3A_626 = vector.broadcast %lt3A_625 : i32 to vector<16xi32>
    %lt3A_627 = arith.cmpi slt, %max3A_624, %lt3A_626 : vector<16xi32>
    %add3A_628 = arith.constant 16 : i32
    %add3A_629 = vector.broadcast %add3A_628 : i32 to vector<16xi32>
    %add3A_630 = arith.addi %max3A_624, %add3A_629 : vector<16xi32>
    %select_n3A_631 = arith.select %lt3A_627, %add3A_630, %max3A_624 : vector<16xi1>, vector<16xi32>
    %broadcast_in_dim3A_632 = vector.shape_cast %select_n3A_631 : vector<16xi32> to vector<16x1xi32>
    %gather3A_633 = vector.shape_cast %broadcast_in_dim3A_632 : vector<16x1xi32> to vector<16xi32>
    %gather3A_634 = tpu.dynamic_gather %while3A_618[%gather3A_633] in [0] : vector<16xi32>, vector<16xi32> -> vector<16xi32>
    %ge3A_635 = arith.constant 1 : i32
    %ge3A_636 = vector.broadcast %ge3A_635 : i32 to vector<16xi32>
    %ge3A_637 = arith.cmpi sge, %iota3A_541, %ge3A_636 : vector<16xi32>
    %jit3A_638 = arith.constant 0 : i32
    %broadcast_in_dim3A_639 = vector.broadcast %jit3A_638 : i32 to vector<16xi32>
    %select_n3A_640 = arith.select %ge3A_637, %gather3A_634, %broadcast_in_dim3A_639 : vector<16xi1>, vector<16xi32>
    %add3A_641 = arith.addi %while3A_618, %select_n3A_640 : vector<16xi32>
    %sub3A_642 = arith.constant 2 : i32
    %sub3A_643 = vector.broadcast %sub3A_642 : i32 to vector<16xi32>
    %sub3A_644 = arith.subi %iota3A_541, %sub3A_643 : vector<16xi32>
    %max3A_645 = arith.constant 0 : i32
    %max3A_646 = vector.broadcast %max3A_645 : i32 to vector<16xi32>
    %max3A_647 = arith.maxsi %sub3A_644, %max3A_646 : vector<16xi32>
    %lt3A_648 = arith.constant 0 : i32
    %lt3A_649 = vector.broadcast %lt3A_648 : i32 to vector<16xi32>
    %lt3A_650 = arith.cmpi slt, %max3A_647, %lt3A_649 : vector<16xi32>
    %add3A_651 = arith.constant 16 : i32
    %add3A_652 = vector.broadcast %add3A_651 : i32 to vector<16xi32>
    %add3A_653 = arith.addi %max3A_647, %add3A_652 : vector<16xi32>
    %select_n3A_654 = arith.select %lt3A_650, %add3A_653, %max3A_647 : vector<16xi1>, vector<16xi32>
    %broadcast_in_dim3A_655 = vector.shape_cast %select_n3A_654 : vector<16xi32> to vector<16x1xi32>
    %gather3A_656 = vector.shape_cast %broadcast_in_dim3A_655 : vector<16x1xi32> to vector<16xi32>
    %gather3A_657 = tpu.dynamic_gather %add3A_641[%gather3A_656] in [0] : vector<16xi32>, vector<16xi32> -> vector<16xi32>
    %ge3A_658 = arith.constant 2 : i32
    %ge3A_659 = vector.broadcast %ge3A_658 : i32 to vector<16xi32>
    %ge3A_660 = arith.cmpi sge, %iota3A_541, %ge3A_659 : vector<16xi32>
    %jit3A_661 = arith.constant 0 : i32
    %broadcast_in_dim3A_662 = vector.broadcast %jit3A_661 : i32 to vector<16xi32>
    %select_n3A_663 = arith.select %ge3A_660, %gather3A_657, %broadcast_in_dim3A_662 : vector<16xi1>, vector<16xi32>
    %add3A_664 = arith.addi %add3A_641, %select_n3A_663 : vector<16xi32>
    %sub3A_665 = arith.constant 4 : i32
    %sub3A_666 = vector.broadcast %sub3A_665 : i32 to vector<16xi32>
    %sub3A_667 = arith.subi %iota3A_541, %sub3A_666 : vector<16xi32>
    %max3A_668 = arith.constant 0 : i32
    %max3A_669 = vector.broadcast %max3A_668 : i32 to vector<16xi32>
    %max3A_670 = arith.maxsi %sub3A_667, %max3A_669 : vector<16xi32>
    %lt3A_671 = arith.constant 0 : i32
    %lt3A_672 = vector.broadcast %lt3A_671 : i32 to vector<16xi32>
    %lt3A_673 = arith.cmpi slt, %max3A_670, %lt3A_672 : vector<16xi32>
    %add3A_674 = arith.constant 16 : i32
    %add3A_675 = vector.broadcast %add3A_674 : i32 to vector<16xi32>
    %add3A_676 = arith.addi %max3A_670, %add3A_675 : vector<16xi32>
    %select_n3A_677 = arith.select %lt3A_673, %add3A_676, %max3A_670 : vector<16xi1>, vector<16xi32>
    %broadcast_in_dim3A_678 = vector.shape_cast %select_n3A_677 : vector<16xi32> to vector<16x1xi32>
    %gather3A_679 = vector.shape_cast %broadcast_in_dim3A_678 : vector<16x1xi32> to vector<16xi32>
    %gather3A_680 = tpu.dynamic_gather %add3A_664[%gather3A_679] in [0] : vector<16xi32>, vector<16xi32> -> vector<16xi32>
    %ge3A_681 = arith.constant 4 : i32
    %ge3A_682 = vector.broadcast %ge3A_681 : i32 to vector<16xi32>
    %ge3A_683 = arith.cmpi sge, %iota3A_541, %ge3A_682 : vector<16xi32>
    %jit3A_684 = arith.constant 0 : i32
    %broadcast_in_dim3A_685 = vector.broadcast %jit3A_684 : i32 to vector<16xi32>
    %select_n3A_686 = arith.select %ge3A_683, %gather3A_680, %broadcast_in_dim3A_685 : vector<16xi1>, vector<16xi32>
    %add3A_687 = arith.addi %add3A_664, %select_n3A_686 : vector<16xi32>
    %sub3A_688 = arith.constant 8 : i32
    %sub3A_689 = vector.broadcast %sub3A_688 : i32 to vector<16xi32>
    %sub3A_690 = arith.subi %iota3A_541, %sub3A_689 : vector<16xi32>
    %max3A_691 = arith.constant 0 : i32
    %max3A_692 = vector.broadcast %max3A_691 : i32 to vector<16xi32>
    %max3A_693 = arith.maxsi %sub3A_690, %max3A_692 : vector<16xi32>
    %lt3A_694 = arith.constant 0 : i32
    %lt3A_695 = vector.broadcast %lt3A_694 : i32 to vector<16xi32>
    %lt3A_696 = arith.cmpi slt, %max3A_693, %lt3A_695 : vector<16xi32>
    %add3A_697 = arith.constant 16 : i32
    %add3A_698 = vector.broadcast %add3A_697 : i32 to vector<16xi32>
    %add3A_699 = arith.addi %max3A_693, %add3A_698 : vector<16xi32>
    %select_n3A_700 = arith.select %lt3A_696, %add3A_699, %max3A_693 : vector<16xi1>, vector<16xi32>
    %broadcast_in_dim3A_701 = vector.shape_cast %select_n3A_700 : vector<16xi32> to vector<16x1xi32>
    %gather3A_702 = vector.shape_cast %broadcast_in_dim3A_701 : vector<16x1xi32> to vector<16xi32>
    %gather3A_703 = tpu.dynamic_gather %add3A_687[%gather3A_702] in [0] : vector<16xi32>, vector<16xi32> -> vector<16xi32>
    %ge3A_704 = arith.constant 8 : i32
    %ge3A_705 = vector.broadcast %ge3A_704 : i32 to vector<16xi32>
    %ge3A_706 = arith.cmpi sge, %iota3A_541, %ge3A_705 : vector<16xi32>
    %jit3A_707 = arith.constant 0 : i32
    %broadcast_in_dim3A_708 = vector.broadcast %jit3A_707 : i32 to vector<16xi32>
    %select_n3A_709 = arith.select %ge3A_706, %gather3A_703, %broadcast_in_dim3A_708 : vector<16xi1>, vector<16xi32>
    %add3A_710 = arith.addi %add3A_687, %select_n3A_709 : vector<16xi32>
    %sub3A_711 = arith.subi %add3A_710, %while3A_618 : vector<16xi32>
    %xor3A_712 = arith.constant 8 : i32
    %xor3A_713 = vector.broadcast %xor3A_712 : i32 to vector<16xi32>
    %xor3A_714 = arith.xori %iota3A_541, %xor3A_713 : vector<16xi32>
    %lt3A_715 = arith.constant 0 : i32
    %lt3A_716 = vector.broadcast %lt3A_715 : i32 to vector<16xi32>
    %lt3A_717 = arith.cmpi slt, %xor3A_714, %lt3A_716 : vector<16xi32>
    %add3A_718 = arith.constant 16 : i32
    %add3A_719 = vector.broadcast %add3A_718 : i32 to vector<16xi32>
    %add3A_720 = arith.addi %xor3A_714, %add3A_719 : vector<16xi32>
    %select_n3A_721 = arith.select %lt3A_717, %add3A_720, %xor3A_714 : vector<16xi1>, vector<16xi32>
    %broadcast_in_dim3A_722 = vector.shape_cast %select_n3A_721 : vector<16xi32> to vector<16x1xi32>
    %gather3A_723 = vector.shape_cast %broadcast_in_dim3A_722 : vector<16x1xi32> to vector<16xi32>
    %gather3A_724 = tpu.dynamic_gather %while3A_618[%gather3A_723] in [0] : vector<16xi32>, vector<16xi32> -> vector<16xi32>
    %max3A_725 = arith.maxsi %while3A_618, %gather3A_724 : vector<16xi32>
    %xor3A_726 = arith.constant 4 : i32
    %xor3A_727 = vector.broadcast %xor3A_726 : i32 to vector<16xi32>
    %xor3A_728 = arith.xori %iota3A_541, %xor3A_727 : vector<16xi32>
    %lt3A_729 = arith.constant 0 : i32
    %lt3A_730 = vector.broadcast %lt3A_729 : i32 to vector<16xi32>
    %lt3A_731 = arith.cmpi slt, %xor3A_728, %lt3A_730 : vector<16xi32>
    %add3A_732 = arith.constant 16 : i32
    %add3A_733 = vector.broadcast %add3A_732 : i32 to vector<16xi32>
    %add3A_734 = arith.addi %xor3A_728, %add3A_733 : vector<16xi32>
    %select_n3A_735 = arith.select %lt3A_731, %add3A_734, %xor3A_728 : vector<16xi1>, vector<16xi32>
    %broadcast_in_dim3A_736 = vector.shape_cast %select_n3A_735 : vector<16xi32> to vector<16x1xi32>
    %gather3A_737 = vector.shape_cast %broadcast_in_dim3A_736 : vector<16x1xi32> to vector<16xi32>
    %gather3A_738 = tpu.dynamic_gather %max3A_725[%gather3A_737] in [0] : vector<16xi32>, vector<16xi32> -> vector<16xi32>
    %max3A_739 = arith.maxsi %max3A_725, %gather3A_738 : vector<16xi32>
    %xor3A_740 = arith.constant 2 : i32
    %xor3A_741 = vector.broadcast %xor3A_740 : i32 to vector<16xi32>
    %xor3A_742 = arith.xori %iota3A_541, %xor3A_741 : vector<16xi32>
    %lt3A_743 = arith.constant 0 : i32
    %lt3A_744 = vector.broadcast %lt3A_743 : i32 to vector<16xi32>
    %lt3A_745 = arith.cmpi slt, %xor3A_742, %lt3A_744 : vector<16xi32>
    %add3A_746 = arith.constant 16 : i32
    %add3A_747 = vector.broadcast %add3A_746 : i32 to vector<16xi32>
    %add3A_748 = arith.addi %xor3A_742, %add3A_747 : vector<16xi32>
    %select_n3A_749 = arith.select %lt3A_745, %add3A_748, %xor3A_742 : vector<16xi1>, vector<16xi32>
    %broadcast_in_dim3A_750 = vector.shape_cast %select_n3A_749 : vector<16xi32> to vector<16x1xi32>
    %gather3A_751 = vector.shape_cast %broadcast_in_dim3A_750 : vector<16x1xi32> to vector<16xi32>
    %gather3A_752 = tpu.dynamic_gather %max3A_739[%gather3A_751] in [0] : vector<16xi32>, vector<16xi32> -> vector<16xi32>
    %max3A_753 = arith.maxsi %max3A_739, %gather3A_752 : vector<16xi32>
    %xor3A_754 = arith.constant 1 : i32
    %xor3A_755 = vector.broadcast %xor3A_754 : i32 to vector<16xi32>
    %xor3A_756 = arith.xori %iota3A_541, %xor3A_755 : vector<16xi32>
    %lt3A_757 = arith.constant 0 : i32
    %lt3A_758 = vector.broadcast %lt3A_757 : i32 to vector<16xi32>
    %lt3A_759 = arith.cmpi slt, %xor3A_756, %lt3A_758 : vector<16xi32>
    %add3A_760 = arith.constant 16 : i32
    %add3A_761 = vector.broadcast %add3A_760 : i32 to vector<16xi32>
    %add3A_762 = arith.addi %xor3A_756, %add3A_761 : vector<16xi32>
    %select_n3A_763 = arith.select %lt3A_759, %add3A_762, %xor3A_756 : vector<16xi1>, vector<16xi32>
    %broadcast_in_dim3A_764 = vector.shape_cast %select_n3A_763 : vector<16xi32> to vector<16x1xi32>
    %gather3A_765 = vector.shape_cast %broadcast_in_dim3A_764 : vector<16x1xi32> to vector<16xi32>
    %gather3A_766 = tpu.dynamic_gather %max3A_753[%gather3A_765] in [0] : vector<16xi32>, vector<16xi32> -> vector<16xi32>
    %max3A_767 = arith.maxsi %max3A_753, %gather3A_766 : vector<16xi32>
    %slice3A_768 = vector.extract_strided_slice %max3A_767 {offsets = [0], sizes = [1], strides = [1]} : vector<16xi32> to vector<1xi32>
    %squeeze3A_769 = vector.extract %slice3A_768[0] : i32 from vector<1xi32>
    %broadcast_in_dim3A_770 = arith.constant 15 : i32
    %broadcast_in_dim3A_771 = vector.broadcast %broadcast_in_dim3A_770 : i32 to vector<16xi32>
    %lt3A_772 = arith.constant 0 : i32
    %lt3A_773 = vector.broadcast %lt3A_772 : i32 to vector<16xi32>
    %lt3A_774 = arith.cmpi slt, %broadcast_in_dim3A_771, %lt3A_773 : vector<16xi32>
    %add3A_775 = arith.constant 16 : i32
    %add3A_776 = vector.broadcast %add3A_775 : i32 to vector<16xi32>
    %add3A_777 = arith.addi %broadcast_in_dim3A_771, %add3A_776 : vector<16xi32>
    %select_n3A_778 = arith.select %lt3A_774, %add3A_777, %broadcast_in_dim3A_771 : vector<16xi1>, vector<16xi32>
    %broadcast_in_dim3A_779 = vector.shape_cast %select_n3A_778 : vector<16xi32> to vector<16x1xi32>
    %gather3A_780 = vector.shape_cast %broadcast_in_dim3A_779 : vector<16x1xi32> to vector<16xi32>
    %gather3A_781 = tpu.dynamic_gather %add3A_710[%gather3A_780] in [0] : vector<16xi32>, vector<16xi32> -> vector<16xi32>
    %slice3A_782 = vector.extract_strided_slice %gather3A_781 {offsets = [0], sizes = [1], strides = [1]} : vector<16xi32> to vector<1xi32>
    %squeeze3A_783 = vector.extract %slice3A_782[0] : i32 from vector<1xi32>
    %while3A_784 = arith.constant 0 : i32
    %while3A_785 = arith.constant 0 : i32
    %while3A_786 = arith.subi %squeeze3A_769, %while3A_784 : i32
    %while3A_787 = arith.addi %while3A_784, %while3A_786 : i32
    %while3A_788 = arith.constant 1 : i32
    %while3A_789 = arith.divsi %while3A_786, %while3A_788 : i32
    %while3A_790 = arith.muli %while3A_789, %while3A_788 : i32
    %while3A_791 = arith.addi %while3A_784, %while3A_790 : i32
    %while3A_792 = arith.constant 1 : i32
    %while3A_793 = scf.for %while3A_1734 = %while3A_784 to %while3A_791 step %while3A_792 iter_args(%while3A_1735 = %while3A_785) -> (i32)  : i32 {
      %mul3A_1736 = arith.constant 64 : i32
      %mul3A_1737 = vector.broadcast %mul3A_1736 : i32 to vector<16xi32>
      %mul3A_1738 = arith.muli %iota3A_541, %mul3A_1737 : vector<16xi32>
      %add3A_1739 = vector.broadcast %while3A_1734 : i32 to vector<16xi32>
      %add3A_1740 = arith.addi %mul3A_1738, %add3A_1739 : vector<16xi32>
      %gather3A_1741 = tpu.vector_load_idx %arg9[%add3A_1740] : memref<1040xf32, #tpu.memory_space<vmem>>[vector<16xi32>], vector<16xf32>,
      %gather3A_1742 = tpu.vector_load_idx %arg10[%add3A_1740] : memref<1040xi32, #tpu.memory_space<vmem>>[vector<16xi32>], vector<16xi32>,
      %lt3A_1743 = vector.broadcast %while3A_1734 : i32 to vector<16xi32>
      %lt3A_1744 = arith.cmpi slt, %lt3A_1743, %while3A_618 : vector<16xi32>
      %add3A_1745 = vector.broadcast %while3A_1734 : i32 to vector<16xi32>
      %add3A_1746 = arith.addi %sub3A_711, %add3A_1745 : vector<16xi32>
      %add3A_1747 = arith.constant 2048 : i32
      %add3A_1748 = vector.broadcast %add3A_1747 : i32 to vector<16xi32>
      %add3A_1749 = arith.addi %add3A_1748, %iota3A_541 : vector<16xi32>
      %select_n3A_1750 = arith.select %lt3A_1744, %add3A_1746, %add3A_1749 : vector<16xi1>, vector<16xi32>
      tpu.vector_store_idx %arg11[%select_n3A_1750], %gather3A_1741 : memref<2064xf32, #tpu.memory_space<vmem>>[vector<16xi32>], vector<16xf32>,
      tpu.vector_store_idx %arg12[%select_n3A_1750], %gather3A_1742 : memref<2064xi32, #tpu.memory_space<vmem>>[vector<16xi32>], vector<16xi32>,
      %while3A_1751 = arith.constant 0 : i32
      scf.yield %while3A_1751 : i32
    }
    %while3A_794 = arith.constant 1 : i32
    %while3A_795 = scf.for %while3A_1734 = %while3A_791 to %while3A_787 step %while3A_794 iter_args(%while3A_1735 = %while3A_793) -> (i32)  : i32 {
      %mul3A_1736 = arith.constant 64 : i32
      %mul3A_1737 = vector.broadcast %mul3A_1736 : i32 to vector<16xi32>
      %mul3A_1738 = arith.muli %iota3A_541, %mul3A_1737 : vector<16xi32>
      %add3A_1739 = vector.broadcast %while3A_1734 : i32 to vector<16xi32>
      %add3A_1740 = arith.addi %mul3A_1738, %add3A_1739 : vector<16xi32>
      %gather3A_1741 = tpu.vector_load_idx %arg9[%add3A_1740] : memref<1040xf32, #tpu.memory_space<vmem>>[vector<16xi32>], vector<16xf32>,
      %gather3A_1742 = tpu.vector_load_idx %arg10[%add3A_1740] : memref<1040xi32, #tpu.memory_space<vmem>>[vector<16xi32>], vector<16xi32>,
      %lt3A_1743 = vector.broadcast %while3A_1734 : i32 to vector<16xi32>
      %lt3A_1744 = arith.cmpi slt, %lt3A_1743, %while3A_618 : vector<16xi32>
      %add3A_1745 = vector.broadcast %while3A_1734 : i32 to vector<16xi32>
      %add3A_1746 = arith.addi %sub3A_711, %add3A_1745 : vector<16xi32>
      %add3A_1747 = arith.constant 2048 : i32
      %add3A_1748 = vector.broadcast %add3A_1747 : i32 to vector<16xi32>
      %add3A_1749 = arith.addi %add3A_1748, %iota3A_541 : vector<16xi32>
      %select_n3A_1750 = arith.select %lt3A_1744, %add3A_1746, %add3A_1749 : vector<16xi1>, vector<16xi32>
      tpu.vector_store_idx %arg11[%select_n3A_1750], %gather3A_1741 : memref<2064xf32, #tpu.memory_space<vmem>>[vector<16xi32>], vector<16xf32>,
      tpu.vector_store_idx %arg12[%select_n3A_1750], %gather3A_1742 : memref<2064xi32, #tpu.memory_space<vmem>>[vector<16xi32>], vector<16xi32>,
      %while3A_1751 = arith.constant 0 : i32
      scf.yield %while3A_1751 : i32
    }
    %swap3A_796 = arith.index_cast %squeeze3A_783 : i32 to index
    %swap3A_797 = tpu.vector_load %arg11[%swap3A_796] {strides = array<i32>} : memref<2064xf32, #tpu.memory_space<vmem>>, vector<16xf32>,
    tpu.vector_store %arg11[%swap3A_796], %broadcast_in_dim3A_441 {strides = array<i32>} : memref<2064xf32, #tpu.memory_space<vmem>>, vector<16xf32>,
    %add3A_798 = arith.constant 16 : i32
    %add3A_799 = arith.addi %squeeze3A_783, %add3A_798 : i32
    %sub3A_800 = arith.constant 1 : i32
    %sub3A_801 = arith.subi %add3A_799, %sub3A_800 : i32
    %jit3A_802 = arith.constant 16 : i32
    %div3A_803 = arith.divsi %sub3A_801, %jit3A_802 : i32
    %sign3A_804 = arith.constant 0 : i32
    %sign3A_805 = arith.cmpi sgt, %sub3A_801, %sign3A_804 : i32
    %sign3A_806 = arith.extui %sign3A_805 : i1 to i32
    %sign3A_807 = arith.constant 0 : i32
    %sign3A_808 = arith.cmpi slt, %sub3A_801, %sign3A_807 : i32
    %sign3A_809 = arith.extui %sign3A_808 : i1 to i32
    %sign3A_810 = arith.subi %sign3A_806, %sign3A_809 : i32
    %sign3A_811 = arith.constant 0 : i32
    %sign3A_812 = arith.cmpi sgt, %jit3A_802, %sign3A_811 : i32
    %sign3A_813 = arith.extui %sign3A_812 : i1 to i32
    %sign3A_814 = arith.constant 0 : i32
    %sign3A_815 = arith.cmpi slt, %jit3A_802, %sign3A_814 : i32
    %sign3A_816 = arith.extui %sign3A_815 : i1 to i32
    %sign3A_817 = arith.subi %sign3A_813, %sign3A_816 : i32
    %ne3A_818 = arith.cmpi ne, %sign3A_810, %sign3A_817 : i32
    %rem3A_819 = arith.remsi %sub3A_801, %jit3A_802 : i32
    %ne3A_820 = arith.constant 0 : i32
    %ne3A_821 = arith.cmpi ne, %rem3A_819, %ne3A_820 : i32
    %and3A_822 = arith.andi %ne3A_818, %ne3A_821 : i1
    %sub3A_823 = arith.constant 1 : i32
    %sub3A_824 = arith.subi %div3A_803, %sub3A_823 : i32
    %select_n3A_825 = arith.select %and3A_822, %sub3A_824, %div3A_803 : i32
    %broadcast_in_dim3A_826 = arith.constant 0.000000e+00 : f32
    %broadcast_in_dim3A_827 = vector.broadcast %broadcast_in_dim3A_826 : f32 to vector<16xf32>
    %broadcast_in_dim3A_828 = arith.constant 0 : i32
    %broadcast_in_dim3A_829 = vector.broadcast %broadcast_in_dim3A_828 : i32 to vector<16xi32>
    %broadcast_in_dim3A_830 = arith.constant 0x7F800000 : f32
    %broadcast_in_dim3A_831 = vector.broadcast %broadcast_in_dim3A_830 : f32 to vector<16xf32>
    %broadcast_in_dim3A_832 = arith.constant -1 : i32
    %broadcast_in_dim3A_833 = vector.broadcast %broadcast_in_dim3A_832 : i32 to vector<16xi32>
    %scan3A_834 = arith.constant 0 : i32
    %scan3A_835 = arith.constant 32 : i32
    %scan3A_836 = arith.addi %scan3A_834, %scan3A_835 : i32
    %scan3A_837 = arith.constant 1 : i32
    %scan3A_838:6 = scf.for %scan3A_1734 = %scan3A_834 to %scan3A_836 step %scan3A_837 iter_args(%scan3A_1735 = %broadcast_in_dim3A_831, %scan3A_1736 = %broadcast_in_dim3A_833, %scan3A_1737 = %broadcast_in_dim3A_827, %scan3A_1738 = %broadcast_in_dim3A_827, %scan3A_1739 = %broadcast_in_dim3A_829, %scan3A_1740 = %broadcast_in_dim3A_829) -> (vector<16xf32>, vector<16xi32>, vector<16xf32>, vector<16xf32>, vector<16xi32>, vector<16xi32>)  : i32 {
      %broadcast_in_dim3A_1741 = arith.constant 1073741824 : i32
      %broadcast_in_dim3A_1742 = vector.broadcast %broadcast_in_dim3A_1741 : i32 to vector<16xi32>
      %while3A_1743 = arith.constant 0 : i32
      %while3A_1744 = arith.subi %select_n3A_825, %while3A_1743 : i32
      %while3A_1745 = arith.addi %while3A_1743, %while3A_1744 : i32
      %while3A_1746 = arith.constant 1 : i32
      %while3A_1747 = arith.divsi %while3A_1744, %while3A_1746 : i32
      %while3A_1748 = arith.muli %while3A_1747, %while3A_1746 : i32
      %while3A_1749 = arith.addi %while3A_1743, %while3A_1748 : i32
      %while3A_1750 = arith.constant 1 : i32
      %while3A_1751:2 = scf.for %while3A_1889 = %while3A_1743 to %while3A_1749 step %while3A_1750 iter_args(%while3A_1890 = %broadcast_in_dim3A_441, %while3A_1891 = %broadcast_in_dim3A_1742) -> (vector<16xf32>, vector<16xi32>)  : i32 {
        %mul3A_1892 = arith.constant 16 : i32
        %mul3A_1893 = arith.muli %while3A_1889, %mul3A_1892 : i32
        %get3A = arith.index_cast %mul3A_1893 : i32 to index
        %get3A_1894 = tpu.vector_load %arg11[%get3A] {strides = array<i32>} : memref<2064xf32, #tpu.memory_space<vmem>>, vector<16xf32>,
        %mul3A_1895 = arith.constant 16 : i32
        %mul3A_1896 = arith.muli %while3A_1889, %mul3A_1895 : i32
        %get3A_1897 = arith.index_cast %mul3A_1896 : i32 to index
        %get3A_1898 = tpu.vector_load %arg12[%get3A_1897] {strides = array<i32>} : memref<2064xi32, #tpu.memory_space<vmem>>, vector<16xi32>,
        %lt3A_1899 = arith.cmpf olt, %get3A_1894, %scan3A_1735 : vector<16xf32>
        %eq3A_1900 = arith.cmpf oeq, %get3A_1894, %scan3A_1735 : vector<16xf32>
        %gt3A_1901 = arith.cmpi sgt, %get3A_1898, %scan3A_1736 : vector<16xi32>
        %and3A_1902 = arith.andi %eq3A_1900, %gt3A_1901 : vector<16xi1>
        %or3A_1903 = arith.ori %lt3A_1899, %and3A_1902 : vector<16xi1>
        %jit3A_1904 = arith.constant 0xFF800000 : f32
        %broadcast_in_dim3A_1905 = vector.broadcast %jit3A_1904 : f32 to vector<16xf32>
        %select_n3A_1906 = arith.select %or3A_1903, %get3A_1894, %broadcast_in_dim3A_1905 : vector<16xi1>, vector<16xf32>
        %gt3A_1907 = arith.cmpf ogt, %select_n3A_1906, %while3A_1890 : vector<16xf32>
        %eq3A_1908 = arith.cmpf oeq, %select_n3A_1906, %while3A_1890 : vector<16xf32>
        %lt3A_1909 = arith.cmpi slt, %get3A_1898, %while3A_1891 : vector<16xi32>
        %and3A_1910 = arith.andi %eq3A_1908, %lt3A_1909 : vector<16xi1>
        %or3A_1911 = arith.ori %gt3A_1907, %and3A_1910 : vector<16xi1>
        %select_n3A_1912 = arith.select %or3A_1911, %select_n3A_1906, %while3A_1890 : vector<16xi1>, vector<16xf32>
        %select_n3A_1913 = arith.select %or3A_1911, %get3A_1898, %while3A_1891 : vector<16xi1>, vector<16xi32>
        scf.yield %select_n3A_1912, %select_n3A_1913 : vector<16xf32>, vector<16xi32>
      }
      %while3A_1752 = arith.constant 1 : i32
      %while3A_1753:2 = scf.for %while3A_1889 = %while3A_1749 to %while3A_1745 step %while3A_1752 iter_args(%while3A_1890 = %while3A_1751#0, %while3A_1891 = %while3A_1751#1) -> (vector<16xf32>, vector<16xi32>)  : i32 {
        %mul3A_1892 = arith.constant 16 : i32
        %mul3A_1893 = arith.muli %while3A_1889, %mul3A_1892 : i32
        %get3A = arith.index_cast %mul3A_1893 : i32 to index
        %get3A_1894 = tpu.vector_load %arg11[%get3A] {strides = array<i32>} : memref<2064xf32, #tpu.memory_space<vmem>>, vector<16xf32>,
        %mul3A_1895 = arith.constant 16 : i32
        %mul3A_1896 = arith.muli %while3A_1889, %mul3A_1895 : i32
        %get3A_1897 = arith.index_cast %mul3A_1896 : i32 to index
        %get3A_1898 = tpu.vector_load %arg12[%get3A_1897] {strides = array<i32>} : memref<2064xi32, #tpu.memory_space<vmem>>, vector<16xi32>,
        %lt3A_1899 = arith.cmpf olt, %get3A_1894, %scan3A_1735 : vector<16xf32>
        %eq3A_1900 = arith.cmpf oeq, %get3A_1894, %scan3A_1735 : vector<16xf32>
        %gt3A_1901 = arith.cmpi sgt, %get3A_1898, %scan3A_1736 : vector<16xi32>
        %and3A_1902 = arith.andi %eq3A_1900, %gt3A_1901 : vector<16xi1>
        %or3A_1903 = arith.ori %lt3A_1899, %and3A_1902 : vector<16xi1>
        %jit3A_1904 = arith.constant 0xFF800000 : f32
        %broadcast_in_dim3A_1905 = vector.broadcast %jit3A_1904 : f32 to vector<16xf32>
        %select_n3A_1906 = arith.select %or3A_1903, %get3A_1894, %broadcast_in_dim3A_1905 : vector<16xi1>, vector<16xf32>
        %gt3A_1907 = arith.cmpf ogt, %select_n3A_1906, %while3A_1890 : vector<16xf32>
        %eq3A_1908 = arith.cmpf oeq, %select_n3A_1906, %while3A_1890 : vector<16xf32>
        %lt3A_1909 = arith.cmpi slt, %get3A_1898, %while3A_1891 : vector<16xi32>
        %and3A_1910 = arith.andi %eq3A_1908, %lt3A_1909 : vector<16xi1>
        %or3A_1911 = arith.ori %gt3A_1907, %and3A_1910 : vector<16xi1>
        %select_n3A_1912 = arith.select %or3A_1911, %select_n3A_1906, %while3A_1890 : vector<16xi1>, vector<16xf32>
        %select_n3A_1913 = arith.select %or3A_1911, %get3A_1898, %while3A_1891 : vector<16xi1>, vector<16xi32>
        scf.yield %select_n3A_1912, %select_n3A_1913 : vector<16xf32>, vector<16xi32>
      }
      %xor3A_1754 = arith.constant 8 : i32
      %xor3A_1755 = vector.broadcast %xor3A_1754 : i32 to vector<16xi32>
      %xor3A_1756 = arith.xori %iota3A_541, %xor3A_1755 : vector<16xi32>
      %lt3A_1757 = arith.constant 0 : i32
      %lt3A_1758 = vector.broadcast %lt3A_1757 : i32 to vector<16xi32>
      %lt3A_1759 = arith.cmpi slt, %xor3A_1756, %lt3A_1758 : vector<16xi32>
      %add3A_1760 = arith.constant 16 : i32
      %add3A_1761 = vector.broadcast %add3A_1760 : i32 to vector<16xi32>
      %add3A_1762 = arith.addi %xor3A_1756, %add3A_1761 : vector<16xi32>
      %select_n3A_1763 = arith.select %lt3A_1759, %add3A_1762, %xor3A_1756 : vector<16xi1>, vector<16xi32>
      %broadcast_in_dim3A_1764 = vector.shape_cast %select_n3A_1763 : vector<16xi32> to vector<16x1xi32>
      %gather3A_1765 = vector.shape_cast %broadcast_in_dim3A_1764 : vector<16x1xi32> to vector<16xi32>
      %gather3A_1766 = tpu.dynamic_gather %while3A_1753#0[%gather3A_1765] in [0] : vector<16xf32>, vector<16xi32> -> vector<16xf32>
      %lt3A_1767 = arith.constant 0 : i32
      %lt3A_1768 = vector.broadcast %lt3A_1767 : i32 to vector<16xi32>
      %lt3A_1769 = arith.cmpi slt, %xor3A_1756, %lt3A_1768 : vector<16xi32>
      %add3A_1770 = arith.constant 16 : i32
      %add3A_1771 = vector.broadcast %add3A_1770 : i32 to vector<16xi32>
      %add3A_1772 = arith.addi %xor3A_1756, %add3A_1771 : vector<16xi32>
      %select_n3A_1773 = arith.select %lt3A_1769, %add3A_1772, %xor3A_1756 : vector<16xi1>, vector<16xi32>
      %broadcast_in_dim3A_1774 = vector.shape_cast %select_n3A_1773 : vector<16xi32> to vector<16x1xi32>
      %gather3A_1775 = vector.shape_cast %broadcast_in_dim3A_1774 : vector<16x1xi32> to vector<16xi32>
      %gather3A_1776 = tpu.dynamic_gather %while3A_1753#1[%gather3A_1775] in [0] : vector<16xi32>, vector<16xi32> -> vector<16xi32>
      %gt3A = arith.cmpf ogt, %gather3A_1766, %while3A_1753#0 : vector<16xf32>
      %eq3A = arith.cmpf oeq, %gather3A_1766, %while3A_1753#0 : vector<16xf32>
      %lt3A_1777 = arith.cmpi slt, %gather3A_1776, %while3A_1753#1 : vector<16xi32>
      %and3A_1778 = arith.andi %eq3A, %lt3A_1777 : vector<16xi1>
      %or3A = arith.ori %gt3A, %and3A_1778 : vector<16xi1>
      %select_n3A_1779 = arith.select %or3A, %gather3A_1766, %while3A_1753#0 : vector<16xi1>, vector<16xf32>
      %select_n3A_1780 = arith.select %or3A, %gather3A_1776, %while3A_1753#1 : vector<16xi1>, vector<16xi32>
      %xor3A_1781 = arith.constant 4 : i32
      %xor3A_1782 = vector.broadcast %xor3A_1781 : i32 to vector<16xi32>
      %xor3A_1783 = arith.xori %iota3A_541, %xor3A_1782 : vector<16xi32>
      %lt3A_1784 = arith.constant 0 : i32
      %lt3A_1785 = vector.broadcast %lt3A_1784 : i32 to vector<16xi32>
      %lt3A_1786 = arith.cmpi slt, %xor3A_1783, %lt3A_1785 : vector<16xi32>
      %add3A_1787 = arith.constant 16 : i32
      %add3A_1788 = vector.broadcast %add3A_1787 : i32 to vector<16xi32>
      %add3A_1789 = arith.addi %xor3A_1783, %add3A_1788 : vector<16xi32>
      %select_n3A_1790 = arith.select %lt3A_1786, %add3A_1789, %xor3A_1783 : vector<16xi1>, vector<16xi32>
      %broadcast_in_dim3A_1791 = vector.shape_cast %select_n3A_1790 : vector<16xi32> to vector<16x1xi32>
      %gather3A_1792 = vector.shape_cast %broadcast_in_dim3A_1791 : vector<16x1xi32> to vector<16xi32>
      %gather3A_1793 = tpu.dynamic_gather %select_n3A_1779[%gather3A_1792] in [0] : vector<16xf32>, vector<16xi32> -> vector<16xf32>
      %lt3A_1794 = arith.constant 0 : i32
      %lt3A_1795 = vector.broadcast %lt3A_1794 : i32 to vector<16xi32>
      %lt3A_1796 = arith.cmpi slt, %xor3A_1783, %lt3A_1795 : vector<16xi32>
      %add3A_1797 = arith.constant 16 : i32
      %add3A_1798 = vector.broadcast %add3A_1797 : i32 to vector<16xi32>
      %add3A_1799 = arith.addi %xor3A_1783, %add3A_1798 : vector<16xi32>
      %select_n3A_1800 = arith.select %lt3A_1796, %add3A_1799, %xor3A_1783 : vector<16xi1>, vector<16xi32>
      %broadcast_in_dim3A_1801 = vector.shape_cast %select_n3A_1800 : vector<16xi32> to vector<16x1xi32>
      %gather3A_1802 = vector.shape_cast %broadcast_in_dim3A_1801 : vector<16x1xi32> to vector<16xi32>
      %gather3A_1803 = tpu.dynamic_gather %select_n3A_1780[%gather3A_1802] in [0] : vector<16xi32>, vector<16xi32> -> vector<16xi32>
      %gt3A_1804 = arith.cmpf ogt, %gather3A_1793, %select_n3A_1779 : vector<16xf32>
      %eq3A_1805 = arith.cmpf oeq, %gather3A_1793, %select_n3A_1779 : vector<16xf32>
      %lt3A_1806 = arith.cmpi slt, %gather3A_1803, %select_n3A_1780 : vector<16xi32>
      %and3A_1807 = arith.andi %eq3A_1805, %lt3A_1806 : vector<16xi1>
      %or3A_1808 = arith.ori %gt3A_1804, %and3A_1807 : vector<16xi1>
      %select_n3A_1809 = arith.select %or3A_1808, %gather3A_1793, %select_n3A_1779 : vector<16xi1>, vector<16xf32>
      %select_n3A_1810 = arith.select %or3A_1808, %gather3A_1803, %select_n3A_1780 : vector<16xi1>, vector<16xi32>
      %xor3A_1811 = arith.constant 2 : i32
      %xor3A_1812 = vector.broadcast %xor3A_1811 : i32 to vector<16xi32>
      %xor3A_1813 = arith.xori %iota3A_541, %xor3A_1812 : vector<16xi32>
      %lt3A_1814 = arith.constant 0 : i32
      %lt3A_1815 = vector.broadcast %lt3A_1814 : i32 to vector<16xi32>
      %lt3A_1816 = arith.cmpi slt, %xor3A_1813, %lt3A_1815 : vector<16xi32>
      %add3A_1817 = arith.constant 16 : i32
      %add3A_1818 = vector.broadcast %add3A_1817 : i32 to vector<16xi32>
      %add3A_1819 = arith.addi %xor3A_1813, %add3A_1818 : vector<16xi32>
      %select_n3A_1820 = arith.select %lt3A_1816, %add3A_1819, %xor3A_1813 : vector<16xi1>, vector<16xi32>
      %broadcast_in_dim3A_1821 = vector.shape_cast %select_n3A_1820 : vector<16xi32> to vector<16x1xi32>
      %gather3A_1822 = vector.shape_cast %broadcast_in_dim3A_1821 : vector<16x1xi32> to vector<16xi32>
      %gather3A_1823 = tpu.dynamic_gather %select_n3A_1809[%gather3A_1822] in [0] : vector<16xf32>, vector<16xi32> -> vector<16xf32>
      %lt3A_1824 = arith.constant 0 : i32
      %lt3A_1825 = vector.broadcast %lt3A_1824 : i32 to vector<16xi32>
      %lt3A_1826 = arith.cmpi slt, %xor3A_1813, %lt3A_1825 : vector<16xi32>
      %add3A_1827 = arith.constant 16 : i32
      %add3A_1828 = vector.broadcast %add3A_1827 : i32 to vector<16xi32>
      %add3A_1829 = arith.addi %xor3A_1813, %add3A_1828 : vector<16xi32>
      %select_n3A_1830 = arith.select %lt3A_1826, %add3A_1829, %xor3A_1813 : vector<16xi1>, vector<16xi32>
      %broadcast_in_dim3A_1831 = vector.shape_cast %select_n3A_1830 : vector<16xi32> to vector<16x1xi32>
      %gather3A_1832 = vector.shape_cast %broadcast_in_dim3A_1831 : vector<16x1xi32> to vector<16xi32>
      %gather3A_1833 = tpu.dynamic_gather %select_n3A_1810[%gather3A_1832] in [0] : vector<16xi32>, vector<16xi32> -> vector<16xi32>
      %gt3A_1834 = arith.cmpf ogt, %gather3A_1823, %select_n3A_1809 : vector<16xf32>
      %eq3A_1835 = arith.cmpf oeq, %gather3A_1823, %select_n3A_1809 : vector<16xf32>
      %lt3A_1836 = arith.cmpi slt, %gather3A_1833, %select_n3A_1810 : vector<16xi32>
      %and3A_1837 = arith.andi %eq3A_1835, %lt3A_1836 : vector<16xi1>
      %or3A_1838 = arith.ori %gt3A_1834, %and3A_1837 : vector<16xi1>
      %select_n3A_1839 = arith.select %or3A_1838, %gather3A_1823, %select_n3A_1809 : vector<16xi1>, vector<16xf32>
      %select_n3A_1840 = arith.select %or3A_1838, %gather3A_1833, %select_n3A_1810 : vector<16xi1>, vector<16xi32>
      %xor3A_1841 = arith.constant 1 : i32
      %xor3A_1842 = vector.broadcast %xor3A_1841 : i32 to vector<16xi32>
      %xor3A_1843 = arith.xori %iota3A_541, %xor3A_1842 : vector<16xi32>
      %lt3A_1844 = arith.constant 0 : i32
      %lt3A_1845 = vector.broadcast %lt3A_1844 : i32 to vector<16xi32>
      %lt3A_1846 = arith.cmpi slt, %xor3A_1843, %lt3A_1845 : vector<16xi32>
      %add3A_1847 = arith.constant 16 : i32
      %add3A_1848 = vector.broadcast %add3A_1847 : i32 to vector<16xi32>
      %add3A_1849 = arith.addi %xor3A_1843, %add3A_1848 : vector<16xi32>
      %select_n3A_1850 = arith.select %lt3A_1846, %add3A_1849, %xor3A_1843 : vector<16xi1>, vector<16xi32>
      %broadcast_in_dim3A_1851 = vector.shape_cast %select_n3A_1850 : vector<16xi32> to vector<16x1xi32>
      %gather3A_1852 = vector.shape_cast %broadcast_in_dim3A_1851 : vector<16x1xi32> to vector<16xi32>
      %gather3A_1853 = tpu.dynamic_gather %select_n3A_1839[%gather3A_1852] in [0] : vector<16xf32>, vector<16xi32> -> vector<16xf32>
      %lt3A_1854 = arith.constant 0 : i32
      %lt3A_1855 = vector.broadcast %lt3A_1854 : i32 to vector<16xi32>
      %lt3A_1856 = arith.cmpi slt, %xor3A_1843, %lt3A_1855 : vector<16xi32>
      %add3A_1857 = arith.constant 16 : i32
      %add3A_1858 = vector.broadcast %add3A_1857 : i32 to vector<16xi32>
      %add3A_1859 = arith.addi %xor3A_1843, %add3A_1858 : vector<16xi32>
      %select_n3A_1860 = arith.select %lt3A_1856, %add3A_1859, %xor3A_1843 : vector<16xi1>, vector<16xi32>
      %broadcast_in_dim3A_1861 = vector.shape_cast %select_n3A_1860 : vector<16xi32> to vector<16x1xi32>
      %gather3A_1862 = vector.shape_cast %broadcast_in_dim3A_1861 : vector<16x1xi32> to vector<16xi32>
      %gather3A_1863 = tpu.dynamic_gather %select_n3A_1840[%gather3A_1862] in [0] : vector<16xi32>, vector<16xi32> -> vector<16xi32>
      %gt3A_1864 = arith.cmpf ogt, %gather3A_1853, %select_n3A_1839 : vector<16xf32>
      %eq3A_1865 = arith.cmpf oeq, %gather3A_1853, %select_n3A_1839 : vector<16xf32>
      %lt3A_1866 = arith.cmpi slt, %gather3A_1863, %select_n3A_1840 : vector<16xi32>
      %and3A_1867 = arith.andi %eq3A_1865, %lt3A_1866 : vector<16xi1>
      %or3A_1868 = arith.ori %gt3A_1864, %and3A_1867 : vector<16xi1>
      %select_n3A_1869 = arith.select %or3A_1868, %gather3A_1853, %select_n3A_1839 : vector<16xi1>, vector<16xf32>
      %select_n3A_1870 = arith.select %or3A_1868, %gather3A_1863, %select_n3A_1840 : vector<16xi1>, vector<16xi32>
      %lt3A_1871 = arith.constant 16 : i32
      %lt3A_1872 = arith.cmpi slt, %scan3A_1734, %lt3A_1871 : i32
      %eq3A_1873 = vector.broadcast %scan3A_1734 : i32 to vector<16xi32>
      %eq3A_1874 = arith.cmpi eq, %iota3A_541, %eq3A_1873 : vector<16xi32>
      %and3A_1875 = vector.broadcast %lt3A_1872 : i1 to vector<16xi1>
      %and3A_1876 = arith.andi %and3A_1875, %eq3A_1874 : vector<16xi1>
      %ge3A_1877 = arith.constant 16 : i32
      %ge3A_1878 = arith.cmpi sge, %scan3A_1734, %ge3A_1877 : i32
      %sub3A_1879 = arith.constant 16 : i32
      %sub3A_1880 = arith.subi %scan3A_1734, %sub3A_1879 : i32
      %eq3A_1881 = vector.broadcast %sub3A_1880 : i32 to vector<16xi32>
      %eq3A_1882 = arith.cmpi eq, %iota3A_541, %eq3A_1881 : vector<16xi32>
      %and3A_1883 = vector.broadcast %ge3A_1878 : i1 to vector<16xi1>
      %and3A_1884 = arith.andi %and3A_1883, %eq3A_1882 : vector<16xi1>
      %select_n3A_1885 = arith.select %and3A_1876, %select_n3A_1869, %scan3A_1737 : vector<16xi1>, vector<16xf32>
      %select_n3A_1886 = arith.select %and3A_1884, %select_n3A_1869, %scan3A_1738 : vector<16xi1>, vector<16xf32>
      %select_n3A_1887 = arith.select %and3A_1876, %select_n3A_1870, %scan3A_1739 : vector<16xi1>, vector<16xi32>
      %select_n3A_1888 = arith.select %and3A_1884, %select_n3A_1870, %scan3A_1740 : vector<16xi1>, vector<16xi32>
      scf.yield %select_n3A_1869, %select_n3A_1870, %select_n3A_1885, %select_n3A_1886, %select_n3A_1887, %select_n3A_1888 : vector<16xf32>, vector<16xi32>, vector<16xf32>, vector<16xf32>, vector<16xi32>, vector<16xi32>
    }
    %scan3A_839 = arith.constant 32 : i32
    %swap3A_840 = arith.constant 1 : i32
    %swap3A_841 = arith.constant 0 : i32
    %swap3A_842 = tpu.memref_slice %arg13[%swap3A_840, %swap3A_841] : memref<4x32xf32, #tpu.memory_space<vmem>> -> memref<1x32xf32, #tpu.memory_space<vmem>>
    %swap3A_843 = tpu.memref_squeeze %swap3A_842 : memref<1x32xf32, #tpu.memory_space<vmem>> -> memref<32xf32, #tpu.memory_space<vmem>>
    %swap3A_844 = arith.constant 0 : index
    %swap3A_845 = tpu.vector_load %swap3A_843[%swap3A_844] {strides = array<i32>} : memref<32xf32, #tpu.memory_space<vmem>>, vector<16xf32>,
    tpu.vector_store %swap3A_843[%swap3A_844], %scan3A_838#2 {strides = array<i32>} : memref<32xf32, #tpu.memory_space<vmem>>, vector<16xf32>,
    %swap3A_846 = arith.constant 1 : i32
    %swap3A_847 = arith.constant 0 : i32
    %swap3A_848 = tpu.memref_slice %arg13[%swap3A_846, %swap3A_847] : memref<4x32xf32, #tpu.memory_space<vmem>> -> memref<1x32xf32, #tpu.memory_space<vmem>>
    %swap3A_849 = tpu.memref_squeeze %swap3A_848 : memref<1x32xf32, #tpu.memory_space<vmem>> -> memref<32xf32, #tpu.memory_space<vmem>>
    %swap3A_850 = arith.constant 16 : index
    %swap3A_851 = tpu.vector_load %swap3A_849[%swap3A_850] {strides = array<i32>} : memref<32xf32, #tpu.memory_space<vmem>>, vector<16xf32>,
    tpu.vector_store %swap3A_849[%swap3A_850], %scan3A_838#3 {strides = array<i32>} : memref<32xf32, #tpu.memory_space<vmem>>, vector<16xf32>,
    %swap3A_852 = arith.constant 1 : i32
    %swap3A_853 = arith.constant 0 : i32
    %swap3A_854 = tpu.memref_slice %arg14[%swap3A_852, %swap3A_853] : memref<4x32xi32, #tpu.memory_space<vmem>> -> memref<1x32xi32, #tpu.memory_space<vmem>>
    %swap3A_855 = tpu.memref_squeeze %swap3A_854 : memref<1x32xi32, #tpu.memory_space<vmem>> -> memref<32xi32, #tpu.memory_space<vmem>>
    %swap3A_856 = arith.constant 0 : index
    %swap3A_857 = tpu.vector_load %swap3A_855[%swap3A_856] {strides = array<i32>} : memref<32xi32, #tpu.memory_space<vmem>>, vector<16xi32>,
    tpu.vector_store %swap3A_855[%swap3A_856], %scan3A_838#4 {strides = array<i32>} : memref<32xi32, #tpu.memory_space<vmem>>, vector<16xi32>,
    %swap3A_858 = arith.constant 1 : i32
    %swap3A_859 = arith.constant 0 : i32
    %swap3A_860 = tpu.memref_slice %arg14[%swap3A_858, %swap3A_859] : memref<4x32xi32, #tpu.memory_space<vmem>> -> memref<1x32xi32, #tpu.memory_space<vmem>>
    %swap3A_861 = tpu.memref_squeeze %swap3A_860 : memref<1x32xi32, #tpu.memory_space<vmem>> -> memref<32xi32, #tpu.memory_space<vmem>>
    %swap3A_862 = arith.constant 16 : index
    %swap3A_863 = tpu.vector_load %swap3A_861[%swap3A_862] {strides = array<i32>} : memref<32xi32, #tpu.memory_space<vmem>>, vector<16xi32>,
    tpu.vector_store %swap3A_861[%swap3A_862], %scan3A_838#5 {strides = array<i32>} : memref<32xi32, #tpu.memory_space<vmem>>, vector<16xi32>,
    %add3A_864 = arith.constant 2 : i32
    %add3A_865 = arith.addi %mul3A_2, %add3A_864 : i32
    %add3A_866 = arith.constant 1 : i32
    %add3A_867 = arith.addi %add3A_865, %add3A_866 : i32
    %dma_start3A_868 = arith.constant 0 : i32
    %dma_start3A_869 = tpu.memref_slice %arg2[%add3A_867, %dma_start3A_868] : memref<128x32768xf32, #tpu.memory_space<hbm>> -> memref<1x32768xf32, #tpu.memory_space<hbm>>
    %dma_start3A_870 = tpu.memref_squeeze %dma_start3A_869 : memref<1x32768xf32, #tpu.memory_space<hbm>> -> memref<32768xf32, #tpu.memory_space<hbm>>
    %dma_start3A_871 = arith.constant 0 : i32
    %dma_start3A_872 = tpu.memref_slice %arg2[%add3A_867, %dma_start3A_871] : memref<128x32768xf32, #tpu.memory_space<hbm>> -> memref<1x32768xf32, #tpu.memory_space<hbm>>
    %dma_start3A_873 = tpu.memref_squeeze %dma_start3A_872 : memref<1x32768xf32, #tpu.memory_space<hbm>> -> memref<32768xf32, #tpu.memory_space<hbm>>
    tpu.enqueue_dma source(%dma_start3A_873 : memref<32768xf32, #tpu.memory_space<hbm>>) target(%arg6 : memref<32768xf32, #tpu.memory_space<vmem>>) target_semaphore(%arg16 : memref<!tpu.dma_semaphore, #tpu.memory_space<semaphore_mem>>)
    %dma_wait3A_874 = arith.constant 0 : i32
    %dma_wait3A_875 = tpu.memref_slice %arg2[%add3A_427, %dma_wait3A_874] : memref<128x32768xf32, #tpu.memory_space<hbm>> -> memref<1x32768xf32, #tpu.memory_space<hbm>>
    %dma_wait3A_876 = tpu.memref_squeeze %dma_wait3A_875 : memref<1x32768xf32, #tpu.memory_space<hbm>> -> memref<32768xf32, #tpu.memory_space<hbm>>
    %dma_wait3A_877 = arith.constant 0 : i32
    %dma_wait3A_878 = tpu.memref_slice %arg2[%add3A_427, %dma_wait3A_877] : memref<128x32768xf32, #tpu.memory_space<hbm>> -> memref<1x32768xf32, #tpu.memory_space<hbm>>
    %dma_wait3A_879 = tpu.memref_squeeze %dma_wait3A_878 : memref<1x32768xf32, #tpu.memory_space<hbm>> -> memref<32768xf32, #tpu.memory_space<hbm>>
    tpu.wait_dma2 semaphore(%arg15 : memref<!tpu.dma_semaphore, #tpu.memory_space<semaphore_mem>>) src(%dma_wait3A_879 : memref<32768xf32, #tpu.memory_space<hbm>>) dst(%arg5 : memref<32768xf32, #tpu.memory_space<vmem>>)
    %broadcast_in_dim3A_880 = arith.constant 0xFF800000 : f32
    %broadcast_in_dim3A_881 = vector.broadcast %broadcast_in_dim3A_880 : f32 to vector<16xf32>
    %scan3A_882 = arith.constant 0 : i32
    %scan3A_883 = arith.constant 256 : i32
    %scan3A_884 = arith.addi %scan3A_882, %scan3A_883 : i32
    %scan3A_885 = arith.constant 2 : i32
    %scan3A_886:4 = scf.for %scan3A_1734 = %scan3A_882 to %scan3A_884 step %scan3A_885 iter_args(%scan3A_1735 = %broadcast_in_dim3A_881, %scan3A_1736 = %broadcast_in_dim3A_881, %scan3A_1737 = %broadcast_in_dim3A_881, %scan3A_1738 = %broadcast_in_dim3A_881) -> (vector<16xf32>, vector<16xf32>, vector<16xf32>, vector<16xf32>)  : i32 {
      %mul3A_1739 = arith.constant 128 : i32
      %mul3A_1740 = arith.muli %scan3A_1734, %mul3A_1739 : i32
      %add3A_1741 = arith.constant 0 : i32
      %add3A_1742 = arith.addi %mul3A_1740, %add3A_1741 : i32
      %get3A = arith.index_cast %add3A_1742 : i32 to index
      %get3A_1743 = tpu.vector_load %arg5[%get3A] {strides = array<i32>} : memref<32768xf32, #tpu.memory_space<vmem>>, vector<16xf32>,
      %add3A_1744 = arith.constant 16 : i32
      %add3A_1745 = arith.addi %mul3A_1740, %add3A_1744 : i32
      %get3A_1746 = arith.index_cast %add3A_1745 : i32 to index
      %get3A_1747 = tpu.vector_load %arg5[%get3A_1746] {strides = array<i32>} : memref<32768xf32, #tpu.memory_space<vmem>>, vector<16xf32>,
      %add3A_1748 = arith.constant 32 : i32
      %add3A_1749 = arith.addi %mul3A_1740, %add3A_1748 : i32
      %get3A_1750 = arith.index_cast %add3A_1749 : i32 to index
      %get3A_1751 = tpu.vector_load %arg5[%get3A_1750] {strides = array<i32>} : memref<32768xf32, #tpu.memory_space<vmem>>, vector<16xf32>,
      %add3A_1752 = arith.constant 48 : i32
      %add3A_1753 = arith.addi %mul3A_1740, %add3A_1752 : i32
      %get3A_1754 = arith.index_cast %add3A_1753 : i32 to index
      %get3A_1755 = tpu.vector_load %arg5[%get3A_1754] {strides = array<i32>} : memref<32768xf32, #tpu.memory_space<vmem>>, vector<16xf32>,
      %add3A_1756 = arith.constant 64 : i32
      %add3A_1757 = arith.addi %mul3A_1740, %add3A_1756 : i32
      %get3A_1758 = arith.index_cast %add3A_1757 : i32 to index
      %get3A_1759 = tpu.vector_load %arg5[%get3A_1758] {strides = array<i32>} : memref<32768xf32, #tpu.memory_space<vmem>>, vector<16xf32>,
      %add3A_1760 = arith.constant 80 : i32
      %add3A_1761 = arith.addi %mul3A_1740, %add3A_1760 : i32
      %get3A_1762 = arith.index_cast %add3A_1761 : i32 to index
      %get3A_1763 = tpu.vector_load %arg5[%get3A_1762] {strides = array<i32>} : memref<32768xf32, #tpu.memory_space<vmem>>, vector<16xf32>,
      %add3A_1764 = arith.constant 96 : i32
      %add3A_1765 = arith.addi %mul3A_1740, %add3A_1764 : i32
      %get3A_1766 = arith.index_cast %add3A_1765 : i32 to index
      %get3A_1767 = tpu.vector_load %arg5[%get3A_1766] {strides = array<i32>} : memref<32768xf32, #tpu.memory_space<vmem>>, vector<16xf32>,
      %add3A_1768 = arith.constant 112 : i32
      %add3A_1769 = arith.addi %mul3A_1740, %add3A_1768 : i32
      %get3A_1770 = arith.index_cast %add3A_1769 : i32 to index
      %get3A_1771 = tpu.vector_load %arg5[%get3A_1770] {strides = array<i32>} : memref<32768xf32, #tpu.memory_space<vmem>>, vector<16xf32>,
      %max3A_1772 = arith.maximumf %get3A_1743, %get3A_1747 : vector<16xf32>
      %max3A_1773 = arith.maximumf %get3A_1751, %get3A_1755 : vector<16xf32>
      %max3A_1774 = arith.maximumf %get3A_1759, %get3A_1763 : vector<16xf32>
      %max3A_1775 = arith.maximumf %get3A_1767, %get3A_1771 : vector<16xf32>
      %max3A_1776 = arith.maximumf %max3A_1772, %max3A_1773 : vector<16xf32>
      %max3A_1777 = arith.maximumf %max3A_1774, %max3A_1775 : vector<16xf32>
      %max3A_1778 = arith.maximumf %max3A_1776, %max3A_1777 : vector<16xf32>
      %mul3A_1779 = arith.constant 16 : i32
      %mul3A_1780 = arith.muli %scan3A_1734, %mul3A_1779 : i32
      %swap3A_1781 = arith.index_cast %mul3A_1780 : i32 to index
      %swap3A_1782 = tpu.vector_load %arg7[%swap3A_1781] {strides = array<i32>} : memref<4096xf32, #tpu.memory_space<vmem>>, vector<16xf32>,
      tpu.vector_store %arg7[%swap3A_1781], %max3A_1778 {strides = array<i32>} : memref<4096xf32, #tpu.memory_space<vmem>>, vector<16xf32>,
      %max3A_1783 = arith.maximumf %scan3A_1735, %max3A_1772 : vector<16xf32>
      %max3A_1784 = arith.maximumf %scan3A_1736, %max3A_1773 : vector<16xf32>
      %max3A_1785 = arith.maximumf %scan3A_1737, %max3A_1774 : vector<16xf32>
      %max3A_1786 = arith.maximumf %scan3A_1738, %max3A_1775 : vector<16xf32>
      %scan3A_1787 = arith.constant 1 : i32
      %scan3A_1788 = arith.addi %scan3A_1734, %scan3A_1787 : i32
      %mul3A_1789 = arith.constant 128 : i32
      %mul3A_1790 = arith.muli %scan3A_1788, %mul3A_1789 : i32
      %add3A_1791 = arith.constant 0 : i32
      %add3A_1792 = arith.addi %mul3A_1790, %add3A_1791 : i32
      %get3A_1793 = arith.index_cast %add3A_1792 : i32 to index
      %get3A_1794 = tpu.vector_load %arg5[%get3A_1793] {strides = array<i32>} : memref<32768xf32, #tpu.memory_space<vmem>>, vector<16xf32>,
      %add3A_1795 = arith.constant 16 : i32
      %add3A_1796 = arith.addi %mul3A_1790, %add3A_1795 : i32
      %get3A_1797 = arith.index_cast %add3A_1796 : i32 to index
      %get3A_1798 = tpu.vector_load %arg5[%get3A_1797] {strides = array<i32>} : memref<32768xf32, #tpu.memory_space<vmem>>, vector<16xf32>,
      %add3A_1799 = arith.constant 32 : i32
      %add3A_1800 = arith.addi %mul3A_1790, %add3A_1799 : i32
      %get3A_1801 = arith.index_cast %add3A_1800 : i32 to index
      %get3A_1802 = tpu.vector_load %arg5[%get3A_1801] {strides = array<i32>} : memref<32768xf32, #tpu.memory_space<vmem>>, vector<16xf32>,
      %add3A_1803 = arith.constant 48 : i32
      %add3A_1804 = arith.addi %mul3A_1790, %add3A_1803 : i32
      %get3A_1805 = arith.index_cast %add3A_1804 : i32 to index
      %get3A_1806 = tpu.vector_load %arg5[%get3A_1805] {strides = array<i32>} : memref<32768xf32, #tpu.memory_space<vmem>>, vector<16xf32>,
      %add3A_1807 = arith.constant 64 : i32
      %add3A_1808 = arith.addi %mul3A_1790, %add3A_1807 : i32
      %get3A_1809 = arith.index_cast %add3A_1808 : i32 to index
      %get3A_1810 = tpu.vector_load %arg5[%get3A_1809] {strides = array<i32>} : memref<32768xf32, #tpu.memory_space<vmem>>, vector<16xf32>,
      %add3A_1811 = arith.constant 80 : i32
      %add3A_1812 = arith.addi %mul3A_1790, %add3A_1811 : i32
      %get3A_1813 = arith.index_cast %add3A_1812 : i32 to index
      %get3A_1814 = tpu.vector_load %arg5[%get3A_1813] {strides = array<i32>} : memref<32768xf32, #tpu.memory_space<vmem>>, vector<16xf32>,
      %add3A_1815 = arith.constant 96 : i32
      %add3A_1816 = arith.addi %mul3A_1790, %add3A_1815 : i32
      %get3A_1817 = arith.index_cast %add3A_1816 : i32 to index
      %get3A_1818 = tpu.vector_load %arg5[%get3A_1817] {strides = array<i32>} : memref<32768xf32, #tpu.memory_space<vmem>>, vector<16xf32>,
      %add3A_1819 = arith.constant 112 : i32
      %add3A_1820 = arith.addi %mul3A_1790, %add3A_1819 : i32
      %get3A_1821 = arith.index_cast %add3A_1820 : i32 to index
      %get3A_1822 = tpu.vector_load %arg5[%get3A_1821] {strides = array<i32>} : memref<32768xf32, #tpu.memory_space<vmem>>, vector<16xf32>,
      %max3A_1823 = arith.maximumf %get3A_1794, %get3A_1798 : vector<16xf32>
      %max3A_1824 = arith.maximumf %get3A_1802, %get3A_1806 : vector<16xf32>
      %max3A_1825 = arith.maximumf %get3A_1810, %get3A_1814 : vector<16xf32>
      %max3A_1826 = arith.maximumf %get3A_1818, %get3A_1822 : vector<16xf32>
      %max3A_1827 = arith.maximumf %max3A_1823, %max3A_1824 : vector<16xf32>
      %max3A_1828 = arith.maximumf %max3A_1825, %max3A_1826 : vector<16xf32>
      %max3A_1829 = arith.maximumf %max3A_1827, %max3A_1828 : vector<16xf32>
      %mul3A_1830 = arith.constant 16 : i32
      %mul3A_1831 = arith.muli %scan3A_1788, %mul3A_1830 : i32
      %swap3A_1832 = arith.index_cast %mul3A_1831 : i32 to index
      %swap3A_1833 = tpu.vector_load %arg7[%swap3A_1832] {strides = array<i32>} : memref<4096xf32, #tpu.memory_space<vmem>>, vector<16xf32>,
      tpu.vector_store %arg7[%swap3A_1832], %max3A_1829 {strides = array<i32>} : memref<4096xf32, #tpu.memory_space<vmem>>, vector<16xf32>,
      %max3A_1834 = arith.maximumf %max3A_1783, %max3A_1823 : vector<16xf32>
      %max3A_1835 = arith.maximumf %max3A_1784, %max3A_1824 : vector<16xf32>
      %max3A_1836 = arith.maximumf %max3A_1785, %max3A_1825 : vector<16xf32>
      %max3A_1837 = arith.maximumf %max3A_1786, %max3A_1826 : vector<16xf32>
      scf.yield %max3A_1834, %max3A_1835, %max3A_1836, %max3A_1837 : vector<16xf32>, vector<16xf32>, vector<16xf32>, vector<16xf32>
    }
    %scan3A_887 = arith.constant 256 : i32
    %masked_sort3A_888 = arith.constant dense<true> : vector<16xi1>
    %masked_sort3A_889, %masked_sort3A_890, %masked_sort3A_891 = tpu.sort %scan3A_886#0, %scan3A_886#0 masked %masked_sort3A_888 {descending = true} : (vector<16xf32>, vector<16xf32>, vector<16xi1>) -> (vector<16xi1>, vector<16xf32>, vector<16xf32>)
    %masked_sort3A_892 = arith.constant dense<true> : vector<16xi1>
    %masked_sort3A_893, %masked_sort3A_894, %masked_sort3A_895 = tpu.sort %scan3A_886#1, %scan3A_886#1 masked %masked_sort3A_892 {descending = true} : (vector<16xf32>, vector<16xf32>, vector<16xi1>) -> (vector<16xi1>, vector<16xf32>, vector<16xf32>)
    %rev3A_896 = arith.constant 15 : i32
    %rev3A_897 = vector.broadcast %rev3A_896 : i32 to vector<16xi32>
    %rev3A_898 = tpu.iota {dimensions = array<i32: 0>} : vector<16xi32>
    %rev3A_899 = arith.subi %rev3A_897, %rev3A_898 : vector<16xi32>
    %rev3A_900 = tpu.dynamic_gather %masked_sort3A_894[%rev3A_899] in [0] : vector<16xf32>, vector<16xi32> -> vector<16xf32>
    %max3A_901 = arith.maximumf %masked_sort3A_890, %rev3A_900 : vector<16xf32>
    %masked_sort3A_902 = arith.constant dense<true> : vector<16xi1>
    %masked_sort3A_903, %masked_sort3A_904, %masked_sort3A_905 = tpu.sort %max3A_901, %max3A_901 masked %masked_sort3A_902 {descending = true} : (vector<16xf32>, vector<16xf32>, vector<16xi1>) -> (vector<16xi1>, vector<16xf32>, vector<16xf32>)
    %min3A_906 = arith.minimumf %masked_sort3A_890, %rev3A_900 : vector<16xf32>
    %masked_sort3A_907 = arith.constant dense<true> : vector<16xi1>
    %masked_sort3A_908, %masked_sort3A_909, %masked_sort3A_910 = tpu.sort %min3A_906, %min3A_906 masked %masked_sort3A_907 {descending = true} : (vector<16xf32>, vector<16xf32>, vector<16xi1>) -> (vector<16xi1>, vector<16xf32>, vector<16xf32>)
    %masked_sort3A_911 = arith.constant dense<true> : vector<16xi1>
    %masked_sort3A_912, %masked_sort3A_913, %masked_sort3A_914 = tpu.sort %scan3A_886#2, %scan3A_886#2 masked %masked_sort3A_911 {descending = true} : (vector<16xf32>, vector<16xf32>, vector<16xi1>) -> (vector<16xi1>, vector<16xf32>, vector<16xf32>)
    %rev3A_915 = arith.constant 15 : i32
    %rev3A_916 = vector.broadcast %rev3A_915 : i32 to vector<16xi32>
    %rev3A_917 = tpu.iota {dimensions = array<i32: 0>} : vector<16xi32>
    %rev3A_918 = arith.subi %rev3A_916, %rev3A_917 : vector<16xi32>
    %rev3A_919 = tpu.dynamic_gather %masked_sort3A_913[%rev3A_918] in [0] : vector<16xf32>, vector<16xi32> -> vector<16xf32>
    %max3A_920 = arith.maximumf %masked_sort3A_904, %rev3A_919 : vector<16xf32>
    %masked_sort3A_921 = arith.constant dense<true> : vector<16xi1>
    %masked_sort3A_922, %masked_sort3A_923, %masked_sort3A_924 = tpu.sort %max3A_920, %max3A_920 masked %masked_sort3A_921 {descending = true} : (vector<16xf32>, vector<16xf32>, vector<16xi1>) -> (vector<16xi1>, vector<16xf32>, vector<16xf32>)
    %min3A_925 = arith.minimumf %masked_sort3A_904, %rev3A_919 : vector<16xf32>
    %masked_sort3A_926 = arith.constant dense<true> : vector<16xi1>
    %masked_sort3A_927, %masked_sort3A_928, %masked_sort3A_929 = tpu.sort %min3A_925, %min3A_925 masked %masked_sort3A_926 {descending = true} : (vector<16xf32>, vector<16xf32>, vector<16xi1>) -> (vector<16xi1>, vector<16xf32>, vector<16xf32>)
    %rev3A_930 = arith.constant 15 : i32
    %rev3A_931 = vector.broadcast %rev3A_930 : i32 to vector<16xi32>
    %rev3A_932 = tpu.iota {dimensions = array<i32: 0>} : vector<16xi32>
    %rev3A_933 = arith.subi %rev3A_931, %rev3A_932 : vector<16xi32>
    %rev3A_934 = tpu.dynamic_gather %masked_sort3A_928[%rev3A_933] in [0] : vector<16xf32>, vector<16xi32> -> vector<16xf32>
    %max3A_935 = arith.maximumf %masked_sort3A_909, %rev3A_934 : vector<16xf32>
    %masked_sort3A_936 = arith.constant dense<true> : vector<16xi1>
    %masked_sort3A_937, %masked_sort3A_938, %masked_sort3A_939 = tpu.sort %max3A_935, %max3A_935 masked %masked_sort3A_936 {descending = true} : (vector<16xf32>, vector<16xf32>, vector<16xi1>) -> (vector<16xi1>, vector<16xf32>, vector<16xf32>)
    %masked_sort3A_940 = arith.constant dense<true> : vector<16xi1>
    %masked_sort3A_941, %masked_sort3A_942, %masked_sort3A_943 = tpu.sort %scan3A_886#3, %scan3A_886#3 masked %masked_sort3A_940 {descending = true} : (vector<16xf32>, vector<16xf32>, vector<16xi1>) -> (vector<16xi1>, vector<16xf32>, vector<16xf32>)
    %rev3A_944 = arith.constant 15 : i32
    %rev3A_945 = vector.broadcast %rev3A_944 : i32 to vector<16xi32>
    %rev3A_946 = tpu.iota {dimensions = array<i32: 0>} : vector<16xi32>
    %rev3A_947 = arith.subi %rev3A_945, %rev3A_946 : vector<16xi32>
    %rev3A_948 = tpu.dynamic_gather %masked_sort3A_942[%rev3A_947] in [0] : vector<16xf32>, vector<16xi32> -> vector<16xf32>
    %max3A_949 = arith.maximumf %masked_sort3A_923, %rev3A_948 : vector<16xf32>
    %masked_sort3A_950 = arith.constant dense<true> : vector<16xi1>
    %masked_sort3A_951, %masked_sort3A_952, %masked_sort3A_953 = tpu.sort %max3A_949, %max3A_949 masked %masked_sort3A_950 {descending = true} : (vector<16xf32>, vector<16xf32>, vector<16xi1>) -> (vector<16xi1>, vector<16xf32>, vector<16xf32>)
    %min3A_954 = arith.minimumf %masked_sort3A_923, %rev3A_948 : vector<16xf32>
    %masked_sort3A_955 = arith.constant dense<true> : vector<16xi1>
    %masked_sort3A_956, %masked_sort3A_957, %masked_sort3A_958 = tpu.sort %min3A_954, %min3A_954 masked %masked_sort3A_955 {descending = true} : (vector<16xf32>, vector<16xf32>, vector<16xi1>) -> (vector<16xi1>, vector<16xf32>, vector<16xf32>)
    %rev3A_959 = arith.constant 15 : i32
    %rev3A_960 = vector.broadcast %rev3A_959 : i32 to vector<16xi32>
    %rev3A_961 = tpu.iota {dimensions = array<i32: 0>} : vector<16xi32>
    %rev3A_962 = arith.subi %rev3A_960, %rev3A_961 : vector<16xi32>
    %rev3A_963 = tpu.dynamic_gather %masked_sort3A_957[%rev3A_962] in [0] : vector<16xf32>, vector<16xi32> -> vector<16xf32>
    %max3A_964 = arith.maximumf %masked_sort3A_938, %rev3A_963 : vector<16xf32>
    %masked_sort3A_965 = arith.constant dense<true> : vector<16xi1>
    %masked_sort3A_966, %masked_sort3A_967, %masked_sort3A_968 = tpu.sort %max3A_964, %max3A_964 masked %masked_sort3A_965 {descending = true} : (vector<16xf32>, vector<16xf32>, vector<16xi1>) -> (vector<16xi1>, vector<16xf32>, vector<16xf32>)
    %broadcast_in_dim3A_969 = arith.constant 15 : i32
    %broadcast_in_dim3A_970 = vector.broadcast %broadcast_in_dim3A_969 : i32 to vector<16xi32>
    %lt3A_971 = arith.constant 0 : i32
    %lt3A_972 = vector.broadcast %lt3A_971 : i32 to vector<16xi32>
    %lt3A_973 = arith.cmpi slt, %broadcast_in_dim3A_970, %lt3A_972 : vector<16xi32>
    %add3A_974 = arith.constant 16 : i32
    %add3A_975 = vector.broadcast %add3A_974 : i32 to vector<16xi32>
    %add3A_976 = arith.addi %broadcast_in_dim3A_970, %add3A_975 : vector<16xi32>
    %select_n3A_977 = arith.select %lt3A_973, %add3A_976, %broadcast_in_dim3A_970 : vector<16xi1>, vector<16xi32>
    %broadcast_in_dim3A_978 = vector.shape_cast %select_n3A_977 : vector<16xi32> to vector<16x1xi32>
    %gather3A_979 = vector.shape_cast %broadcast_in_dim3A_978 : vector<16x1xi32> to vector<16xi32>
    %gather3A_980 = tpu.dynamic_gather %masked_sort3A_967[%gather3A_979] in [0] : vector<16xf32>, vector<16xi32> -> vector<16xf32>
    %iota3A_981 = tpu.iota {dimensions = array<i32: 0>} : vector<16xi32>
    %broadcast_in_dim3A_982 = arith.constant 0 : i32
    %broadcast_in_dim3A_983 = vector.broadcast %broadcast_in_dim3A_982 : i32 to vector<16xi32>
    %scan3A_984 = arith.constant 0 : i32
    %scan3A_985 = arith.constant 256 : i32
    %scan3A_986 = arith.addi %scan3A_984, %scan3A_985 : i32
    %scan3A_987 = arith.constant 2 : i32
    %scan3A_988 = scf.for %scan3A_1734 = %scan3A_984 to %scan3A_986 step %scan3A_987 iter_args(%scan3A_1735 = %broadcast_in_dim3A_983) -> (vector<16xi32>)  : i32 {
      %mul3A_1736 = arith.constant 16 : i32
      %mul3A_1737 = arith.muli %scan3A_1734, %mul3A_1736 : i32
      %get3A = arith.index_cast %mul3A_1737 : i32 to index
      %get3A_1738 = tpu.vector_load %arg7[%get3A] {strides = array<i32>} : memref<4096xf32, #tpu.memory_space<vmem>>, vector<16xf32>,
      %ge3A_1739 = arith.cmpf oge, %get3A_1738, %gather3A_980 : vector<16xf32>
      %mul3A_1740 = arith.constant 32 : i32
      %mul3A_1741 = vector.broadcast %mul3A_1740 : i32 to vector<16xi32>
      %mul3A_1742 = arith.muli %iota3A_981, %mul3A_1741 : vector<16xi32>
      %add3A_1743 = arith.addi %mul3A_1742, %scan3A_1735 : vector<16xi32>
      %add3A_1744 = arith.constant 512 : i32
      %add3A_1745 = vector.broadcast %add3A_1744 : i32 to vector<16xi32>
      %add3A_1746 = arith.addi %add3A_1745, %iota3A_981 : vector<16xi32>
      %select_n3A_1747 = arith.select %ge3A_1739, %add3A_1743, %add3A_1746 : vector<16xi1>, vector<16xi32>
      %add3A_1748 = vector.broadcast %scan3A_1734 : i32 to vector<16xi32>
      %add3A_1749 = arith.addi %broadcast_in_dim3A_983, %add3A_1748 : vector<16xi32>
      tpu.vector_store_idx %arg8[%select_n3A_1747], %add3A_1749 : memref<528xi32, #tpu.memory_space<vmem>>[vector<16xi32>], vector<16xi32>,
      %convert_element_type3A = arith.extui %ge3A_1739 : vector<16xi1> to vector<16xi32>
      %add3A_1750 = arith.addi %scan3A_1735, %convert_element_type3A : vector<16xi32>
      %min3A_1751 = arith.constant 32 : i32
      %min3A_1752 = vector.broadcast %min3A_1751 : i32 to vector<16xi32>
      %min3A_1753 = arith.minsi %add3A_1750, %min3A_1752 : vector<16xi32>
      %scan3A_1754 = arith.constant 1 : i32
      %scan3A_1755 = arith.addi %scan3A_1734, %scan3A_1754 : i32
      %mul3A_1756 = arith.constant 16 : i32
      %mul3A_1757 = arith.muli %scan3A_1755, %mul3A_1756 : i32
      %get3A_1758 = arith.index_cast %mul3A_1757 : i32 to index
      %get3A_1759 = tpu.vector_load %arg7[%get3A_1758] {strides = array<i32>} : memref<4096xf32, #tpu.memory_space<vmem>>, vector<16xf32>,
      %ge3A_1760 = arith.cmpf oge, %get3A_1759, %gather3A_980 : vector<16xf32>
      %mul3A_1761 = arith.constant 32 : i32
      %mul3A_1762 = vector.broadcast %mul3A_1761 : i32 to vector<16xi32>
      %mul3A_1763 = arith.muli %iota3A_981, %mul3A_1762 : vector<16xi32>
      %add3A_1764 = arith.addi %mul3A_1763, %min3A_1753 : vector<16xi32>
      %add3A_1765 = arith.constant 512 : i32
      %add3A_1766 = vector.broadcast %add3A_1765 : i32 to vector<16xi32>
      %add3A_1767 = arith.addi %add3A_1766, %iota3A_981 : vector<16xi32>
      %select_n3A_1768 = arith.select %ge3A_1760, %add3A_1764, %add3A_1767 : vector<16xi1>, vector<16xi32>
      %add3A_1769 = vector.broadcast %scan3A_1755 : i32 to vector<16xi32>
      %add3A_1770 = arith.addi %broadcast_in_dim3A_983, %add3A_1769 : vector<16xi32>
      tpu.vector_store_idx %arg8[%select_n3A_1768], %add3A_1770 : memref<528xi32, #tpu.memory_space<vmem>>[vector<16xi32>], vector<16xi32>,
      %convert_element_type3A_1771 = arith.extui %ge3A_1760 : vector<16xi1> to vector<16xi32>
      %add3A_1772 = arith.addi %min3A_1753, %convert_element_type3A_1771 : vector<16xi32>
      %min3A_1773 = arith.constant 32 : i32
      %min3A_1774 = vector.broadcast %min3A_1773 : i32 to vector<16xi32>
      %min3A_1775 = arith.minsi %add3A_1772, %min3A_1774 : vector<16xi32>
      scf.yield %min3A_1775 : vector<16xi32>
    }
    %scan3A_989 = arith.constant 256 : i32
    %xor3A_990 = arith.constant 8 : i32
    %xor3A_991 = vector.broadcast %xor3A_990 : i32 to vector<16xi32>
    %xor3A_992 = arith.xori %iota3A_981, %xor3A_991 : vector<16xi32>
    %lt3A_993 = arith.constant 0 : i32
    %lt3A_994 = vector.broadcast %lt3A_993 : i32 to vector<16xi32>
    %lt3A_995 = arith.cmpi slt, %xor3A_992, %lt3A_994 : vector<16xi32>
    %add3A_996 = arith.constant 16 : i32
    %add3A_997 = vector.broadcast %add3A_996 : i32 to vector<16xi32>
    %add3A_998 = arith.addi %xor3A_992, %add3A_997 : vector<16xi32>
    %select_n3A_999 = arith.select %lt3A_995, %add3A_998, %xor3A_992 : vector<16xi1>, vector<16xi32>
    %broadcast_in_dim3A_1000 = vector.shape_cast %select_n3A_999 : vector<16xi32> to vector<16x1xi32>
    %gather3A_1001 = vector.shape_cast %broadcast_in_dim3A_1000 : vector<16x1xi32> to vector<16xi32>
    %gather3A_1002 = tpu.dynamic_gather %scan3A_988[%gather3A_1001] in [0] : vector<16xi32>, vector<16xi32> -> vector<16xi32>
    %max3A_1003 = arith.maxsi %scan3A_988, %gather3A_1002 : vector<16xi32>
    %xor3A_1004 = arith.constant 4 : i32
    %xor3A_1005 = vector.broadcast %xor3A_1004 : i32 to vector<16xi32>
    %xor3A_1006 = arith.xori %iota3A_981, %xor3A_1005 : vector<16xi32>
    %lt3A_1007 = arith.constant 0 : i32
    %lt3A_1008 = vector.broadcast %lt3A_1007 : i32 to vector<16xi32>
    %lt3A_1009 = arith.cmpi slt, %xor3A_1006, %lt3A_1008 : vector<16xi32>
    %add3A_1010 = arith.constant 16 : i32
    %add3A_1011 = vector.broadcast %add3A_1010 : i32 to vector<16xi32>
    %add3A_1012 = arith.addi %xor3A_1006, %add3A_1011 : vector<16xi32>
    %select_n3A_1013 = arith.select %lt3A_1009, %add3A_1012, %xor3A_1006 : vector<16xi1>, vector<16xi32>
    %broadcast_in_dim3A_1014 = vector.shape_cast %select_n3A_1013 : vector<16xi32> to vector<16x1xi32>
    %gather3A_1015 = vector.shape_cast %broadcast_in_dim3A_1014 : vector<16x1xi32> to vector<16xi32>
    %gather3A_1016 = tpu.dynamic_gather %max3A_1003[%gather3A_1015] in [0] : vector<16xi32>, vector<16xi32> -> vector<16xi32>
    %max3A_1017 = arith.maxsi %max3A_1003, %gather3A_1016 : vector<16xi32>
    %xor3A_1018 = arith.constant 2 : i32
    %xor3A_1019 = vector.broadcast %xor3A_1018 : i32 to vector<16xi32>
    %xor3A_1020 = arith.xori %iota3A_981, %xor3A_1019 : vector<16xi32>
    %lt3A_1021 = arith.constant 0 : i32
    %lt3A_1022 = vector.broadcast %lt3A_1021 : i32 to vector<16xi32>
    %lt3A_1023 = arith.cmpi slt, %xor3A_1020, %lt3A_1022 : vector<16xi32>
    %add3A_1024 = arith.constant 16 : i32
    %add3A_1025 = vector.broadcast %add3A_1024 : i32 to vector<16xi32>
    %add3A_1026 = arith.addi %xor3A_1020, %add3A_1025 : vector<16xi32>
    %select_n3A_1027 = arith.select %lt3A_1023, %add3A_1026, %xor3A_1020 : vector<16xi1>, vector<16xi32>
    %broadcast_in_dim3A_1028 = vector.shape_cast %select_n3A_1027 : vector<16xi32> to vector<16x1xi32>
    %gather3A_1029 = vector.shape_cast %broadcast_in_dim3A_1028 : vector<16x1xi32> to vector<16xi32>
    %gather3A_1030 = tpu.dynamic_gather %max3A_1017[%gather3A_1029] in [0] : vector<16xi32>, vector<16xi32> -> vector<16xi32>
    %max3A_1031 = arith.maxsi %max3A_1017, %gather3A_1030 : vector<16xi32>
    %xor3A_1032 = arith.constant 1 : i32
    %xor3A_1033 = vector.broadcast %xor3A_1032 : i32 to vector<16xi32>
    %xor3A_1034 = arith.xori %iota3A_981, %xor3A_1033 : vector<16xi32>
    %lt3A_1035 = arith.constant 0 : i32
    %lt3A_1036 = vector.broadcast %lt3A_1035 : i32 to vector<16xi32>
    %lt3A_1037 = arith.cmpi slt, %xor3A_1034, %lt3A_1036 : vector<16xi32>
    %add3A_1038 = arith.constant 16 : i32
    %add3A_1039 = vector.broadcast %add3A_1038 : i32 to vector<16xi32>
    %add3A_1040 = arith.addi %xor3A_1034, %add3A_1039 : vector<16xi32>
    %select_n3A_1041 = arith.select %lt3A_1037, %add3A_1040, %xor3A_1034 : vector<16xi1>, vector<16xi32>
    %broadcast_in_dim3A_1042 = vector.shape_cast %select_n3A_1041 : vector<16xi32> to vector<16x1xi32>
    %gather3A_1043 = vector.shape_cast %broadcast_in_dim3A_1042 : vector<16x1xi32> to vector<16xi32>
    %gather3A_1044 = tpu.dynamic_gather %max3A_1031[%gather3A_1043] in [0] : vector<16xi32>, vector<16xi32> -> vector<16xi32>
    %max3A_1045 = arith.maxsi %max3A_1031, %gather3A_1044 : vector<16xi32>
    %slice3A_1046 = vector.extract_strided_slice %max3A_1045 {offsets = [0], sizes = [1], strides = [1]} : vector<16xi32> to vector<1xi32>
    %squeeze3A_1047 = vector.extract %slice3A_1046[0] : i32 from vector<1xi32>
    %while3A_1048 = arith.constant 0 : i32
    %while3A_1049 = arith.subi %squeeze3A_1047, %while3A_1048 : i32
    %while3A_1050 = arith.addi %while3A_1048, %while3A_1049 : i32
    %while3A_1051 = arith.constant 1 : i32
    %while3A_1052 = arith.divsi %while3A_1049, %while3A_1051 : i32
    %while3A_1053 = arith.muli %while3A_1052, %while3A_1051 : i32
    %while3A_1054 = arith.addi %while3A_1048, %while3A_1053 : i32
    %while3A_1055 = arith.constant 1 : i32
    %while3A_1056 = scf.for %while3A_1734 = %while3A_1048 to %while3A_1054 step %while3A_1055 iter_args(%while3A_1735 = %broadcast_in_dim3A_983) -> (vector<16xi32>)  : i32 {
      %lt3A_1736 = vector.broadcast %while3A_1734 : i32 to vector<16xi32>
      %lt3A_1737 = arith.cmpi slt, %lt3A_1736, %scan3A_988 : vector<16xi32>
      %mul3A_1738 = arith.constant 32 : i32
      %mul3A_1739 = vector.broadcast %mul3A_1738 : i32 to vector<16xi32>
      %mul3A_1740 = arith.muli %iota3A_981, %mul3A_1739 : vector<16xi32>
      %add3A_1741 = vector.broadcast %while3A_1734 : i32 to vector<16xi32>
      %add3A_1742 = arith.addi %mul3A_1740, %add3A_1741 : vector<16xi32>
      %gather3A_1743 = tpu.vector_load_idx %arg8[%add3A_1742] : memref<528xi32, #tpu.memory_space<vmem>>[vector<16xi32>], vector<16xi32>,
      %max3A_1744 = arith.constant 0 : i32
      %max3A_1745 = vector.broadcast %max3A_1744 : i32 to vector<16xi32>
      %max3A_1746 = arith.maxsi %gather3A_1743, %max3A_1745 : vector<16xi32>
      %min3A_1747 = arith.constant 255 : i32
      %min3A_1748 = vector.broadcast %min3A_1747 : i32 to vector<16xi32>
      %min3A_1749 = arith.minsi %max3A_1746, %min3A_1748 : vector<16xi32>
      %mul3A_1750 = arith.constant 128 : i32
      %mul3A_1751 = vector.broadcast %mul3A_1750 : i32 to vector<16xi32>
      %mul3A_1752 = arith.muli %min3A_1749, %mul3A_1751 : vector<16xi32>
      %add3A_1753 = arith.constant 0 : i32
      %add3A_1754 = vector.broadcast %add3A_1753 : i32 to vector<16xi32>
      %add3A_1755 = arith.addi %mul3A_1752, %add3A_1754 : vector<16xi32>
      %add3A_1756 = arith.addi %add3A_1755, %iota3A_981 : vector<16xi32>
      %gather3A_1757 = tpu.vector_load_idx %arg5[%add3A_1756] : memref<32768xf32, #tpu.memory_space<vmem>>[vector<16xi32>], vector<16xf32>,
      %ge3A_1758 = arith.cmpf oge, %gather3A_1757, %gather3A_980 : vector<16xf32>
      %and3A_1759 = arith.andi %ge3A_1758, %lt3A_1737 : vector<16xi1>
      %mul3A_1760 = arith.constant 64 : i32
      %mul3A_1761 = vector.broadcast %mul3A_1760 : i32 to vector<16xi32>
      %mul3A_1762 = arith.muli %iota3A_981, %mul3A_1761 : vector<16xi32>
      %add3A_1763 = arith.addi %mul3A_1762, %while3A_1735 : vector<16xi32>
      %add3A_1764 = arith.constant 1024 : i32
      %add3A_1765 = vector.broadcast %add3A_1764 : i32 to vector<16xi32>
      %add3A_1766 = arith.addi %add3A_1765, %iota3A_981 : vector<16xi32>
      %select_n3A_1767 = arith.select %and3A_1759, %add3A_1763, %add3A_1766 : vector<16xi1>, vector<16xi32>
      tpu.vector_store_idx %arg9[%select_n3A_1767], %gather3A_1757 : memref<1040xf32, #tpu.memory_space<vmem>>[vector<16xi32>], vector<16xf32>,
      tpu.vector_store_idx %arg10[%select_n3A_1767], %add3A_1756 : memref<1040xi32, #tpu.memory_space<vmem>>[vector<16xi32>], vector<16xi32>,
      %convert_element_type3A = arith.extui %and3A_1759 : vector<16xi1> to vector<16xi32>
      %add3A_1768 = arith.addi %while3A_1735, %convert_element_type3A : vector<16xi32>
      %min3A_1769 = arith.constant 64 : i32
      %min3A_1770 = vector.broadcast %min3A_1769 : i32 to vector<16xi32>
      %min3A_1771 = arith.minsi %add3A_1768, %min3A_1770 : vector<16xi32>
      %add3A_1772 = arith.constant 16 : i32
      %add3A_1773 = vector.broadcast %add3A_1772 : i32 to vector<16xi32>
      %add3A_1774 = arith.addi %mul3A_1752, %add3A_1773 : vector<16xi32>
      %add3A_1775 = arith.addi %add3A_1774, %iota3A_981 : vector<16xi32>
      %gather3A_1776 = tpu.vector_load_idx %arg5[%add3A_1775] : memref<32768xf32, #tpu.memory_space<vmem>>[vector<16xi32>], vector<16xf32>,
      %ge3A_1777 = arith.cmpf oge, %gather3A_1776, %gather3A_980 : vector<16xf32>
      %and3A_1778 = arith.andi %ge3A_1777, %lt3A_1737 : vector<16xi1>
      %mul3A_1779 = arith.constant 64 : i32
      %mul3A_1780 = vector.broadcast %mul3A_1779 : i32 to vector<16xi32>
      %mul3A_1781 = arith.muli %iota3A_981, %mul3A_1780 : vector<16xi32>
      %add3A_1782 = arith.addi %mul3A_1781, %min3A_1771 : vector<16xi32>
      %add3A_1783 = arith.constant 1024 : i32
      %add3A_1784 = vector.broadcast %add3A_1783 : i32 to vector<16xi32>
      %add3A_1785 = arith.addi %add3A_1784, %iota3A_981 : vector<16xi32>
      %select_n3A_1786 = arith.select %and3A_1778, %add3A_1782, %add3A_1785 : vector<16xi1>, vector<16xi32>
      tpu.vector_store_idx %arg9[%select_n3A_1786], %gather3A_1776 : memref<1040xf32, #tpu.memory_space<vmem>>[vector<16xi32>], vector<16xf32>,
      tpu.vector_store_idx %arg10[%select_n3A_1786], %add3A_1775 : memref<1040xi32, #tpu.memory_space<vmem>>[vector<16xi32>], vector<16xi32>,
      %convert_element_type3A_1787 = arith.extui %and3A_1778 : vector<16xi1> to vector<16xi32>
      %add3A_1788 = arith.addi %min3A_1771, %convert_element_type3A_1787 : vector<16xi32>
      %min3A_1789 = arith.constant 64 : i32
      %min3A_1790 = vector.broadcast %min3A_1789 : i32 to vector<16xi32>
      %min3A_1791 = arith.minsi %add3A_1788, %min3A_1790 : vector<16xi32>
      %add3A_1792 = arith.constant 32 : i32
      %add3A_1793 = vector.broadcast %add3A_1792 : i32 to vector<16xi32>
      %add3A_1794 = arith.addi %mul3A_1752, %add3A_1793 : vector<16xi32>
      %add3A_1795 = arith.addi %add3A_1794, %iota3A_981 : vector<16xi32>
      %gather3A_1796 = tpu.vector_load_idx %arg5[%add3A_1795] : memref<32768xf32, #tpu.memory_space<vmem>>[vector<16xi32>], vector<16xf32>,
      %ge3A_1797 = arith.cmpf oge, %gather3A_1796, %gather3A_980 : vector<16xf32>
      %and3A_1798 = arith.andi %ge3A_1797, %lt3A_1737 : vector<16xi1>
      %mul3A_1799 = arith.constant 64 : i32
      %mul3A_1800 = vector.broadcast %mul3A_1799 : i32 to vector<16xi32>
      %mul3A_1801 = arith.muli %iota3A_981, %mul3A_1800 : vector<16xi32>
      %add3A_1802 = arith.addi %mul3A_1801, %min3A_1791 : vector<16xi32>
      %add3A_1803 = arith.constant 1024 : i32
      %add3A_1804 = vector.broadcast %add3A_1803 : i32 to vector<16xi32>
      %add3A_1805 = arith.addi %add3A_1804, %iota3A_981 : vector<16xi32>
      %select_n3A_1806 = arith.select %and3A_1798, %add3A_1802, %add3A_1805 : vector<16xi1>, vector<16xi32>
      tpu.vector_store_idx %arg9[%select_n3A_1806], %gather3A_1796 : memref<1040xf32, #tpu.memory_space<vmem>>[vector<16xi32>], vector<16xf32>,
      tpu.vector_store_idx %arg10[%select_n3A_1806], %add3A_1795 : memref<1040xi32, #tpu.memory_space<vmem>>[vector<16xi32>], vector<16xi32>,
      %convert_element_type3A_1807 = arith.extui %and3A_1798 : vector<16xi1> to vector<16xi32>
      %add3A_1808 = arith.addi %min3A_1791, %convert_element_type3A_1807 : vector<16xi32>
      %min3A_1809 = arith.constant 64 : i32
      %min3A_1810 = vector.broadcast %min3A_1809 : i32 to vector<16xi32>
      %min3A_1811 = arith.minsi %add3A_1808, %min3A_1810 : vector<16xi32>
      %add3A_1812 = arith.constant 48 : i32
      %add3A_1813 = vector.broadcast %add3A_1812 : i32 to vector<16xi32>
      %add3A_1814 = arith.addi %mul3A_1752, %add3A_1813 : vector<16xi32>
      %add3A_1815 = arith.addi %add3A_1814, %iota3A_981 : vector<16xi32>
      %gather3A_1816 = tpu.vector_load_idx %arg5[%add3A_1815] : memref<32768xf32, #tpu.memory_space<vmem>>[vector<16xi32>], vector<16xf32>,
      %ge3A_1817 = arith.cmpf oge, %gather3A_1816, %gather3A_980 : vector<16xf32>
      %and3A_1818 = arith.andi %ge3A_1817, %lt3A_1737 : vector<16xi1>
      %mul3A_1819 = arith.constant 64 : i32
      %mul3A_1820 = vector.broadcast %mul3A_1819 : i32 to vector<16xi32>
      %mul3A_1821 = arith.muli %iota3A_981, %mul3A_1820 : vector<16xi32>
      %add3A_1822 = arith.addi %mul3A_1821, %min3A_1811 : vector<16xi32>
      %add3A_1823 = arith.constant 1024 : i32
      %add3A_1824 = vector.broadcast %add3A_1823 : i32 to vector<16xi32>
      %add3A_1825 = arith.addi %add3A_1824, %iota3A_981 : vector<16xi32>
      %select_n3A_1826 = arith.select %and3A_1818, %add3A_1822, %add3A_1825 : vector<16xi1>, vector<16xi32>
      tpu.vector_store_idx %arg9[%select_n3A_1826], %gather3A_1816 : memref<1040xf32, #tpu.memory_space<vmem>>[vector<16xi32>], vector<16xf32>,
      tpu.vector_store_idx %arg10[%select_n3A_1826], %add3A_1815 : memref<1040xi32, #tpu.memory_space<vmem>>[vector<16xi32>], vector<16xi32>,
      %convert_element_type3A_1827 = arith.extui %and3A_1818 : vector<16xi1> to vector<16xi32>
      %add3A_1828 = arith.addi %min3A_1811, %convert_element_type3A_1827 : vector<16xi32>
      %min3A_1829 = arith.constant 64 : i32
      %min3A_1830 = vector.broadcast %min3A_1829 : i32 to vector<16xi32>
      %min3A_1831 = arith.minsi %add3A_1828, %min3A_1830 : vector<16xi32>
      %add3A_1832 = arith.constant 64 : i32
      %add3A_1833 = vector.broadcast %add3A_1832 : i32 to vector<16xi32>
      %add3A_1834 = arith.addi %mul3A_1752, %add3A_1833 : vector<16xi32>
      %add3A_1835 = arith.addi %add3A_1834, %iota3A_981 : vector<16xi32>
      %gather3A_1836 = tpu.vector_load_idx %arg5[%add3A_1835] : memref<32768xf32, #tpu.memory_space<vmem>>[vector<16xi32>], vector<16xf32>,
      %ge3A_1837 = arith.cmpf oge, %gather3A_1836, %gather3A_980 : vector<16xf32>
      %and3A_1838 = arith.andi %ge3A_1837, %lt3A_1737 : vector<16xi1>
      %mul3A_1839 = arith.constant 64 : i32
      %mul3A_1840 = vector.broadcast %mul3A_1839 : i32 to vector<16xi32>
      %mul3A_1841 = arith.muli %iota3A_981, %mul3A_1840 : vector<16xi32>
      %add3A_1842 = arith.addi %mul3A_1841, %min3A_1831 : vector<16xi32>
      %add3A_1843 = arith.constant 1024 : i32
      %add3A_1844 = vector.broadcast %add3A_1843 : i32 to vector<16xi32>
      %add3A_1845 = arith.addi %add3A_1844, %iota3A_981 : vector<16xi32>
      %select_n3A_1846 = arith.select %and3A_1838, %add3A_1842, %add3A_1845 : vector<16xi1>, vector<16xi32>
      tpu.vector_store_idx %arg9[%select_n3A_1846], %gather3A_1836 : memref<1040xf32, #tpu.memory_space<vmem>>[vector<16xi32>], vector<16xf32>,
      tpu.vector_store_idx %arg10[%select_n3A_1846], %add3A_1835 : memref<1040xi32, #tpu.memory_space<vmem>>[vector<16xi32>], vector<16xi32>,
      %convert_element_type3A_1847 = arith.extui %and3A_1838 : vector<16xi1> to vector<16xi32>
      %add3A_1848 = arith.addi %min3A_1831, %convert_element_type3A_1847 : vector<16xi32>
      %min3A_1849 = arith.constant 64 : i32
      %min3A_1850 = vector.broadcast %min3A_1849 : i32 to vector<16xi32>
      %min3A_1851 = arith.minsi %add3A_1848, %min3A_1850 : vector<16xi32>
      %add3A_1852 = arith.constant 80 : i32
      %add3A_1853 = vector.broadcast %add3A_1852 : i32 to vector<16xi32>
      %add3A_1854 = arith.addi %mul3A_1752, %add3A_1853 : vector<16xi32>
      %add3A_1855 = arith.addi %add3A_1854, %iota3A_981 : vector<16xi32>
      %gather3A_1856 = tpu.vector_load_idx %arg5[%add3A_1855] : memref<32768xf32, #tpu.memory_space<vmem>>[vector<16xi32>], vector<16xf32>,
      %ge3A_1857 = arith.cmpf oge, %gather3A_1856, %gather3A_980 : vector<16xf32>
      %and3A_1858 = arith.andi %ge3A_1857, %lt3A_1737 : vector<16xi1>
      %mul3A_1859 = arith.constant 64 : i32
      %mul3A_1860 = vector.broadcast %mul3A_1859 : i32 to vector<16xi32>
      %mul3A_1861 = arith.muli %iota3A_981, %mul3A_1860 : vector<16xi32>
      %add3A_1862 = arith.addi %mul3A_1861, %min3A_1851 : vector<16xi32>
      %add3A_1863 = arith.constant 1024 : i32
      %add3A_1864 = vector.broadcast %add3A_1863 : i32 to vector<16xi32>
      %add3A_1865 = arith.addi %add3A_1864, %iota3A_981 : vector<16xi32>
      %select_n3A_1866 = arith.select %and3A_1858, %add3A_1862, %add3A_1865 : vector<16xi1>, vector<16xi32>
      tpu.vector_store_idx %arg9[%select_n3A_1866], %gather3A_1856 : memref<1040xf32, #tpu.memory_space<vmem>>[vector<16xi32>], vector<16xf32>,
      tpu.vector_store_idx %arg10[%select_n3A_1866], %add3A_1855 : memref<1040xi32, #tpu.memory_space<vmem>>[vector<16xi32>], vector<16xi32>,
      %convert_element_type3A_1867 = arith.extui %and3A_1858 : vector<16xi1> to vector<16xi32>
      %add3A_1868 = arith.addi %min3A_1851, %convert_element_type3A_1867 : vector<16xi32>
      %min3A_1869 = arith.constant 64 : i32
      %min3A_1870 = vector.broadcast %min3A_1869 : i32 to vector<16xi32>
      %min3A_1871 = arith.minsi %add3A_1868, %min3A_1870 : vector<16xi32>
      %add3A_1872 = arith.constant 96 : i32
      %add3A_1873 = vector.broadcast %add3A_1872 : i32 to vector<16xi32>
      %add3A_1874 = arith.addi %mul3A_1752, %add3A_1873 : vector<16xi32>
      %add3A_1875 = arith.addi %add3A_1874, %iota3A_981 : vector<16xi32>
      %gather3A_1876 = tpu.vector_load_idx %arg5[%add3A_1875] : memref<32768xf32, #tpu.memory_space<vmem>>[vector<16xi32>], vector<16xf32>,
      %ge3A_1877 = arith.cmpf oge, %gather3A_1876, %gather3A_980 : vector<16xf32>
      %and3A_1878 = arith.andi %ge3A_1877, %lt3A_1737 : vector<16xi1>
      %mul3A_1879 = arith.constant 64 : i32
      %mul3A_1880 = vector.broadcast %mul3A_1879 : i32 to vector<16xi32>
      %mul3A_1881 = arith.muli %iota3A_981, %mul3A_1880 : vector<16xi32>
      %add3A_1882 = arith.addi %mul3A_1881, %min3A_1871 : vector<16xi32>
      %add3A_1883 = arith.constant 1024 : i32
      %add3A_1884 = vector.broadcast %add3A_1883 : i32 to vector<16xi32>
      %add3A_1885 = arith.addi %add3A_1884, %iota3A_981 : vector<16xi32>
      %select_n3A_1886 = arith.select %and3A_1878, %add3A_1882, %add3A_1885 : vector<16xi1>, vector<16xi32>
      tpu.vector_store_idx %arg9[%select_n3A_1886], %gather3A_1876 : memref<1040xf32, #tpu.memory_space<vmem>>[vector<16xi32>], vector<16xf32>,
      tpu.vector_store_idx %arg10[%select_n3A_1886], %add3A_1875 : memref<1040xi32, #tpu.memory_space<vmem>>[vector<16xi32>], vector<16xi32>,
      %convert_element_type3A_1887 = arith.extui %and3A_1878 : vector<16xi1> to vector<16xi32>
      %add3A_1888 = arith.addi %min3A_1871, %convert_element_type3A_1887 : vector<16xi32>
      %min3A_1889 = arith.constant 64 : i32
      %min3A_1890 = vector.broadcast %min3A_1889 : i32 to vector<16xi32>
      %min3A_1891 = arith.minsi %add3A_1888, %min3A_1890 : vector<16xi32>
      %add3A_1892 = arith.constant 112 : i32
      %add3A_1893 = vector.broadcast %add3A_1892 : i32 to vector<16xi32>
      %add3A_1894 = arith.addi %mul3A_1752, %add3A_1893 : vector<16xi32>
      %add3A_1895 = arith.addi %add3A_1894, %iota3A_981 : vector<16xi32>
      %gather3A_1896 = tpu.vector_load_idx %arg5[%add3A_1895] : memref<32768xf32, #tpu.memory_space<vmem>>[vector<16xi32>], vector<16xf32>,
      %ge3A_1897 = arith.cmpf oge, %gather3A_1896, %gather3A_980 : vector<16xf32>
      %and3A_1898 = arith.andi %ge3A_1897, %lt3A_1737 : vector<16xi1>
      %mul3A_1899 = arith.constant 64 : i32
      %mul3A_1900 = vector.broadcast %mul3A_1899 : i32 to vector<16xi32>
      %mul3A_1901 = arith.muli %iota3A_981, %mul3A_1900 : vector<16xi32>
      %add3A_1902 = arith.addi %mul3A_1901, %min3A_1891 : vector<16xi32>
      %add3A_1903 = arith.constant 1024 : i32
      %add3A_1904 = vector.broadcast %add3A_1903 : i32 to vector<16xi32>
      %add3A_1905 = arith.addi %add3A_1904, %iota3A_981 : vector<16xi32>
      %select_n3A_1906 = arith.select %and3A_1898, %add3A_1902, %add3A_1905 : vector<16xi1>, vector<16xi32>
      tpu.vector_store_idx %arg9[%select_n3A_1906], %gather3A_1896 : memref<1040xf32, #tpu.memory_space<vmem>>[vector<16xi32>], vector<16xf32>,
      tpu.vector_store_idx %arg10[%select_n3A_1906], %add3A_1895 : memref<1040xi32, #tpu.memory_space<vmem>>[vector<16xi32>], vector<16xi32>,
      %convert_element_type3A_1907 = arith.extui %and3A_1898 : vector<16xi1> to vector<16xi32>
      %add3A_1908 = arith.addi %min3A_1891, %convert_element_type3A_1907 : vector<16xi32>
      %min3A_1909 = arith.constant 64 : i32
      %min3A_1910 = vector.broadcast %min3A_1909 : i32 to vector<16xi32>
      %min3A_1911 = arith.minsi %add3A_1908, %min3A_1910 : vector<16xi32>
      scf.yield %min3A_1911 : vector<16xi32>
    }
    %while3A_1057 = arith.constant 1 : i32
    %while3A_1058 = scf.for %while3A_1734 = %while3A_1054 to %while3A_1050 step %while3A_1057 iter_args(%while3A_1735 = %while3A_1056) -> (vector<16xi32>)  : i32 {
      %lt3A_1736 = vector.broadcast %while3A_1734 : i32 to vector<16xi32>
      %lt3A_1737 = arith.cmpi slt, %lt3A_1736, %scan3A_988 : vector<16xi32>
      %mul3A_1738 = arith.constant 32 : i32
      %mul3A_1739 = vector.broadcast %mul3A_1738 : i32 to vector<16xi32>
      %mul3A_1740 = arith.muli %iota3A_981, %mul3A_1739 : vector<16xi32>
      %add3A_1741 = vector.broadcast %while3A_1734 : i32 to vector<16xi32>
      %add3A_1742 = arith.addi %mul3A_1740, %add3A_1741 : vector<16xi32>
      %gather3A_1743 = tpu.vector_load_idx %arg8[%add3A_1742] : memref<528xi32, #tpu.memory_space<vmem>>[vector<16xi32>], vector<16xi32>,
      %max3A_1744 = arith.constant 0 : i32
      %max3A_1745 = vector.broadcast %max3A_1744 : i32 to vector<16xi32>
      %max3A_1746 = arith.maxsi %gather3A_1743, %max3A_1745 : vector<16xi32>
      %min3A_1747 = arith.constant 255 : i32
      %min3A_1748 = vector.broadcast %min3A_1747 : i32 to vector<16xi32>
      %min3A_1749 = arith.minsi %max3A_1746, %min3A_1748 : vector<16xi32>
      %mul3A_1750 = arith.constant 128 : i32
      %mul3A_1751 = vector.broadcast %mul3A_1750 : i32 to vector<16xi32>
      %mul3A_1752 = arith.muli %min3A_1749, %mul3A_1751 : vector<16xi32>
      %add3A_1753 = arith.constant 0 : i32
      %add3A_1754 = vector.broadcast %add3A_1753 : i32 to vector<16xi32>
      %add3A_1755 = arith.addi %mul3A_1752, %add3A_1754 : vector<16xi32>
      %add3A_1756 = arith.addi %add3A_1755, %iota3A_981 : vector<16xi32>
      %gather3A_1757 = tpu.vector_load_idx %arg5[%add3A_1756] : memref<32768xf32, #tpu.memory_space<vmem>>[vector<16xi32>], vector<16xf32>,
      %ge3A_1758 = arith.cmpf oge, %gather3A_1757, %gather3A_980 : vector<16xf32>
      %and3A_1759 = arith.andi %ge3A_1758, %lt3A_1737 : vector<16xi1>
      %mul3A_1760 = arith.constant 64 : i32
      %mul3A_1761 = vector.broadcast %mul3A_1760 : i32 to vector<16xi32>
      %mul3A_1762 = arith.muli %iota3A_981, %mul3A_1761 : vector<16xi32>
      %add3A_1763 = arith.addi %mul3A_1762, %while3A_1735 : vector<16xi32>
      %add3A_1764 = arith.constant 1024 : i32
      %add3A_1765 = vector.broadcast %add3A_1764 : i32 to vector<16xi32>
      %add3A_1766 = arith.addi %add3A_1765, %iota3A_981 : vector<16xi32>
      %select_n3A_1767 = arith.select %and3A_1759, %add3A_1763, %add3A_1766 : vector<16xi1>, vector<16xi32>
      tpu.vector_store_idx %arg9[%select_n3A_1767], %gather3A_1757 : memref<1040xf32, #tpu.memory_space<vmem>>[vector<16xi32>], vector<16xf32>,
      tpu.vector_store_idx %arg10[%select_n3A_1767], %add3A_1756 : memref<1040xi32, #tpu.memory_space<vmem>>[vector<16xi32>], vector<16xi32>,
      %convert_element_type3A = arith.extui %and3A_1759 : vector<16xi1> to vector<16xi32>
      %add3A_1768 = arith.addi %while3A_1735, %convert_element_type3A : vector<16xi32>
      %min3A_1769 = arith.constant 64 : i32
      %min3A_1770 = vector.broadcast %min3A_1769 : i32 to vector<16xi32>
      %min3A_1771 = arith.minsi %add3A_1768, %min3A_1770 : vector<16xi32>
      %add3A_1772 = arith.constant 16 : i32
      %add3A_1773 = vector.broadcast %add3A_1772 : i32 to vector<16xi32>
      %add3A_1774 = arith.addi %mul3A_1752, %add3A_1773 : vector<16xi32>
      %add3A_1775 = arith.addi %add3A_1774, %iota3A_981 : vector<16xi32>
      %gather3A_1776 = tpu.vector_load_idx %arg5[%add3A_1775] : memref<32768xf32, #tpu.memory_space<vmem>>[vector<16xi32>], vector<16xf32>,
      %ge3A_1777 = arith.cmpf oge, %gather3A_1776, %gather3A_980 : vector<16xf32>
      %and3A_1778 = arith.andi %ge3A_1777, %lt3A_1737 : vector<16xi1>
      %mul3A_1779 = arith.constant 64 : i32
      %mul3A_1780 = vector.broadcast %mul3A_1779 : i32 to vector<16xi32>
      %mul3A_1781 = arith.muli %iota3A_981, %mul3A_1780 : vector<16xi32>
      %add3A_1782 = arith.addi %mul3A_1781, %min3A_1771 : vector<16xi32>
      %add3A_1783 = arith.constant 1024 : i32
      %add3A_1784 = vector.broadcast %add3A_1783 : i32 to vector<16xi32>
      %add3A_1785 = arith.addi %add3A_1784, %iota3A_981 : vector<16xi32>
      %select_n3A_1786 = arith.select %and3A_1778, %add3A_1782, %add3A_1785 : vector<16xi1>, vector<16xi32>
      tpu.vector_store_idx %arg9[%select_n3A_1786], %gather3A_1776 : memref<1040xf32, #tpu.memory_space<vmem>>[vector<16xi32>], vector<16xf32>,
      tpu.vector_store_idx %arg10[%select_n3A_1786], %add3A_1775 : memref<1040xi32, #tpu.memory_space<vmem>>[vector<16xi32>], vector<16xi32>,
      %convert_element_type3A_1787 = arith.extui %and3A_1778 : vector<16xi1> to vector<16xi32>
      %add3A_1788 = arith.addi %min3A_1771, %convert_element_type3A_1787 : vector<16xi32>
      %min3A_1789 = arith.constant 64 : i32
      %min3A_1790 = vector.broadcast %min3A_1789 : i32 to vector<16xi32>
      %min3A_1791 = arith.minsi %add3A_1788, %min3A_1790 : vector<16xi32>
      %add3A_1792 = arith.constant 32 : i32
      %add3A_1793 = vector.broadcast %add3A_1792 : i32 to vector<16xi32>
      %add3A_1794 = arith.addi %mul3A_1752, %add3A_1793 : vector<16xi32>
      %add3A_1795 = arith.addi %add3A_1794, %iota3A_981 : vector<16xi32>
      %gather3A_1796 = tpu.vector_load_idx %arg5[%add3A_1795] : memref<32768xf32, #tpu.memory_space<vmem>>[vector<16xi32>], vector<16xf32>,
      %ge3A_1797 = arith.cmpf oge, %gather3A_1796, %gather3A_980 : vector<16xf32>
      %and3A_1798 = arith.andi %ge3A_1797, %lt3A_1737 : vector<16xi1>
      %mul3A_1799 = arith.constant 64 : i32
      %mul3A_1800 = vector.broadcast %mul3A_1799 : i32 to vector<16xi32>
      %mul3A_1801 = arith.muli %iota3A_981, %mul3A_1800 : vector<16xi32>
      %add3A_1802 = arith.addi %mul3A_1801, %min3A_1791 : vector<16xi32>
      %add3A_1803 = arith.constant 1024 : i32
      %add3A_1804 = vector.broadcast %add3A_1803 : i32 to vector<16xi32>
      %add3A_1805 = arith.addi %add3A_1804, %iota3A_981 : vector<16xi32>
      %select_n3A_1806 = arith.select %and3A_1798, %add3A_1802, %add3A_1805 : vector<16xi1>, vector<16xi32>
      tpu.vector_store_idx %arg9[%select_n3A_1806], %gather3A_1796 : memref<1040xf32, #tpu.memory_space<vmem>>[vector<16xi32>], vector<16xf32>,
      tpu.vector_store_idx %arg10[%select_n3A_1806], %add3A_1795 : memref<1040xi32, #tpu.memory_space<vmem>>[vector<16xi32>], vector<16xi32>,
      %convert_element_type3A_1807 = arith.extui %and3A_1798 : vector<16xi1> to vector<16xi32>
      %add3A_1808 = arith.addi %min3A_1791, %convert_element_type3A_1807 : vector<16xi32>
      %min3A_1809 = arith.constant 64 : i32
      %min3A_1810 = vector.broadcast %min3A_1809 : i32 to vector<16xi32>
      %min3A_1811 = arith.minsi %add3A_1808, %min3A_1810 : vector<16xi32>
      %add3A_1812 = arith.constant 48 : i32
      %add3A_1813 = vector.broadcast %add3A_1812 : i32 to vector<16xi32>
      %add3A_1814 = arith.addi %mul3A_1752, %add3A_1813 : vector<16xi32>
      %add3A_1815 = arith.addi %add3A_1814, %iota3A_981 : vector<16xi32>
      %gather3A_1816 = tpu.vector_load_idx %arg5[%add3A_1815] : memref<32768xf32, #tpu.memory_space<vmem>>[vector<16xi32>], vector<16xf32>,
      %ge3A_1817 = arith.cmpf oge, %gather3A_1816, %gather3A_980 : vector<16xf32>
      %and3A_1818 = arith.andi %ge3A_1817, %lt3A_1737 : vector<16xi1>
      %mul3A_1819 = arith.constant 64 : i32
      %mul3A_1820 = vector.broadcast %mul3A_1819 : i32 to vector<16xi32>
      %mul3A_1821 = arith.muli %iota3A_981, %mul3A_1820 : vector<16xi32>
      %add3A_1822 = arith.addi %mul3A_1821, %min3A_1811 : vector<16xi32>
      %add3A_1823 = arith.constant 1024 : i32
      %add3A_1824 = vector.broadcast %add3A_1823 : i32 to vector<16xi32>
      %add3A_1825 = arith.addi %add3A_1824, %iota3A_981 : vector<16xi32>
      %select_n3A_1826 = arith.select %and3A_1818, %add3A_1822, %add3A_1825 : vector<16xi1>, vector<16xi32>
      tpu.vector_store_idx %arg9[%select_n3A_1826], %gather3A_1816 : memref<1040xf32, #tpu.memory_space<vmem>>[vector<16xi32>], vector<16xf32>,
      tpu.vector_store_idx %arg10[%select_n3A_1826], %add3A_1815 : memref<1040xi32, #tpu.memory_space<vmem>>[vector<16xi32>], vector<16xi32>,
      %convert_element_type3A_1827 = arith.extui %and3A_1818 : vector<16xi1> to vector<16xi32>
      %add3A_1828 = arith.addi %min3A_1811, %convert_element_type3A_1827 : vector<16xi32>
      %min3A_1829 = arith.constant 64 : i32
      %min3A_1830 = vector.broadcast %min3A_1829 : i32 to vector<16xi32>
      %min3A_1831 = arith.minsi %add3A_1828, %min3A_1830 : vector<16xi32>
      %add3A_1832 = arith.constant 64 : i32
      %add3A_1833 = vector.broadcast %add3A_1832 : i32 to vector<16xi32>
      %add3A_1834 = arith.addi %mul3A_1752, %add3A_1833 : vector<16xi32>
      %add3A_1835 = arith.addi %add3A_1834, %iota3A_981 : vector<16xi32>
      %gather3A_1836 = tpu.vector_load_idx %arg5[%add3A_1835] : memref<32768xf32, #tpu.memory_space<vmem>>[vector<16xi32>], vector<16xf32>,
      %ge3A_1837 = arith.cmpf oge, %gather3A_1836, %gather3A_980 : vector<16xf32>
      %and3A_1838 = arith.andi %ge3A_1837, %lt3A_1737 : vector<16xi1>
      %mul3A_1839 = arith.constant 64 : i32
      %mul3A_1840 = vector.broadcast %mul3A_1839 : i32 to vector<16xi32>
      %mul3A_1841 = arith.muli %iota3A_981, %mul3A_1840 : vector<16xi32>
      %add3A_1842 = arith.addi %mul3A_1841, %min3A_1831 : vector<16xi32>
      %add3A_1843 = arith.constant 1024 : i32
      %add3A_1844 = vector.broadcast %add3A_1843 : i32 to vector<16xi32>
      %add3A_1845 = arith.addi %add3A_1844, %iota3A_981 : vector<16xi32>
      %select_n3A_1846 = arith.select %and3A_1838, %add3A_1842, %add3A_1845 : vector<16xi1>, vector<16xi32>
      tpu.vector_store_idx %arg9[%select_n3A_1846], %gather3A_1836 : memref<1040xf32, #tpu.memory_space<vmem>>[vector<16xi32>], vector<16xf32>,
      tpu.vector_store_idx %arg10[%select_n3A_1846], %add3A_1835 : memref<1040xi32, #tpu.memory_space<vmem>>[vector<16xi32>], vector<16xi32>,
      %convert_element_type3A_1847 = arith.extui %and3A_1838 : vector<16xi1> to vector<16xi32>
      %add3A_1848 = arith.addi %min3A_1831, %convert_element_type3A_1847 : vector<16xi32>
      %min3A_1849 = arith.constant 64 : i32
      %min3A_1850 = vector.broadcast %min3A_1849 : i32 to vector<16xi32>
      %min3A_1851 = arith.minsi %add3A_1848, %min3A_1850 : vector<16xi32>
      %add3A_1852 = arith.constant 80 : i32
      %add3A_1853 = vector.broadcast %add3A_1852 : i32 to vector<16xi32>
      %add3A_1854 = arith.addi %mul3A_1752, %add3A_1853 : vector<16xi32>
      %add3A_1855 = arith.addi %add3A_1854, %iota3A_981 : vector<16xi32>
      %gather3A_1856 = tpu.vector_load_idx %arg5[%add3A_1855] : memref<32768xf32, #tpu.memory_space<vmem>>[vector<16xi32>], vector<16xf32>,
      %ge3A_1857 = arith.cmpf oge, %gather3A_1856, %gather3A_980 : vector<16xf32>
      %and3A_1858 = arith.andi %ge3A_1857, %lt3A_1737 : vector<16xi1>
      %mul3A_1859 = arith.constant 64 : i32
      %mul3A_1860 = vector.broadcast %mul3A_1859 : i32 to vector<16xi32>
      %mul3A_1861 = arith.muli %iota3A_981, %mul3A_1860 : vector<16xi32>
      %add3A_1862 = arith.addi %mul3A_1861, %min3A_1851 : vector<16xi32>
      %add3A_1863 = arith.constant 1024 : i32
      %add3A_1864 = vector.broadcast %add3A_1863 : i32 to vector<16xi32>
      %add3A_1865 = arith.addi %add3A_1864, %iota3A_981 : vector<16xi32>
      %select_n3A_1866 = arith.select %and3A_1858, %add3A_1862, %add3A_1865 : vector<16xi1>, vector<16xi32>
      tpu.vector_store_idx %arg9[%select_n3A_1866], %gather3A_1856 : memref<1040xf32, #tpu.memory_space<vmem>>[vector<16xi32>], vector<16xf32>,
      tpu.vector_store_idx %arg10[%select_n3A_1866], %add3A_1855 : memref<1040xi32, #tpu.memory_space<vmem>>[vector<16xi32>], vector<16xi32>,
      %convert_element_type3A_1867 = arith.extui %and3A_1858 : vector<16xi1> to vector<16xi32>
      %add3A_1868 = arith.addi %min3A_1851, %convert_element_type3A_1867 : vector<16xi32>
      %min3A_1869 = arith.constant 64 : i32
      %min3A_1870 = vector.broadcast %min3A_1869 : i32 to vector<16xi32>
      %min3A_1871 = arith.minsi %add3A_1868, %min3A_1870 : vector<16xi32>
      %add3A_1872 = arith.constant 96 : i32
      %add3A_1873 = vector.broadcast %add3A_1872 : i32 to vector<16xi32>
      %add3A_1874 = arith.addi %mul3A_1752, %add3A_1873 : vector<16xi32>
      %add3A_1875 = arith.addi %add3A_1874, %iota3A_981 : vector<16xi32>
      %gather3A_1876 = tpu.vector_load_idx %arg5[%add3A_1875] : memref<32768xf32, #tpu.memory_space<vmem>>[vector<16xi32>], vector<16xf32>,
      %ge3A_1877 = arith.cmpf oge, %gather3A_1876, %gather3A_980 : vector<16xf32>
      %and3A_1878 = arith.andi %ge3A_1877, %lt3A_1737 : vector<16xi1>
      %mul3A_1879 = arith.constant 64 : i32
      %mul3A_1880 = vector.broadcast %mul3A_1879 : i32 to vector<16xi32>
      %mul3A_1881 = arith.muli %iota3A_981, %mul3A_1880 : vector<16xi32>
      %add3A_1882 = arith.addi %mul3A_1881, %min3A_1871 : vector<16xi32>
      %add3A_1883 = arith.constant 1024 : i32
      %add3A_1884 = vector.broadcast %add3A_1883 : i32 to vector<16xi32>
      %add3A_1885 = arith.addi %add3A_1884, %iota3A_981 : vector<16xi32>
      %select_n3A_1886 = arith.select %and3A_1878, %add3A_1882, %add3A_1885 : vector<16xi1>, vector<16xi32>
      tpu.vector_store_idx %arg9[%select_n3A_1886], %gather3A_1876 : memref<1040xf32, #tpu.memory_space<vmem>>[vector<16xi32>], vector<16xf32>,
      tpu.vector_store_idx %arg10[%select_n3A_1886], %add3A_1875 : memref<1040xi32, #tpu.memory_space<vmem>>[vector<16xi32>], vector<16xi32>,
      %convert_element_type3A_1887 = arith.extui %and3A_1878 : vector<16xi1> to vector<16xi32>
      %add3A_1888 = arith.addi %min3A_1871, %convert_element_type3A_1887 : vector<16xi32>
      %min3A_1889 = arith.constant 64 : i32
      %min3A_1890 = vector.broadcast %min3A_1889 : i32 to vector<16xi32>
      %min3A_1891 = arith.minsi %add3A_1888, %min3A_1890 : vector<16xi32>
      %add3A_1892 = arith.constant 112 : i32
      %add3A_1893 = vector.broadcast %add3A_1892 : i32 to vector<16xi32>
      %add3A_1894 = arith.addi %mul3A_1752, %add3A_1893 : vector<16xi32>
      %add3A_1895 = arith.addi %add3A_1894, %iota3A_981 : vector<16xi32>
      %gather3A_1896 = tpu.vector_load_idx %arg5[%add3A_1895] : memref<32768xf32, #tpu.memory_space<vmem>>[vector<16xi32>], vector<16xf32>,
      %ge3A_1897 = arith.cmpf oge, %gather3A_1896, %gather3A_980 : vector<16xf32>
      %and3A_1898 = arith.andi %ge3A_1897, %lt3A_1737 : vector<16xi1>
      %mul3A_1899 = arith.constant 64 : i32
      %mul3A_1900 = vector.broadcast %mul3A_1899 : i32 to vector<16xi32>
      %mul3A_1901 = arith.muli %iota3A_981, %mul3A_1900 : vector<16xi32>
      %add3A_1902 = arith.addi %mul3A_1901, %min3A_1891 : vector<16xi32>
      %add3A_1903 = arith.constant 1024 : i32
      %add3A_1904 = vector.broadcast %add3A_1903 : i32 to vector<16xi32>
      %add3A_1905 = arith.addi %add3A_1904, %iota3A_981 : vector<16xi32>
      %select_n3A_1906 = arith.select %and3A_1898, %add3A_1902, %add3A_1905 : vector<16xi1>, vector<16xi32>
      tpu.vector_store_idx %arg9[%select_n3A_1906], %gather3A_1896 : memref<1040xf32, #tpu.memory_space<vmem>>[vector<16xi32>], vector<16xf32>,
      tpu.vector_store_idx %arg10[%select_n3A_1906], %add3A_1895 : memref<1040xi32, #tpu.memory_space<vmem>>[vector<16xi32>], vector<16xi32>,
      %convert_element_type3A_1907 = arith.extui %and3A_1898 : vector<16xi1> to vector<16xi32>
      %add3A_1908 = arith.addi %min3A_1891, %convert_element_type3A_1907 : vector<16xi32>
      %min3A_1909 = arith.constant 64 : i32
      %min3A_1910 = vector.broadcast %min3A_1909 : i32 to vector<16xi32>
      %min3A_1911 = arith.minsi %add3A_1908, %min3A_1910 : vector<16xi32>
      scf.yield %min3A_1911 : vector<16xi32>
    }
    %sub3A_1059 = arith.constant 1 : i32
    %sub3A_1060 = vector.broadcast %sub3A_1059 : i32 to vector<16xi32>
    %sub3A_1061 = arith.subi %iota3A_981, %sub3A_1060 : vector<16xi32>
    %max3A_1062 = arith.constant 0 : i32
    %max3A_1063 = vector.broadcast %max3A_1062 : i32 to vector<16xi32>
    %max3A_1064 = arith.maxsi %sub3A_1061, %max3A_1063 : vector<16xi32>
    %lt3A_1065 = arith.constant 0 : i32
    %lt3A_1066 = vector.broadcast %lt3A_1065 : i32 to vector<16xi32>
    %lt3A_1067 = arith.cmpi slt, %max3A_1064, %lt3A_1066 : vector<16xi32>
    %add3A_1068 = arith.constant 16 : i32
    %add3A_1069 = vector.broadcast %add3A_1068 : i32 to vector<16xi32>
    %add3A_1070 = arith.addi %max3A_1064, %add3A_1069 : vector<16xi32>
    %select_n3A_1071 = arith.select %lt3A_1067, %add3A_1070, %max3A_1064 : vector<16xi1>, vector<16xi32>
    %broadcast_in_dim3A_1072 = vector.shape_cast %select_n3A_1071 : vector<16xi32> to vector<16x1xi32>
    %gather3A_1073 = vector.shape_cast %broadcast_in_dim3A_1072 : vector<16x1xi32> to vector<16xi32>
    %gather3A_1074 = tpu.dynamic_gather %while3A_1058[%gather3A_1073] in [0] : vector<16xi32>, vector<16xi32> -> vector<16xi32>
    %ge3A_1075 = arith.constant 1 : i32
    %ge3A_1076 = vector.broadcast %ge3A_1075 : i32 to vector<16xi32>
    %ge3A_1077 = arith.cmpi sge, %iota3A_981, %ge3A_1076 : vector<16xi32>
    %jit3A_1078 = arith.constant 0 : i32
    %broadcast_in_dim3A_1079 = vector.broadcast %jit3A_1078 : i32 to vector<16xi32>
    %select_n3A_1080 = arith.select %ge3A_1077, %gather3A_1074, %broadcast_in_dim3A_1079 : vector<16xi1>, vector<16xi32>
    %add3A_1081 = arith.addi %while3A_1058, %select_n3A_1080 : vector<16xi32>
    %sub3A_1082 = arith.constant 2 : i32
    %sub3A_1083 = vector.broadcast %sub3A_1082 : i32 to vector<16xi32>
    %sub3A_1084 = arith.subi %iota3A_981, %sub3A_1083 : vector<16xi32>
    %max3A_1085 = arith.constant 0 : i32
    %max3A_1086 = vector.broadcast %max3A_1085 : i32 to vector<16xi32>
    %max3A_1087 = arith.maxsi %sub3A_1084, %max3A_1086 : vector<16xi32>
    %lt3A_1088 = arith.constant 0 : i32
    %lt3A_1089 = vector.broadcast %lt3A_1088 : i32 to vector<16xi32>
    %lt3A_1090 = arith.cmpi slt, %max3A_1087, %lt3A_1089 : vector<16xi32>
    %add3A_1091 = arith.constant 16 : i32
    %add3A_1092 = vector.broadcast %add3A_1091 : i32 to vector<16xi32>
    %add3A_1093 = arith.addi %max3A_1087, %add3A_1092 : vector<16xi32>
    %select_n3A_1094 = arith.select %lt3A_1090, %add3A_1093, %max3A_1087 : vector<16xi1>, vector<16xi32>
    %broadcast_in_dim3A_1095 = vector.shape_cast %select_n3A_1094 : vector<16xi32> to vector<16x1xi32>
    %gather3A_1096 = vector.shape_cast %broadcast_in_dim3A_1095 : vector<16x1xi32> to vector<16xi32>
    %gather3A_1097 = tpu.dynamic_gather %add3A_1081[%gather3A_1096] in [0] : vector<16xi32>, vector<16xi32> -> vector<16xi32>
    %ge3A_1098 = arith.constant 2 : i32
    %ge3A_1099 = vector.broadcast %ge3A_1098 : i32 to vector<16xi32>
    %ge3A_1100 = arith.cmpi sge, %iota3A_981, %ge3A_1099 : vector<16xi32>
    %jit3A_1101 = arith.constant 0 : i32
    %broadcast_in_dim3A_1102 = vector.broadcast %jit3A_1101 : i32 to vector<16xi32>
    %select_n3A_1103 = arith.select %ge3A_1100, %gather3A_1097, %broadcast_in_dim3A_1102 : vector<16xi1>, vector<16xi32>
    %add3A_1104 = arith.addi %add3A_1081, %select_n3A_1103 : vector<16xi32>
    %sub3A_1105 = arith.constant 4 : i32
    %sub3A_1106 = vector.broadcast %sub3A_1105 : i32 to vector<16xi32>
    %sub3A_1107 = arith.subi %iota3A_981, %sub3A_1106 : vector<16xi32>
    %max3A_1108 = arith.constant 0 : i32
    %max3A_1109 = vector.broadcast %max3A_1108 : i32 to vector<16xi32>
    %max3A_1110 = arith.maxsi %sub3A_1107, %max3A_1109 : vector<16xi32>
    %lt3A_1111 = arith.constant 0 : i32
    %lt3A_1112 = vector.broadcast %lt3A_1111 : i32 to vector<16xi32>
    %lt3A_1113 = arith.cmpi slt, %max3A_1110, %lt3A_1112 : vector<16xi32>
    %add3A_1114 = arith.constant 16 : i32
    %add3A_1115 = vector.broadcast %add3A_1114 : i32 to vector<16xi32>
    %add3A_1116 = arith.addi %max3A_1110, %add3A_1115 : vector<16xi32>
    %select_n3A_1117 = arith.select %lt3A_1113, %add3A_1116, %max3A_1110 : vector<16xi1>, vector<16xi32>
    %broadcast_in_dim3A_1118 = vector.shape_cast %select_n3A_1117 : vector<16xi32> to vector<16x1xi32>
    %gather3A_1119 = vector.shape_cast %broadcast_in_dim3A_1118 : vector<16x1xi32> to vector<16xi32>
    %gather3A_1120 = tpu.dynamic_gather %add3A_1104[%gather3A_1119] in [0] : vector<16xi32>, vector<16xi32> -> vector<16xi32>
    %ge3A_1121 = arith.constant 4 : i32
    %ge3A_1122 = vector.broadcast %ge3A_1121 : i32 to vector<16xi32>
    %ge3A_1123 = arith.cmpi sge, %iota3A_981, %ge3A_1122 : vector<16xi32>
    %jit3A_1124 = arith.constant 0 : i32
    %broadcast_in_dim3A_1125 = vector.broadcast %jit3A_1124 : i32 to vector<16xi32>
    %select_n3A_1126 = arith.select %ge3A_1123, %gather3A_1120, %broadcast_in_dim3A_1125 : vector<16xi1>, vector<16xi32>
    %add3A_1127 = arith.addi %add3A_1104, %select_n3A_1126 : vector<16xi32>
    %sub3A_1128 = arith.constant 8 : i32
    %sub3A_1129 = vector.broadcast %sub3A_1128 : i32 to vector<16xi32>
    %sub3A_1130 = arith.subi %iota3A_981, %sub3A_1129 : vector<16xi32>
    %max3A_1131 = arith.constant 0 : i32
    %max3A_1132 = vector.broadcast %max3A_1131 : i32 to vector<16xi32>
    %max3A_1133 = arith.maxsi %sub3A_1130, %max3A_1132 : vector<16xi32>
    %lt3A_1134 = arith.constant 0 : i32
    %lt3A_1135 = vector.broadcast %lt3A_1134 : i32 to vector<16xi32>
    %lt3A_1136 = arith.cmpi slt, %max3A_1133, %lt3A_1135 : vector<16xi32>
    %add3A_1137 = arith.constant 16 : i32
    %add3A_1138 = vector.broadcast %add3A_1137 : i32 to vector<16xi32>
    %add3A_1139 = arith.addi %max3A_1133, %add3A_1138 : vector<16xi32>
    %select_n3A_1140 = arith.select %lt3A_1136, %add3A_1139, %max3A_1133 : vector<16xi1>, vector<16xi32>
    %broadcast_in_dim3A_1141 = vector.shape_cast %select_n3A_1140 : vector<16xi32> to vector<16x1xi32>
    %gather3A_1142 = vector.shape_cast %broadcast_in_dim3A_1141 : vector<16x1xi32> to vector<16xi32>
    %gather3A_1143 = tpu.dynamic_gather %add3A_1127[%gather3A_1142] in [0] : vector<16xi32>, vector<16xi32> -> vector<16xi32>
    %ge3A_1144 = arith.constant 8 : i32
    %ge3A_1145 = vector.broadcast %ge3A_1144 : i32 to vector<16xi32>
    %ge3A_1146 = arith.cmpi sge, %iota3A_981, %ge3A_1145 : vector<16xi32>
    %jit3A_1147 = arith.constant 0 : i32
    %broadcast_in_dim3A_1148 = vector.broadcast %jit3A_1147 : i32 to vector<16xi32>
    %select_n3A_1149 = arith.select %ge3A_1146, %gather3A_1143, %broadcast_in_dim3A_1148 : vector<16xi1>, vector<16xi32>
    %add3A_1150 = arith.addi %add3A_1127, %select_n3A_1149 : vector<16xi32>
    %sub3A_1151 = arith.subi %add3A_1150, %while3A_1058 : vector<16xi32>
    %xor3A_1152 = arith.constant 8 : i32
    %xor3A_1153 = vector.broadcast %xor3A_1152 : i32 to vector<16xi32>
    %xor3A_1154 = arith.xori %iota3A_981, %xor3A_1153 : vector<16xi32>
    %lt3A_1155 = arith.constant 0 : i32
    %lt3A_1156 = vector.broadcast %lt3A_1155 : i32 to vector<16xi32>
    %lt3A_1157 = arith.cmpi slt, %xor3A_1154, %lt3A_1156 : vector<16xi32>
    %add3A_1158 = arith.constant 16 : i32
    %add3A_1159 = vector.broadcast %add3A_1158 : i32 to vector<16xi32>
    %add3A_1160 = arith.addi %xor3A_1154, %add3A_1159 : vector<16xi32>
    %select_n3A_1161 = arith.select %lt3A_1157, %add3A_1160, %xor3A_1154 : vector<16xi1>, vector<16xi32>
    %broadcast_in_dim3A_1162 = vector.shape_cast %select_n3A_1161 : vector<16xi32> to vector<16x1xi32>
    %gather3A_1163 = vector.shape_cast %broadcast_in_dim3A_1162 : vector<16x1xi32> to vector<16xi32>
    %gather3A_1164 = tpu.dynamic_gather %while3A_1058[%gather3A_1163] in [0] : vector<16xi32>, vector<16xi32> -> vector<16xi32>
    %max3A_1165 = arith.maxsi %while3A_1058, %gather3A_1164 : vector<16xi32>
    %xor3A_1166 = arith.constant 4 : i32
    %xor3A_1167 = vector.broadcast %xor3A_1166 : i32 to vector<16xi32>
    %xor3A_1168 = arith.xori %iota3A_981, %xor3A_1167 : vector<16xi32>
    %lt3A_1169 = arith.constant 0 : i32
    %lt3A_1170 = vector.broadcast %lt3A_1169 : i32 to vector<16xi32>
    %lt3A_1171 = arith.cmpi slt, %xor3A_1168, %lt3A_1170 : vector<16xi32>
    %add3A_1172 = arith.constant 16 : i32
    %add3A_1173 = vector.broadcast %add3A_1172 : i32 to vector<16xi32>
    %add3A_1174 = arith.addi %xor3A_1168, %add3A_1173 : vector<16xi32>
    %select_n3A_1175 = arith.select %lt3A_1171, %add3A_1174, %xor3A_1168 : vector<16xi1>, vector<16xi32>
    %broadcast_in_dim3A_1176 = vector.shape_cast %select_n3A_1175 : vector<16xi32> to vector<16x1xi32>
    %gather3A_1177 = vector.shape_cast %broadcast_in_dim3A_1176 : vector<16x1xi32> to vector<16xi32>
    %gather3A_1178 = tpu.dynamic_gather %max3A_1165[%gather3A_1177] in [0] : vector<16xi32>, vector<16xi32> -> vector<16xi32>
    %max3A_1179 = arith.maxsi %max3A_1165, %gather3A_1178 : vector<16xi32>
    %xor3A_1180 = arith.constant 2 : i32
    %xor3A_1181 = vector.broadcast %xor3A_1180 : i32 to vector<16xi32>
    %xor3A_1182 = arith.xori %iota3A_981, %xor3A_1181 : vector<16xi32>
    %lt3A_1183 = arith.constant 0 : i32
    %lt3A_1184 = vector.broadcast %lt3A_1183 : i32 to vector<16xi32>
    %lt3A_1185 = arith.cmpi slt, %xor3A_1182, %lt3A_1184 : vector<16xi32>
    %add3A_1186 = arith.constant 16 : i32
    %add3A_1187 = vector.broadcast %add3A_1186 : i32 to vector<16xi32>
    %add3A_1188 = arith.addi %xor3A_1182, %add3A_1187 : vector<16xi32>
    %select_n3A_1189 = arith.select %lt3A_1185, %add3A_1188, %xor3A_1182 : vector<16xi1>, vector<16xi32>
    %broadcast_in_dim3A_1190 = vector.shape_cast %select_n3A_1189 : vector<16xi32> to vector<16x1xi32>
    %gather3A_1191 = vector.shape_cast %broadcast_in_dim3A_1190 : vector<16x1xi32> to vector<16xi32>
    %gather3A_1192 = tpu.dynamic_gather %max3A_1179[%gather3A_1191] in [0] : vector<16xi32>, vector<16xi32> -> vector<16xi32>
    %max3A_1193 = arith.maxsi %max3A_1179, %gather3A_1192 : vector<16xi32>
    %xor3A_1194 = arith.constant 1 : i32
    %xor3A_1195 = vector.broadcast %xor3A_1194 : i32 to vector<16xi32>
    %xor3A_1196 = arith.xori %iota3A_981, %xor3A_1195 : vector<16xi32>
    %lt3A_1197 = arith.constant 0 : i32
    %lt3A_1198 = vector.broadcast %lt3A_1197 : i32 to vector<16xi32>
    %lt3A_1199 = arith.cmpi slt, %xor3A_1196, %lt3A_1198 : vector<16xi32>
    %add3A_1200 = arith.constant 16 : i32
    %add3A_1201 = vector.broadcast %add3A_1200 : i32 to vector<16xi32>
    %add3A_1202 = arith.addi %xor3A_1196, %add3A_1201 : vector<16xi32>
    %select_n3A_1203 = arith.select %lt3A_1199, %add3A_1202, %xor3A_1196 : vector<16xi1>, vector<16xi32>
    %broadcast_in_dim3A_1204 = vector.shape_cast %select_n3A_1203 : vector<16xi32> to vector<16x1xi32>
    %gather3A_1205 = vector.shape_cast %broadcast_in_dim3A_1204 : vector<16x1xi32> to vector<16xi32>
    %gather3A_1206 = tpu.dynamic_gather %max3A_1193[%gather3A_1205] in [0] : vector<16xi32>, vector<16xi32> -> vector<16xi32>
    %max3A_1207 = arith.maxsi %max3A_1193, %gather3A_1206 : vector<16xi32>
    %slice3A_1208 = vector.extract_strided_slice %max3A_1207 {offsets = [0], sizes = [1], strides = [1]} : vector<16xi32> to vector<1xi32>
    %squeeze3A_1209 = vector.extract %slice3A_1208[0] : i32 from vector<1xi32>
    %broadcast_in_dim3A_1210 = arith.constant 15 : i32
    %broadcast_in_dim3A_1211 = vector.broadcast %broadcast_in_dim3A_1210 : i32 to vector<16xi32>
    %lt3A_1212 = arith.constant 0 : i32
    %lt3A_1213 = vector.broadcast %lt3A_1212 : i32 to vector<16xi32>
    %lt3A_1214 = arith.cmpi slt, %broadcast_in_dim3A_1211, %lt3A_1213 : vector<16xi32>
    %add3A_1215 = arith.constant 16 : i32
    %add3A_1216 = vector.broadcast %add3A_1215 : i32 to vector<16xi32>
    %add3A_1217 = arith.addi %broadcast_in_dim3A_1211, %add3A_1216 : vector<16xi32>
    %select_n3A_1218 = arith.select %lt3A_1214, %add3A_1217, %broadcast_in_dim3A_1211 : vector<16xi1>, vector<16xi32>
    %broadcast_in_dim3A_1219 = vector.shape_cast %select_n3A_1218 : vector<16xi32> to vector<16x1xi32>
    %gather3A_1220 = vector.shape_cast %broadcast_in_dim3A_1219 : vector<16x1xi32> to vector<16xi32>
    %gather3A_1221 = tpu.dynamic_gather %add3A_1150[%gather3A_1220] in [0] : vector<16xi32>, vector<16xi32> -> vector<16xi32>
    %slice3A_1222 = vector.extract_strided_slice %gather3A_1221 {offsets = [0], sizes = [1], strides = [1]} : vector<16xi32> to vector<1xi32>
    %squeeze3A_1223 = vector.extract %slice3A_1222[0] : i32 from vector<1xi32>
    %while3A_1224 = arith.constant 0 : i32
    %while3A_1225 = arith.constant 0 : i32
    %while3A_1226 = arith.subi %squeeze3A_1209, %while3A_1224 : i32
    %while3A_1227 = arith.addi %while3A_1224, %while3A_1226 : i32
    %while3A_1228 = arith.constant 1 : i32
    %while3A_1229 = arith.divsi %while3A_1226, %while3A_1228 : i32
    %while3A_1230 = arith.muli %while3A_1229, %while3A_1228 : i32
    %while3A_1231 = arith.addi %while3A_1224, %while3A_1230 : i32
    %while3A_1232 = arith.constant 1 : i32
    %while3A_1233 = scf.for %while3A_1734 = %while3A_1224 to %while3A_1231 step %while3A_1232 iter_args(%while3A_1735 = %while3A_1225) -> (i32)  : i32 {
      %mul3A_1736 = arith.constant 64 : i32
      %mul3A_1737 = vector.broadcast %mul3A_1736 : i32 to vector<16xi32>
      %mul3A_1738 = arith.muli %iota3A_981, %mul3A_1737 : vector<16xi32>
      %add3A_1739 = vector.broadcast %while3A_1734 : i32 to vector<16xi32>
      %add3A_1740 = arith.addi %mul3A_1738, %add3A_1739 : vector<16xi32>
      %gather3A_1741 = tpu.vector_load_idx %arg9[%add3A_1740] : memref<1040xf32, #tpu.memory_space<vmem>>[vector<16xi32>], vector<16xf32>,
      %gather3A_1742 = tpu.vector_load_idx %arg10[%add3A_1740] : memref<1040xi32, #tpu.memory_space<vmem>>[vector<16xi32>], vector<16xi32>,
      %lt3A_1743 = vector.broadcast %while3A_1734 : i32 to vector<16xi32>
      %lt3A_1744 = arith.cmpi slt, %lt3A_1743, %while3A_1058 : vector<16xi32>
      %add3A_1745 = vector.broadcast %while3A_1734 : i32 to vector<16xi32>
      %add3A_1746 = arith.addi %sub3A_1151, %add3A_1745 : vector<16xi32>
      %add3A_1747 = arith.constant 2048 : i32
      %add3A_1748 = vector.broadcast %add3A_1747 : i32 to vector<16xi32>
      %add3A_1749 = arith.addi %add3A_1748, %iota3A_981 : vector<16xi32>
      %select_n3A_1750 = arith.select %lt3A_1744, %add3A_1746, %add3A_1749 : vector<16xi1>, vector<16xi32>
      tpu.vector_store_idx %arg11[%select_n3A_1750], %gather3A_1741 : memref<2064xf32, #tpu.memory_space<vmem>>[vector<16xi32>], vector<16xf32>,
      tpu.vector_store_idx %arg12[%select_n3A_1750], %gather3A_1742 : memref<2064xi32, #tpu.memory_space<vmem>>[vector<16xi32>], vector<16xi32>,
      %while3A_1751 = arith.constant 0 : i32
      scf.yield %while3A_1751 : i32
    }
    %while3A_1234 = arith.constant 1 : i32
    %while3A_1235 = scf.for %while3A_1734 = %while3A_1231 to %while3A_1227 step %while3A_1234 iter_args(%while3A_1735 = %while3A_1233) -> (i32)  : i32 {
      %mul3A_1736 = arith.constant 64 : i32
      %mul3A_1737 = vector.broadcast %mul3A_1736 : i32 to vector<16xi32>
      %mul3A_1738 = arith.muli %iota3A_981, %mul3A_1737 : vector<16xi32>
      %add3A_1739 = vector.broadcast %while3A_1734 : i32 to vector<16xi32>
      %add3A_1740 = arith.addi %mul3A_1738, %add3A_1739 : vector<16xi32>
      %gather3A_1741 = tpu.vector_load_idx %arg9[%add3A_1740] : memref<1040xf32, #tpu.memory_space<vmem>>[vector<16xi32>], vector<16xf32>,
      %gather3A_1742 = tpu.vector_load_idx %arg10[%add3A_1740] : memref<1040xi32, #tpu.memory_space<vmem>>[vector<16xi32>], vector<16xi32>,
      %lt3A_1743 = vector.broadcast %while3A_1734 : i32 to vector<16xi32>
      %lt3A_1744 = arith.cmpi slt, %lt3A_1743, %while3A_1058 : vector<16xi32>
      %add3A_1745 = vector.broadcast %while3A_1734 : i32 to vector<16xi32>
      %add3A_1746 = arith.addi %sub3A_1151, %add3A_1745 : vector<16xi32>
      %add3A_1747 = arith.constant 2048 : i32
      %add3A_1748 = vector.broadcast %add3A_1747 : i32 to vector<16xi32>
      %add3A_1749 = arith.addi %add3A_1748, %iota3A_981 : vector<16xi32>
      %select_n3A_1750 = arith.select %lt3A_1744, %add3A_1746, %add3A_1749 : vector<16xi1>, vector<16xi32>
      tpu.vector_store_idx %arg11[%select_n3A_1750], %gather3A_1741 : memref<2064xf32, #tpu.memory_space<vmem>>[vector<16xi32>], vector<16xf32>,
      tpu.vector_store_idx %arg12[%select_n3A_1750], %gather3A_1742 : memref<2064xi32, #tpu.memory_space<vmem>>[vector<16xi32>], vector<16xi32>,
      %while3A_1751 = arith.constant 0 : i32
      scf.yield %while3A_1751 : i32
    }
    %swap3A_1236 = arith.index_cast %squeeze3A_1223 : i32 to index
    %swap3A_1237 = tpu.vector_load %arg11[%swap3A_1236] {strides = array<i32>} : memref<2064xf32, #tpu.memory_space<vmem>>, vector<16xf32>,
    tpu.vector_store %arg11[%swap3A_1236], %broadcast_in_dim3A_881 {strides = array<i32>} : memref<2064xf32, #tpu.memory_space<vmem>>, vector<16xf32>,
    %add3A_1238 = arith.constant 16 : i32
    %add3A_1239 = arith.addi %squeeze3A_1223, %add3A_1238 : i32
    %sub3A_1240 = arith.constant 1 : i32
    %sub3A_1241 = arith.subi %add3A_1239, %sub3A_1240 : i32
    %jit3A_1242 = arith.constant 16 : i32
    %div3A_1243 = arith.divsi %sub3A_1241, %jit3A_1242 : i32
    %sign3A_1244 = arith.constant 0 : i32
    %sign3A_1245 = arith.cmpi sgt, %sub3A_1241, %sign3A_1244 : i32
    %sign3A_1246 = arith.extui %sign3A_1245 : i1 to i32
    %sign3A_1247 = arith.constant 0 : i32
    %sign3A_1248 = arith.cmpi slt, %sub3A_1241, %sign3A_1247 : i32
    %sign3A_1249 = arith.extui %sign3A_1248 : i1 to i32
    %sign3A_1250 = arith.subi %sign3A_1246, %sign3A_1249 : i32
    %sign3A_1251 = arith.constant 0 : i32
    %sign3A_1252 = arith.cmpi sgt, %jit3A_1242, %sign3A_1251 : i32
    %sign3A_1253 = arith.extui %sign3A_1252 : i1 to i32
    %sign3A_1254 = arith.constant 0 : i32
    %sign3A_1255 = arith.cmpi slt, %jit3A_1242, %sign3A_1254 : i32
    %sign3A_1256 = arith.extui %sign3A_1255 : i1 to i32
    %sign3A_1257 = arith.subi %sign3A_1253, %sign3A_1256 : i32
    %ne3A_1258 = arith.cmpi ne, %sign3A_1250, %sign3A_1257 : i32
    %rem3A_1259 = arith.remsi %sub3A_1241, %jit3A_1242 : i32
    %ne3A_1260 = arith.constant 0 : i32
    %ne3A_1261 = arith.cmpi ne, %rem3A_1259, %ne3A_1260 : i32
    %and3A_1262 = arith.andi %ne3A_1258, %ne3A_1261 : i1
    %sub3A_1263 = arith.constant 1 : i32
    %sub3A_1264 = arith.subi %div3A_1243, %sub3A_1263 : i32
    %select_n3A_1265 = arith.select %and3A_1262, %sub3A_1264, %div3A_1243 : i32
    %broadcast_in_dim3A_1266 = arith.constant 0.000000e+00 : f32
    %broadcast_in_dim3A_1267 = vector.broadcast %broadcast_in_dim3A_1266 : f32 to vector<16xf32>
    %broadcast_in_dim3A_1268 = arith.constant 0 : i32
    %broadcast_in_dim3A_1269 = vector.broadcast %broadcast_in_dim3A_1268 : i32 to vector<16xi32>
    %broadcast_in_dim3A_1270 = arith.constant 0x7F800000 : f32
    %broadcast_in_dim3A_1271 = vector.broadcast %broadcast_in_dim3A_1270 : f32 to vector<16xf32>
    %broadcast_in_dim3A_1272 = arith.constant -1 : i32
    %broadcast_in_dim3A_1273 = vector.broadcast %broadcast_in_dim3A_1272 : i32 to vector<16xi32>
    %scan3A_1274 = arith.constant 0 : i32
    %scan3A_1275 = arith.constant 32 : i32
    %scan3A_1276 = arith.addi %scan3A_1274, %scan3A_1275 : i32
    %scan3A_1277 = arith.constant 1 : i32
    %scan3A_1278:6 = scf.for %scan3A_1734 = %scan3A_1274 to %scan3A_1276 step %scan3A_1277 iter_args(%scan3A_1735 = %broadcast_in_dim3A_1271, %scan3A_1736 = %broadcast_in_dim3A_1273, %scan3A_1737 = %broadcast_in_dim3A_1267, %scan3A_1738 = %broadcast_in_dim3A_1267, %scan3A_1739 = %broadcast_in_dim3A_1269, %scan3A_1740 = %broadcast_in_dim3A_1269) -> (vector<16xf32>, vector<16xi32>, vector<16xf32>, vector<16xf32>, vector<16xi32>, vector<16xi32>)  : i32 {
      %broadcast_in_dim3A_1741 = arith.constant 1073741824 : i32
      %broadcast_in_dim3A_1742 = vector.broadcast %broadcast_in_dim3A_1741 : i32 to vector<16xi32>
      %while3A_1743 = arith.constant 0 : i32
      %while3A_1744 = arith.subi %select_n3A_1265, %while3A_1743 : i32
      %while3A_1745 = arith.addi %while3A_1743, %while3A_1744 : i32
      %while3A_1746 = arith.constant 1 : i32
      %while3A_1747 = arith.divsi %while3A_1744, %while3A_1746 : i32
      %while3A_1748 = arith.muli %while3A_1747, %while3A_1746 : i32
      %while3A_1749 = arith.addi %while3A_1743, %while3A_1748 : i32
      %while3A_1750 = arith.constant 1 : i32
      %while3A_1751:2 = scf.for %while3A_1889 = %while3A_1743 to %while3A_1749 step %while3A_1750 iter_args(%while3A_1890 = %broadcast_in_dim3A_881, %while3A_1891 = %broadcast_in_dim3A_1742) -> (vector<16xf32>, vector<16xi32>)  : i32 {
        %mul3A_1892 = arith.constant 16 : i32
        %mul3A_1893 = arith.muli %while3A_1889, %mul3A_1892 : i32
        %get3A = arith.index_cast %mul3A_1893 : i32 to index
        %get3A_1894 = tpu.vector_load %arg11[%get3A] {strides = array<i32>} : memref<2064xf32, #tpu.memory_space<vmem>>, vector<16xf32>,
        %mul3A_1895 = arith.constant 16 : i32
        %mul3A_1896 = arith.muli %while3A_1889, %mul3A_1895 : i32
        %get3A_1897 = arith.index_cast %mul3A_1896 : i32 to index
        %get3A_1898 = tpu.vector_load %arg12[%get3A_1897] {strides = array<i32>} : memref<2064xi32, #tpu.memory_space<vmem>>, vector<16xi32>,
        %lt3A_1899 = arith.cmpf olt, %get3A_1894, %scan3A_1735 : vector<16xf32>
        %eq3A_1900 = arith.cmpf oeq, %get3A_1894, %scan3A_1735 : vector<16xf32>
        %gt3A_1901 = arith.cmpi sgt, %get3A_1898, %scan3A_1736 : vector<16xi32>
        %and3A_1902 = arith.andi %eq3A_1900, %gt3A_1901 : vector<16xi1>
        %or3A_1903 = arith.ori %lt3A_1899, %and3A_1902 : vector<16xi1>
        %jit3A_1904 = arith.constant 0xFF800000 : f32
        %broadcast_in_dim3A_1905 = vector.broadcast %jit3A_1904 : f32 to vector<16xf32>
        %select_n3A_1906 = arith.select %or3A_1903, %get3A_1894, %broadcast_in_dim3A_1905 : vector<16xi1>, vector<16xf32>
        %gt3A_1907 = arith.cmpf ogt, %select_n3A_1906, %while3A_1890 : vector<16xf32>
        %eq3A_1908 = arith.cmpf oeq, %select_n3A_1906, %while3A_1890 : vector<16xf32>
        %lt3A_1909 = arith.cmpi slt, %get3A_1898, %while3A_1891 : vector<16xi32>
        %and3A_1910 = arith.andi %eq3A_1908, %lt3A_1909 : vector<16xi1>
        %or3A_1911 = arith.ori %gt3A_1907, %and3A_1910 : vector<16xi1>
        %select_n3A_1912 = arith.select %or3A_1911, %select_n3A_1906, %while3A_1890 : vector<16xi1>, vector<16xf32>
        %select_n3A_1913 = arith.select %or3A_1911, %get3A_1898, %while3A_1891 : vector<16xi1>, vector<16xi32>
        scf.yield %select_n3A_1912, %select_n3A_1913 : vector<16xf32>, vector<16xi32>
      }
      %while3A_1752 = arith.constant 1 : i32
      %while3A_1753:2 = scf.for %while3A_1889 = %while3A_1749 to %while3A_1745 step %while3A_1752 iter_args(%while3A_1890 = %while3A_1751#0, %while3A_1891 = %while3A_1751#1) -> (vector<16xf32>, vector<16xi32>)  : i32 {
        %mul3A_1892 = arith.constant 16 : i32
        %mul3A_1893 = arith.muli %while3A_1889, %mul3A_1892 : i32
        %get3A = arith.index_cast %mul3A_1893 : i32 to index
        %get3A_1894 = tpu.vector_load %arg11[%get3A] {strides = array<i32>} : memref<2064xf32, #tpu.memory_space<vmem>>, vector<16xf32>,
        %mul3A_1895 = arith.constant 16 : i32
        %mul3A_1896 = arith.muli %while3A_1889, %mul3A_1895 : i32
        %get3A_1897 = arith.index_cast %mul3A_1896 : i32 to index
        %get3A_1898 = tpu.vector_load %arg12[%get3A_1897] {strides = array<i32>} : memref<2064xi32, #tpu.memory_space<vmem>>, vector<16xi32>,
        %lt3A_1899 = arith.cmpf olt, %get3A_1894, %scan3A_1735 : vector<16xf32>
        %eq3A_1900 = arith.cmpf oeq, %get3A_1894, %scan3A_1735 : vector<16xf32>
        %gt3A_1901 = arith.cmpi sgt, %get3A_1898, %scan3A_1736 : vector<16xi32>
        %and3A_1902 = arith.andi %eq3A_1900, %gt3A_1901 : vector<16xi1>
        %or3A_1903 = arith.ori %lt3A_1899, %and3A_1902 : vector<16xi1>
        %jit3A_1904 = arith.constant 0xFF800000 : f32
        %broadcast_in_dim3A_1905 = vector.broadcast %jit3A_1904 : f32 to vector<16xf32>
        %select_n3A_1906 = arith.select %or3A_1903, %get3A_1894, %broadcast_in_dim3A_1905 : vector<16xi1>, vector<16xf32>
        %gt3A_1907 = arith.cmpf ogt, %select_n3A_1906, %while3A_1890 : vector<16xf32>
        %eq3A_1908 = arith.cmpf oeq, %select_n3A_1906, %while3A_1890 : vector<16xf32>
        %lt3A_1909 = arith.cmpi slt, %get3A_1898, %while3A_1891 : vector<16xi32>
        %and3A_1910 = arith.andi %eq3A_1908, %lt3A_1909 : vector<16xi1>
        %or3A_1911 = arith.ori %gt3A_1907, %and3A_1910 : vector<16xi1>
        %select_n3A_1912 = arith.select %or3A_1911, %select_n3A_1906, %while3A_1890 : vector<16xi1>, vector<16xf32>
        %select_n3A_1913 = arith.select %or3A_1911, %get3A_1898, %while3A_1891 : vector<16xi1>, vector<16xi32>
        scf.yield %select_n3A_1912, %select_n3A_1913 : vector<16xf32>, vector<16xi32>
      }
      %xor3A_1754 = arith.constant 8 : i32
      %xor3A_1755 = vector.broadcast %xor3A_1754 : i32 to vector<16xi32>
      %xor3A_1756 = arith.xori %iota3A_981, %xor3A_1755 : vector<16xi32>
      %lt3A_1757 = arith.constant 0 : i32
      %lt3A_1758 = vector.broadcast %lt3A_1757 : i32 to vector<16xi32>
      %lt3A_1759 = arith.cmpi slt, %xor3A_1756, %lt3A_1758 : vector<16xi32>
      %add3A_1760 = arith.constant 16 : i32
      %add3A_1761 = vector.broadcast %add3A_1760 : i32 to vector<16xi32>
      %add3A_1762 = arith.addi %xor3A_1756, %add3A_1761 : vector<16xi32>
      %select_n3A_1763 = arith.select %lt3A_1759, %add3A_1762, %xor3A_1756 : vector<16xi1>, vector<16xi32>
      %broadcast_in_dim3A_1764 = vector.shape_cast %select_n3A_1763 : vector<16xi32> to vector<16x1xi32>
      %gather3A_1765 = vector.shape_cast %broadcast_in_dim3A_1764 : vector<16x1xi32> to vector<16xi32>
      %gather3A_1766 = tpu.dynamic_gather %while3A_1753#0[%gather3A_1765] in [0] : vector<16xf32>, vector<16xi32> -> vector<16xf32>
      %lt3A_1767 = arith.constant 0 : i32
      %lt3A_1768 = vector.broadcast %lt3A_1767 : i32 to vector<16xi32>
      %lt3A_1769 = arith.cmpi slt, %xor3A_1756, %lt3A_1768 : vector<16xi32>
      %add3A_1770 = arith.constant 16 : i32
      %add3A_1771 = vector.broadcast %add3A_1770 : i32 to vector<16xi32>
      %add3A_1772 = arith.addi %xor3A_1756, %add3A_1771 : vector<16xi32>
      %select_n3A_1773 = arith.select %lt3A_1769, %add3A_1772, %xor3A_1756 : vector<16xi1>, vector<16xi32>
      %broadcast_in_dim3A_1774 = vector.shape_cast %select_n3A_1773 : vector<16xi32> to vector<16x1xi32>
      %gather3A_1775 = vector.shape_cast %broadcast_in_dim3A_1774 : vector<16x1xi32> to vector<16xi32>
      %gather3A_1776 = tpu.dynamic_gather %while3A_1753#1[%gather3A_1775] in [0] : vector<16xi32>, vector<16xi32> -> vector<16xi32>
      %gt3A = arith.cmpf ogt, %gather3A_1766, %while3A_1753#0 : vector<16xf32>
      %eq3A = arith.cmpf oeq, %gather3A_1766, %while3A_1753#0 : vector<16xf32>
      %lt3A_1777 = arith.cmpi slt, %gather3A_1776, %while3A_1753#1 : vector<16xi32>
      %and3A_1778 = arith.andi %eq3A, %lt3A_1777 : vector<16xi1>
      %or3A = arith.ori %gt3A, %and3A_1778 : vector<16xi1>
      %select_n3A_1779 = arith.select %or3A, %gather3A_1766, %while3A_1753#0 : vector<16xi1>, vector<16xf32>
      %select_n3A_1780 = arith.select %or3A, %gather3A_1776, %while3A_1753#1 : vector<16xi1>, vector<16xi32>
      %xor3A_1781 = arith.constant 4 : i32
      %xor3A_1782 = vector.broadcast %xor3A_1781 : i32 to vector<16xi32>
      %xor3A_1783 = arith.xori %iota3A_981, %xor3A_1782 : vector<16xi32>
      %lt3A_1784 = arith.constant 0 : i32
      %lt3A_1785 = vector.broadcast %lt3A_1784 : i32 to vector<16xi32>
      %lt3A_1786 = arith.cmpi slt, %xor3A_1783, %lt3A_1785 : vector<16xi32>
      %add3A_1787 = arith.constant 16 : i32
      %add3A_1788 = vector.broadcast %add3A_1787 : i32 to vector<16xi32>
      %add3A_1789 = arith.addi %xor3A_1783, %add3A_1788 : vector<16xi32>
      %select_n3A_1790 = arith.select %lt3A_1786, %add3A_1789, %xor3A_1783 : vector<16xi1>, vector<16xi32>
      %broadcast_in_dim3A_1791 = vector.shape_cast %select_n3A_1790 : vector<16xi32> to vector<16x1xi32>
      %gather3A_1792 = vector.shape_cast %broadcast_in_dim3A_1791 : vector<16x1xi32> to vector<16xi32>
      %gather3A_1793 = tpu.dynamic_gather %select_n3A_1779[%gather3A_1792] in [0] : vector<16xf32>, vector<16xi32> -> vector<16xf32>
      %lt3A_1794 = arith.constant 0 : i32
      %lt3A_1795 = vector.broadcast %lt3A_1794 : i32 to vector<16xi32>
      %lt3A_1796 = arith.cmpi slt, %xor3A_1783, %lt3A_1795 : vector<16xi32>
      %add3A_1797 = arith.constant 16 : i32
      %add3A_1798 = vector.broadcast %add3A_1797 : i32 to vector<16xi32>
      %add3A_1799 = arith.addi %xor3A_1783, %add3A_1798 : vector<16xi32>
      %select_n3A_1800 = arith.select %lt3A_1796, %add3A_1799, %xor3A_1783 : vector<16xi1>, vector<16xi32>
      %broadcast_in_dim3A_1801 = vector.shape_cast %select_n3A_1800 : vector<16xi32> to vector<16x1xi32>
      %gather3A_1802 = vector.shape_cast %broadcast_in_dim3A_1801 : vector<16x1xi32> to vector<16xi32>
      %gather3A_1803 = tpu.dynamic_gather %select_n3A_1780[%gather3A_1802] in [0] : vector<16xi32>, vector<16xi32> -> vector<16xi32>
      %gt3A_1804 = arith.cmpf ogt, %gather3A_1793, %select_n3A_1779 : vector<16xf32>
      %eq3A_1805 = arith.cmpf oeq, %gather3A_1793, %select_n3A_1779 : vector<16xf32>
      %lt3A_1806 = arith.cmpi slt, %gather3A_1803, %select_n3A_1780 : vector<16xi32>
      %and3A_1807 = arith.andi %eq3A_1805, %lt3A_1806 : vector<16xi1>
      %or3A_1808 = arith.ori %gt3A_1804, %and3A_1807 : vector<16xi1>
      %select_n3A_1809 = arith.select %or3A_1808, %gather3A_1793, %select_n3A_1779 : vector<16xi1>, vector<16xf32>
      %select_n3A_1810 = arith.select %or3A_1808, %gather3A_1803, %select_n3A_1780 : vector<16xi1>, vector<16xi32>
      %xor3A_1811 = arith.constant 2 : i32
      %xor3A_1812 = vector.broadcast %xor3A_1811 : i32 to vector<16xi32>
      %xor3A_1813 = arith.xori %iota3A_981, %xor3A_1812 : vector<16xi32>
      %lt3A_1814 = arith.constant 0 : i32
      %lt3A_1815 = vector.broadcast %lt3A_1814 : i32 to vector<16xi32>
      %lt3A_1816 = arith.cmpi slt, %xor3A_1813, %lt3A_1815 : vector<16xi32>
      %add3A_1817 = arith.constant 16 : i32
      %add3A_1818 = vector.broadcast %add3A_1817 : i32 to vector<16xi32>
      %add3A_1819 = arith.addi %xor3A_1813, %add3A_1818 : vector<16xi32>
      %select_n3A_1820 = arith.select %lt3A_1816, %add3A_1819, %xor3A_1813 : vector<16xi1>, vector<16xi32>
      %broadcast_in_dim3A_1821 = vector.shape_cast %select_n3A_1820 : vector<16xi32> to vector<16x1xi32>
      %gather3A_1822 = vector.shape_cast %broadcast_in_dim3A_1821 : vector<16x1xi32> to vector<16xi32>
      %gather3A_1823 = tpu.dynamic_gather %select_n3A_1809[%gather3A_1822] in [0] : vector<16xf32>, vector<16xi32> -> vector<16xf32>
      %lt3A_1824 = arith.constant 0 : i32
      %lt3A_1825 = vector.broadcast %lt3A_1824 : i32 to vector<16xi32>
      %lt3A_1826 = arith.cmpi slt, %xor3A_1813, %lt3A_1825 : vector<16xi32>
      %add3A_1827 = arith.constant 16 : i32
      %add3A_1828 = vector.broadcast %add3A_1827 : i32 to vector<16xi32>
      %add3A_1829 = arith.addi %xor3A_1813, %add3A_1828 : vector<16xi32>
      %select_n3A_1830 = arith.select %lt3A_1826, %add3A_1829, %xor3A_1813 : vector<16xi1>, vector<16xi32>
      %broadcast_in_dim3A_1831 = vector.shape_cast %select_n3A_1830 : vector<16xi32> to vector<16x1xi32>
      %gather3A_1832 = vector.shape_cast %broadcast_in_dim3A_1831 : vector<16x1xi32> to vector<16xi32>
      %gather3A_1833 = tpu.dynamic_gather %select_n3A_1810[%gather3A_1832] in [0] : vector<16xi32>, vector<16xi32> -> vector<16xi32>
      %gt3A_1834 = arith.cmpf ogt, %gather3A_1823, %select_n3A_1809 : vector<16xf32>
      %eq3A_1835 = arith.cmpf oeq, %gather3A_1823, %select_n3A_1809 : vector<16xf32>
      %lt3A_1836 = arith.cmpi slt, %gather3A_1833, %select_n3A_1810 : vector<16xi32>
      %and3A_1837 = arith.andi %eq3A_1835, %lt3A_1836 : vector<16xi1>
      %or3A_1838 = arith.ori %gt3A_1834, %and3A_1837 : vector<16xi1>
      %select_n3A_1839 = arith.select %or3A_1838, %gather3A_1823, %select_n3A_1809 : vector<16xi1>, vector<16xf32>
      %select_n3A_1840 = arith.select %or3A_1838, %gather3A_1833, %select_n3A_1810 : vector<16xi1>, vector<16xi32>
      %xor3A_1841 = arith.constant 1 : i32
      %xor3A_1842 = vector.broadcast %xor3A_1841 : i32 to vector<16xi32>
      %xor3A_1843 = arith.xori %iota3A_981, %xor3A_1842 : vector<16xi32>
      %lt3A_1844 = arith.constant 0 : i32
      %lt3A_1845 = vector.broadcast %lt3A_1844 : i32 to vector<16xi32>
      %lt3A_1846 = arith.cmpi slt, %xor3A_1843, %lt3A_1845 : vector<16xi32>
      %add3A_1847 = arith.constant 16 : i32
      %add3A_1848 = vector.broadcast %add3A_1847 : i32 to vector<16xi32>
      %add3A_1849 = arith.addi %xor3A_1843, %add3A_1848 : vector<16xi32>
      %select_n3A_1850 = arith.select %lt3A_1846, %add3A_1849, %xor3A_1843 : vector<16xi1>, vector<16xi32>
      %broadcast_in_dim3A_1851 = vector.shape_cast %select_n3A_1850 : vector<16xi32> to vector<16x1xi32>
      %gather3A_1852 = vector.shape_cast %broadcast_in_dim3A_1851 : vector<16x1xi32> to vector<16xi32>
      %gather3A_1853 = tpu.dynamic_gather %select_n3A_1839[%gather3A_1852] in [0] : vector<16xf32>, vector<16xi32> -> vector<16xf32>
      %lt3A_1854 = arith.constant 0 : i32
      %lt3A_1855 = vector.broadcast %lt3A_1854 : i32 to vector<16xi32>
      %lt3A_1856 = arith.cmpi slt, %xor3A_1843, %lt3A_1855 : vector<16xi32>
      %add3A_1857 = arith.constant 16 : i32
      %add3A_1858 = vector.broadcast %add3A_1857 : i32 to vector<16xi32>
      %add3A_1859 = arith.addi %xor3A_1843, %add3A_1858 : vector<16xi32>
      %select_n3A_1860 = arith.select %lt3A_1856, %add3A_1859, %xor3A_1843 : vector<16xi1>, vector<16xi32>
      %broadcast_in_dim3A_1861 = vector.shape_cast %select_n3A_1860 : vector<16xi32> to vector<16x1xi32>
      %gather3A_1862 = vector.shape_cast %broadcast_in_dim3A_1861 : vector<16x1xi32> to vector<16xi32>
      %gather3A_1863 = tpu.dynamic_gather %select_n3A_1840[%gather3A_1862] in [0] : vector<16xi32>, vector<16xi32> -> vector<16xi32>
      %gt3A_1864 = arith.cmpf ogt, %gather3A_1853, %select_n3A_1839 : vector<16xf32>
      %eq3A_1865 = arith.cmpf oeq, %gather3A_1853, %select_n3A_1839 : vector<16xf32>
      %lt3A_1866 = arith.cmpi slt, %gather3A_1863, %select_n3A_1840 : vector<16xi32>
      %and3A_1867 = arith.andi %eq3A_1865, %lt3A_1866 : vector<16xi1>
      %or3A_1868 = arith.ori %gt3A_1864, %and3A_1867 : vector<16xi1>
      %select_n3A_1869 = arith.select %or3A_1868, %gather3A_1853, %select_n3A_1839 : vector<16xi1>, vector<16xf32>
      %select_n3A_1870 = arith.select %or3A_1868, %gather3A_1863, %select_n3A_1840 : vector<16xi1>, vector<16xi32>
      %lt3A_1871 = arith.constant 16 : i32
      %lt3A_1872 = arith.cmpi slt, %scan3A_1734, %lt3A_1871 : i32
      %eq3A_1873 = vector.broadcast %scan3A_1734 : i32 to vector<16xi32>
      %eq3A_1874 = arith.cmpi eq, %iota3A_981, %eq3A_1873 : vector<16xi32>
      %and3A_1875 = vector.broadcast %lt3A_1872 : i1 to vector<16xi1>
      %and3A_1876 = arith.andi %and3A_1875, %eq3A_1874 : vector<16xi1>
      %ge3A_1877 = arith.constant 16 : i32
      %ge3A_1878 = arith.cmpi sge, %scan3A_1734, %ge3A_1877 : i32
      %sub3A_1879 = arith.constant 16 : i32
      %sub3A_1880 = arith.subi %scan3A_1734, %sub3A_1879 : i32
      %eq3A_1881 = vector.broadcast %sub3A_1880 : i32 to vector<16xi32>
      %eq3A_1882 = arith.cmpi eq, %iota3A_981, %eq3A_1881 : vector<16xi32>
      %and3A_1883 = vector.broadcast %ge3A_1878 : i1 to vector<16xi1>
      %and3A_1884 = arith.andi %and3A_1883, %eq3A_1882 : vector<16xi1>
      %select_n3A_1885 = arith.select %and3A_1876, %select_n3A_1869, %scan3A_1737 : vector<16xi1>, vector<16xf32>
      %select_n3A_1886 = arith.select %and3A_1884, %select_n3A_1869, %scan3A_1738 : vector<16xi1>, vector<16xf32>
      %select_n3A_1887 = arith.select %and3A_1876, %select_n3A_1870, %scan3A_1739 : vector<16xi1>, vector<16xi32>
      %select_n3A_1888 = arith.select %and3A_1884, %select_n3A_1870, %scan3A_1740 : vector<16xi1>, vector<16xi32>
      scf.yield %select_n3A_1869, %select_n3A_1870, %select_n3A_1885, %select_n3A_1886, %select_n3A_1887, %select_n3A_1888 : vector<16xf32>, vector<16xi32>, vector<16xf32>, vector<16xf32>, vector<16xi32>, vector<16xi32>
    }
    %scan3A_1279 = arith.constant 32 : i32
    %swap3A_1280 = arith.constant 2 : i32
    %swap3A_1281 = arith.constant 0 : i32
    %swap3A_1282 = tpu.memref_slice %arg13[%swap3A_1280, %swap3A_1281] : memref<4x32xf32, #tpu.memory_space<vmem>> -> memref<1x32xf32, #tpu.memory_space<vmem>>
    %swap3A_1283 = tpu.memref_squeeze %swap3A_1282 : memref<1x32xf32, #tpu.memory_space<vmem>> -> memref<32xf32, #tpu.memory_space<vmem>>
    %swap3A_1284 = arith.constant 0 : index
    %swap3A_1285 = tpu.vector_load %swap3A_1283[%swap3A_1284] {strides = array<i32>} : memref<32xf32, #tpu.memory_space<vmem>>, vector<16xf32>,
    tpu.vector_store %swap3A_1283[%swap3A_1284], %scan3A_1278#2 {strides = array<i32>} : memref<32xf32, #tpu.memory_space<vmem>>, vector<16xf32>,
    %swap3A_1286 = arith.constant 2 : i32
    %swap3A_1287 = arith.constant 0 : i32
    %swap3A_1288 = tpu.memref_slice %arg13[%swap3A_1286, %swap3A_1287] : memref<4x32xf32, #tpu.memory_space<vmem>> -> memref<1x32xf32, #tpu.memory_space<vmem>>
    %swap3A_1289 = tpu.memref_squeeze %swap3A_1288 : memref<1x32xf32, #tpu.memory_space<vmem>> -> memref<32xf32, #tpu.memory_space<vmem>>
    %swap3A_1290 = arith.constant 16 : index
    %swap3A_1291 = tpu.vector_load %swap3A_1289[%swap3A_1290] {strides = array<i32>} : memref<32xf32, #tpu.memory_space<vmem>>, vector<16xf32>,
    tpu.vector_store %swap3A_1289[%swap3A_1290], %scan3A_1278#3 {strides = array<i32>} : memref<32xf32, #tpu.memory_space<vmem>>, vector<16xf32>,
    %swap3A_1292 = arith.constant 2 : i32
    %swap3A_1293 = arith.constant 0 : i32
    %swap3A_1294 = tpu.memref_slice %arg14[%swap3A_1292, %swap3A_1293] : memref<4x32xi32, #tpu.memory_space<vmem>> -> memref<1x32xi32, #tpu.memory_space<vmem>>
    %swap3A_1295 = tpu.memref_squeeze %swap3A_1294 : memref<1x32xi32, #tpu.memory_space<vmem>> -> memref<32xi32, #tpu.memory_space<vmem>>
    %swap3A_1296 = arith.constant 0 : index
    %swap3A_1297 = tpu.vector_load %swap3A_1295[%swap3A_1296] {strides = array<i32>} : memref<32xi32, #tpu.memory_space<vmem>>, vector<16xi32>,
    tpu.vector_store %swap3A_1295[%swap3A_1296], %scan3A_1278#4 {strides = array<i32>} : memref<32xi32, #tpu.memory_space<vmem>>, vector<16xi32>,
    %swap3A_1298 = arith.constant 2 : i32
    %swap3A_1299 = arith.constant 0 : i32
    %swap3A_1300 = tpu.memref_slice %arg14[%swap3A_1298, %swap3A_1299] : memref<4x32xi32, #tpu.memory_space<vmem>> -> memref<1x32xi32, #tpu.memory_space<vmem>>
    %swap3A_1301 = tpu.memref_squeeze %swap3A_1300 : memref<1x32xi32, #tpu.memory_space<vmem>> -> memref<32xi32, #tpu.memory_space<vmem>>
    %swap3A_1302 = arith.constant 16 : index
    %swap3A_1303 = tpu.vector_load %swap3A_1301[%swap3A_1302] {strides = array<i32>} : memref<32xi32, #tpu.memory_space<vmem>>, vector<16xi32>,
    tpu.vector_store %swap3A_1301[%swap3A_1302], %scan3A_1278#5 {strides = array<i32>} : memref<32xi32, #tpu.memory_space<vmem>>, vector<16xi32>,
    %dma_wait3A_1304 = arith.constant 0 : i32
    %dma_wait3A_1305 = tpu.memref_slice %arg2[%add3A_867, %dma_wait3A_1304] : memref<128x32768xf32, #tpu.memory_space<hbm>> -> memref<1x32768xf32, #tpu.memory_space<hbm>>
    %dma_wait3A_1306 = tpu.memref_squeeze %dma_wait3A_1305 : memref<1x32768xf32, #tpu.memory_space<hbm>> -> memref<32768xf32, #tpu.memory_space<hbm>>
    %dma_wait3A_1307 = arith.constant 0 : i32
    %dma_wait3A_1308 = tpu.memref_slice %arg2[%add3A_867, %dma_wait3A_1307] : memref<128x32768xf32, #tpu.memory_space<hbm>> -> memref<1x32768xf32, #tpu.memory_space<hbm>>
    %dma_wait3A_1309 = tpu.memref_squeeze %dma_wait3A_1308 : memref<1x32768xf32, #tpu.memory_space<hbm>> -> memref<32768xf32, #tpu.memory_space<hbm>>
    tpu.wait_dma2 semaphore(%arg16 : memref<!tpu.dma_semaphore, #tpu.memory_space<semaphore_mem>>) src(%dma_wait3A_1309 : memref<32768xf32, #tpu.memory_space<hbm>>) dst(%arg6 : memref<32768xf32, #tpu.memory_space<vmem>>)
    %broadcast_in_dim3A_1310 = arith.constant 0xFF800000 : f32
    %broadcast_in_dim3A_1311 = vector.broadcast %broadcast_in_dim3A_1310 : f32 to vector<16xf32>
    %scan3A_1312 = arith.constant 0 : i32
    %scan3A_1313 = arith.constant 256 : i32
    %scan3A_1314 = arith.addi %scan3A_1312, %scan3A_1313 : i32
    %scan3A_1315 = arith.constant 2 : i32
    %scan3A_1316:4 = scf.for %scan3A_1734 = %scan3A_1312 to %scan3A_1314 step %scan3A_1315 iter_args(%scan3A_1735 = %broadcast_in_dim3A_1311, %scan3A_1736 = %broadcast_in_dim3A_1311, %scan3A_1737 = %broadcast_in_dim3A_1311, %scan3A_1738 = %broadcast_in_dim3A_1311) -> (vector<16xf32>, vector<16xf32>, vector<16xf32>, vector<16xf32>)  : i32 {
      %mul3A_1739 = arith.constant 128 : i32
      %mul3A_1740 = arith.muli %scan3A_1734, %mul3A_1739 : i32
      %add3A_1741 = arith.constant 0 : i32
      %add3A_1742 = arith.addi %mul3A_1740, %add3A_1741 : i32
      %get3A = arith.index_cast %add3A_1742 : i32 to index
      %get3A_1743 = tpu.vector_load %arg6[%get3A] {strides = array<i32>} : memref<32768xf32, #tpu.memory_space<vmem>>, vector<16xf32>,
      %add3A_1744 = arith.constant 16 : i32
      %add3A_1745 = arith.addi %mul3A_1740, %add3A_1744 : i32
      %get3A_1746 = arith.index_cast %add3A_1745 : i32 to index
      %get3A_1747 = tpu.vector_load %arg6[%get3A_1746] {strides = array<i32>} : memref<32768xf32, #tpu.memory_space<vmem>>, vector<16xf32>,
      %add3A_1748 = arith.constant 32 : i32
      %add3A_1749 = arith.addi %mul3A_1740, %add3A_1748 : i32
      %get3A_1750 = arith.index_cast %add3A_1749 : i32 to index
      %get3A_1751 = tpu.vector_load %arg6[%get3A_1750] {strides = array<i32>} : memref<32768xf32, #tpu.memory_space<vmem>>, vector<16xf32>,
      %add3A_1752 = arith.constant 48 : i32
      %add3A_1753 = arith.addi %mul3A_1740, %add3A_1752 : i32
      %get3A_1754 = arith.index_cast %add3A_1753 : i32 to index
      %get3A_1755 = tpu.vector_load %arg6[%get3A_1754] {strides = array<i32>} : memref<32768xf32, #tpu.memory_space<vmem>>, vector<16xf32>,
      %add3A_1756 = arith.constant 64 : i32
      %add3A_1757 = arith.addi %mul3A_1740, %add3A_1756 : i32
      %get3A_1758 = arith.index_cast %add3A_1757 : i32 to index
      %get3A_1759 = tpu.vector_load %arg6[%get3A_1758] {strides = array<i32>} : memref<32768xf32, #tpu.memory_space<vmem>>, vector<16xf32>,
      %add3A_1760 = arith.constant 80 : i32
      %add3A_1761 = arith.addi %mul3A_1740, %add3A_1760 : i32
      %get3A_1762 = arith.index_cast %add3A_1761 : i32 to index
      %get3A_1763 = tpu.vector_load %arg6[%get3A_1762] {strides = array<i32>} : memref<32768xf32, #tpu.memory_space<vmem>>, vector<16xf32>,
      %add3A_1764 = arith.constant 96 : i32
      %add3A_1765 = arith.addi %mul3A_1740, %add3A_1764 : i32
      %get3A_1766 = arith.index_cast %add3A_1765 : i32 to index
      %get3A_1767 = tpu.vector_load %arg6[%get3A_1766] {strides = array<i32>} : memref<32768xf32, #tpu.memory_space<vmem>>, vector<16xf32>,
      %add3A_1768 = arith.constant 112 : i32
      %add3A_1769 = arith.addi %mul3A_1740, %add3A_1768 : i32
      %get3A_1770 = arith.index_cast %add3A_1769 : i32 to index
      %get3A_1771 = tpu.vector_load %arg6[%get3A_1770] {strides = array<i32>} : memref<32768xf32, #tpu.memory_space<vmem>>, vector<16xf32>,
      %max3A_1772 = arith.maximumf %get3A_1743, %get3A_1747 : vector<16xf32>
      %max3A_1773 = arith.maximumf %get3A_1751, %get3A_1755 : vector<16xf32>
      %max3A_1774 = arith.maximumf %get3A_1759, %get3A_1763 : vector<16xf32>
      %max3A_1775 = arith.maximumf %get3A_1767, %get3A_1771 : vector<16xf32>
      %max3A_1776 = arith.maximumf %max3A_1772, %max3A_1773 : vector<16xf32>
      %max3A_1777 = arith.maximumf %max3A_1774, %max3A_1775 : vector<16xf32>
      %max3A_1778 = arith.maximumf %max3A_1776, %max3A_1777 : vector<16xf32>
      %mul3A_1779 = arith.constant 16 : i32
      %mul3A_1780 = arith.muli %scan3A_1734, %mul3A_1779 : i32
      %swap3A_1781 = arith.index_cast %mul3A_1780 : i32 to index
      %swap3A_1782 = tpu.vector_load %arg7[%swap3A_1781] {strides = array<i32>} : memref<4096xf32, #tpu.memory_space<vmem>>, vector<16xf32>,
      tpu.vector_store %arg7[%swap3A_1781], %max3A_1778 {strides = array<i32>} : memref<4096xf32, #tpu.memory_space<vmem>>, vector<16xf32>,
      %max3A_1783 = arith.maximumf %scan3A_1735, %max3A_1772 : vector<16xf32>
      %max3A_1784 = arith.maximumf %scan3A_1736, %max3A_1773 : vector<16xf32>
      %max3A_1785 = arith.maximumf %scan3A_1737, %max3A_1774 : vector<16xf32>
      %max3A_1786 = arith.maximumf %scan3A_1738, %max3A_1775 : vector<16xf32>
      %scan3A_1787 = arith.constant 1 : i32
      %scan3A_1788 = arith.addi %scan3A_1734, %scan3A_1787 : i32
      %mul3A_1789 = arith.constant 128 : i32
      %mul3A_1790 = arith.muli %scan3A_1788, %mul3A_1789 : i32
      %add3A_1791 = arith.constant 0 : i32
      %add3A_1792 = arith.addi %mul3A_1790, %add3A_1791 : i32
      %get3A_1793 = arith.index_cast %add3A_1792 : i32 to index
      %get3A_1794 = tpu.vector_load %arg6[%get3A_1793] {strides = array<i32>} : memref<32768xf32, #tpu.memory_space<vmem>>, vector<16xf32>,
      %add3A_1795 = arith.constant 16 : i32
      %add3A_1796 = arith.addi %mul3A_1790, %add3A_1795 : i32
      %get3A_1797 = arith.index_cast %add3A_1796 : i32 to index
      %get3A_1798 = tpu.vector_load %arg6[%get3A_1797] {strides = array<i32>} : memref<32768xf32, #tpu.memory_space<vmem>>, vector<16xf32>,
      %add3A_1799 = arith.constant 32 : i32
      %add3A_1800 = arith.addi %mul3A_1790, %add3A_1799 : i32
      %get3A_1801 = arith.index_cast %add3A_1800 : i32 to index
      %get3A_1802 = tpu.vector_load %arg6[%get3A_1801] {strides = array<i32>} : memref<32768xf32, #tpu.memory_space<vmem>>, vector<16xf32>,
      %add3A_1803 = arith.constant 48 : i32
      %add3A_1804 = arith.addi %mul3A_1790, %add3A_1803 : i32
      %get3A_1805 = arith.index_cast %add3A_1804 : i32 to index
      %get3A_1806 = tpu.vector_load %arg6[%get3A_1805] {strides = array<i32>} : memref<32768xf32, #tpu.memory_space<vmem>>, vector<16xf32>,
      %add3A_1807 = arith.constant 64 : i32
      %add3A_1808 = arith.addi %mul3A_1790, %add3A_1807 : i32
      %get3A_1809 = arith.index_cast %add3A_1808 : i32 to index
      %get3A_1810 = tpu.vector_load %arg6[%get3A_1809] {strides = array<i32>} : memref<32768xf32, #tpu.memory_space<vmem>>, vector<16xf32>,
      %add3A_1811 = arith.constant 80 : i32
      %add3A_1812 = arith.addi %mul3A_1790, %add3A_1811 : i32
      %get3A_1813 = arith.index_cast %add3A_1812 : i32 to index
      %get3A_1814 = tpu.vector_load %arg6[%get3A_1813] {strides = array<i32>} : memref<32768xf32, #tpu.memory_space<vmem>>, vector<16xf32>,
      %add3A_1815 = arith.constant 96 : i32
      %add3A_1816 = arith.addi %mul3A_1790, %add3A_1815 : i32
      %get3A_1817 = arith.index_cast %add3A_1816 : i32 to index
      %get3A_1818 = tpu.vector_load %arg6[%get3A_1817] {strides = array<i32>} : memref<32768xf32, #tpu.memory_space<vmem>>, vector<16xf32>,
      %add3A_1819 = arith.constant 112 : i32
      %add3A_1820 = arith.addi %mul3A_1790, %add3A_1819 : i32
      %get3A_1821 = arith.index_cast %add3A_1820 : i32 to index
      %get3A_1822 = tpu.vector_load %arg6[%get3A_1821] {strides = array<i32>} : memref<32768xf32, #tpu.memory_space<vmem>>, vector<16xf32>,
      %max3A_1823 = arith.maximumf %get3A_1794, %get3A_1798 : vector<16xf32>
      %max3A_1824 = arith.maximumf %get3A_1802, %get3A_1806 : vector<16xf32>
      %max3A_1825 = arith.maximumf %get3A_1810, %get3A_1814 : vector<16xf32>
      %max3A_1826 = arith.maximumf %get3A_1818, %get3A_1822 : vector<16xf32>
      %max3A_1827 = arith.maximumf %max3A_1823, %max3A_1824 : vector<16xf32>
      %max3A_1828 = arith.maximumf %max3A_1825, %max3A_1826 : vector<16xf32>
      %max3A_1829 = arith.maximumf %max3A_1827, %max3A_1828 : vector<16xf32>
      %mul3A_1830 = arith.constant 16 : i32
      %mul3A_1831 = arith.muli %scan3A_1788, %mul3A_1830 : i32
      %swap3A_1832 = arith.index_cast %mul3A_1831 : i32 to index
      %swap3A_1833 = tpu.vector_load %arg7[%swap3A_1832] {strides = array<i32>} : memref<4096xf32, #tpu.memory_space<vmem>>, vector<16xf32>,
      tpu.vector_store %arg7[%swap3A_1832], %max3A_1829 {strides = array<i32>} : memref<4096xf32, #tpu.memory_space<vmem>>, vector<16xf32>,
      %max3A_1834 = arith.maximumf %max3A_1783, %max3A_1823 : vector<16xf32>
      %max3A_1835 = arith.maximumf %max3A_1784, %max3A_1824 : vector<16xf32>
      %max3A_1836 = arith.maximumf %max3A_1785, %max3A_1825 : vector<16xf32>
      %max3A_1837 = arith.maximumf %max3A_1786, %max3A_1826 : vector<16xf32>
      scf.yield %max3A_1834, %max3A_1835, %max3A_1836, %max3A_1837 : vector<16xf32>, vector<16xf32>, vector<16xf32>, vector<16xf32>
    }
    %scan3A_1317 = arith.constant 256 : i32
    %masked_sort3A_1318 = arith.constant dense<true> : vector<16xi1>
    %masked_sort3A_1319, %masked_sort3A_1320, %masked_sort3A_1321 = tpu.sort %scan3A_1316#0, %scan3A_1316#0 masked %masked_sort3A_1318 {descending = true} : (vector<16xf32>, vector<16xf32>, vector<16xi1>) -> (vector<16xi1>, vector<16xf32>, vector<16xf32>)
    %masked_sort3A_1322 = arith.constant dense<true> : vector<16xi1>
    %masked_sort3A_1323, %masked_sort3A_1324, %masked_sort3A_1325 = tpu.sort %scan3A_1316#1, %scan3A_1316#1 masked %masked_sort3A_1322 {descending = true} : (vector<16xf32>, vector<16xf32>, vector<16xi1>) -> (vector<16xi1>, vector<16xf32>, vector<16xf32>)
    %rev3A_1326 = arith.constant 15 : i32
    %rev3A_1327 = vector.broadcast %rev3A_1326 : i32 to vector<16xi32>
    %rev3A_1328 = tpu.iota {dimensions = array<i32: 0>} : vector<16xi32>
    %rev3A_1329 = arith.subi %rev3A_1327, %rev3A_1328 : vector<16xi32>
    %rev3A_1330 = tpu.dynamic_gather %masked_sort3A_1324[%rev3A_1329] in [0] : vector<16xf32>, vector<16xi32> -> vector<16xf32>
    %max3A_1331 = arith.maximumf %masked_sort3A_1320, %rev3A_1330 : vector<16xf32>
    %masked_sort3A_1332 = arith.constant dense<true> : vector<16xi1>
    %masked_sort3A_1333, %masked_sort3A_1334, %masked_sort3A_1335 = tpu.sort %max3A_1331, %max3A_1331 masked %masked_sort3A_1332 {descending = true} : (vector<16xf32>, vector<16xf32>, vector<16xi1>) -> (vector<16xi1>, vector<16xf32>, vector<16xf32>)
    %min3A_1336 = arith.minimumf %masked_sort3A_1320, %rev3A_1330 : vector<16xf32>
    %masked_sort3A_1337 = arith.constant dense<true> : vector<16xi1>
    %masked_sort3A_1338, %masked_sort3A_1339, %masked_sort3A_1340 = tpu.sort %min3A_1336, %min3A_1336 masked %masked_sort3A_1337 {descending = true} : (vector<16xf32>, vector<16xf32>, vector<16xi1>) -> (vector<16xi1>, vector<16xf32>, vector<16xf32>)
    %masked_sort3A_1341 = arith.constant dense<true> : vector<16xi1>
    %masked_sort3A_1342, %masked_sort3A_1343, %masked_sort3A_1344 = tpu.sort %scan3A_1316#2, %scan3A_1316#2 masked %masked_sort3A_1341 {descending = true} : (vector<16xf32>, vector<16xf32>, vector<16xi1>) -> (vector<16xi1>, vector<16xf32>, vector<16xf32>)
    %rev3A_1345 = arith.constant 15 : i32
    %rev3A_1346 = vector.broadcast %rev3A_1345 : i32 to vector<16xi32>
    %rev3A_1347 = tpu.iota {dimensions = array<i32: 0>} : vector<16xi32>
    %rev3A_1348 = arith.subi %rev3A_1346, %rev3A_1347 : vector<16xi32>
    %rev3A_1349 = tpu.dynamic_gather %masked_sort3A_1343[%rev3A_1348] in [0] : vector<16xf32>, vector<16xi32> -> vector<16xf32>
    %max3A_1350 = arith.maximumf %masked_sort3A_1334, %rev3A_1349 : vector<16xf32>
    %masked_sort3A_1351 = arith.constant dense<true> : vector<16xi1>
    %masked_sort3A_1352, %masked_sort3A_1353, %masked_sort3A_1354 = tpu.sort %max3A_1350, %max3A_1350 masked %masked_sort3A_1351 {descending = true} : (vector<16xf32>, vector<16xf32>, vector<16xi1>) -> (vector<16xi1>, vector<16xf32>, vector<16xf32>)
    %min3A_1355 = arith.minimumf %masked_sort3A_1334, %rev3A_1349 : vector<16xf32>
    %masked_sort3A_1356 = arith.constant dense<true> : vector<16xi1>
    %masked_sort3A_1357, %masked_sort3A_1358, %masked_sort3A_1359 = tpu.sort %min3A_1355, %min3A_1355 masked %masked_sort3A_1356 {descending = true} : (vector<16xf32>, vector<16xf32>, vector<16xi1>) -> (vector<16xi1>, vector<16xf32>, vector<16xf32>)
    %rev3A_1360 = arith.constant 15 : i32
    %rev3A_1361 = vector.broadcast %rev3A_1360 : i32 to vector<16xi32>
    %rev3A_1362 = tpu.iota {dimensions = array<i32: 0>} : vector<16xi32>
    %rev3A_1363 = arith.subi %rev3A_1361, %rev3A_1362 : vector<16xi32>
    %rev3A_1364 = tpu.dynamic_gather %masked_sort3A_1358[%rev3A_1363] in [0] : vector<16xf32>, vector<16xi32> -> vector<16xf32>
    %max3A_1365 = arith.maximumf %masked_sort3A_1339, %rev3A_1364 : vector<16xf32>
    %masked_sort3A_1366 = arith.constant dense<true> : vector<16xi1>
    %masked_sort3A_1367, %masked_sort3A_1368, %masked_sort3A_1369 = tpu.sort %max3A_1365, %max3A_1365 masked %masked_sort3A_1366 {descending = true} : (vector<16xf32>, vector<16xf32>, vector<16xi1>) -> (vector<16xi1>, vector<16xf32>, vector<16xf32>)
    %masked_sort3A_1370 = arith.constant dense<true> : vector<16xi1>
    %masked_sort3A_1371, %masked_sort3A_1372, %masked_sort3A_1373 = tpu.sort %scan3A_1316#3, %scan3A_1316#3 masked %masked_sort3A_1370 {descending = true} : (vector<16xf32>, vector<16xf32>, vector<16xi1>) -> (vector<16xi1>, vector<16xf32>, vector<16xf32>)
    %rev3A_1374 = arith.constant 15 : i32
    %rev3A_1375 = vector.broadcast %rev3A_1374 : i32 to vector<16xi32>
    %rev3A_1376 = tpu.iota {dimensions = array<i32: 0>} : vector<16xi32>
    %rev3A_1377 = arith.subi %rev3A_1375, %rev3A_1376 : vector<16xi32>
    %rev3A_1378 = tpu.dynamic_gather %masked_sort3A_1372[%rev3A_1377] in [0] : vector<16xf32>, vector<16xi32> -> vector<16xf32>
    %max3A_1379 = arith.maximumf %masked_sort3A_1353, %rev3A_1378 : vector<16xf32>
    %masked_sort3A_1380 = arith.constant dense<true> : vector<16xi1>
    %masked_sort3A_1381, %masked_sort3A_1382, %masked_sort3A_1383 = tpu.sort %max3A_1379, %max3A_1379 masked %masked_sort3A_1380 {descending = true} : (vector<16xf32>, vector<16xf32>, vector<16xi1>) -> (vector<16xi1>, vector<16xf32>, vector<16xf32>)
    %min3A_1384 = arith.minimumf %masked_sort3A_1353, %rev3A_1378 : vector<16xf32>
    %masked_sort3A_1385 = arith.constant dense<true> : vector<16xi1>
    %masked_sort3A_1386, %masked_sort3A_1387, %masked_sort3A_1388 = tpu.sort %min3A_1384, %min3A_1384 masked %masked_sort3A_1385 {descending = true} : (vector<16xf32>, vector<16xf32>, vector<16xi1>) -> (vector<16xi1>, vector<16xf32>, vector<16xf32>)
    %rev3A_1389 = arith.constant 15 : i32
    %rev3A_1390 = vector.broadcast %rev3A_1389 : i32 to vector<16xi32>
    %rev3A_1391 = tpu.iota {dimensions = array<i32: 0>} : vector<16xi32>
    %rev3A_1392 = arith.subi %rev3A_1390, %rev3A_1391 : vector<16xi32>
    %rev3A_1393 = tpu.dynamic_gather %masked_sort3A_1387[%rev3A_1392] in [0] : vector<16xf32>, vector<16xi32> -> vector<16xf32>
    %max3A_1394 = arith.maximumf %masked_sort3A_1368, %rev3A_1393 : vector<16xf32>
    %masked_sort3A_1395 = arith.constant dense<true> : vector<16xi1>
    %masked_sort3A_1396, %masked_sort3A_1397, %masked_sort3A_1398 = tpu.sort %max3A_1394, %max3A_1394 masked %masked_sort3A_1395 {descending = true} : (vector<16xf32>, vector<16xf32>, vector<16xi1>) -> (vector<16xi1>, vector<16xf32>, vector<16xf32>)
    %broadcast_in_dim3A_1399 = arith.constant 15 : i32
    %broadcast_in_dim3A_1400 = vector.broadcast %broadcast_in_dim3A_1399 : i32 to vector<16xi32>
    %lt3A_1401 = arith.constant 0 : i32
    %lt3A_1402 = vector.broadcast %lt3A_1401 : i32 to vector<16xi32>
    %lt3A_1403 = arith.cmpi slt, %broadcast_in_dim3A_1400, %lt3A_1402 : vector<16xi32>
    %add3A_1404 = arith.constant 16 : i32
    %add3A_1405 = vector.broadcast %add3A_1404 : i32 to vector<16xi32>
    %add3A_1406 = arith.addi %broadcast_in_dim3A_1400, %add3A_1405 : vector<16xi32>
    %select_n3A_1407 = arith.select %lt3A_1403, %add3A_1406, %broadcast_in_dim3A_1400 : vector<16xi1>, vector<16xi32>
    %broadcast_in_dim3A_1408 = vector.shape_cast %select_n3A_1407 : vector<16xi32> to vector<16x1xi32>
    %gather3A_1409 = vector.shape_cast %broadcast_in_dim3A_1408 : vector<16x1xi32> to vector<16xi32>
    %gather3A_1410 = tpu.dynamic_gather %masked_sort3A_1397[%gather3A_1409] in [0] : vector<16xf32>, vector<16xi32> -> vector<16xf32>
    %iota3A_1411 = tpu.iota {dimensions = array<i32: 0>} : vector<16xi32>
    %broadcast_in_dim3A_1412 = arith.constant 0 : i32
    %broadcast_in_dim3A_1413 = vector.broadcast %broadcast_in_dim3A_1412 : i32 to vector<16xi32>
    %scan3A_1414 = arith.constant 0 : i32
    %scan3A_1415 = arith.constant 256 : i32
    %scan3A_1416 = arith.addi %scan3A_1414, %scan3A_1415 : i32
    %scan3A_1417 = arith.constant 2 : i32
    %scan3A_1418 = scf.for %scan3A_1734 = %scan3A_1414 to %scan3A_1416 step %scan3A_1417 iter_args(%scan3A_1735 = %broadcast_in_dim3A_1413) -> (vector<16xi32>)  : i32 {
      %mul3A_1736 = arith.constant 16 : i32
      %mul3A_1737 = arith.muli %scan3A_1734, %mul3A_1736 : i32
      %get3A = arith.index_cast %mul3A_1737 : i32 to index
      %get3A_1738 = tpu.vector_load %arg7[%get3A] {strides = array<i32>} : memref<4096xf32, #tpu.memory_space<vmem>>, vector<16xf32>,
      %ge3A_1739 = arith.cmpf oge, %get3A_1738, %gather3A_1410 : vector<16xf32>
      %mul3A_1740 = arith.constant 32 : i32
      %mul3A_1741 = vector.broadcast %mul3A_1740 : i32 to vector<16xi32>
      %mul3A_1742 = arith.muli %iota3A_1411, %mul3A_1741 : vector<16xi32>
      %add3A_1743 = arith.addi %mul3A_1742, %scan3A_1735 : vector<16xi32>
      %add3A_1744 = arith.constant 512 : i32
      %add3A_1745 = vector.broadcast %add3A_1744 : i32 to vector<16xi32>
      %add3A_1746 = arith.addi %add3A_1745, %iota3A_1411 : vector<16xi32>
      %select_n3A_1747 = arith.select %ge3A_1739, %add3A_1743, %add3A_1746 : vector<16xi1>, vector<16xi32>
      %add3A_1748 = vector.broadcast %scan3A_1734 : i32 to vector<16xi32>
      %add3A_1749 = arith.addi %broadcast_in_dim3A_1413, %add3A_1748 : vector<16xi32>
      tpu.vector_store_idx %arg8[%select_n3A_1747], %add3A_1749 : memref<528xi32, #tpu.memory_space<vmem>>[vector<16xi32>], vector<16xi32>,
      %convert_element_type3A = arith.extui %ge3A_1739 : vector<16xi1> to vector<16xi32>
      %add3A_1750 = arith.addi %scan3A_1735, %convert_element_type3A : vector<16xi32>
      %min3A_1751 = arith.constant 32 : i32
      %min3A_1752 = vector.broadcast %min3A_1751 : i32 to vector<16xi32>
      %min3A_1753 = arith.minsi %add3A_1750, %min3A_1752 : vector<16xi32>
      %scan3A_1754 = arith.constant 1 : i32
      %scan3A_1755 = arith.addi %scan3A_1734, %scan3A_1754 : i32
      %mul3A_1756 = arith.constant 16 : i32
      %mul3A_1757 = arith.muli %scan3A_1755, %mul3A_1756 : i32
      %get3A_1758 = arith.index_cast %mul3A_1757 : i32 to index
      %get3A_1759 = tpu.vector_load %arg7[%get3A_1758] {strides = array<i32>} : memref<4096xf32, #tpu.memory_space<vmem>>, vector<16xf32>,
      %ge3A_1760 = arith.cmpf oge, %get3A_1759, %gather3A_1410 : vector<16xf32>
      %mul3A_1761 = arith.constant 32 : i32
      %mul3A_1762 = vector.broadcast %mul3A_1761 : i32 to vector<16xi32>
      %mul3A_1763 = arith.muli %iota3A_1411, %mul3A_1762 : vector<16xi32>
      %add3A_1764 = arith.addi %mul3A_1763, %min3A_1753 : vector<16xi32>
      %add3A_1765 = arith.constant 512 : i32
      %add3A_1766 = vector.broadcast %add3A_1765 : i32 to vector<16xi32>
      %add3A_1767 = arith.addi %add3A_1766, %iota3A_1411 : vector<16xi32>
      %select_n3A_1768 = arith.select %ge3A_1760, %add3A_1764, %add3A_1767 : vector<16xi1>, vector<16xi32>
      %add3A_1769 = vector.broadcast %scan3A_1755 : i32 to vector<16xi32>
      %add3A_1770 = arith.addi %broadcast_in_dim3A_1413, %add3A_1769 : vector<16xi32>
      tpu.vector_store_idx %arg8[%select_n3A_1768], %add3A_1770 : memref<528xi32, #tpu.memory_space<vmem>>[vector<16xi32>], vector<16xi32>,
      %convert_element_type3A_1771 = arith.extui %ge3A_1760 : vector<16xi1> to vector<16xi32>
      %add3A_1772 = arith.addi %min3A_1753, %convert_element_type3A_1771 : vector<16xi32>
      %min3A_1773 = arith.constant 32 : i32
      %min3A_1774 = vector.broadcast %min3A_1773 : i32 to vector<16xi32>
      %min3A_1775 = arith.minsi %add3A_1772, %min3A_1774 : vector<16xi32>
      scf.yield %min3A_1775 : vector<16xi32>
    }
    %scan3A_1419 = arith.constant 256 : i32
    %xor3A_1420 = arith.constant 8 : i32
    %xor3A_1421 = vector.broadcast %xor3A_1420 : i32 to vector<16xi32>
    %xor3A_1422 = arith.xori %iota3A_1411, %xor3A_1421 : vector<16xi32>
    %lt3A_1423 = arith.constant 0 : i32
    %lt3A_1424 = vector.broadcast %lt3A_1423 : i32 to vector<16xi32>
    %lt3A_1425 = arith.cmpi slt, %xor3A_1422, %lt3A_1424 : vector<16xi32>
    %add3A_1426 = arith.constant 16 : i32
    %add3A_1427 = vector.broadcast %add3A_1426 : i32 to vector<16xi32>
    %add3A_1428 = arith.addi %xor3A_1422, %add3A_1427 : vector<16xi32>
    %select_n3A_1429 = arith.select %lt3A_1425, %add3A_1428, %xor3A_1422 : vector<16xi1>, vector<16xi32>
    %broadcast_in_dim3A_1430 = vector.shape_cast %select_n3A_1429 : vector<16xi32> to vector<16x1xi32>
    %gather3A_1431 = vector.shape_cast %broadcast_in_dim3A_1430 : vector<16x1xi32> to vector<16xi32>
    %gather3A_1432 = tpu.dynamic_gather %scan3A_1418[%gather3A_1431] in [0] : vector<16xi32>, vector<16xi32> -> vector<16xi32>
    %max3A_1433 = arith.maxsi %scan3A_1418, %gather3A_1432 : vector<16xi32>
    %xor3A_1434 = arith.constant 4 : i32
    %xor3A_1435 = vector.broadcast %xor3A_1434 : i32 to vector<16xi32>
    %xor3A_1436 = arith.xori %iota3A_1411, %xor3A_1435 : vector<16xi32>
    %lt3A_1437 = arith.constant 0 : i32
    %lt3A_1438 = vector.broadcast %lt3A_1437 : i32 to vector<16xi32>
    %lt3A_1439 = arith.cmpi slt, %xor3A_1436, %lt3A_1438 : vector<16xi32>
    %add3A_1440 = arith.constant 16 : i32
    %add3A_1441 = vector.broadcast %add3A_1440 : i32 to vector<16xi32>
    %add3A_1442 = arith.addi %xor3A_1436, %add3A_1441 : vector<16xi32>
    %select_n3A_1443 = arith.select %lt3A_1439, %add3A_1442, %xor3A_1436 : vector<16xi1>, vector<16xi32>
    %broadcast_in_dim3A_1444 = vector.shape_cast %select_n3A_1443 : vector<16xi32> to vector<16x1xi32>
    %gather3A_1445 = vector.shape_cast %broadcast_in_dim3A_1444 : vector<16x1xi32> to vector<16xi32>
    %gather3A_1446 = tpu.dynamic_gather %max3A_1433[%gather3A_1445] in [0] : vector<16xi32>, vector<16xi32> -> vector<16xi32>
    %max3A_1447 = arith.maxsi %max3A_1433, %gather3A_1446 : vector<16xi32>
    %xor3A_1448 = arith.constant 2 : i32
    %xor3A_1449 = vector.broadcast %xor3A_1448 : i32 to vector<16xi32>
    %xor3A_1450 = arith.xori %iota3A_1411, %xor3A_1449 : vector<16xi32>
    %lt3A_1451 = arith.constant 0 : i32
    %lt3A_1452 = vector.broadcast %lt3A_1451 : i32 to vector<16xi32>
    %lt3A_1453 = arith.cmpi slt, %xor3A_1450, %lt3A_1452 : vector<16xi32>
    %add3A_1454 = arith.constant 16 : i32
    %add3A_1455 = vector.broadcast %add3A_1454 : i32 to vector<16xi32>
    %add3A_1456 = arith.addi %xor3A_1450, %add3A_1455 : vector<16xi32>
    %select_n3A_1457 = arith.select %lt3A_1453, %add3A_1456, %xor3A_1450 : vector<16xi1>, vector<16xi32>
    %broadcast_in_dim3A_1458 = vector.shape_cast %select_n3A_1457 : vector<16xi32> to vector<16x1xi32>
    %gather3A_1459 = vector.shape_cast %broadcast_in_dim3A_1458 : vector<16x1xi32> to vector<16xi32>
    %gather3A_1460 = tpu.dynamic_gather %max3A_1447[%gather3A_1459] in [0] : vector<16xi32>, vector<16xi32> -> vector<16xi32>
    %max3A_1461 = arith.maxsi %max3A_1447, %gather3A_1460 : vector<16xi32>
    %xor3A_1462 = arith.constant 1 : i32
    %xor3A_1463 = vector.broadcast %xor3A_1462 : i32 to vector<16xi32>
    %xor3A_1464 = arith.xori %iota3A_1411, %xor3A_1463 : vector<16xi32>
    %lt3A_1465 = arith.constant 0 : i32
    %lt3A_1466 = vector.broadcast %lt3A_1465 : i32 to vector<16xi32>
    %lt3A_1467 = arith.cmpi slt, %xor3A_1464, %lt3A_1466 : vector<16xi32>
    %add3A_1468 = arith.constant 16 : i32
    %add3A_1469 = vector.broadcast %add3A_1468 : i32 to vector<16xi32>
    %add3A_1470 = arith.addi %xor3A_1464, %add3A_1469 : vector<16xi32>
    %select_n3A_1471 = arith.select %lt3A_1467, %add3A_1470, %xor3A_1464 : vector<16xi1>, vector<16xi32>
    %broadcast_in_dim3A_1472 = vector.shape_cast %select_n3A_1471 : vector<16xi32> to vector<16x1xi32>
    %gather3A_1473 = vector.shape_cast %broadcast_in_dim3A_1472 : vector<16x1xi32> to vector<16xi32>
    %gather3A_1474 = tpu.dynamic_gather %max3A_1461[%gather3A_1473] in [0] : vector<16xi32>, vector<16xi32> -> vector<16xi32>
    %max3A_1475 = arith.maxsi %max3A_1461, %gather3A_1474 : vector<16xi32>
    %slice3A_1476 = vector.extract_strided_slice %max3A_1475 {offsets = [0], sizes = [1], strides = [1]} : vector<16xi32> to vector<1xi32>
    %squeeze3A_1477 = vector.extract %slice3A_1476[0] : i32 from vector<1xi32>
    %while3A_1478 = arith.constant 0 : i32
    %while3A_1479 = arith.subi %squeeze3A_1477, %while3A_1478 : i32
    %while3A_1480 = arith.addi %while3A_1478, %while3A_1479 : i32
    %while3A_1481 = arith.constant 1 : i32
    %while3A_1482 = arith.divsi %while3A_1479, %while3A_1481 : i32
    %while3A_1483 = arith.muli %while3A_1482, %while3A_1481 : i32
    %while3A_1484 = arith.addi %while3A_1478, %while3A_1483 : i32
    %while3A_1485 = arith.constant 1 : i32
    %while3A_1486 = scf.for %while3A_1734 = %while3A_1478 to %while3A_1484 step %while3A_1485 iter_args(%while3A_1735 = %broadcast_in_dim3A_1413) -> (vector<16xi32>)  : i32 {
      %lt3A_1736 = vector.broadcast %while3A_1734 : i32 to vector<16xi32>
      %lt3A_1737 = arith.cmpi slt, %lt3A_1736, %scan3A_1418 : vector<16xi32>
      %mul3A_1738 = arith.constant 32 : i32
      %mul3A_1739 = vector.broadcast %mul3A_1738 : i32 to vector<16xi32>
      %mul3A_1740 = arith.muli %iota3A_1411, %mul3A_1739 : vector<16xi32>
      %add3A_1741 = vector.broadcast %while3A_1734 : i32 to vector<16xi32>
      %add3A_1742 = arith.addi %mul3A_1740, %add3A_1741 : vector<16xi32>
      %gather3A_1743 = tpu.vector_load_idx %arg8[%add3A_1742] : memref<528xi32, #tpu.memory_space<vmem>>[vector<16xi32>], vector<16xi32>,
      %max3A_1744 = arith.constant 0 : i32
      %max3A_1745 = vector.broadcast %max3A_1744 : i32 to vector<16xi32>
      %max3A_1746 = arith.maxsi %gather3A_1743, %max3A_1745 : vector<16xi32>
      %min3A_1747 = arith.constant 255 : i32
      %min3A_1748 = vector.broadcast %min3A_1747 : i32 to vector<16xi32>
      %min3A_1749 = arith.minsi %max3A_1746, %min3A_1748 : vector<16xi32>
      %mul3A_1750 = arith.constant 128 : i32
      %mul3A_1751 = vector.broadcast %mul3A_1750 : i32 to vector<16xi32>
      %mul3A_1752 = arith.muli %min3A_1749, %mul3A_1751 : vector<16xi32>
      %add3A_1753 = arith.constant 0 : i32
      %add3A_1754 = vector.broadcast %add3A_1753 : i32 to vector<16xi32>
      %add3A_1755 = arith.addi %mul3A_1752, %add3A_1754 : vector<16xi32>
      %add3A_1756 = arith.addi %add3A_1755, %iota3A_1411 : vector<16xi32>
      %gather3A_1757 = tpu.vector_load_idx %arg6[%add3A_1756] : memref<32768xf32, #tpu.memory_space<vmem>>[vector<16xi32>], vector<16xf32>,
      %ge3A_1758 = arith.cmpf oge, %gather3A_1757, %gather3A_1410 : vector<16xf32>
      %and3A_1759 = arith.andi %ge3A_1758, %lt3A_1737 : vector<16xi1>
      %mul3A_1760 = arith.constant 64 : i32
      %mul3A_1761 = vector.broadcast %mul3A_1760 : i32 to vector<16xi32>
      %mul3A_1762 = arith.muli %iota3A_1411, %mul3A_1761 : vector<16xi32>
      %add3A_1763 = arith.addi %mul3A_1762, %while3A_1735 : vector<16xi32>
      %add3A_1764 = arith.constant 1024 : i32
      %add3A_1765 = vector.broadcast %add3A_1764 : i32 to vector<16xi32>
      %add3A_1766 = arith.addi %add3A_1765, %iota3A_1411 : vector<16xi32>
      %select_n3A_1767 = arith.select %and3A_1759, %add3A_1763, %add3A_1766 : vector<16xi1>, vector<16xi32>
      tpu.vector_store_idx %arg9[%select_n3A_1767], %gather3A_1757 : memref<1040xf32, #tpu.memory_space<vmem>>[vector<16xi32>], vector<16xf32>,
      tpu.vector_store_idx %arg10[%select_n3A_1767], %add3A_1756 : memref<1040xi32, #tpu.memory_space<vmem>>[vector<16xi32>], vector<16xi32>,
      %convert_element_type3A = arith.extui %and3A_1759 : vector<16xi1> to vector<16xi32>
      %add3A_1768 = arith.addi %while3A_1735, %convert_element_type3A : vector<16xi32>
      %min3A_1769 = arith.constant 64 : i32
      %min3A_1770 = vector.broadcast %min3A_1769 : i32 to vector<16xi32>
      %min3A_1771 = arith.minsi %add3A_1768, %min3A_1770 : vector<16xi32>
      %add3A_1772 = arith.constant 16 : i32
      %add3A_1773 = vector.broadcast %add3A_1772 : i32 to vector<16xi32>
      %add3A_1774 = arith.addi %mul3A_1752, %add3A_1773 : vector<16xi32>
      %add3A_1775 = arith.addi %add3A_1774, %iota3A_1411 : vector<16xi32>
      %gather3A_1776 = tpu.vector_load_idx %arg6[%add3A_1775] : memref<32768xf32, #tpu.memory_space<vmem>>[vector<16xi32>], vector<16xf32>,
      %ge3A_1777 = arith.cmpf oge, %gather3A_1776, %gather3A_1410 : vector<16xf32>
      %and3A_1778 = arith.andi %ge3A_1777, %lt3A_1737 : vector<16xi1>
      %mul3A_1779 = arith.constant 64 : i32
      %mul3A_1780 = vector.broadcast %mul3A_1779 : i32 to vector<16xi32>
      %mul3A_1781 = arith.muli %iota3A_1411, %mul3A_1780 : vector<16xi32>
      %add3A_1782 = arith.addi %mul3A_1781, %min3A_1771 : vector<16xi32>
      %add3A_1783 = arith.constant 1024 : i32
      %add3A_1784 = vector.broadcast %add3A_1783 : i32 to vector<16xi32>
      %add3A_1785 = arith.addi %add3A_1784, %iota3A_1411 : vector<16xi32>
      %select_n3A_1786 = arith.select %and3A_1778, %add3A_1782, %add3A_1785 : vector<16xi1>, vector<16xi32>
      tpu.vector_store_idx %arg9[%select_n3A_1786], %gather3A_1776 : memref<1040xf32, #tpu.memory_space<vmem>>[vector<16xi32>], vector<16xf32>,
      tpu.vector_store_idx %arg10[%select_n3A_1786], %add3A_1775 : memref<1040xi32, #tpu.memory_space<vmem>>[vector<16xi32>], vector<16xi32>,
      %convert_element_type3A_1787 = arith.extui %and3A_1778 : vector<16xi1> to vector<16xi32>
      %add3A_1788 = arith.addi %min3A_1771, %convert_element_type3A_1787 : vector<16xi32>
      %min3A_1789 = arith.constant 64 : i32
      %min3A_1790 = vector.broadcast %min3A_1789 : i32 to vector<16xi32>
      %min3A_1791 = arith.minsi %add3A_1788, %min3A_1790 : vector<16xi32>
      %add3A_1792 = arith.constant 32 : i32
      %add3A_1793 = vector.broadcast %add3A_1792 : i32 to vector<16xi32>
      %add3A_1794 = arith.addi %mul3A_1752, %add3A_1793 : vector<16xi32>
      %add3A_1795 = arith.addi %add3A_1794, %iota3A_1411 : vector<16xi32>
      %gather3A_1796 = tpu.vector_load_idx %arg6[%add3A_1795] : memref<32768xf32, #tpu.memory_space<vmem>>[vector<16xi32>], vector<16xf32>,
      %ge3A_1797 = arith.cmpf oge, %gather3A_1796, %gather3A_1410 : vector<16xf32>
      %and3A_1798 = arith.andi %ge3A_1797, %lt3A_1737 : vector<16xi1>
      %mul3A_1799 = arith.constant 64 : i32
      %mul3A_1800 = vector.broadcast %mul3A_1799 : i32 to vector<16xi32>
      %mul3A_1801 = arith.muli %iota3A_1411, %mul3A_1800 : vector<16xi32>
      %add3A_1802 = arith.addi %mul3A_1801, %min3A_1791 : vector<16xi32>
      %add3A_1803 = arith.constant 1024 : i32
      %add3A_1804 = vector.broadcast %add3A_1803 : i32 to vector<16xi32>
      %add3A_1805 = arith.addi %add3A_1804, %iota3A_1411 : vector<16xi32>
      %select_n3A_1806 = arith.select %and3A_1798, %add3A_1802, %add3A_1805 : vector<16xi1>, vector<16xi32>
      tpu.vector_store_idx %arg9[%select_n3A_1806], %gather3A_1796 : memref<1040xf32, #tpu.memory_space<vmem>>[vector<16xi32>], vector<16xf32>,
      tpu.vector_store_idx %arg10[%select_n3A_1806], %add3A_1795 : memref<1040xi32, #tpu.memory_space<vmem>>[vector<16xi32>], vector<16xi32>,
      %convert_element_type3A_1807 = arith.extui %and3A_1798 : vector<16xi1> to vector<16xi32>
      %add3A_1808 = arith.addi %min3A_1791, %convert_element_type3A_1807 : vector<16xi32>
      %min3A_1809 = arith.constant 64 : i32
      %min3A_1810 = vector.broadcast %min3A_1809 : i32 to vector<16xi32>
      %min3A_1811 = arith.minsi %add3A_1808, %min3A_1810 : vector<16xi32>
      %add3A_1812 = arith.constant 48 : i32
      %add3A_1813 = vector.broadcast %add3A_1812 : i32 to vector<16xi32>
      %add3A_1814 = arith.addi %mul3A_1752, %add3A_1813 : vector<16xi32>
      %add3A_1815 = arith.addi %add3A_1814, %iota3A_1411 : vector<16xi32>
      %gather3A_1816 = tpu.vector_load_idx %arg6[%add3A_1815] : memref<32768xf32, #tpu.memory_space<vmem>>[vector<16xi32>], vector<16xf32>,
      %ge3A_1817 = arith.cmpf oge, %gather3A_1816, %gather3A_1410 : vector<16xf32>
      %and3A_1818 = arith.andi %ge3A_1817, %lt3A_1737 : vector<16xi1>
      %mul3A_1819 = arith.constant 64 : i32
      %mul3A_1820 = vector.broadcast %mul3A_1819 : i32 to vector<16xi32>
      %mul3A_1821 = arith.muli %iota3A_1411, %mul3A_1820 : vector<16xi32>
      %add3A_1822 = arith.addi %mul3A_1821, %min3A_1811 : vector<16xi32>
      %add3A_1823 = arith.constant 1024 : i32
      %add3A_1824 = vector.broadcast %add3A_1823 : i32 to vector<16xi32>
      %add3A_1825 = arith.addi %add3A_1824, %iota3A_1411 : vector<16xi32>
      %select_n3A_1826 = arith.select %and3A_1818, %add3A_1822, %add3A_1825 : vector<16xi1>, vector<16xi32>
      tpu.vector_store_idx %arg9[%select_n3A_1826], %gather3A_1816 : memref<1040xf32, #tpu.memory_space<vmem>>[vector<16xi32>], vector<16xf32>,
      tpu.vector_store_idx %arg10[%select_n3A_1826], %add3A_1815 : memref<1040xi32, #tpu.memory_space<vmem>>[vector<16xi32>], vector<16xi32>,
      %convert_element_type3A_1827 = arith.extui %and3A_1818 : vector<16xi1> to vector<16xi32>
      %add3A_1828 = arith.addi %min3A_1811, %convert_element_type3A_1827 : vector<16xi32>
      %min3A_1829 = arith.constant 64 : i32
      %min3A_1830 = vector.broadcast %min3A_1829 : i32 to vector<16xi32>
      %min3A_1831 = arith.minsi %add3A_1828, %min3A_1830 : vector<16xi32>
      %add3A_1832 = arith.constant 64 : i32
      %add3A_1833 = vector.broadcast %add3A_1832 : i32 to vector<16xi32>
      %add3A_1834 = arith.addi %mul3A_1752, %add3A_1833 : vector<16xi32>
      %add3A_1835 = arith.addi %add3A_1834, %iota3A_1411 : vector<16xi32>
      %gather3A_1836 = tpu.vector_load_idx %arg6[%add3A_1835] : memref<32768xf32, #tpu.memory_space<vmem>>[vector<16xi32>], vector<16xf32>,
      %ge3A_1837 = arith.cmpf oge, %gather3A_1836, %gather3A_1410 : vector<16xf32>
      %and3A_1838 = arith.andi %ge3A_1837, %lt3A_1737 : vector<16xi1>
      %mul3A_1839 = arith.constant 64 : i32
      %mul3A_1840 = vector.broadcast %mul3A_1839 : i32 to vector<16xi32>
      %mul3A_1841 = arith.muli %iota3A_1411, %mul3A_1840 : vector<16xi32>
      %add3A_1842 = arith.addi %mul3A_1841, %min3A_1831 : vector<16xi32>
      %add3A_1843 = arith.constant 1024 : i32
      %add3A_1844 = vector.broadcast %add3A_1843 : i32 to vector<16xi32>
      %add3A_1845 = arith.addi %add3A_1844, %iota3A_1411 : vector<16xi32>
      %select_n3A_1846 = arith.select %and3A_1838, %add3A_1842, %add3A_1845 : vector<16xi1>, vector<16xi32>
      tpu.vector_store_idx %arg9[%select_n3A_1846], %gather3A_1836 : memref<1040xf32, #tpu.memory_space<vmem>>[vector<16xi32>], vector<16xf32>,
      tpu.vector_store_idx %arg10[%select_n3A_1846], %add3A_1835 : memref<1040xi32, #tpu.memory_space<vmem>>[vector<16xi32>], vector<16xi32>,
      %convert_element_type3A_1847 = arith.extui %and3A_1838 : vector<16xi1> to vector<16xi32>
      %add3A_1848 = arith.addi %min3A_1831, %convert_element_type3A_1847 : vector<16xi32>
      %min3A_1849 = arith.constant 64 : i32
      %min3A_1850 = vector.broadcast %min3A_1849 : i32 to vector<16xi32>
      %min3A_1851 = arith.minsi %add3A_1848, %min3A_1850 : vector<16xi32>
      %add3A_1852 = arith.constant 80 : i32
      %add3A_1853 = vector.broadcast %add3A_1852 : i32 to vector<16xi32>
      %add3A_1854 = arith.addi %mul3A_1752, %add3A_1853 : vector<16xi32>
      %add3A_1855 = arith.addi %add3A_1854, %iota3A_1411 : vector<16xi32>
      %gather3A_1856 = tpu.vector_load_idx %arg6[%add3A_1855] : memref<32768xf32, #tpu.memory_space<vmem>>[vector<16xi32>], vector<16xf32>,
      %ge3A_1857 = arith.cmpf oge, %gather3A_1856, %gather3A_1410 : vector<16xf32>
      %and3A_1858 = arith.andi %ge3A_1857, %lt3A_1737 : vector<16xi1>
      %mul3A_1859 = arith.constant 64 : i32
      %mul3A_1860 = vector.broadcast %mul3A_1859 : i32 to vector<16xi32>
      %mul3A_1861 = arith.muli %iota3A_1411, %mul3A_1860 : vector<16xi32>
      %add3A_1862 = arith.addi %mul3A_1861, %min3A_1851 : vector<16xi32>
      %add3A_1863 = arith.constant 1024 : i32
      %add3A_1864 = vector.broadcast %add3A_1863 : i32 to vector<16xi32>
      %add3A_1865 = arith.addi %add3A_1864, %iota3A_1411 : vector<16xi32>
      %select_n3A_1866 = arith.select %and3A_1858, %add3A_1862, %add3A_1865 : vector<16xi1>, vector<16xi32>
      tpu.vector_store_idx %arg9[%select_n3A_1866], %gather3A_1856 : memref<1040xf32, #tpu.memory_space<vmem>>[vector<16xi32>], vector<16xf32>,
      tpu.vector_store_idx %arg10[%select_n3A_1866], %add3A_1855 : memref<1040xi32, #tpu.memory_space<vmem>>[vector<16xi32>], vector<16xi32>,
      %convert_element_type3A_1867 = arith.extui %and3A_1858 : vector<16xi1> to vector<16xi32>
      %add3A_1868 = arith.addi %min3A_1851, %convert_element_type3A_1867 : vector<16xi32>
      %min3A_1869 = arith.constant 64 : i32
      %min3A_1870 = vector.broadcast %min3A_1869 : i32 to vector<16xi32>
      %min3A_1871 = arith.minsi %add3A_1868, %min3A_1870 : vector<16xi32>
      %add3A_1872 = arith.constant 96 : i32
      %add3A_1873 = vector.broadcast %add3A_1872 : i32 to vector<16xi32>
      %add3A_1874 = arith.addi %mul3A_1752, %add3A_1873 : vector<16xi32>
      %add3A_1875 = arith.addi %add3A_1874, %iota3A_1411 : vector<16xi32>
      %gather3A_1876 = tpu.vector_load_idx %arg6[%add3A_1875] : memref<32768xf32, #tpu.memory_space<vmem>>[vector<16xi32>], vector<16xf32>,
      %ge3A_1877 = arith.cmpf oge, %gather3A_1876, %gather3A_1410 : vector<16xf32>
      %and3A_1878 = arith.andi %ge3A_1877, %lt3A_1737 : vector<16xi1>
      %mul3A_1879 = arith.constant 64 : i32
      %mul3A_1880 = vector.broadcast %mul3A_1879 : i32 to vector<16xi32>
      %mul3A_1881 = arith.muli %iota3A_1411, %mul3A_1880 : vector<16xi32>
      %add3A_1882 = arith.addi %mul3A_1881, %min3A_1871 : vector<16xi32>
      %add3A_1883 = arith.constant 1024 : i32
      %add3A_1884 = vector.broadcast %add3A_1883 : i32 to vector<16xi32>
      %add3A_1885 = arith.addi %add3A_1884, %iota3A_1411 : vector<16xi32>
      %select_n3A_1886 = arith.select %and3A_1878, %add3A_1882, %add3A_1885 : vector<16xi1>, vector<16xi32>
      tpu.vector_store_idx %arg9[%select_n3A_1886], %gather3A_1876 : memref<1040xf32, #tpu.memory_space<vmem>>[vector<16xi32>], vector<16xf32>,
      tpu.vector_store_idx %arg10[%select_n3A_1886], %add3A_1875 : memref<1040xi32, #tpu.memory_space<vmem>>[vector<16xi32>], vector<16xi32>,
      %convert_element_type3A_1887 = arith.extui %and3A_1878 : vector<16xi1> to vector<16xi32>
      %add3A_1888 = arith.addi %min3A_1871, %convert_element_type3A_1887 : vector<16xi32>
      %min3A_1889 = arith.constant 64 : i32
      %min3A_1890 = vector.broadcast %min3A_1889 : i32 to vector<16xi32>
      %min3A_1891 = arith.minsi %add3A_1888, %min3A_1890 : vector<16xi32>
      %add3A_1892 = arith.constant 112 : i32
      %add3A_1893 = vector.broadcast %add3A_1892 : i32 to vector<16xi32>
      %add3A_1894 = arith.addi %mul3A_1752, %add3A_1893 : vector<16xi32>
      %add3A_1895 = arith.addi %add3A_1894, %iota3A_1411 : vector<16xi32>
      %gather3A_1896 = tpu.vector_load_idx %arg6[%add3A_1895] : memref<32768xf32, #tpu.memory_space<vmem>>[vector<16xi32>], vector<16xf32>,
      %ge3A_1897 = arith.cmpf oge, %gather3A_1896, %gather3A_1410 : vector<16xf32>
      %and3A_1898 = arith.andi %ge3A_1897, %lt3A_1737 : vector<16xi1>
      %mul3A_1899 = arith.constant 64 : i32
      %mul3A_1900 = vector.broadcast %mul3A_1899 : i32 to vector<16xi32>
      %mul3A_1901 = arith.muli %iota3A_1411, %mul3A_1900 : vector<16xi32>
      %add3A_1902 = arith.addi %mul3A_1901, %min3A_1891 : vector<16xi32>
      %add3A_1903 = arith.constant 1024 : i32
      %add3A_1904 = vector.broadcast %add3A_1903 : i32 to vector<16xi32>
      %add3A_1905 = arith.addi %add3A_1904, %iota3A_1411 : vector<16xi32>
      %select_n3A_1906 = arith.select %and3A_1898, %add3A_1902, %add3A_1905 : vector<16xi1>, vector<16xi32>
      tpu.vector_store_idx %arg9[%select_n3A_1906], %gather3A_1896 : memref<1040xf32, #tpu.memory_space<vmem>>[vector<16xi32>], vector<16xf32>,
      tpu.vector_store_idx %arg10[%select_n3A_1906], %add3A_1895 : memref<1040xi32, #tpu.memory_space<vmem>>[vector<16xi32>], vector<16xi32>,
      %convert_element_type3A_1907 = arith.extui %and3A_1898 : vector<16xi1> to vector<16xi32>
      %add3A_1908 = arith.addi %min3A_1891, %convert_element_type3A_1907 : vector<16xi32>
      %min3A_1909 = arith.constant 64 : i32
      %min3A_1910 = vector.broadcast %min3A_1909 : i32 to vector<16xi32>
      %min3A_1911 = arith.minsi %add3A_1908, %min3A_1910 : vector<16xi32>
      scf.yield %min3A_1911 : vector<16xi32>
    }
    %while3A_1487 = arith.constant 1 : i32
    %while3A_1488 = scf.for %while3A_1734 = %while3A_1484 to %while3A_1480 step %while3A_1487 iter_args(%while3A_1735 = %while3A_1486) -> (vector<16xi32>)  : i32 {
      %lt3A_1736 = vector.broadcast %while3A_1734 : i32 to vector<16xi32>
      %lt3A_1737 = arith.cmpi slt, %lt3A_1736, %scan3A_1418 : vector<16xi32>
      %mul3A_1738 = arith.constant 32 : i32
      %mul3A_1739 = vector.broadcast %mul3A_1738 : i32 to vector<16xi32>
      %mul3A_1740 = arith.muli %iota3A_1411, %mul3A_1739 : vector<16xi32>
      %add3A_1741 = vector.broadcast %while3A_1734 : i32 to vector<16xi32>
      %add3A_1742 = arith.addi %mul3A_1740, %add3A_1741 : vector<16xi32>
      %gather3A_1743 = tpu.vector_load_idx %arg8[%add3A_1742] : memref<528xi32, #tpu.memory_space<vmem>>[vector<16xi32>], vector<16xi32>,
      %max3A_1744 = arith.constant 0 : i32
      %max3A_1745 = vector.broadcast %max3A_1744 : i32 to vector<16xi32>
      %max3A_1746 = arith.maxsi %gather3A_1743, %max3A_1745 : vector<16xi32>
      %min3A_1747 = arith.constant 255 : i32
      %min3A_1748 = vector.broadcast %min3A_1747 : i32 to vector<16xi32>
      %min3A_1749 = arith.minsi %max3A_1746, %min3A_1748 : vector<16xi32>
      %mul3A_1750 = arith.constant 128 : i32
      %mul3A_1751 = vector.broadcast %mul3A_1750 : i32 to vector<16xi32>
      %mul3A_1752 = arith.muli %min3A_1749, %mul3A_1751 : vector<16xi32>
      %add3A_1753 = arith.constant 0 : i32
      %add3A_1754 = vector.broadcast %add3A_1753 : i32 to vector<16xi32>
      %add3A_1755 = arith.addi %mul3A_1752, %add3A_1754 : vector<16xi32>
      %add3A_1756 = arith.addi %add3A_1755, %iota3A_1411 : vector<16xi32>
      %gather3A_1757 = tpu.vector_load_idx %arg6[%add3A_1756] : memref<32768xf32, #tpu.memory_space<vmem>>[vector<16xi32>], vector<16xf32>,
      %ge3A_1758 = arith.cmpf oge, %gather3A_1757, %gather3A_1410 : vector<16xf32>
      %and3A_1759 = arith.andi %ge3A_1758, %lt3A_1737 : vector<16xi1>
      %mul3A_1760 = arith.constant 64 : i32
      %mul3A_1761 = vector.broadcast %mul3A_1760 : i32 to vector<16xi32>
      %mul3A_1762 = arith.muli %iota3A_1411, %mul3A_1761 : vector<16xi32>
      %add3A_1763 = arith.addi %mul3A_1762, %while3A_1735 : vector<16xi32>
      %add3A_1764 = arith.constant 1024 : i32
      %add3A_1765 = vector.broadcast %add3A_1764 : i32 to vector<16xi32>
      %add3A_1766 = arith.addi %add3A_1765, %iota3A_1411 : vector<16xi32>
      %select_n3A_1767 = arith.select %and3A_1759, %add3A_1763, %add3A_1766 : vector<16xi1>, vector<16xi32>
      tpu.vector_store_idx %arg9[%select_n3A_1767], %gather3A_1757 : memref<1040xf32, #tpu.memory_space<vmem>>[vector<16xi32>], vector<16xf32>,
      tpu.vector_store_idx %arg10[%select_n3A_1767], %add3A_1756 : memref<1040xi32, #tpu.memory_space<vmem>>[vector<16xi32>], vector<16xi32>,
      %convert_element_type3A = arith.extui %and3A_1759 : vector<16xi1> to vector<16xi32>
      %add3A_1768 = arith.addi %while3A_1735, %convert_element_type3A : vector<16xi32>
      %min3A_1769 = arith.constant 64 : i32
      %min3A_1770 = vector.broadcast %min3A_1769 : i32 to vector<16xi32>
      %min3A_1771 = arith.minsi %add3A_1768, %min3A_1770 : vector<16xi32>
      %add3A_1772 = arith.constant 16 : i32
      %add3A_1773 = vector.broadcast %add3A_1772 : i32 to vector<16xi32>
      %add3A_1774 = arith.addi %mul3A_1752, %add3A_1773 : vector<16xi32>
      %add3A_1775 = arith.addi %add3A_1774, %iota3A_1411 : vector<16xi32>
      %gather3A_1776 = tpu.vector_load_idx %arg6[%add3A_1775] : memref<32768xf32, #tpu.memory_space<vmem>>[vector<16xi32>], vector<16xf32>,
      %ge3A_1777 = arith.cmpf oge, %gather3A_1776, %gather3A_1410 : vector<16xf32>
      %and3A_1778 = arith.andi %ge3A_1777, %lt3A_1737 : vector<16xi1>
      %mul3A_1779 = arith.constant 64 : i32
      %mul3A_1780 = vector.broadcast %mul3A_1779 : i32 to vector<16xi32>
      %mul3A_1781 = arith.muli %iota3A_1411, %mul3A_1780 : vector<16xi32>
      %add3A_1782 = arith.addi %mul3A_1781, %min3A_1771 : vector<16xi32>
      %add3A_1783 = arith.constant 1024 : i32
      %add3A_1784 = vector.broadcast %add3A_1783 : i32 to vector<16xi32>
      %add3A_1785 = arith.addi %add3A_1784, %iota3A_1411 : vector<16xi32>
      %select_n3A_1786 = arith.select %and3A_1778, %add3A_1782, %add3A_1785 : vector<16xi1>, vector<16xi32>
      tpu.vector_store_idx %arg9[%select_n3A_1786], %gather3A_1776 : memref<1040xf32, #tpu.memory_space<vmem>>[vector<16xi32>], vector<16xf32>,
      tpu.vector_store_idx %arg10[%select_n3A_1786], %add3A_1775 : memref<1040xi32, #tpu.memory_space<vmem>>[vector<16xi32>], vector<16xi32>,
      %convert_element_type3A_1787 = arith.extui %and3A_1778 : vector<16xi1> to vector<16xi32>
      %add3A_1788 = arith.addi %min3A_1771, %convert_element_type3A_1787 : vector<16xi32>
      %min3A_1789 = arith.constant 64 : i32
      %min3A_1790 = vector.broadcast %min3A_1789 : i32 to vector<16xi32>
      %min3A_1791 = arith.minsi %add3A_1788, %min3A_1790 : vector<16xi32>
      %add3A_1792 = arith.constant 32 : i32
      %add3A_1793 = vector.broadcast %add3A_1792 : i32 to vector<16xi32>
      %add3A_1794 = arith.addi %mul3A_1752, %add3A_1793 : vector<16xi32>
      %add3A_1795 = arith.addi %add3A_1794, %iota3A_1411 : vector<16xi32>
      %gather3A_1796 = tpu.vector_load_idx %arg6[%add3A_1795] : memref<32768xf32, #tpu.memory_space<vmem>>[vector<16xi32>], vector<16xf32>,
      %ge3A_1797 = arith.cmpf oge, %gather3A_1796, %gather3A_1410 : vector<16xf32>
      %and3A_1798 = arith.andi %ge3A_1797, %lt3A_1737 : vector<16xi1>
      %mul3A_1799 = arith.constant 64 : i32
      %mul3A_1800 = vector.broadcast %mul3A_1799 : i32 to vector<16xi32>
      %mul3A_1801 = arith.muli %iota3A_1411, %mul3A_1800 : vector<16xi32>
      %add3A_1802 = arith.addi %mul3A_1801, %min3A_1791 : vector<16xi32>
      %add3A_1803 = arith.constant 1024 : i32
      %add3A_1804 = vector.broadcast %add3A_1803 : i32 to vector<16xi32>
      %add3A_1805 = arith.addi %add3A_1804, %iota3A_1411 : vector<16xi32>
      %select_n3A_1806 = arith.select %and3A_1798, %add3A_1802, %add3A_1805 : vector<16xi1>, vector<16xi32>
      tpu.vector_store_idx %arg9[%select_n3A_1806], %gather3A_1796 : memref<1040xf32, #tpu.memory_space<vmem>>[vector<16xi32>], vector<16xf32>,
      tpu.vector_store_idx %arg10[%select_n3A_1806], %add3A_1795 : memref<1040xi32, #tpu.memory_space<vmem>>[vector<16xi32>], vector<16xi32>,
      %convert_element_type3A_1807 = arith.extui %and3A_1798 : vector<16xi1> to vector<16xi32>
      %add3A_1808 = arith.addi %min3A_1791, %convert_element_type3A_1807 : vector<16xi32>
      %min3A_1809 = arith.constant 64 : i32
      %min3A_1810 = vector.broadcast %min3A_1809 : i32 to vector<16xi32>
      %min3A_1811 = arith.minsi %add3A_1808, %min3A_1810 : vector<16xi32>
      %add3A_1812 = arith.constant 48 : i32
      %add3A_1813 = vector.broadcast %add3A_1812 : i32 to vector<16xi32>
      %add3A_1814 = arith.addi %mul3A_1752, %add3A_1813 : vector<16xi32>
      %add3A_1815 = arith.addi %add3A_1814, %iota3A_1411 : vector<16xi32>
      %gather3A_1816 = tpu.vector_load_idx %arg6[%add3A_1815] : memref<32768xf32, #tpu.memory_space<vmem>>[vector<16xi32>], vector<16xf32>,
      %ge3A_1817 = arith.cmpf oge, %gather3A_1816, %gather3A_1410 : vector<16xf32>
      %and3A_1818 = arith.andi %ge3A_1817, %lt3A_1737 : vector<16xi1>
      %mul3A_1819 = arith.constant 64 : i32
      %mul3A_1820 = vector.broadcast %mul3A_1819 : i32 to vector<16xi32>
      %mul3A_1821 = arith.muli %iota3A_1411, %mul3A_1820 : vector<16xi32>
      %add3A_1822 = arith.addi %mul3A_1821, %min3A_1811 : vector<16xi32>
      %add3A_1823 = arith.constant 1024 : i32
      %add3A_1824 = vector.broadcast %add3A_1823 : i32 to vector<16xi32>
      %add3A_1825 = arith.addi %add3A_1824, %iota3A_1411 : vector<16xi32>
      %select_n3A_1826 = arith.select %and3A_1818, %add3A_1822, %add3A_1825 : vector<16xi1>, vector<16xi32>
      tpu.vector_store_idx %arg9[%select_n3A_1826], %gather3A_1816 : memref<1040xf32, #tpu.memory_space<vmem>>[vector<16xi32>], vector<16xf32>,
      tpu.vector_store_idx %arg10[%select_n3A_1826], %add3A_1815 : memref<1040xi32, #tpu.memory_space<vmem>>[vector<16xi32>], vector<16xi32>,
      %convert_element_type3A_1827 = arith.extui %and3A_1818 : vector<16xi1> to vector<16xi32>
      %add3A_1828 = arith.addi %min3A_1811, %convert_element_type3A_1827 : vector<16xi32>
      %min3A_1829 = arith.constant 64 : i32
      %min3A_1830 = vector.broadcast %min3A_1829 : i32 to vector<16xi32>
      %min3A_1831 = arith.minsi %add3A_1828, %min3A_1830 : vector<16xi32>
      %add3A_1832 = arith.constant 64 : i32
      %add3A_1833 = vector.broadcast %add3A_1832 : i32 to vector<16xi32>
      %add3A_1834 = arith.addi %mul3A_1752, %add3A_1833 : vector<16xi32>
      %add3A_1835 = arith.addi %add3A_1834, %iota3A_1411 : vector<16xi32>
      %gather3A_1836 = tpu.vector_load_idx %arg6[%add3A_1835] : memref<32768xf32, #tpu.memory_space<vmem>>[vector<16xi32>], vector<16xf32>,
      %ge3A_1837 = arith.cmpf oge, %gather3A_1836, %gather3A_1410 : vector<16xf32>
      %and3A_1838 = arith.andi %ge3A_1837, %lt3A_1737 : vector<16xi1>
      %mul3A_1839 = arith.constant 64 : i32
      %mul3A_1840 = vector.broadcast %mul3A_1839 : i32 to vector<16xi32>
      %mul3A_1841 = arith.muli %iota3A_1411, %mul3A_1840 : vector<16xi32>
      %add3A_1842 = arith.addi %mul3A_1841, %min3A_1831 : vector<16xi32>
      %add3A_1843 = arith.constant 1024 : i32
      %add3A_1844 = vector.broadcast %add3A_1843 : i32 to vector<16xi32>
      %add3A_1845 = arith.addi %add3A_1844, %iota3A_1411 : vector<16xi32>
      %select_n3A_1846 = arith.select %and3A_1838, %add3A_1842, %add3A_1845 : vector<16xi1>, vector<16xi32>
      tpu.vector_store_idx %arg9[%select_n3A_1846], %gather3A_1836 : memref<1040xf32, #tpu.memory_space<vmem>>[vector<16xi32>], vector<16xf32>,
      tpu.vector_store_idx %arg10[%select_n3A_1846], %add3A_1835 : memref<1040xi32, #tpu.memory_space<vmem>>[vector<16xi32>], vector<16xi32>,
      %convert_element_type3A_1847 = arith.extui %and3A_1838 : vector<16xi1> to vector<16xi32>
      %add3A_1848 = arith.addi %min3A_1831, %convert_element_type3A_1847 : vector<16xi32>
      %min3A_1849 = arith.constant 64 : i32
      %min3A_1850 = vector.broadcast %min3A_1849 : i32 to vector<16xi32>
      %min3A_1851 = arith.minsi %add3A_1848, %min3A_1850 : vector<16xi32>
      %add3A_1852 = arith.constant 80 : i32
      %add3A_1853 = vector.broadcast %add3A_1852 : i32 to vector<16xi32>
      %add3A_1854 = arith.addi %mul3A_1752, %add3A_1853 : vector<16xi32>
      %add3A_1855 = arith.addi %add3A_1854, %iota3A_1411 : vector<16xi32>
      %gather3A_1856 = tpu.vector_load_idx %arg6[%add3A_1855] : memref<32768xf32, #tpu.memory_space<vmem>>[vector<16xi32>], vector<16xf32>,
      %ge3A_1857 = arith.cmpf oge, %gather3A_1856, %gather3A_1410 : vector<16xf32>
      %and3A_1858 = arith.andi %ge3A_1857, %lt3A_1737 : vector<16xi1>
      %mul3A_1859 = arith.constant 64 : i32
      %mul3A_1860 = vector.broadcast %mul3A_1859 : i32 to vector<16xi32>
      %mul3A_1861 = arith.muli %iota3A_1411, %mul3A_1860 : vector<16xi32>
      %add3A_1862 = arith.addi %mul3A_1861, %min3A_1851 : vector<16xi32>
      %add3A_1863 = arith.constant 1024 : i32
      %add3A_1864 = vector.broadcast %add3A_1863 : i32 to vector<16xi32>
      %add3A_1865 = arith.addi %add3A_1864, %iota3A_1411 : vector<16xi32>
      %select_n3A_1866 = arith.select %and3A_1858, %add3A_1862, %add3A_1865 : vector<16xi1>, vector<16xi32>
      tpu.vector_store_idx %arg9[%select_n3A_1866], %gather3A_1856 : memref<1040xf32, #tpu.memory_space<vmem>>[vector<16xi32>], vector<16xf32>,
      tpu.vector_store_idx %arg10[%select_n3A_1866], %add3A_1855 : memref<1040xi32, #tpu.memory_space<vmem>>[vector<16xi32>], vector<16xi32>,
      %convert_element_type3A_1867 = arith.extui %and3A_1858 : vector<16xi1> to vector<16xi32>
      %add3A_1868 = arith.addi %min3A_1851, %convert_element_type3A_1867 : vector<16xi32>
      %min3A_1869 = arith.constant 64 : i32
      %min3A_1870 = vector.broadcast %min3A_1869 : i32 to vector<16xi32>
      %min3A_1871 = arith.minsi %add3A_1868, %min3A_1870 : vector<16xi32>
      %add3A_1872 = arith.constant 96 : i32
      %add3A_1873 = vector.broadcast %add3A_1872 : i32 to vector<16xi32>
      %add3A_1874 = arith.addi %mul3A_1752, %add3A_1873 : vector<16xi32>
      %add3A_1875 = arith.addi %add3A_1874, %iota3A_1411 : vector<16xi32>
      %gather3A_1876 = tpu.vector_load_idx %arg6[%add3A_1875] : memref<32768xf32, #tpu.memory_space<vmem>>[vector<16xi32>], vector<16xf32>,
      %ge3A_1877 = arith.cmpf oge, %gather3A_1876, %gather3A_1410 : vector<16xf32>
      %and3A_1878 = arith.andi %ge3A_1877, %lt3A_1737 : vector<16xi1>
      %mul3A_1879 = arith.constant 64 : i32
      %mul3A_1880 = vector.broadcast %mul3A_1879 : i32 to vector<16xi32>
      %mul3A_1881 = arith.muli %iota3A_1411, %mul3A_1880 : vector<16xi32>
      %add3A_1882 = arith.addi %mul3A_1881, %min3A_1871 : vector<16xi32>
      %add3A_1883 = arith.constant 1024 : i32
      %add3A_1884 = vector.broadcast %add3A_1883 : i32 to vector<16xi32>
      %add3A_1885 = arith.addi %add3A_1884, %iota3A_1411 : vector<16xi32>
      %select_n3A_1886 = arith.select %and3A_1878, %add3A_1882, %add3A_1885 : vector<16xi1>, vector<16xi32>
      tpu.vector_store_idx %arg9[%select_n3A_1886], %gather3A_1876 : memref<1040xf32, #tpu.memory_space<vmem>>[vector<16xi32>], vector<16xf32>,
      tpu.vector_store_idx %arg10[%select_n3A_1886], %add3A_1875 : memref<1040xi32, #tpu.memory_space<vmem>>[vector<16xi32>], vector<16xi32>,
      %convert_element_type3A_1887 = arith.extui %and3A_1878 : vector<16xi1> to vector<16xi32>
      %add3A_1888 = arith.addi %min3A_1871, %convert_element_type3A_1887 : vector<16xi32>
      %min3A_1889 = arith.constant 64 : i32
      %min3A_1890 = vector.broadcast %min3A_1889 : i32 to vector<16xi32>
      %min3A_1891 = arith.minsi %add3A_1888, %min3A_1890 : vector<16xi32>
      %add3A_1892 = arith.constant 112 : i32
      %add3A_1893 = vector.broadcast %add3A_1892 : i32 to vector<16xi32>
      %add3A_1894 = arith.addi %mul3A_1752, %add3A_1893 : vector<16xi32>
      %add3A_1895 = arith.addi %add3A_1894, %iota3A_1411 : vector<16xi32>
      %gather3A_1896 = tpu.vector_load_idx %arg6[%add3A_1895] : memref<32768xf32, #tpu.memory_space<vmem>>[vector<16xi32>], vector<16xf32>,
      %ge3A_1897 = arith.cmpf oge, %gather3A_1896, %gather3A_1410 : vector<16xf32>
      %and3A_1898 = arith.andi %ge3A_1897, %lt3A_1737 : vector<16xi1>
      %mul3A_1899 = arith.constant 64 : i32
      %mul3A_1900 = vector.broadcast %mul3A_1899 : i32 to vector<16xi32>
      %mul3A_1901 = arith.muli %iota3A_1411, %mul3A_1900 : vector<16xi32>
      %add3A_1902 = arith.addi %mul3A_1901, %min3A_1891 : vector<16xi32>
      %add3A_1903 = arith.constant 1024 : i32
      %add3A_1904 = vector.broadcast %add3A_1903 : i32 to vector<16xi32>
      %add3A_1905 = arith.addi %add3A_1904, %iota3A_1411 : vector<16xi32>
      %select_n3A_1906 = arith.select %and3A_1898, %add3A_1902, %add3A_1905 : vector<16xi1>, vector<16xi32>
      tpu.vector_store_idx %arg9[%select_n3A_1906], %gather3A_1896 : memref<1040xf32, #tpu.memory_space<vmem>>[vector<16xi32>], vector<16xf32>,
      tpu.vector_store_idx %arg10[%select_n3A_1906], %add3A_1895 : memref<1040xi32, #tpu.memory_space<vmem>>[vector<16xi32>], vector<16xi32>,
      %convert_element_type3A_1907 = arith.extui %and3A_1898 : vector<16xi1> to vector<16xi32>
      %add3A_1908 = arith.addi %min3A_1891, %convert_element_type3A_1907 : vector<16xi32>
      %min3A_1909 = arith.constant 64 : i32
      %min3A_1910 = vector.broadcast %min3A_1909 : i32 to vector<16xi32>
      %min3A_1911 = arith.minsi %add3A_1908, %min3A_1910 : vector<16xi32>
      scf.yield %min3A_1911 : vector<16xi32>
    }
    %sub3A_1489 = arith.constant 1 : i32
    %sub3A_1490 = vector.broadcast %sub3A_1489 : i32 to vector<16xi32>
    %sub3A_1491 = arith.subi %iota3A_1411, %sub3A_1490 : vector<16xi32>
    %max3A_1492 = arith.constant 0 : i32
    %max3A_1493 = vector.broadcast %max3A_1492 : i32 to vector<16xi32>
    %max3A_1494 = arith.maxsi %sub3A_1491, %max3A_1493 : vector<16xi32>
    %lt3A_1495 = arith.constant 0 : i32
    %lt3A_1496 = vector.broadcast %lt3A_1495 : i32 to vector<16xi32>
    %lt3A_1497 = arith.cmpi slt, %max3A_1494, %lt3A_1496 : vector<16xi32>
    %add3A_1498 = arith.constant 16 : i32
    %add3A_1499 = vector.broadcast %add3A_1498 : i32 to vector<16xi32>
    %add3A_1500 = arith.addi %max3A_1494, %add3A_1499 : vector<16xi32>
    %select_n3A_1501 = arith.select %lt3A_1497, %add3A_1500, %max3A_1494 : vector<16xi1>, vector<16xi32>
    %broadcast_in_dim3A_1502 = vector.shape_cast %select_n3A_1501 : vector<16xi32> to vector<16x1xi32>
    %gather3A_1503 = vector.shape_cast %broadcast_in_dim3A_1502 : vector<16x1xi32> to vector<16xi32>
    %gather3A_1504 = tpu.dynamic_gather %while3A_1488[%gather3A_1503] in [0] : vector<16xi32>, vector<16xi32> -> vector<16xi32>
    %ge3A_1505 = arith.constant 1 : i32
    %ge3A_1506 = vector.broadcast %ge3A_1505 : i32 to vector<16xi32>
    %ge3A_1507 = arith.cmpi sge, %iota3A_1411, %ge3A_1506 : vector<16xi32>
    %jit3A_1508 = arith.constant 0 : i32
    %broadcast_in_dim3A_1509 = vector.broadcast %jit3A_1508 : i32 to vector<16xi32>
    %select_n3A_1510 = arith.select %ge3A_1507, %gather3A_1504, %broadcast_in_dim3A_1509 : vector<16xi1>, vector<16xi32>
    %add3A_1511 = arith.addi %while3A_1488, %select_n3A_1510 : vector<16xi32>
    %sub3A_1512 = arith.constant 2 : i32
    %sub3A_1513 = vector.broadcast %sub3A_1512 : i32 to vector<16xi32>
    %sub3A_1514 = arith.subi %iota3A_1411, %sub3A_1513 : vector<16xi32>
    %max3A_1515 = arith.constant 0 : i32
    %max3A_1516 = vector.broadcast %max3A_1515 : i32 to vector<16xi32>
    %max3A_1517 = arith.maxsi %sub3A_1514, %max3A_1516 : vector<16xi32>
    %lt3A_1518 = arith.constant 0 : i32
    %lt3A_1519 = vector.broadcast %lt3A_1518 : i32 to vector<16xi32>
    %lt3A_1520 = arith.cmpi slt, %max3A_1517, %lt3A_1519 : vector<16xi32>
    %add3A_1521 = arith.constant 16 : i32
    %add3A_1522 = vector.broadcast %add3A_1521 : i32 to vector<16xi32>
    %add3A_1523 = arith.addi %max3A_1517, %add3A_1522 : vector<16xi32>
    %select_n3A_1524 = arith.select %lt3A_1520, %add3A_1523, %max3A_1517 : vector<16xi1>, vector<16xi32>
    %broadcast_in_dim3A_1525 = vector.shape_cast %select_n3A_1524 : vector<16xi32> to vector<16x1xi32>
    %gather3A_1526 = vector.shape_cast %broadcast_in_dim3A_1525 : vector<16x1xi32> to vector<16xi32>
    %gather3A_1527 = tpu.dynamic_gather %add3A_1511[%gather3A_1526] in [0] : vector<16xi32>, vector<16xi32> -> vector<16xi32>
    %ge3A_1528 = arith.constant 2 : i32
    %ge3A_1529 = vector.broadcast %ge3A_1528 : i32 to vector<16xi32>
    %ge3A_1530 = arith.cmpi sge, %iota3A_1411, %ge3A_1529 : vector<16xi32>
    %jit3A_1531 = arith.constant 0 : i32
    %broadcast_in_dim3A_1532 = vector.broadcast %jit3A_1531 : i32 to vector<16xi32>
    %select_n3A_1533 = arith.select %ge3A_1530, %gather3A_1527, %broadcast_in_dim3A_1532 : vector<16xi1>, vector<16xi32>
    %add3A_1534 = arith.addi %add3A_1511, %select_n3A_1533 : vector<16xi32>
    %sub3A_1535 = arith.constant 4 : i32
    %sub3A_1536 = vector.broadcast %sub3A_1535 : i32 to vector<16xi32>
    %sub3A_1537 = arith.subi %iota3A_1411, %sub3A_1536 : vector<16xi32>
    %max3A_1538 = arith.constant 0 : i32
    %max3A_1539 = vector.broadcast %max3A_1538 : i32 to vector<16xi32>
    %max3A_1540 = arith.maxsi %sub3A_1537, %max3A_1539 : vector<16xi32>
    %lt3A_1541 = arith.constant 0 : i32
    %lt3A_1542 = vector.broadcast %lt3A_1541 : i32 to vector<16xi32>
    %lt3A_1543 = arith.cmpi slt, %max3A_1540, %lt3A_1542 : vector<16xi32>
    %add3A_1544 = arith.constant 16 : i32
    %add3A_1545 = vector.broadcast %add3A_1544 : i32 to vector<16xi32>
    %add3A_1546 = arith.addi %max3A_1540, %add3A_1545 : vector<16xi32>
    %select_n3A_1547 = arith.select %lt3A_1543, %add3A_1546, %max3A_1540 : vector<16xi1>, vector<16xi32>
    %broadcast_in_dim3A_1548 = vector.shape_cast %select_n3A_1547 : vector<16xi32> to vector<16x1xi32>
    %gather3A_1549 = vector.shape_cast %broadcast_in_dim3A_1548 : vector<16x1xi32> to vector<16xi32>
    %gather3A_1550 = tpu.dynamic_gather %add3A_1534[%gather3A_1549] in [0] : vector<16xi32>, vector<16xi32> -> vector<16xi32>
    %ge3A_1551 = arith.constant 4 : i32
    %ge3A_1552 = vector.broadcast %ge3A_1551 : i32 to vector<16xi32>
    %ge3A_1553 = arith.cmpi sge, %iota3A_1411, %ge3A_1552 : vector<16xi32>
    %jit3A_1554 = arith.constant 0 : i32
    %broadcast_in_dim3A_1555 = vector.broadcast %jit3A_1554 : i32 to vector<16xi32>
    %select_n3A_1556 = arith.select %ge3A_1553, %gather3A_1550, %broadcast_in_dim3A_1555 : vector<16xi1>, vector<16xi32>
    %add3A_1557 = arith.addi %add3A_1534, %select_n3A_1556 : vector<16xi32>
    %sub3A_1558 = arith.constant 8 : i32
    %sub3A_1559 = vector.broadcast %sub3A_1558 : i32 to vector<16xi32>
    %sub3A_1560 = arith.subi %iota3A_1411, %sub3A_1559 : vector<16xi32>
    %max3A_1561 = arith.constant 0 : i32
    %max3A_1562 = vector.broadcast %max3A_1561 : i32 to vector<16xi32>
    %max3A_1563 = arith.maxsi %sub3A_1560, %max3A_1562 : vector<16xi32>
    %lt3A_1564 = arith.constant 0 : i32
    %lt3A_1565 = vector.broadcast %lt3A_1564 : i32 to vector<16xi32>
    %lt3A_1566 = arith.cmpi slt, %max3A_1563, %lt3A_1565 : vector<16xi32>
    %add3A_1567 = arith.constant 16 : i32
    %add3A_1568 = vector.broadcast %add3A_1567 : i32 to vector<16xi32>
    %add3A_1569 = arith.addi %max3A_1563, %add3A_1568 : vector<16xi32>
    %select_n3A_1570 = arith.select %lt3A_1566, %add3A_1569, %max3A_1563 : vector<16xi1>, vector<16xi32>
    %broadcast_in_dim3A_1571 = vector.shape_cast %select_n3A_1570 : vector<16xi32> to vector<16x1xi32>
    %gather3A_1572 = vector.shape_cast %broadcast_in_dim3A_1571 : vector<16x1xi32> to vector<16xi32>
    %gather3A_1573 = tpu.dynamic_gather %add3A_1557[%gather3A_1572] in [0] : vector<16xi32>, vector<16xi32> -> vector<16xi32>
    %ge3A_1574 = arith.constant 8 : i32
    %ge3A_1575 = vector.broadcast %ge3A_1574 : i32 to vector<16xi32>
    %ge3A_1576 = arith.cmpi sge, %iota3A_1411, %ge3A_1575 : vector<16xi32>
    %jit3A_1577 = arith.constant 0 : i32
    %broadcast_in_dim3A_1578 = vector.broadcast %jit3A_1577 : i32 to vector<16xi32>
    %select_n3A_1579 = arith.select %ge3A_1576, %gather3A_1573, %broadcast_in_dim3A_1578 : vector<16xi1>, vector<16xi32>
    %add3A_1580 = arith.addi %add3A_1557, %select_n3A_1579 : vector<16xi32>
    %sub3A_1581 = arith.subi %add3A_1580, %while3A_1488 : vector<16xi32>
    %xor3A_1582 = arith.constant 8 : i32
    %xor3A_1583 = vector.broadcast %xor3A_1582 : i32 to vector<16xi32>
    %xor3A_1584 = arith.xori %iota3A_1411, %xor3A_1583 : vector<16xi32>
    %lt3A_1585 = arith.constant 0 : i32
    %lt3A_1586 = vector.broadcast %lt3A_1585 : i32 to vector<16xi32>
    %lt3A_1587 = arith.cmpi slt, %xor3A_1584, %lt3A_1586 : vector<16xi32>
    %add3A_1588 = arith.constant 16 : i32
    %add3A_1589 = vector.broadcast %add3A_1588 : i32 to vector<16xi32>
    %add3A_1590 = arith.addi %xor3A_1584, %add3A_1589 : vector<16xi32>
    %select_n3A_1591 = arith.select %lt3A_1587, %add3A_1590, %xor3A_1584 : vector<16xi1>, vector<16xi32>
    %broadcast_in_dim3A_1592 = vector.shape_cast %select_n3A_1591 : vector<16xi32> to vector<16x1xi32>
    %gather3A_1593 = vector.shape_cast %broadcast_in_dim3A_1592 : vector<16x1xi32> to vector<16xi32>
    %gather3A_1594 = tpu.dynamic_gather %while3A_1488[%gather3A_1593] in [0] : vector<16xi32>, vector<16xi32> -> vector<16xi32>
    %max3A_1595 = arith.maxsi %while3A_1488, %gather3A_1594 : vector<16xi32>
    %xor3A_1596 = arith.constant 4 : i32
    %xor3A_1597 = vector.broadcast %xor3A_1596 : i32 to vector<16xi32>
    %xor3A_1598 = arith.xori %iota3A_1411, %xor3A_1597 : vector<16xi32>
    %lt3A_1599 = arith.constant 0 : i32
    %lt3A_1600 = vector.broadcast %lt3A_1599 : i32 to vector<16xi32>
    %lt3A_1601 = arith.cmpi slt, %xor3A_1598, %lt3A_1600 : vector<16xi32>
    %add3A_1602 = arith.constant 16 : i32
    %add3A_1603 = vector.broadcast %add3A_1602 : i32 to vector<16xi32>
    %add3A_1604 = arith.addi %xor3A_1598, %add3A_1603 : vector<16xi32>
    %select_n3A_1605 = arith.select %lt3A_1601, %add3A_1604, %xor3A_1598 : vector<16xi1>, vector<16xi32>
    %broadcast_in_dim3A_1606 = vector.shape_cast %select_n3A_1605 : vector<16xi32> to vector<16x1xi32>
    %gather3A_1607 = vector.shape_cast %broadcast_in_dim3A_1606 : vector<16x1xi32> to vector<16xi32>
    %gather3A_1608 = tpu.dynamic_gather %max3A_1595[%gather3A_1607] in [0] : vector<16xi32>, vector<16xi32> -> vector<16xi32>
    %max3A_1609 = arith.maxsi %max3A_1595, %gather3A_1608 : vector<16xi32>
    %xor3A_1610 = arith.constant 2 : i32
    %xor3A_1611 = vector.broadcast %xor3A_1610 : i32 to vector<16xi32>
    %xor3A_1612 = arith.xori %iota3A_1411, %xor3A_1611 : vector<16xi32>
    %lt3A_1613 = arith.constant 0 : i32
    %lt3A_1614 = vector.broadcast %lt3A_1613 : i32 to vector<16xi32>
    %lt3A_1615 = arith.cmpi slt, %xor3A_1612, %lt3A_1614 : vector<16xi32>
    %add3A_1616 = arith.constant 16 : i32
    %add3A_1617 = vector.broadcast %add3A_1616 : i32 to vector<16xi32>
    %add3A_1618 = arith.addi %xor3A_1612, %add3A_1617 : vector<16xi32>
    %select_n3A_1619 = arith.select %lt3A_1615, %add3A_1618, %xor3A_1612 : vector<16xi1>, vector<16xi32>
    %broadcast_in_dim3A_1620 = vector.shape_cast %select_n3A_1619 : vector<16xi32> to vector<16x1xi32>
    %gather3A_1621 = vector.shape_cast %broadcast_in_dim3A_1620 : vector<16x1xi32> to vector<16xi32>
    %gather3A_1622 = tpu.dynamic_gather %max3A_1609[%gather3A_1621] in [0] : vector<16xi32>, vector<16xi32> -> vector<16xi32>
    %max3A_1623 = arith.maxsi %max3A_1609, %gather3A_1622 : vector<16xi32>
    %xor3A_1624 = arith.constant 1 : i32
    %xor3A_1625 = vector.broadcast %xor3A_1624 : i32 to vector<16xi32>
    %xor3A_1626 = arith.xori %iota3A_1411, %xor3A_1625 : vector<16xi32>
    %lt3A_1627 = arith.constant 0 : i32
    %lt3A_1628 = vector.broadcast %lt3A_1627 : i32 to vector<16xi32>
    %lt3A_1629 = arith.cmpi slt, %xor3A_1626, %lt3A_1628 : vector<16xi32>
    %add3A_1630 = arith.constant 16 : i32
    %add3A_1631 = vector.broadcast %add3A_1630 : i32 to vector<16xi32>
    %add3A_1632 = arith.addi %xor3A_1626, %add3A_1631 : vector<16xi32>
    %select_n3A_1633 = arith.select %lt3A_1629, %add3A_1632, %xor3A_1626 : vector<16xi1>, vector<16xi32>
    %broadcast_in_dim3A_1634 = vector.shape_cast %select_n3A_1633 : vector<16xi32> to vector<16x1xi32>
    %gather3A_1635 = vector.shape_cast %broadcast_in_dim3A_1634 : vector<16x1xi32> to vector<16xi32>
    %gather3A_1636 = tpu.dynamic_gather %max3A_1623[%gather3A_1635] in [0] : vector<16xi32>, vector<16xi32> -> vector<16xi32>
    %max3A_1637 = arith.maxsi %max3A_1623, %gather3A_1636 : vector<16xi32>
    %slice3A_1638 = vector.extract_strided_slice %max3A_1637 {offsets = [0], sizes = [1], strides = [1]} : vector<16xi32> to vector<1xi32>
    %squeeze3A_1639 = vector.extract %slice3A_1638[0] : i32 from vector<1xi32>
    %broadcast_in_dim3A_1640 = arith.constant 15 : i32
    %broadcast_in_dim3A_1641 = vector.broadcast %broadcast_in_dim3A_1640 : i32 to vector<16xi32>
    %lt3A_1642 = arith.constant 0 : i32
    %lt3A_1643 = vector.broadcast %lt3A_1642 : i32 to vector<16xi32>
    %lt3A_1644 = arith.cmpi slt, %broadcast_in_dim3A_1641, %lt3A_1643 : vector<16xi32>
    %add3A_1645 = arith.constant 16 : i32
    %add3A_1646 = vector.broadcast %add3A_1645 : i32 to vector<16xi32>
    %add3A_1647 = arith.addi %broadcast_in_dim3A_1641, %add3A_1646 : vector<16xi32>
    %select_n3A_1648 = arith.select %lt3A_1644, %add3A_1647, %broadcast_in_dim3A_1641 : vector<16xi1>, vector<16xi32>
    %broadcast_in_dim3A_1649 = vector.shape_cast %select_n3A_1648 : vector<16xi32> to vector<16x1xi32>
    %gather3A_1650 = vector.shape_cast %broadcast_in_dim3A_1649 : vector<16x1xi32> to vector<16xi32>
    %gather3A_1651 = tpu.dynamic_gather %add3A_1580[%gather3A_1650] in [0] : vector<16xi32>, vector<16xi32> -> vector<16xi32>
    %slice3A_1652 = vector.extract_strided_slice %gather3A_1651 {offsets = [0], sizes = [1], strides = [1]} : vector<16xi32> to vector<1xi32>
    %squeeze3A_1653 = vector.extract %slice3A_1652[0] : i32 from vector<1xi32>
    %while3A_1654 = arith.constant 0 : i32
    %while3A_1655 = arith.constant 0 : i32
    %while3A_1656 = arith.subi %squeeze3A_1639, %while3A_1654 : i32
    %while3A_1657 = arith.addi %while3A_1654, %while3A_1656 : i32
    %while3A_1658 = arith.constant 1 : i32
    %while3A_1659 = arith.divsi %while3A_1656, %while3A_1658 : i32
    %while3A_1660 = arith.muli %while3A_1659, %while3A_1658 : i32
    %while3A_1661 = arith.addi %while3A_1654, %while3A_1660 : i32
    %while3A_1662 = arith.constant 1 : i32
    %while3A_1663 = scf.for %while3A_1734 = %while3A_1654 to %while3A_1661 step %while3A_1662 iter_args(%while3A_1735 = %while3A_1655) -> (i32)  : i32 {
      %mul3A_1736 = arith.constant 64 : i32
      %mul3A_1737 = vector.broadcast %mul3A_1736 : i32 to vector<16xi32>
      %mul3A_1738 = arith.muli %iota3A_1411, %mul3A_1737 : vector<16xi32>
      %add3A_1739 = vector.broadcast %while3A_1734 : i32 to vector<16xi32>
      %add3A_1740 = arith.addi %mul3A_1738, %add3A_1739 : vector<16xi32>
      %gather3A_1741 = tpu.vector_load_idx %arg9[%add3A_1740] : memref<1040xf32, #tpu.memory_space<vmem>>[vector<16xi32>], vector<16xf32>,
      %gather3A_1742 = tpu.vector_load_idx %arg10[%add3A_1740] : memref<1040xi32, #tpu.memory_space<vmem>>[vector<16xi32>], vector<16xi32>,
      %lt3A_1743 = vector.broadcast %while3A_1734 : i32 to vector<16xi32>
      %lt3A_1744 = arith.cmpi slt, %lt3A_1743, %while3A_1488 : vector<16xi32>
      %add3A_1745 = vector.broadcast %while3A_1734 : i32 to vector<16xi32>
      %add3A_1746 = arith.addi %sub3A_1581, %add3A_1745 : vector<16xi32>
      %add3A_1747 = arith.constant 2048 : i32
      %add3A_1748 = vector.broadcast %add3A_1747 : i32 to vector<16xi32>
      %add3A_1749 = arith.addi %add3A_1748, %iota3A_1411 : vector<16xi32>
      %select_n3A_1750 = arith.select %lt3A_1744, %add3A_1746, %add3A_1749 : vector<16xi1>, vector<16xi32>
      tpu.vector_store_idx %arg11[%select_n3A_1750], %gather3A_1741 : memref<2064xf32, #tpu.memory_space<vmem>>[vector<16xi32>], vector<16xf32>,
      tpu.vector_store_idx %arg12[%select_n3A_1750], %gather3A_1742 : memref<2064xi32, #tpu.memory_space<vmem>>[vector<16xi32>], vector<16xi32>,
      %while3A_1751 = arith.constant 0 : i32
      scf.yield %while3A_1751 : i32
    }
    %while3A_1664 = arith.constant 1 : i32
    %while3A_1665 = scf.for %while3A_1734 = %while3A_1661 to %while3A_1657 step %while3A_1664 iter_args(%while3A_1735 = %while3A_1663) -> (i32)  : i32 {
      %mul3A_1736 = arith.constant 64 : i32
      %mul3A_1737 = vector.broadcast %mul3A_1736 : i32 to vector<16xi32>
      %mul3A_1738 = arith.muli %iota3A_1411, %mul3A_1737 : vector<16xi32>
      %add3A_1739 = vector.broadcast %while3A_1734 : i32 to vector<16xi32>
      %add3A_1740 = arith.addi %mul3A_1738, %add3A_1739 : vector<16xi32>
      %gather3A_1741 = tpu.vector_load_idx %arg9[%add3A_1740] : memref<1040xf32, #tpu.memory_space<vmem>>[vector<16xi32>], vector<16xf32>,
      %gather3A_1742 = tpu.vector_load_idx %arg10[%add3A_1740] : memref<1040xi32, #tpu.memory_space<vmem>>[vector<16xi32>], vector<16xi32>,
      %lt3A_1743 = vector.broadcast %while3A_1734 : i32 to vector<16xi32>
      %lt3A_1744 = arith.cmpi slt, %lt3A_1743, %while3A_1488 : vector<16xi32>
      %add3A_1745 = vector.broadcast %while3A_1734 : i32 to vector<16xi32>
      %add3A_1746 = arith.addi %sub3A_1581, %add3A_1745 : vector<16xi32>
      %add3A_1747 = arith.constant 2048 : i32
      %add3A_1748 = vector.broadcast %add3A_1747 : i32 to vector<16xi32>
      %add3A_1749 = arith.addi %add3A_1748, %iota3A_1411 : vector<16xi32>
      %select_n3A_1750 = arith.select %lt3A_1744, %add3A_1746, %add3A_1749 : vector<16xi1>, vector<16xi32>
      tpu.vector_store_idx %arg11[%select_n3A_1750], %gather3A_1741 : memref<2064xf32, #tpu.memory_space<vmem>>[vector<16xi32>], vector<16xf32>,
      tpu.vector_store_idx %arg12[%select_n3A_1750], %gather3A_1742 : memref<2064xi32, #tpu.memory_space<vmem>>[vector<16xi32>], vector<16xi32>,
      %while3A_1751 = arith.constant 0 : i32
      scf.yield %while3A_1751 : i32
    }
    %swap3A_1666 = arith.index_cast %squeeze3A_1653 : i32 to index
    %swap3A_1667 = tpu.vector_load %arg11[%swap3A_1666] {strides = array<i32>} : memref<2064xf32, #tpu.memory_space<vmem>>, vector<16xf32>,
    tpu.vector_store %arg11[%swap3A_1666], %broadcast_in_dim3A_1311 {strides = array<i32>} : memref<2064xf32, #tpu.memory_space<vmem>>, vector<16xf32>,
    %add3A_1668 = arith.constant 16 : i32
    %add3A_1669 = arith.addi %squeeze3A_1653, %add3A_1668 : i32
    %sub3A_1670 = arith.constant 1 : i32
    %sub3A_1671 = arith.subi %add3A_1669, %sub3A_1670 : i32
    %jit3A_1672 = arith.constant 16 : i32
    %div3A_1673 = arith.divsi %sub3A_1671, %jit3A_1672 : i32
    %sign3A_1674 = arith.constant 0 : i32
    %sign3A_1675 = arith.cmpi sgt, %sub3A_1671, %sign3A_1674 : i32
    %sign3A_1676 = arith.extui %sign3A_1675 : i1 to i32
    %sign3A_1677 = arith.constant 0 : i32
    %sign3A_1678 = arith.cmpi slt, %sub3A_1671, %sign3A_1677 : i32
    %sign3A_1679 = arith.extui %sign3A_1678 : i1 to i32
    %sign3A_1680 = arith.subi %sign3A_1676, %sign3A_1679 : i32
    %sign3A_1681 = arith.constant 0 : i32
    %sign3A_1682 = arith.cmpi sgt, %jit3A_1672, %sign3A_1681 : i32
    %sign3A_1683 = arith.extui %sign3A_1682 : i1 to i32
    %sign3A_1684 = arith.constant 0 : i32
    %sign3A_1685 = arith.cmpi slt, %jit3A_1672, %sign3A_1684 : i32
    %sign3A_1686 = arith.extui %sign3A_1685 : i1 to i32
    %sign3A_1687 = arith.subi %sign3A_1683, %sign3A_1686 : i32
    %ne3A_1688 = arith.cmpi ne, %sign3A_1680, %sign3A_1687 : i32
    %rem3A_1689 = arith.remsi %sub3A_1671, %jit3A_1672 : i32
    %ne3A_1690 = arith.constant 0 : i32
    %ne3A_1691 = arith.cmpi ne, %rem3A_1689, %ne3A_1690 : i32
    %and3A_1692 = arith.andi %ne3A_1688, %ne3A_1691 : i1
    %sub3A_1693 = arith.constant 1 : i32
    %sub3A_1694 = arith.subi %div3A_1673, %sub3A_1693 : i32
    %select_n3A_1695 = arith.select %and3A_1692, %sub3A_1694, %div3A_1673 : i32
    %broadcast_in_dim3A_1696 = arith.constant 0.000000e+00 : f32
    %broadcast_in_dim3A_1697 = vector.broadcast %broadcast_in_dim3A_1696 : f32 to vector<16xf32>
    %broadcast_in_dim3A_1698 = arith.constant 0 : i32
    %broadcast_in_dim3A_1699 = vector.broadcast %broadcast_in_dim3A_1698 : i32 to vector<16xi32>
    %broadcast_in_dim3A_1700 = arith.constant 0x7F800000 : f32
    %broadcast_in_dim3A_1701 = vector.broadcast %broadcast_in_dim3A_1700 : f32 to vector<16xf32>
    %broadcast_in_dim3A_1702 = arith.constant -1 : i32
    %broadcast_in_dim3A_1703 = vector.broadcast %broadcast_in_dim3A_1702 : i32 to vector<16xi32>
    %scan3A_1704 = arith.constant 0 : i32
    %scan3A_1705 = arith.constant 32 : i32
    %scan3A_1706 = arith.addi %scan3A_1704, %scan3A_1705 : i32
    %scan3A_1707 = arith.constant 1 : i32
    %scan3A_1708:6 = scf.for %scan3A_1734 = %scan3A_1704 to %scan3A_1706 step %scan3A_1707 iter_args(%scan3A_1735 = %broadcast_in_dim3A_1701, %scan3A_1736 = %broadcast_in_dim3A_1703, %scan3A_1737 = %broadcast_in_dim3A_1697, %scan3A_1738 = %broadcast_in_dim3A_1697, %scan3A_1739 = %broadcast_in_dim3A_1699, %scan3A_1740 = %broadcast_in_dim3A_1699) -> (vector<16xf32>, vector<16xi32>, vector<16xf32>, vector<16xf32>, vector<16xi32>, vector<16xi32>)  : i32 {
      %broadcast_in_dim3A_1741 = arith.constant 1073741824 : i32
      %broadcast_in_dim3A_1742 = vector.broadcast %broadcast_in_dim3A_1741 : i32 to vector<16xi32>
      %while3A_1743 = arith.constant 0 : i32
      %while3A_1744 = arith.subi %select_n3A_1695, %while3A_1743 : i32
      %while3A_1745 = arith.addi %while3A_1743, %while3A_1744 : i32
      %while3A_1746 = arith.constant 1 : i32
      %while3A_1747 = arith.divsi %while3A_1744, %while3A_1746 : i32
      %while3A_1748 = arith.muli %while3A_1747, %while3A_1746 : i32
      %while3A_1749 = arith.addi %while3A_1743, %while3A_1748 : i32
      %while3A_1750 = arith.constant 1 : i32
      %while3A_1751:2 = scf.for %while3A_1889 = %while3A_1743 to %while3A_1749 step %while3A_1750 iter_args(%while3A_1890 = %broadcast_in_dim3A_1311, %while3A_1891 = %broadcast_in_dim3A_1742) -> (vector<16xf32>, vector<16xi32>)  : i32 {
        %mul3A_1892 = arith.constant 16 : i32
        %mul3A_1893 = arith.muli %while3A_1889, %mul3A_1892 : i32
        %get3A = arith.index_cast %mul3A_1893 : i32 to index
        %get3A_1894 = tpu.vector_load %arg11[%get3A] {strides = array<i32>} : memref<2064xf32, #tpu.memory_space<vmem>>, vector<16xf32>,
        %mul3A_1895 = arith.constant 16 : i32
        %mul3A_1896 = arith.muli %while3A_1889, %mul3A_1895 : i32
        %get3A_1897 = arith.index_cast %mul3A_1896 : i32 to index
        %get3A_1898 = tpu.vector_load %arg12[%get3A_1897] {strides = array<i32>} : memref<2064xi32, #tpu.memory_space<vmem>>, vector<16xi32>,
        %lt3A_1899 = arith.cmpf olt, %get3A_1894, %scan3A_1735 : vector<16xf32>
        %eq3A_1900 = arith.cmpf oeq, %get3A_1894, %scan3A_1735 : vector<16xf32>
        %gt3A_1901 = arith.cmpi sgt, %get3A_1898, %scan3A_1736 : vector<16xi32>
        %and3A_1902 = arith.andi %eq3A_1900, %gt3A_1901 : vector<16xi1>
        %or3A_1903 = arith.ori %lt3A_1899, %and3A_1902 : vector<16xi1>
        %jit3A_1904 = arith.constant 0xFF800000 : f32
        %broadcast_in_dim3A_1905 = vector.broadcast %jit3A_1904 : f32 to vector<16xf32>
        %select_n3A_1906 = arith.select %or3A_1903, %get3A_1894, %broadcast_in_dim3A_1905 : vector<16xi1>, vector<16xf32>
        %gt3A_1907 = arith.cmpf ogt, %select_n3A_1906, %while3A_1890 : vector<16xf32>
        %eq3A_1908 = arith.cmpf oeq, %select_n3A_1906, %while3A_1890 : vector<16xf32>
        %lt3A_1909 = arith.cmpi slt, %get3A_1898, %while3A_1891 : vector<16xi32>
        %and3A_1910 = arith.andi %eq3A_1908, %lt3A_1909 : vector<16xi1>
        %or3A_1911 = arith.ori %gt3A_1907, %and3A_1910 : vector<16xi1>
        %select_n3A_1912 = arith.select %or3A_1911, %select_n3A_1906, %while3A_1890 : vector<16xi1>, vector<16xf32>
        %select_n3A_1913 = arith.select %or3A_1911, %get3A_1898, %while3A_1891 : vector<16xi1>, vector<16xi32>
        scf.yield %select_n3A_1912, %select_n3A_1913 : vector<16xf32>, vector<16xi32>
      }
      %while3A_1752 = arith.constant 1 : i32
      %while3A_1753:2 = scf.for %while3A_1889 = %while3A_1749 to %while3A_1745 step %while3A_1752 iter_args(%while3A_1890 = %while3A_1751#0, %while3A_1891 = %while3A_1751#1) -> (vector<16xf32>, vector<16xi32>)  : i32 {
        %mul3A_1892 = arith.constant 16 : i32
        %mul3A_1893 = arith.muli %while3A_1889, %mul3A_1892 : i32
        %get3A = arith.index_cast %mul3A_1893 : i32 to index
        %get3A_1894 = tpu.vector_load %arg11[%get3A] {strides = array<i32>} : memref<2064xf32, #tpu.memory_space<vmem>>, vector<16xf32>,
        %mul3A_1895 = arith.constant 16 : i32
        %mul3A_1896 = arith.muli %while3A_1889, %mul3A_1895 : i32
        %get3A_1897 = arith.index_cast %mul3A_1896 : i32 to index
        %get3A_1898 = tpu.vector_load %arg12[%get3A_1897] {strides = array<i32>} : memref<2064xi32, #tpu.memory_space<vmem>>, vector<16xi32>,
        %lt3A_1899 = arith.cmpf olt, %get3A_1894, %scan3A_1735 : vector<16xf32>
        %eq3A_1900 = arith.cmpf oeq, %get3A_1894, %scan3A_1735 : vector<16xf32>
        %gt3A_1901 = arith.cmpi sgt, %get3A_1898, %scan3A_1736 : vector<16xi32>
        %and3A_1902 = arith.andi %eq3A_1900, %gt3A_1901 : vector<16xi1>
        %or3A_1903 = arith.ori %lt3A_1899, %and3A_1902 : vector<16xi1>
        %jit3A_1904 = arith.constant 0xFF800000 : f32
        %broadcast_in_dim3A_1905 = vector.broadcast %jit3A_1904 : f32 to vector<16xf32>
        %select_n3A_1906 = arith.select %or3A_1903, %get3A_1894, %broadcast_in_dim3A_1905 : vector<16xi1>, vector<16xf32>
        %gt3A_1907 = arith.cmpf ogt, %select_n3A_1906, %while3A_1890 : vector<16xf32>
        %eq3A_1908 = arith.cmpf oeq, %select_n3A_1906, %while3A_1890 : vector<16xf32>
        %lt3A_1909 = arith.cmpi slt, %get3A_1898, %while3A_1891 : vector<16xi32>
        %and3A_1910 = arith.andi %eq3A_1908, %lt3A_1909 : vector<16xi1>
        %or3A_1911 = arith.ori %gt3A_1907, %and3A_1910 : vector<16xi1>
        %select_n3A_1912 = arith.select %or3A_1911, %select_n3A_1906, %while3A_1890 : vector<16xi1>, vector<16xf32>
        %select_n3A_1913 = arith.select %or3A_1911, %get3A_1898, %while3A_1891 : vector<16xi1>, vector<16xi32>
        scf.yield %select_n3A_1912, %select_n3A_1913 : vector<16xf32>, vector<16xi32>
      }
      %xor3A_1754 = arith.constant 8 : i32
      %xor3A_1755 = vector.broadcast %xor3A_1754 : i32 to vector<16xi32>
      %xor3A_1756 = arith.xori %iota3A_1411, %xor3A_1755 : vector<16xi32>
      %lt3A_1757 = arith.constant 0 : i32
      %lt3A_1758 = vector.broadcast %lt3A_1757 : i32 to vector<16xi32>
      %lt3A_1759 = arith.cmpi slt, %xor3A_1756, %lt3A_1758 : vector<16xi32>
      %add3A_1760 = arith.constant 16 : i32
      %add3A_1761 = vector.broadcast %add3A_1760 : i32 to vector<16xi32>
      %add3A_1762 = arith.addi %xor3A_1756, %add3A_1761 : vector<16xi32>
      %select_n3A_1763 = arith.select %lt3A_1759, %add3A_1762, %xor3A_1756 : vector<16xi1>, vector<16xi32>
      %broadcast_in_dim3A_1764 = vector.shape_cast %select_n3A_1763 : vector<16xi32> to vector<16x1xi32>
      %gather3A_1765 = vector.shape_cast %broadcast_in_dim3A_1764 : vector<16x1xi32> to vector<16xi32>
      %gather3A_1766 = tpu.dynamic_gather %while3A_1753#0[%gather3A_1765] in [0] : vector<16xf32>, vector<16xi32> -> vector<16xf32>
      %lt3A_1767 = arith.constant 0 : i32
      %lt3A_1768 = vector.broadcast %lt3A_1767 : i32 to vector<16xi32>
      %lt3A_1769 = arith.cmpi slt, %xor3A_1756, %lt3A_1768 : vector<16xi32>
      %add3A_1770 = arith.constant 16 : i32
      %add3A_1771 = vector.broadcast %add3A_1770 : i32 to vector<16xi32>
      %add3A_1772 = arith.addi %xor3A_1756, %add3A_1771 : vector<16xi32>
      %select_n3A_1773 = arith.select %lt3A_1769, %add3A_1772, %xor3A_1756 : vector<16xi1>, vector<16xi32>
      %broadcast_in_dim3A_1774 = vector.shape_cast %select_n3A_1773 : vector<16xi32> to vector<16x1xi32>
      %gather3A_1775 = vector.shape_cast %broadcast_in_dim3A_1774 : vector<16x1xi32> to vector<16xi32>
      %gather3A_1776 = tpu.dynamic_gather %while3A_1753#1[%gather3A_1775] in [0] : vector<16xi32>, vector<16xi32> -> vector<16xi32>
      %gt3A = arith.cmpf ogt, %gather3A_1766, %while3A_1753#0 : vector<16xf32>
      %eq3A = arith.cmpf oeq, %gather3A_1766, %while3A_1753#0 : vector<16xf32>
      %lt3A_1777 = arith.cmpi slt, %gather3A_1776, %while3A_1753#1 : vector<16xi32>
      %and3A_1778 = arith.andi %eq3A, %lt3A_1777 : vector<16xi1>
      %or3A = arith.ori %gt3A, %and3A_1778 : vector<16xi1>
      %select_n3A_1779 = arith.select %or3A, %gather3A_1766, %while3A_1753#0 : vector<16xi1>, vector<16xf32>
      %select_n3A_1780 = arith.select %or3A, %gather3A_1776, %while3A_1753#1 : vector<16xi1>, vector<16xi32>
      %xor3A_1781 = arith.constant 4 : i32
      %xor3A_1782 = vector.broadcast %xor3A_1781 : i32 to vector<16xi32>
      %xor3A_1783 = arith.xori %iota3A_1411, %xor3A_1782 : vector<16xi32>
      %lt3A_1784 = arith.constant 0 : i32
      %lt3A_1785 = vector.broadcast %lt3A_1784 : i32 to vector<16xi32>
      %lt3A_1786 = arith.cmpi slt, %xor3A_1783, %lt3A_1785 : vector<16xi32>
      %add3A_1787 = arith.constant 16 : i32
      %add3A_1788 = vector.broadcast %add3A_1787 : i32 to vector<16xi32>
      %add3A_1789 = arith.addi %xor3A_1783, %add3A_1788 : vector<16xi32>
      %select_n3A_1790 = arith.select %lt3A_1786, %add3A_1789, %xor3A_1783 : vector<16xi1>, vector<16xi32>
      %broadcast_in_dim3A_1791 = vector.shape_cast %select_n3A_1790 : vector<16xi32> to vector<16x1xi32>
      %gather3A_1792 = vector.shape_cast %broadcast_in_dim3A_1791 : vector<16x1xi32> to vector<16xi32>
      %gather3A_1793 = tpu.dynamic_gather %select_n3A_1779[%gather3A_1792] in [0] : vector<16xf32>, vector<16xi32> -> vector<16xf32>
      %lt3A_1794 = arith.constant 0 : i32
      %lt3A_1795 = vector.broadcast %lt3A_1794 : i32 to vector<16xi32>
      %lt3A_1796 = arith.cmpi slt, %xor3A_1783, %lt3A_1795 : vector<16xi32>
      %add3A_1797 = arith.constant 16 : i32
      %add3A_1798 = vector.broadcast %add3A_1797 : i32 to vector<16xi32>
      %add3A_1799 = arith.addi %xor3A_1783, %add3A_1798 : vector<16xi32>
      %select_n3A_1800 = arith.select %lt3A_1796, %add3A_1799, %xor3A_1783 : vector<16xi1>, vector<16xi32>
      %broadcast_in_dim3A_1801 = vector.shape_cast %select_n3A_1800 : vector<16xi32> to vector<16x1xi32>
      %gather3A_1802 = vector.shape_cast %broadcast_in_dim3A_1801 : vector<16x1xi32> to vector<16xi32>
      %gather3A_1803 = tpu.dynamic_gather %select_n3A_1780[%gather3A_1802] in [0] : vector<16xi32>, vector<16xi32> -> vector<16xi32>
      %gt3A_1804 = arith.cmpf ogt, %gather3A_1793, %select_n3A_1779 : vector<16xf32>
      %eq3A_1805 = arith.cmpf oeq, %gather3A_1793, %select_n3A_1779 : vector<16xf32>
      %lt3A_1806 = arith.cmpi slt, %gather3A_1803, %select_n3A_1780 : vector<16xi32>
      %and3A_1807 = arith.andi %eq3A_1805, %lt3A_1806 : vector<16xi1>
      %or3A_1808 = arith.ori %gt3A_1804, %and3A_1807 : vector<16xi1>
      %select_n3A_1809 = arith.select %or3A_1808, %gather3A_1793, %select_n3A_1779 : vector<16xi1>, vector<16xf32>
      %select_n3A_1810 = arith.select %or3A_1808, %gather3A_1803, %select_n3A_1780 : vector<16xi1>, vector<16xi32>
      %xor3A_1811 = arith.constant 2 : i32
      %xor3A_1812 = vector.broadcast %xor3A_1811 : i32 to vector<16xi32>
      %xor3A_1813 = arith.xori %iota3A_1411, %xor3A_1812 : vector<16xi32>
      %lt3A_1814 = arith.constant 0 : i32
      %lt3A_1815 = vector.broadcast %lt3A_1814 : i32 to vector<16xi32>
      %lt3A_1816 = arith.cmpi slt, %xor3A_1813, %lt3A_1815 : vector<16xi32>
      %add3A_1817 = arith.constant 16 : i32
      %add3A_1818 = vector.broadcast %add3A_1817 : i32 to vector<16xi32>
      %add3A_1819 = arith.addi %xor3A_1813, %add3A_1818 : vector<16xi32>
      %select_n3A_1820 = arith.select %lt3A_1816, %add3A_1819, %xor3A_1813 : vector<16xi1>, vector<16xi32>
      %broadcast_in_dim3A_1821 = vector.shape_cast %select_n3A_1820 : vector<16xi32> to vector<16x1xi32>
      %gather3A_1822 = vector.shape_cast %broadcast_in_dim3A_1821 : vector<16x1xi32> to vector<16xi32>
      %gather3A_1823 = tpu.dynamic_gather %select_n3A_1809[%gather3A_1822] in [0] : vector<16xf32>, vector<16xi32> -> vector<16xf32>
      %lt3A_1824 = arith.constant 0 : i32
      %lt3A_1825 = vector.broadcast %lt3A_1824 : i32 to vector<16xi32>
      %lt3A_1826 = arith.cmpi slt, %xor3A_1813, %lt3A_1825 : vector<16xi32>
      %add3A_1827 = arith.constant 16 : i32
      %add3A_1828 = vector.broadcast %add3A_1827 : i32 to vector<16xi32>
      %add3A_1829 = arith.addi %xor3A_1813, %add3A_1828 : vector<16xi32>
      %select_n3A_1830 = arith.select %lt3A_1826, %add3A_1829, %xor3A_1813 : vector<16xi1>, vector<16xi32>
      %broadcast_in_dim3A_1831 = vector.shape_cast %select_n3A_1830 : vector<16xi32> to vector<16x1xi32>
      %gather3A_1832 = vector.shape_cast %broadcast_in_dim3A_1831 : vector<16x1xi32> to vector<16xi32>
      %gather3A_1833 = tpu.dynamic_gather %select_n3A_1810[%gather3A_1832] in [0] : vector<16xi32>, vector<16xi32> -> vector<16xi32>
      %gt3A_1834 = arith.cmpf ogt, %gather3A_1823, %select_n3A_1809 : vector<16xf32>
      %eq3A_1835 = arith.cmpf oeq, %gather3A_1823, %select_n3A_1809 : vector<16xf32>
      %lt3A_1836 = arith.cmpi slt, %gather3A_1833, %select_n3A_1810 : vector<16xi32>
      %and3A_1837 = arith.andi %eq3A_1835, %lt3A_1836 : vector<16xi1>
      %or3A_1838 = arith.ori %gt3A_1834, %and3A_1837 : vector<16xi1>
      %select_n3A_1839 = arith.select %or3A_1838, %gather3A_1823, %select_n3A_1809 : vector<16xi1>, vector<16xf32>
      %select_n3A_1840 = arith.select %or3A_1838, %gather3A_1833, %select_n3A_1810 : vector<16xi1>, vector<16xi32>
      %xor3A_1841 = arith.constant 1 : i32
      %xor3A_1842 = vector.broadcast %xor3A_1841 : i32 to vector<16xi32>
      %xor3A_1843 = arith.xori %iota3A_1411, %xor3A_1842 : vector<16xi32>
      %lt3A_1844 = arith.constant 0 : i32
      %lt3A_1845 = vector.broadcast %lt3A_1844 : i32 to vector<16xi32>
      %lt3A_1846 = arith.cmpi slt, %xor3A_1843, %lt3A_1845 : vector<16xi32>
      %add3A_1847 = arith.constant 16 : i32
      %add3A_1848 = vector.broadcast %add3A_1847 : i32 to vector<16xi32>
      %add3A_1849 = arith.addi %xor3A_1843, %add3A_1848 : vector<16xi32>
      %select_n3A_1850 = arith.select %lt3A_1846, %add3A_1849, %xor3A_1843 : vector<16xi1>, vector<16xi32>
      %broadcast_in_dim3A_1851 = vector.shape_cast %select_n3A_1850 : vector<16xi32> to vector<16x1xi32>
      %gather3A_1852 = vector.shape_cast %broadcast_in_dim3A_1851 : vector<16x1xi32> to vector<16xi32>
      %gather3A_1853 = tpu.dynamic_gather %select_n3A_1839[%gather3A_1852] in [0] : vector<16xf32>, vector<16xi32> -> vector<16xf32>
      %lt3A_1854 = arith.constant 0 : i32
      %lt3A_1855 = vector.broadcast %lt3A_1854 : i32 to vector<16xi32>
      %lt3A_1856 = arith.cmpi slt, %xor3A_1843, %lt3A_1855 : vector<16xi32>
      %add3A_1857 = arith.constant 16 : i32
      %add3A_1858 = vector.broadcast %add3A_1857 : i32 to vector<16xi32>
      %add3A_1859 = arith.addi %xor3A_1843, %add3A_1858 : vector<16xi32>
      %select_n3A_1860 = arith.select %lt3A_1856, %add3A_1859, %xor3A_1843 : vector<16xi1>, vector<16xi32>
      %broadcast_in_dim3A_1861 = vector.shape_cast %select_n3A_1860 : vector<16xi32> to vector<16x1xi32>
      %gather3A_1862 = vector.shape_cast %broadcast_in_dim3A_1861 : vector<16x1xi32> to vector<16xi32>
      %gather3A_1863 = tpu.dynamic_gather %select_n3A_1840[%gather3A_1862] in [0] : vector<16xi32>, vector<16xi32> -> vector<16xi32>
      %gt3A_1864 = arith.cmpf ogt, %gather3A_1853, %select_n3A_1839 : vector<16xf32>
      %eq3A_1865 = arith.cmpf oeq, %gather3A_1853, %select_n3A_1839 : vector<16xf32>
      %lt3A_1866 = arith.cmpi slt, %gather3A_1863, %select_n3A_1840 : vector<16xi32>
      %and3A_1867 = arith.andi %eq3A_1865, %lt3A_1866 : vector<16xi1>
      %or3A_1868 = arith.ori %gt3A_1864, %and3A_1867 : vector<16xi1>
      %select_n3A_1869 = arith.select %or3A_1868, %gather3A_1853, %select_n3A_1839 : vector<16xi1>, vector<16xf32>
      %select_n3A_1870 = arith.select %or3A_1868, %gather3A_1863, %select_n3A_1840 : vector<16xi1>, vector<16xi32>
      %lt3A_1871 = arith.constant 16 : i32
      %lt3A_1872 = arith.cmpi slt, %scan3A_1734, %lt3A_1871 : i32
      %eq3A_1873 = vector.broadcast %scan3A_1734 : i32 to vector<16xi32>
      %eq3A_1874 = arith.cmpi eq, %iota3A_1411, %eq3A_1873 : vector<16xi32>
      %and3A_1875 = vector.broadcast %lt3A_1872 : i1 to vector<16xi1>
      %and3A_1876 = arith.andi %and3A_1875, %eq3A_1874 : vector<16xi1>
      %ge3A_1877 = arith.constant 16 : i32
      %ge3A_1878 = arith.cmpi sge, %scan3A_1734, %ge3A_1877 : i32
      %sub3A_1879 = arith.constant 16 : i32
      %sub3A_1880 = arith.subi %scan3A_1734, %sub3A_1879 : i32
      %eq3A_1881 = vector.broadcast %sub3A_1880 : i32 to vector<16xi32>
      %eq3A_1882 = arith.cmpi eq, %iota3A_1411, %eq3A_1881 : vector<16xi32>
      %and3A_1883 = vector.broadcast %ge3A_1878 : i1 to vector<16xi1>
      %and3A_1884 = arith.andi %and3A_1883, %eq3A_1882 : vector<16xi1>
      %select_n3A_1885 = arith.select %and3A_1876, %select_n3A_1869, %scan3A_1737 : vector<16xi1>, vector<16xf32>
      %select_n3A_1886 = arith.select %and3A_1884, %select_n3A_1869, %scan3A_1738 : vector<16xi1>, vector<16xf32>
      %select_n3A_1887 = arith.select %and3A_1876, %select_n3A_1870, %scan3A_1739 : vector<16xi1>, vector<16xi32>
      %select_n3A_1888 = arith.select %and3A_1884, %select_n3A_1870, %scan3A_1740 : vector<16xi1>, vector<16xi32>
      scf.yield %select_n3A_1869, %select_n3A_1870, %select_n3A_1885, %select_n3A_1886, %select_n3A_1887, %select_n3A_1888 : vector<16xf32>, vector<16xi32>, vector<16xf32>, vector<16xf32>, vector<16xi32>, vector<16xi32>
    }
    %scan3A_1709 = arith.constant 32 : i32
    %swap3A_1710 = arith.constant 3 : i32
    %swap3A_1711 = arith.constant 0 : i32
    %swap3A_1712 = tpu.memref_slice %arg13[%swap3A_1710, %swap3A_1711] : memref<4x32xf32, #tpu.memory_space<vmem>> -> memref<1x32xf32, #tpu.memory_space<vmem>>
    %swap3A_1713 = tpu.memref_squeeze %swap3A_1712 : memref<1x32xf32, #tpu.memory_space<vmem>> -> memref<32xf32, #tpu.memory_space<vmem>>
    %swap3A_1714 = arith.constant 0 : index
    %swap3A_1715 = tpu.vector_load %swap3A_1713[%swap3A_1714] {strides = array<i32>} : memref<32xf32, #tpu.memory_space<vmem>>, vector<16xf32>,
    tpu.vector_store %swap3A_1713[%swap3A_1714], %scan3A_1708#2 {strides = array<i32>} : memref<32xf32, #tpu.memory_space<vmem>>, vector<16xf32>,
    %swap3A_1716 = arith.constant 3 : i32
    %swap3A_1717 = arith.constant 0 : i32
    %swap3A_1718 = tpu.memref_slice %arg13[%swap3A_1716, %swap3A_1717] : memref<4x32xf32, #tpu.memory_space<vmem>> -> memref<1x32xf32, #tpu.memory_space<vmem>>
    %swap3A_1719 = tpu.memref_squeeze %swap3A_1718 : memref<1x32xf32, #tpu.memory_space<vmem>> -> memref<32xf32, #tpu.memory_space<vmem>>
    %swap3A_1720 = arith.constant 16 : index
    %swap3A_1721 = tpu.vector_load %swap3A_1719[%swap3A_1720] {strides = array<i32>} : memref<32xf32, #tpu.memory_space<vmem>>, vector<16xf32>,
    tpu.vector_store %swap3A_1719[%swap3A_1720], %scan3A_1708#3 {strides = array<i32>} : memref<32xf32, #tpu.memory_space<vmem>>, vector<16xf32>,
    %swap3A_1722 = arith.constant 3 : i32
    %swap3A_1723 = arith.constant 0 : i32
    %swap3A_1724 = tpu.memref_slice %arg14[%swap3A_1722, %swap3A_1723] : memref<4x32xi32, #tpu.memory_space<vmem>> -> memref<1x32xi32, #tpu.memory_space<vmem>>
    %swap3A_1725 = tpu.memref_squeeze %swap3A_1724 : memref<1x32xi32, #tpu.memory_space<vmem>> -> memref<32xi32, #tpu.memory_space<vmem>>
    %swap3A_1726 = arith.constant 0 : index
    %swap3A_1727 = tpu.vector_load %swap3A_1725[%swap3A_1726] {strides = array<i32>} : memref<32xi32, #tpu.memory_space<vmem>>, vector<16xi32>,
    tpu.vector_store %swap3A_1725[%swap3A_1726], %scan3A_1708#4 {strides = array<i32>} : memref<32xi32, #tpu.memory_space<vmem>>, vector<16xi32>,
    %swap3A_1728 = arith.constant 3 : i32
    %swap3A_1729 = arith.constant 0 : i32
    %swap3A_1730 = tpu.memref_slice %arg14[%swap3A_1728, %swap3A_1729] : memref<4x32xi32, #tpu.memory_space<vmem>> -> memref<1x32xi32, #tpu.memory_space<vmem>>
    %swap3A_1731 = tpu.memref_squeeze %swap3A_1730 : memref<1x32xi32, #tpu.memory_space<vmem>> -> memref<32xi32, #tpu.memory_space<vmem>>
    %swap3A_1732 = arith.constant 16 : index
    %swap3A_1733 = tpu.vector_load %swap3A_1731[%swap3A_1732] {strides = array<i32>} : memref<32xi32, #tpu.memory_space<vmem>>, vector<16xi32>,
    tpu.vector_store %swap3A_1731[%swap3A_1732], %scan3A_1708#5 {strides = array<i32>} : memref<32xi32, #tpu.memory_space<vmem>>, vector<16xi32>,
    "tpu.region"() ({
      %run_scoped3A = tpu.sem_alloc : memref<!tpu.dma_semaphore, #tpu.memory_space<semaphore_mem>>
      %dma_start3A_1734 = arith.constant 0 : i32
      %dma_start3A_1735 = tpu.memref_slice %arg3[%mul3A_2, %dma_start3A_1734] : memref<128x32xf32, #tpu.memory_space<hbm>> -> memref<4x32xf32, #tpu.memory_space<hbm>>
      %dma_start3A_1736 = arith.constant 0 : i32
      %dma_start3A_1737 = tpu.memref_slice %arg3[%mul3A_2, %dma_start3A_1736] : memref<128x32xf32, #tpu.memory_space<hbm>> -> memref<4x32xf32, #tpu.memory_space<hbm>>
      tpu.enqueue_dma source(%arg13 : memref<4x32xf32, #tpu.memory_space<vmem>>) target(%dma_start3A_1737 : memref<4x32xf32, #tpu.memory_space<hbm>>) target_semaphore(%run_scoped3A : memref<!tpu.dma_semaphore, #tpu.memory_space<semaphore_mem>>)
      %dma_wait3A_1738 = arith.constant 0 : i32
      %dma_wait3A_1739 = tpu.memref_slice %arg3[%mul3A_2, %dma_wait3A_1738] : memref<128x32xf32, #tpu.memory_space<hbm>> -> memref<4x32xf32, #tpu.memory_space<hbm>>
      %dma_wait3A_1740 = arith.constant 0 : i32
      %dma_wait3A_1741 = tpu.memref_slice %arg3[%mul3A_2, %dma_wait3A_1740] : memref<128x32xf32, #tpu.memory_space<hbm>> -> memref<4x32xf32, #tpu.memory_space<hbm>>
      tpu.wait_dma2 semaphore(%run_scoped3A : memref<!tpu.dma_semaphore, #tpu.memory_space<semaphore_mem>>) src(%arg13 : memref<4x32xf32, #tpu.memory_space<vmem>>) dst(%dma_wait3A_1741 : memref<4x32xf32, #tpu.memory_space<hbm>>)
      tpu.yield
    }) : () -> ()
    "tpu.region"() ({
      %run_scoped3A = tpu.sem_alloc : memref<!tpu.dma_semaphore, #tpu.memory_space<semaphore_mem>>
      %dma_start3A_1734 = arith.constant 0 : i32
      %dma_start3A_1735 = tpu.memref_slice %arg4[%mul3A_2, %dma_start3A_1734] : memref<128x32xi32, #tpu.memory_space<hbm>> -> memref<4x32xi32, #tpu.memory_space<hbm>>
      %dma_start3A_1736 = arith.constant 0 : i32
      %dma_start3A_1737 = tpu.memref_slice %arg4[%mul3A_2, %dma_start3A_1736] : memref<128x32xi32, #tpu.memory_space<hbm>> -> memref<4x32xi32, #tpu.memory_space<hbm>>
      tpu.enqueue_dma source(%arg14 : memref<4x32xi32, #tpu.memory_space<vmem>>) target(%dma_start3A_1737 : memref<4x32xi32, #tpu.memory_space<hbm>>) target_semaphore(%run_scoped3A : memref<!tpu.dma_semaphore, #tpu.memory_space<semaphore_mem>>)
      %dma_wait3A_1738 = arith.constant 0 : i32
      %dma_wait3A_1739 = tpu.memref_slice %arg4[%mul3A_2, %dma_wait3A_1738] : memref<128x32xi32, #tpu.memory_space<hbm>> -> memref<4x32xi32, #tpu.memory_space<hbm>>
      %dma_wait3A_1740 = arith.constant 0 : i32
      %dma_wait3A_1741 = tpu.memref_slice %arg4[%mul3A_2, %dma_wait3A_1740] : memref<128x32xi32, #tpu.memory_space<hbm>> -> memref<4x32xi32, #tpu.memory_space<hbm>>
      tpu.wait_dma2 semaphore(%run_scoped3A : memref<!tpu.dma_semaphore, #tpu.memory_space<semaphore_mem>>) src(%arg14 : memref<4x32xi32, #tpu.memory_space<vmem>>) dst(%dma_wait3A_1741 : memref<4x32xi32, #tpu.memory_space<hbm>>)
      tpu.yield
    }) : () -> ()
    return
  }
}

</mosaic_0001>

<sc_bundles>
// kernel: kernel.3.cloned.1.call-start
scs
__scs_entry_jumppad:
0x0: {  	(pc) =	sbr.rel $0x88, $3  }
0x1: {  	(tag) =	ssettag $0x0;
	lr =	simm.s32 $0x1  }
0x2: {  	[smem:$0x3FA0] =	sst lr;
	_ =	strace $0xD0000000  }
0x3: {  	_ = 	snop  }
0x4: {  	_ = 	snop  }
0x5: {  	_ = 	snop  }
0x6: {  	_ = 	snop  }
0x7: {  	_ = 	snop  }
__scs_overlays_trampoline_lowered:
0x8: {  	[smem:$0x3FAF] =	sst s0  }
0x9: {  	[smem:$0x3FB0] =	sst s1  }
0xa: {  	[smem:$0x3FB1] =	sst s2  }
0xb: {  	[smem:$0x3FB2] =	sst s3  }
0xc: {  	[smem:$0x3FB3] =	sst s4  }
0xd: {  	[smem:$0x3FB4] =	sst s5  }
0xe: {  	[smem:$0x3FB5] =	sst s6  }
0xf: {  	[smem:$0x3FB6] =	sst s7  }
0x10: {  	[smem:$0x3FB7] =	sst s8  }
0x11: {  	[smem:$0x3FB8] =	sst s9;
	s0 =	simm.s32 @!p0 $0x0  }
0x12: {  	s1 =	sld [smem:$0x3F9E];
	s0 =	simm.s32 @p0 $0x1  }
0x13: {  	[smem:$0x3FB9] =	sst s0;
	s0 =	simm.s32 @!p1 $0x0  }
0x14: {  	s2 =	sld [smem:$0x3F9D];
	s0 =	simm.s32 @p1 $0x1  }
0x15: {  	[smem:$0x3FBA] =	sst s0;
	s0 =	simm.s32 @!p2 $0x0  }
0x16: {  	s3 =	sld [smem:$0x3FDB];
	s0 =	simm.s32 @p2 $0x1  }
0x17: {  	s4 =	simm.s32 $0x1BF5;
	[smem:$0x3FBC] =	sst s0  }
0x18: {  	s0 =	sld [smem:$0x3F9F];
	_ =	swait.ge [sflag:s4], $0x0  }
0x19: {  	s7 =	sld [smem:$0x3FA0]  }
0x1a: {  	s8 =	sadd.s32 $0xFFFFE003, lr  }
0x1b: {  	s9 =	sadd.s32 $0xFFFFFEF7, lr;
	s5 =	simm.s32 $0xFFFFFFFF;
	p2 =	slt.u32 s8, $0xFFFFF086  }
0x1c: {  	p1 =	slt.u32 s9, $0xF7A;
	s5 =	simm.s32 @!p2 $0x0  }
0x1d: {  	s5 =	simm.s32 @p1 $0x1;
	p0 =	seq.s32 s7, s2  }
0x1e: {  	s7 =	smul.u32 @!p0 $0xF7A, s2;
	p2 =	seq.s32 @!p0 s5, $0x0  }
0x1f: {  	s9 =	smul.u32 $0xF7A, s1;
	s8 =	simm.s32 @!p0 $0x1BF5;
	p2 =	por !p2, p0  }
0x20: {  	[sflag:s8] =	ssyncset.s32 @!p0 $0xFFFFF086;
	s6 =	sadd.s32 @!p0 s3, s7;
	s7 =	simm.s32 @!p0 $0x108  }
0x21: {  	s3 =	sadd.s32 s3, s9;
	s6 =	sadd.s32 @!p0 $0x88, s6;
	s7 =	simm.s32 @p2 $0x1082  }
0x22: {  	[simem:s7], [sflag:s8] =	dma.local @!p0 [hbm:s6], $0xF7A  }
0x23: {  	s9 =	sor.u32 $0xD0000000, s2;
	s6 =	simm.s32 $0x108;
	_ =	swait.ge @!p0 [sflag:s8], $0x0  }
0x24: {  	s3 =	sadd.s32 $0x88, s3;
	s6 =	simm.s32 @!p1 $0x1082;
	[sflag:s4] =	ssyncset.s32 $0xFFFFF086  }
0x25: {  	[simem:s6], [sflag:s4] =	dma.local [hbm:s3], $0xF7A  }
0x26: {  	[smem:$0x3FA0] =	sst s1;
	(tag) =	ssettag s2;
	_ =	strace s9  }
0x27: {  	s1 =	sld [smem:$0x3FB0]  }
0x28: {  	s2 =	sld [smem:$0x3FB1]  }
0x29: {  	s4 =	sld [smem:$0x3FB3]  }
0x2a: {  	p0 =	seq.s32 s5, $0x0;
	s5 =	sld [smem:$0x3FB4]  }
0x2b: {  	s6 =	sld [smem:$0x3FB5]  }
0x2c: {  	s7 =	sld [smem:$0x3FB6]  }
0x2d: {  	s3 =	simm.s32 $0x108;
	s8 =	sld [smem:$0x3FB7]  }
0x2e: {  	s3 =	simm.s32 @!p0 $0x1082;
	s9 =	sld [smem:$0x3FB8]  }
0x2f: {  	lr =	sadd.s32 s0, s3;
	s0 =	sld [smem:$0x3FAF]  }
0x30: {  	s3 =	sld [smem:$0x3FB2]  }
0x31: {  	[smem:$0x3FBB] =	sst s10  }
0x32: {  	s10 =	sld [smem:$0x3FB9];
	_ =	sdelay $0x3  }
0x33: {  	p0 =	seq.s32 s10, $0x1;
	s10 =	sld [smem:$0x3FBB];
	_ =	sdelay $0x3  }
0x34: {  	[smem:$0x3FBB] =	sst s10  }
0x35: {  	s10 =	sld [smem:$0x3FBA];
	_ =	sdelay $0x3  }
0x36: {  	p1 =	seq.s32 s10, $0x1;
	s10 =	sld [smem:$0x3FBB];
	_ =	sdelay $0x3  }
0x37: {  	[smem:$0x3FBB] =	sst s10  }
0x38: {  	s10 =	sld [smem:$0x3FBC]  }
0x39: {  	_ = 	snop;
	(pc) =	sbr.ind lr, $3  }
0x3a: {  	_ = 	snop  }
0x3b: {  	_ = 	snop  }
0x3c: {  	p2 =	seq.s32 s10, $0x1;
	s10 =	sld [smem:$0x3FBB]  }
0x3d: {  	_ =	shalt  }
0x3e: {  	_ =	shalt  }
0x3f: {  	_ =	shalt  }
0x40: {  	_ =	shalt  }
0x41: {  	_ =	shalt  }
0x42: {  	_ =	shalt  }
0x43: {  	_ =	shalt  }
0x44: {  	_ =	shalt  }
0x45: {  	_ =	shalt  }
0x46: {  	_ =	shalt  }
0x47: {  	_ =	shalt  }
0x48: {  	_ =	shalt  }
0x49: {  	_ =	shalt  }
0x4a: {  	_ =	shalt  }
0x4b: {  	_ =	shalt  }
0x4c: {  	_ =	shalt  }
0x4d: {  	_ =	shalt  }
0x4e: {  	_ =	shalt  }
0x4f: {  	_ =	shalt  }
0x50: {  	_ =	shalt  }
0x51: {  	_ =	shalt  }
0x52: {  	_ =	shalt  }
0x53: {  	_ =	shalt  }
0x54: {  	_ =	shalt  }
0x55: {  	_ =	shalt  }
0x56: {  	_ =	shalt  }
0x57: {  	_ =	shalt  }
0x58: {  	_ =	shalt  }
0x59: {  	_ =	shalt  }
0x5a: {  	_ =	shalt  }
0x5b: {  	_ =	shalt  }
0x5c: {  	_ =	shalt  }
0x5d: {  	_ =	shalt  }
0x5e: {  	_ =	shalt  }
0x5f: {  	_ =	shalt  }
0x60: {  	_ =	shalt  }
0x61: {  	_ =	shalt  }
0x62: {  	_ =	shalt  }
0x63: {  	_ =	shalt  }
0x64: {  	_ =	shalt  }
0x65: {  	_ =	shalt  }
0x66: {  	_ =	shalt  }
0x67: {  	_ =	shalt  }
0x68: {  	_ =	shalt  }
0x69: {  	_ =	shalt  }
0x6a: {  	_ =	shalt  }
0x6b: {  	_ =	shalt  }
0x6c: {  	_ =	shalt  }
0x6d: {  	_ =	shalt  }
0x6e: {  	_ =	shalt  }
0x6f: {  	_ =	shalt  }
0x70: {  	_ =	shalt  }
0x71: {  	_ =	shalt  }
0x72: {  	_ =	shalt  }
0x73: {  	_ =	shalt  }
0x74: {  	_ =	shalt  }
0x75: {  	_ =	shalt  }
0x76: {  	_ =	shalt  }
0x77: {  	_ =	shalt  }
0x78: {  	_ =	shalt  }
0x79: {  	_ =	shalt  }
0x7a: {  	_ =	shalt  }
0x7b: {  	_ =	shalt  }
0x7c: {  	_ =	shalt  }
0x7d: {  	_ =	shalt  }
0x7e: {  	_ =	shalt  }
0x7f: {  	_ =	shalt  }
0x80: {  	_ =	shalt  }
0x81: {  	_ =	shalt  }
0x82: {  	_ =	shalt  }
0x83: {  	_ =	shalt  }
0x84: {  	_ =	shalt  }
0x85: {  	_ =	shalt  }
0x86: {  	_ =	shalt  }
0x87: {  	_ =	shalt  }
.Lfunc_end0:
.L_simem_size_0:
called_computation_lowered:
.L_overlay_start_0:
0x88: {  	s2 =	sld [smem:$0x3FD9]  }
0x89: {  	s3 =	sld [smem:$0x3FFE];
	_ =	sdelay $0x1  }
0x8a: {  	s1 =	srdreg.scid  }
0x8b: {  	s0 =	sand.u32 $0x1, s1  }
0x8c: {  	s17 =	sshll.u32 s0, $0xA;
	s2 =	sadd.s32 s3, s2  }
0x8d: {  	s2 =	sadd.s32 s2, s17  }
0x8e: {  	[smem:$0x3FC7] =	sst s2  }
0x8f: {  	_ = 	snop  }
0x90: {  	s2 =	sld [smem:$0x3FC9];
	(tm) =	ssettm $0x1  }
0x91: {  	s18 =	sld [smem:$0x3FFB];
	_ =	sdelay $0x3  }
0x92: {  	_ =	strace s18  }
0x93: {  	s3 =	sld [smem:$0x3FFC];
	_ =	sdelay $0x3  }
0x94: {  	_ =	strace s3  }
0x95: {  	s3 =	sld [smem:$0x3FFD];
	_ =	sdelay $0x3  }
0x96: {  	_ =	strace s3  }
0x97: {  	_ =	strace $0x8FFFFFFF  }
0x98: {  	s19 =	sld [smem:$0x3FDB];
	_ =	sdelay $0x1  }
0x99: {  	s4 =	simm.s32 $_scs_section_size  }
0x9a: {  	s5 =	simm.s32 $_size__tile_overlayer_lowered;
	s6 =	simm.s32 $_tile_overlayer_lowered  }
0x9b: {  	s22 =	simm.s32 $0x1BFF;
	s21 =	sshll.u32 s6, $0x1;
	s3 =	sadd.s32 s4, s19  }
0x9c: {  	s7 =	simm.s32 $0x0;
	s20 =	sshll.u32 s5, $0x1;
	s5 =	sadd.s32 s21, s3  }
0x9d: {  	[timem:s7], [sflag:s22] =	dma.local [hbm:s5], s20  }
0x9e: {  	_ =	swait.ge [sflag:s22], s20  }
0x9f: {  	s4 =	ssub.s32 $0x0, s20;
	[sflag:s22] =	ssyncset.done $0x0  }
0xa0: {  	[sflag:s22] =	ssyncadd.s32 s4;
	_ =	sdelay $0x1  }
0xa1: {  	s23 =	simm.s32 $0x1B8B  }
0xa2: {  	_ =	swait.ge [sflag:s23], $0x1  }
0xa3: {  	[sflag:s23] =	ssyncset.done $0x0  }
0xa4: {  	s25 =	simm.s32 $0x1B8E;
	s24 =	sld [smem:$0x3FFE];
	[sflag:s23] =	ssyncadd.s32 $0xFFFFFFFF  }
0xa5: {  	s26 =	simm.s32 $execute0_lowered;
	[smem:$0x3FD2] =	sst s25  }
0xa6: {  	s5 =	sshll.u32 s26, $0x1;
	_ =	strace $0x80000046;
	[dreg:$0x1] =	wrdreg $0xFFFFFFFF  }
0xa7: {  	s28 =	simm.s32 $_size_execute0_lowered;
	s3 =	sadd.s32 s3, s5;
	[dreg:$0x0] =	wrdreg $0x0  }
0xa8: {  	s5 =	sshll.u32 s28, $0x1;
	[dreg:$0x2] =	wrdreg s3  }
0xa9: {  	[dreg:$0x3] =	wrdreg s5  }
0xaa: {  	[dreg:$0x4] =	wrdreg $0xC0  }
0xab: {  	_ =	task [dreg:s7], $0x5FFFF  }
0xac: {  	[dreg:$0x1] =	wrdreg $0xFFFFFFFF  }
0xad: {  	[dreg:$0x0] =	wrdreg $0x60  }
0xae: {  	[dreg:$0x2] =	wrdreg s2  }
0xaf: {  	[dreg:$0x3] =	wrdreg s24  }
0xb0: {  	[dreg:$0x4] =	wrdreg $0x9  }
0xb1: {  	_ =	task.clear_ibuf [dreg:s7], $0x5FFFF;
	_ =	strace $0x90000046  }
0xb2: {  	s29 =	simm.s32 $0x9;
	_ =	strace $0x80000048  }
0xb3: {  	_ =	swait.ge [sflag:s29], $0x1  }
0xb4: {  	[sflag:s29] =	ssyncadd.s32 $0xFFFFFFFF  }
0xb5: {  	_ =	strace $0x90000048  }
0xb6: {  	_ =	sfence  }
0xb7: {  	s30 =	sld [smem:$0x0];
	_ =	sdelay $0x2  }
0xb8: {  	s31 =	sshll.u32 s1, $0xD;
	s1 =	sshrl.u32 s1, $0x2  }
0xb9: {  	s3 =	sand.u32 $0x4000, s31;
	s1 =	sadd.s32 s1, s30  }
0xba: {  	s0 =	sor.u32 s3, s0;
	s1 =	sshll.u32 s1, $0x11  }
0xbb: {  	s0 =	sor.u32 s1, s0  }
0xbc: {  	s0 =	sadd.s32 $0x8F2B, s0  }
0xbd: {  	[sflag:s0] =	ssyncadd.remote.s32 $0x1  }
0xbe: {  	_ =	sfence.sel $0xFFFF  }
0xbf: {  	[dreg:$0x0] =	wrdreg $0xFFFFFFFF;
	(pc) =	sbr.abs _section_cstart, $3  }
0xc0: {  	[dreg:$0x1] =	wrdreg $0xFFFFFFFF  }
0xc1: {  	_ =	task.clear_ibuf [dreg:s7], $0x2FFFF;
	_ =	strace $0x9FFFFFFF  }
0xc2: {  	(tm) =	ssettm $0x7FFFFFFF  }
0xc3: {  	_ =	shalt  }
tec
execute0_lowered:
.L_overlay_start_1:
0x0: {  	(tag) =	ssettag $0x1  }
0x1: {  	v0 =	vlaneseq.u32;
	v1 =	vimm.s32 $0xFEDCBA98  }
0x2: {  	v4 =	vimm.s32 $0x76543210;
	v7 =	vimm.s32 $0xBA98FEDC;
	v8 =	vimm.s32 $0x32107654  }
0x3: {  	v9 =	vimm.s32 $0xDCFE98BA;
	v10 =	vimm.s32 $0x54761032;
	v11 =	vimm.s32 $0xEFCDAB89  }
0x4: {  	v12 =	vimm.s32 $0x67452301;
	v16 =	vimm.s32 $0x65432100;
	v17 =	vimm.s32 $0xEDCBA987  }
0x5: {  	v19 =	vimm.s32 $0xDCBA9876;
	v20 =	vimm.s32 $0x54321000;
	v21 =	vimm.s32 $0xBA987654  }
0x6: {  	v22 =	vimm.s32 $0xE40000;
	v23 =	vimm.s32 $0x32100000;
	vm0 =	vcmask $0x3F30  }
0x7: {  	v2 =	vmul.u32 $0xFFFFFFFF, v0;
	v3 =	vunpack.c.l.s4.s8 v1;
	v5 =	vunpack.c.l.s4.s8 v4  }
0x8: {  	v4 =	vor.u32 $0x200, v0;
	v7 =	vunpack.c.l.s4.s8 v7;
	v8 =	vunpack.c.l.s4.s8 v8  }
0x9: {  	v9 =	vunpack.c.l.s4.s8 v9;
	v10 =	vunpack.c.l.s4.s8 v10;
	v11 =	vunpack.c.l.s4.s8 v11  }
0xa: {  	v12 =	vunpack.c.l.s4.s8 v12;
	v13 =	vor.u32 $0x20, v0;
	v14 =	vor.u32 $0x30, v0  }
0xb: {  	v15 =	vor.u32 $0x40, v0;
	v18 =	vunpack.c.l.s4.s8 v16;
	v17 =	vunpack.c.l.s4.s8 v17  }
0xc: {  	s3 =	rddreg [dreg:$0x0];
	v16 =	vor.u32 $0x50, v0;
	v19 =	vunpack.c.l.s4.s8 v19;
	v20 =	vunpack.c.l.s4.s8 v20  }
0xd: {  	s4 =	rddreg [dreg:$0x1];
	v21 =	vunpack.c.l.s4.s8 v21;
	v22 =	vunpack.c.l.s2.s4 v22;
	v23 =	vunpack.c.l.s4.s8 v23  }
0xe: {  	s0 =	rddreg [dreg:$0x2];
	v1 =	vadd.s32 $0xF, v2;
	v6 =	vunpack.c.0.s8.s32 v3;
	v2 =	vimm.s32 $0xF  }
0xf: {  	s1 =	simm.s32 $0x0;
	s5 =	srdreg.scid;
	s2 =	stileid.u32;
	v3 =	vmul.u32 $0x20, v0;
	v5 =	vunpack.c.0.s8.s32 v5;
	v7 =	vunpack.c.0.s8.s32 v7  }
0x10: {  	s10 =	simm.s32 $0x400;
	s11 =	simm.s32 $0x8000;
	s12 =	simm.s32 $0x1;
	v8 =	vunpack.c.0.s8.s32 v8;
	v9 =	vunpack.c.0.s8.s32 v9;
	v10 =	vunpack.c.0.s8.s32 v10  }
0x11: {  	s13 =	simm.s32 $0x11000;
	s14 =	simm.s32 $0x11280;
	s15 =	simm.s32 $0x11700;
	v11 =	vunpack.c.0.s8.s32 v11;
	v12 =	vunpack.c.0.s8.s32 v12;
	v18 =	vunpack.c.0.s8.s32 v18  }
0x12: {  	s16 =	simm.s32 $0x11B80;
	s17 =	simm.s32 $0x12400;
	s18 =	simm.s32 $0x80;
	v17 =	vunpack.c.0.s8.s32 v17;
	v19 =	vunpack.c.0.s8.s32 v19;
	v20 =	vunpack.c.0.s8.s32 v20  }
0x13: {  	s19 =	simm.s32 $0x2;
	s20 =	simm.s32 $0x12C80;
	s21 =	simm.s32 $0x3;
	v21 =	vunpack.c.0.s8.s32 v21;
	v22 =	vunpack.c.l.s4.s8 v22;
	v7 =	vcombine.low v8, v7  }
0x14: {  	s22 =	simm.s32 $0x12E80;
	s23 =	simm.s32 $0x0;
	[smem:$0x7FF] =	sst s1;
	v6 =	vand.u32 $0xF, v6;
	v8 =	vcombine.low v10, v9;
	v9 =	vcombine.low v12, v11  }
0x15: {  	s5 =	sand.u32 $0x1, s5;
	s7 =	sshll.u32 s2, $0xA;
	s8 =	sshll.u32 s2, $0x12;
	v10 =	vmul.u32 $0x40, v0;
	v11 =	vor.u32 $0x400, v0;
	v12 =	vor.u32 $0x10, v0  }
0x16: {  	s6 =	sshll.u32 s5, $0x9;
	_ =	strace $0x80000047;
	s5 =	ssub.s32 $0x2, s5;
	v17 =	vand.u32 $0xF, v17;
	v19 =	vand.u32 $0xF, v19;
	v21 =	vand.u32 $0xF, v21  }
.Ltmp0:
0x17: {  	s7 =	sor.u32 s6, s7;
	s6 =	sor.u32 s6, s8;
	v22 =	vunpack.c.0.s8.s32 v22;
	v5 =	vcombine.low v6, v5;
	v17 =	vcombine.low v18, v17;
	(pc) =	sbr.rel .LBB2_1-.Ltmp0, $4  }
0x18: {  	s31 =	sshrl.u32 s5, $0x1;
	s7 =	sshrl.u32 s7, $0x3;
	s6 =	sshrl.u32 s6, $0x3;
	v18 =	vcombine.low v20, v19;
	v20 =	vunpack.c.0.s8.s32 v23;
	v23 =	vimm.s32 $0x7060504  }
0x19: {  	s9 =	ssub.s32 s5, s31;
	s30 =	sadd.s32 s7, s4;
	s3 =	sadd.s32 s3, s6;
	v6 =	vimm.s32 $0x0;
	v19 =	vor.u32 $0x60, v0;
	v23 =	vunpack.c.0.s8.s32 v23  }
0x1a: {  	s9 =	smax.u32 s9, $0x1;
	s4 =	sadd.s32 $0x10, s3;
	s5 =	sadd.s32 $0x20, s3;
	v22 =	vand.u32 $0x3, v22;
	v20 =	vcombine.low v20, v21;
	v21 =	vor.u32 $0x70, v0  }
0x1b: {  	s6 =	sadd.s32 $0x30, s3;
	s7 =	sadd.s32 $0x800, s30;
	s8 =	sadd.s32 $0x1000, s30;
	v22 =	vsel vm0, v23, v22;
	v23 =	vimm.f32 $-Inf;
	vm0 =	vmxor vm0, vm0  }
.LBB2_81:
0x1c: {  	[tilespmem:$0x12E00] =	vst v30  }
0x1d: {  	[tilespmem:$0x12E10] =	vst v27  }
0x1e: {  	[tilespmem:$0x13000] =	vst v29  }
0x1f: {  	[tilespmem:$0x13010] =	vst v28  }
0x20: {  	[hbm4b:s7+s1] =	stream.linear.scatter [tilespmem:s20], [sflag:$0x3], $0x200, $0x38;
	[tilespmem:$0x13080] =	vst v63  }
0x21: {  	s23 =	sadd.s32 $0x1, s23;
	_ =	swait.ge [sflag:s21], $0x200  }
0x22: {  	p0 =	sne.s32 s23, s9;
	[sflag:s21] =	ssyncset.done $0x0  }
.Ltmp1:
0x23: {  	[sflag:s21] =	ssyncadd.s32 $0xFFFFFE00;
	(pc) =	sbr.rel @!p0 .LBB2_82-.Ltmp1, $4  }
0x24: {  	[hbm4b:s8+s1] =	stream.linear.scatter [tilespmem:s22], [sflag:$0x3], $0x200, $0x38;
	[tilespmem:$0x13080] =	vst v63  }
0x25: {  	_ =	swait.ge [sflag:s21], $0x200  }
0x26: {  	[sflag:s21] =	ssyncset.done $0x0  }
0x27: {  	[sflag:s21] =	ssyncadd.s32 $0xFFFFFE00  }
.LBB2_1:
0x28: {  	[tilespmem:s1], [sflag:$0x1] =	stream.strided.gather [hbm4b:s3+s18], $0x8000, s10, s18, $0x38;
	[tilespmem:$0x13080] =	vst v63  }
0x29: {  	_ = 	snop  }
0x2a: {  	[tilespmem:s11], [sflag:$0x2] =	stream.strided.gather [hbm4b:s4+s18], $0x8000, s10, s18, $0x38;
	[tilespmem:$0x13080] =	vst v63  }
0x2b: {  	_ =	swait.ge [sflag:s12], $0x8000  }
0x2c: {  	[sflag:s12] =	ssyncset.done $0x0  }
0x2d: {  	[sflag:s12] =	ssyncadd.s32 $0xFFFF8000  }
0x2e: {  	v24 =	vld [tilespmem:s18+$0xFFFFFF80]  }
0x2f: {  	v25 =	vld [tilespmem:s18+$0xFFFFFFF0]  }
0x30: {  	v26 =	vld [tilespmem:s18+$0xFFFFFFE0]  }
0x31: {  	v27 =	vld [tilespmem:s18+$0xFFFFFFD0]  }
0x32: {  	v28 =	vld [tilespmem:s18+$0xFFFFFFC0]  }
0x33: {  	v29 =	vld [tilespmem:s18+$0xFFFFFFB0]  }
0x34: {  	v30 =	vld [tilespmem:s18+$0xFFFFFFA0]  }
0x35: {  	v31 =	vld [tilespmem:s18+$0xFFFFFF90];
	_ =	sdelay $0x3  }
0x36: {  	v25 =	vmax.f32 v26, v25  }
0x37: {  	v27 =	vmax.f32 v28, v27;
	v30 =	vmax.f32 v30, v29;
	v31 =	vmax.f32 v24, v31  }
0x38: {  	v24 =	vmax.f32 v27, v25;
	v26 =	vmax.f32 v31, v30  }
0x39: {  	s25 =	simm.s32 $0x10010;
	v24 =	vmax.f32 v26, v24  }
0x3a: {  	[tilespmem:s25+$0xFFFFFFF0] =	vst v24  }
0x3b: {  	v24 =	vld [tilespmem:s18+$0x70]  }
0x3c: {  	v26 =	vld [tilespmem:s18+$0x60]  }
0x3d: {  	v33 =	vld [tilespmem:s18+$0x30]  }
0x3e: {  	v34 =	vld [tilespmem:s18+$0x0]  }
0x3f: {  	v32 =	vld [tilespmem:s18+$0x50]  }
0x40: {  	v35 =	vld [tilespmem:s18+$0x40]  }
0x41: {  	v28 =	vimm.f32 $-Inf;
	v25 =	vmax.f32 v23, v25;
	v36 =	vld [tilespmem:s18+$0x20];
	v29 =	vmax.f32 v26, v24  }
0x42: {  	s26 =	simm.s32 $0x0;
	s28 =	simm.s32 $0x80;
	s24 =	simm.s32 $0x10010;
	v37 =	vld [tilespmem:s18+$0x10];
	v26 =	vimm.f32 $-Inf;
	v24 =	vmax.f32 v25, v29;
	v25 =	vimm.f32 $-Inf  }
.LBB2_2:
0x43: {  	s26 =	sadd.s32 $0x2, s26;
	s25 =	sadd.s32 $0x20, s25;
	s28 =	sadd.s32 $0x100, s28  }
0x44: {  	p0 =	slt.u32 s26, $0xFE  }
0x45: {  	v25 =	vmax.f32 v25, v27;
	v27 =	vmax.f32 v35, v32  }
0x46: {  	v26 =	vmax.f32 v26, v30;
	v30 =	vmax.f32 v36, v33;
	v29 =	vmax.f32 v27, v29  }
0x47: {  	v28 =	vmax.f32 v28, v31;
	v31 =	vmax.f32 v34, v37;
	v26 =	vmax.f32 v26, v30  }
0x48: {  	v25 =	vmax.f32 v25, v27;
	v30 =	vmax.f32 v31, v30;
	v28 =	vmax.f32 v28, v31  }
0x49: {  	v27 =	vmax.f32 v30, v29  }
0x4a: {  	[tilespmem:s24+$0x0] =	vst v27;
	s24 =	smov.u32 s25  }
0x4b: {  	v29 =	vld [tilespmem:s28+$0xFFFFFF80]  }
0x4c: {  	v27 =	vld [tilespmem:s28+$0xFFFFFFF0]  }
0x4d: {  	v30 =	vld [tilespmem:s28+$0xFFFFFFE0]  }
0x4e: {  	v31 =	vld [tilespmem:s28+$0xFFFFFFD0]  }
0x4f: {  	v32 =	vld [tilespmem:s28+$0xFFFFFFC0]  }
0x50: {  	v33 =	vld [tilespmem:s28+$0xFFFFFFB0]  }
0x51: {  	v34 =	vld [tilespmem:s28+$0xFFFFFFA0]  }
0x52: {  	v35 =	vld [tilespmem:s28+$0xFFFFFF90];
	v36 =	vmax.f32 v30, v27;
	_ =	sdelay $0x1  }
0x53: {  	v27 =	vmax.f32 v32, v31  }
0x54: {  	v32 =	vmax.f32 v27, v36  }
0x55: {  	v30 =	vmax.f32 v34, v33  }
0x56: {  	v31 =	vmax.f32 v29, v35  }
0x57: {  	v29 =	vmax.f32 v31, v30  }
0x58: {  	v29 =	vmax.f32 v29, v32  }
0x59: {  	[tilespmem:s25+$0xFFFFFFF0] =	vst v29  }
0x5a: {  	v29 =	vld [tilespmem:s28+$0x70]  }
0x5b: {  	v37 =	vld [tilespmem:s28+$0x60]  }
0x5c: {  	v33 =	vld [tilespmem:s28+$0x30]  }
.Ltmp2:
0x5d: {  	v34 =	vld [tilespmem:s28+$0x0];
	(pc) =	sbr.rel @p0 .LBB2_2-.Ltmp2, $4  }
0x5e: {  	v32 =	vld [tilespmem:s28+$0x50]  }
0x5f: {  	v35 =	vld [tilespmem:s28+$0x40]  }
0x60: {  	v24 =	vmax.f32 v24, v36;
	v36 =	vld [tilespmem:s28+$0x20];
	v29 =	vmax.f32 v37, v29  }
0x61: {  	v37 =	vld [tilespmem:s28+$0x10];
	v24 =	vmax.f32 v24, v29  }
0x62: {  	_ =	sdelay $0x3  }
0x63: {  	v28 =	vmax.f32 v28, v31;
	v60 =	vmax.f32 v34, v37  }
0x64: {  	v26 =	vmax.f32 v26, v30;
	v61 =	vmax.f32 v36, v33;
	v28 =	vmax.f32 v28, v60  }
0x65: {  	v26 =	vmax.f32 v26, v61;
	(xrf1) =	vsort.dscd.msk.f32 $0xffff, v28, v28  }
0x66: {  	(xrf1) =	vsort.dscd.msk.f32 $0xffff, v26, v26;
	_ =	sdelay $0xc  }
0x67: {  	v26, _, _ =	vpop (xrf1)  }
0x68: {  	v62, _, _ =	vpop (xrf1)  }
0x69: {  	v28 =	vperm.xlane v62, v1;
	_ =	sdelay $0x1  }
0x6a: {  	v25 =	vmax.f32 v25, v27;
	v27 =	vmax.f32 v26, v28  }
0x6b: {  	v32 =	vmax.f32 v35, v32;
	v26 =	vmin.f32 v26, v28;
	(xrf1) =	vsort.dscd.msk.f32 $0xffff, v27, v27  }
0x6c: {  	v25 =	vmax.f32 v25, v32;
	(xrf1) =	vsort.dscd.msk.f32 $0xffff, v26, v26  }
0x6d: {  	(xrf1) =	vsort.dscd.msk.f32 $0xffff, v25, v25;
	_ =	sdelay $0xb  }
0x6e: {  	v25, _, _ =	vpop (xrf1)  }
0x6f: {  	v26, _, _ =	vpop (xrf1)  }
0x70: {  	v27, _, _ =	vpop (xrf1)  }
0x71: {  	v27 =	vperm.xlane v27, v1;
	_ =	sdelay $0x1  }
0x72: {  	v63 =	vmax.f32 v25, v27  }
0x73: {  	v25 =	vmin.f32 v25, v27;
	(xrf1) =	vsort.dscd.msk.f32 $0xffff, v63, v63  }
0x74: {  	(xrf1) =	vsort.dscd.msk.f32 $0xffff, v25, v25;
	_ =	sdelay $0xc  }
0x75: {  	v25, _, _ =	vpop (xrf1)  }
0x76: {  	v27, _, _ =	vpop (xrf1)  }
0x77: {  	v27 =	vperm.xlane v27, v1;
	_ =	sdelay $0x1  }
0x78: {  	v26 =	vmax.f32 v26, v27  }
0x79: {  	(xrf1) =	vsort.dscd.msk.f32 $0xffff, v26, v26  }
0x7a: {  	(xrf1) =	vsort.dscd.msk.f32 $0xffff, v24, v24;
	_ =	sdelay $0xc  }
0x7b: {  	v24, _, _ =	vpop (xrf1)  }
0x7c: {  	v26, _, _ =	vpop (xrf1)  }
0x7d: {  	v26 =	vperm.xlane v26, v1;
	_ =	sdelay $0x1  }
0x7e: {  	v25 =	vmin.f32 v25, v26  }
0x7f: {  	(xrf1) =	vsort.dscd.msk.f32 $0xffff, v25, v25;
	_ =	sdelay $0xd  }
0x80: {  	v25, _, _ =	vpop (xrf1)  }
0x81: {  	v25 =	vperm.xlane v25, v1;
	_ =	sdelay $0x1  }
0x82: {  	v24 =	vmax.f32 v24, v25  }
0x83: {  	(xrf1) =	vsort.dscd.msk.f32 $0xffff, v24, v24;
	_ =	sdelay $0xa  }
0x84: {  	v25 =	vmax.f32 v60, v61;
	_ =	sdelay $0x1  }
0x85: {  	v24 =	vmax.f32 v32, v29  }
0x86: {  	v24 =	vmax.f32 v25, v24;
	v25, _, _ =	vpop (xrf1)  }
0x87: {  	s25 =	simm.s32 $0x10010;
	[tilespmem:s24+$0x0] =	vst v24;
	s24 =	simm.s32 $0x0;
	v24 =	vperm.xlane v25, v2;
	v25 =	vimm.s32 $0x0  }
.LBB2_4:
0x88: {  	v26 =	vld [tilespmem:s25+$0xFFFFFFF0];
	_ =	sdelay $0x4  }
0x89: {  	vm1 =	vge.f32 v26, v24;
	v26 =	vadd.s32 v3, v25  }
0x8a: {  	v26 =	vsel vm1, v26, v4;
	_ =	sdelay $0x3  }
0x8b: {  	v27 =	vmov s24  }
0x8c: {  	[tilespmem:v26+s13+$0x0] =	vst.idx.msk $0xffff, v27  }
0x8d: {  	v26 =	vld [tilespmem:s25+$0x0]  }
0x8e: {  	v27 =	vsel vm1, $0x1, v6  }
0x8f: {  	v25 =	vadd.s32 v27, v25  }
0x90: {  	vm1 =	vlt.s32 v25, $0x20  }
0x91: {  	v25 =	vnsel vm1, $0x20, v25  }
0x92: {  	vm1 =	vge.f32 v26, v24;
	v26 =	vadd.s32 v3, v25  }
0x93: {  	p0 =	slt.u32 s24, $0xFE;
	v26 =	vsel vm1, v26, v4  }
.Ltmp3:
0x94: {  	_ = 	snop;
	(pc) =	sbr.rel @p0 .LBB2_4-.Ltmp3, $4  }
0x95: {  	v27 =	vsel vm1, $0x1, v6  }
0x96: {  	s26 =	sadd.s32 $0x1, s24;
	v25 =	vadd.s32 v27, v25  }
0x97: {  	v27 =	vmov s26;
	vm1 =	vlt.s32 v25, $0x20  }
0x98: {  	s24 =	sadd.s32 $0x2, s24;
	s25 =	sadd.s32 $0x20, s25;
	v25 =	vnsel vm1, $0x20, v25;
	[tilespmem:v26+s13+$0x0] =	vst.idx.msk $0xffff, v27  }
0x99: {  	v26 =	vperm.xlane v25, v5;
	_ =	sdelay $0x1  }
0x9a: {  	vm1 =	vgt.s32 v25, v26  }
0x9b: {  	v26 =	vsel vm1, v25, v26  }
0x9c: {  	v27 =	vperm.xlane v26, v7;
	_ =	sdelay $0x1  }
0x9d: {  	vm1 =	vgt.s32 v26, v27  }
0x9e: {  	v26 =	vsel vm1, v26, v27  }
0x9f: {  	v27 =	vperm.xlane v26, v8;
	_ =	sdelay $0x1  }
0xa0: {  	vm1 =	vgt.s32 v26, v27  }
0xa1: {  	v26 =	vsel vm1, v26, v27  }
0xa2: {  	v27 =	vperm.xlane v26, v9;
	_ =	sdelay $0x1  }
0xa3: {  	vm1 =	vgt.s32 v26, v27  }
0xa4: {  	v26 =	vsel vm1, v26, v27  }
0xa5: {  	(v2sf) =	vpush v26, $0x0;
	_ =	sdelay $0xe  }
0xa6: {  	s24 =	spop (v2sf)  }
0xa7: {  	p0 =	slt.s32 s24, $0x1  }
.Ltmp4:
0xa8: {  	_ = 	snop;
	(pc) =	sbr.rel @p0 .LBB2_7-.Ltmp4, $2  }
0xa9: {  	_ =	sdelay $0x2  }
0xaa: {  	s25 =	simm.s32 $0x0;
	v26 =	vimm.s32 $0x0  }
.LBB2_6:
0xab: {  	v27 =	vadd.s32 s25, v3;
	_ =	sdelay $0x4  }
0xac: {  	v27 =	vld.idx.msk [tilespmem:v27+s13+$0x0], $0xffff;
	_ =	sdelay $0x4  }
0xad: {  	vm1 =	vgt.s32 v27, $0x0  }
0xae: {  	v27 =	vnsel vm1, $0x0, v27  }
0xaf: {  	v27 =	vmin.u32 v27, $0xFF  }
0xb0: {  	v27 =	vshll.u32 v27, $0x7  }
0xb1: {  	v28 =	vor.u32 v0, v27;
	_ =	sdelay $0x4  }
0xb2: {  	v29 =	vld.idx.msk [tilespmem:v28+s1+$0x0], $0xffff;
	_ =	sdelay $0x3  }
0xb3: {  	v30 =	vmov s25  }
0xb4: {  	vm1 =	vlt.s32 v30, v25;
	vm2 =	vge.f32 v29, v24  }
0xb5: {  	v43 =	vadd.s32 v10, v26;
	vm2 =	vmand vm1, vm2  }
0xb6: {  	v30 =	vsel vm2, v43, v11;
	_ =	sdelay $0x1  }
0xb7: {  	v31 =	vor.u32 v12, v27;
	_ =	sdelay $0x2  }
0xb8: {  	[tilespmem:v30+s14+$0x0] =	vst.idx.msk $0xffff, v29  }
0xb9: {  	[tilespmem:v30+s15+$0x0] =	vst.idx.msk $0xffff, v28  }
0xba: {  	v28 =	vld.idx.msk [tilespmem:v31+s1+$0x0], $0xffff;
	_ =	sdelay $0x1  }
0xbb: {  	v44 =	vsel vm2, $0x1, v6  }
0xbc: {  	v26 =	vadd.s32 v44, v26  }
0xbd: {  	vm2 =	vlt.s32 v26, $0x40  }
0xbe: {  	v26 =	vnsel vm2, $0x40, v26;
	vm2 =	vge.f32 v28, v24  }
0xbf: {  	v45 =	vadd.s32 v10, v26;
	vm2 =	vmand vm1, vm2  }
0xc0: {  	v29 =	vsel vm2, v45, v11;
	_ =	sdelay $0x1  }
0xc1: {  	v46 =	vor.u32 v13, v27;
	_ =	sdelay $0x2  }
0xc2: {  	[tilespmem:v29+s14+$0x0] =	vst.idx.msk $0xffff, v28  }
0xc3: {  	[tilespmem:v29+s15+$0x0] =	vst.idx.msk $0xffff, v31  }
0xc4: {  	v28 =	vld.idx.msk [tilespmem:v46+s1+$0x0], $0xffff;
	_ =	sdelay $0x1  }
0xc5: {  	v47 =	vsel vm2, $0x1, v6  }
0xc6: {  	v26 =	vadd.s32 v47, v26  }
0xc7: {  	vm2 =	vlt.s32 v26, $0x40  }
0xc8: {  	v26 =	vnsel vm2, $0x40, v26;
	vm2 =	vge.f32 v28, v24  }
0xc9: {  	v48 =	vadd.s32 v10, v26;
	vm2 =	vmand vm1, vm2  }
0xca: {  	v29 =	vsel vm2, v48, v11;
	_ =	sdelay $0x1  }
0xcb: {  	v49 =	vor.u32 v14, v27;
	_ =	sdelay $0x2  }
0xcc: {  	[tilespmem:v29+s14+$0x0] =	vst.idx.msk $0xffff, v28  }
0xcd: {  	[tilespmem:v29+s15+$0x0] =	vst.idx.msk $0xffff, v46  }
0xce: {  	v28 =	vld.idx.msk [tilespmem:v49+s1+$0x0], $0xffff;
	_ =	sdelay $0x1  }
0xcf: {  	v50 =	vsel vm2, $0x1, v6  }
0xd0: {  	v26 =	vadd.s32 v50, v26  }
0xd1: {  	vm2 =	vlt.s32 v26, $0x40  }
0xd2: {  	v26 =	vnsel vm2, $0x40, v26;
	vm2 =	vge.f32 v28, v24  }
0xd3: {  	v51 =	vadd.s32 v10, v26;
	vm2 =	vmand vm1, vm2  }
0xd4: {  	v29 =	vsel vm2, v51, v11;
	_ =	sdelay $0x1  }
0xd5: {  	v52 =	vor.u32 v15, v27;
	_ =	sdelay $0x2  }
0xd6: {  	[tilespmem:v29+s14+$0x0] =	vst.idx.msk $0xffff, v28  }
0xd7: {  	[tilespmem:v29+s15+$0x0] =	vst.idx.msk $0xffff, v49  }
0xd8: {  	v28 =	vld.idx.msk [tilespmem:v52+s1+$0x0], $0xffff;
	_ =	sdelay $0x1  }
0xd9: {  	v53 =	vsel vm2, $0x1, v6  }
0xda: {  	v26 =	vadd.s32 v53, v26  }
0xdb: {  	vm2 =	vlt.s32 v26, $0x40  }
0xdc: {  	v26 =	vnsel vm2, $0x40, v26;
	vm2 =	vge.f32 v28, v24  }
0xdd: {  	v54 =	vadd.s32 v10, v26;
	vm2 =	vmand vm1, vm2  }
0xde: {  	v29 =	vsel vm2, v54, v11;
	_ =	sdelay $0x1  }
0xdf: {  	v55 =	vor.u32 v16, v27;
	_ =	sdelay $0x2  }
0xe0: {  	[tilespmem:v29+s14+$0x0] =	vst.idx.msk $0xffff, v28  }
0xe1: {  	[tilespmem:v29+s15+$0x0] =	vst.idx.msk $0xffff, v52  }
0xe2: {  	v28 =	vld.idx.msk [tilespmem:v55+s1+$0x0], $0xffff;
	_ =	sdelay $0x1  }
0xe3: {  	v56 =	vsel vm2, $0x1, v6  }
0xe4: {  	v26 =	vadd.s32 v56, v26  }
0xe5: {  	vm2 =	vlt.s32 v26, $0x40  }
0xe6: {  	v26 =	vnsel vm2, $0x40, v26;
	vm2 =	vge.f32 v28, v24  }
0xe7: {  	v57 =	vadd.s32 v10, v26;
	vm2 =	vmand vm1, vm2  }
0xe8: {  	v29 =	vsel vm2, v57, v11;
	_ =	sdelay $0x1  }
0xe9: {  	v58 =	vor.u32 v19, v27;
	_ =	sdelay $0x2  }
0xea: {  	[tilespmem:v29+s14+$0x0] =	vst.idx.msk $0xffff, v28  }
0xeb: {  	[tilespmem:v29+s15+$0x0] =	vst.idx.msk $0xffff, v55  }
0xec: {  	v28 =	vld.idx.msk [tilespmem:v58+s1+$0x0], $0xffff;
	_ =	sdelay $0x1  }
0xed: {  	v59 =	vsel vm2, $0x1, v6  }
0xee: {  	v26 =	vadd.s32 v59, v26  }
0xef: {  	vm2 =	vlt.s32 v26, $0x40  }
0xf0: {  	v26 =	vnsel vm2, $0x40, v26;
	vm2 =	vge.f32 v28, v24  }
0xf1: {  	v60 =	vadd.s32 v10, v26;
	vm2 =	vmand vm1, vm2  }
0xf2: {  	v29 =	vsel vm2, v60, v11;
	_ =	sdelay $0x1  }
0xf3: {  	v27 =	vor.u32 v21, v27;
	_ =	sdelay $0x2  }
0xf4: {  	[tilespmem:v29+s14+$0x0] =	vst.idx.msk $0xffff, v28  }
0xf5: {  	[tilespmem:v29+s15+$0x0] =	vst.idx.msk $0xffff, v58  }
0xf6: {  	v28 =	vld.idx.msk [tilespmem:v27+s1+$0x0], $0xffff;
	_ =	sdelay $0x1  }
0xf7: {  	v61 =	vsel vm2, $0x1, v6  }
0xf8: {  	v26 =	vadd.s32 v61, v26  }
0xf9: {  	vm2 =	vlt.s32 v26, $0x40  }
0xfa: {  	v26 =	vnsel vm2, $0x40, v26;
	vm2 =	vge.f32 v28, v24  }
0xfb: {  	v62 =	vadd.s32 v10, v26;
	vm1 =	vmand vm1, vm2  }
0xfc: {  	s25 =	sadd.s32 $0x1, s25;
	v29 =	vsel vm1, v62, v11  }
0xfd: {  	p0 =	sne.s32 s24, s25  }
.Ltmp5:
0xfe: {  	_ = 	snop;
	(pc) =	sbr.rel @p0 .LBB2_6-.Ltmp5, $4  }
0xff: {  	v63 =	vsel vm1, $0x1, v6  }
0x100: {  	v26 =	vadd.s32 v63, v26  }
0x101: {  	vm1 =	vlt.s32 v26, $0x40;
	[tilespmem:v29+s14+$0x0] =	vst.idx.msk $0xffff, v28  }
0x102: {  	v26 =	vnsel vm1, $0x40, v26;
	[tilespmem:v29+s15+$0x0] =	vst.idx.msk $0xffff, v27  }
.LBB2_7:
0x103: {  	v24 =	vperm.xlane v26, v17;
	v25 =	vperm.xlane v26, v5  }
0x104: {  	vm1 =	veq.s32 v0, $0x0  }
0x105: {  	v24 =	vsel vm1, $0x0, v24;
	vm1 =	vgt.s32 v26, v25  }
0x106: {  	v25 =	vsel vm1, v26, v25  }
0x107: {  	v28 =	vperm.xlane v25, v7;
	_ =	sdelay $0x1  }
0x108: {  	vm2 =	vgt.s32 v25, v28  }
0x109: {  	v24 =	vadd.s32 v26, v24;
	v25 =	vsel vm2, v25, v28  }
0x10a: {  	v27 =	vperm.xlane v24, v18;
	v28 =	vperm.xlane v25, v8  }
0x10b: {  	vm1 =	vmmov $0x3  }
0x10c: {  	v27 =	vsel vm1, $0x0, v27;
	vm3 =	vgt.s32 v25, v28  }
0x10d: {  	v24 =	vadd.s32 v27, v24;
	v25 =	vsel vm3, v25, v28  }
0x10e: {  	v27 =	vperm.xlane v24, v20;
	v28 =	vperm.xlane v25, v9  }
0x10f: {  	vm2 =	vmmov $0xf  }
0x110: {  	v27 =	vsel vm2, $0x0, v27;
	vm4 =	vgt.s32 v25, v28  }
0x111: {  	v24 =	vadd.s32 v27, v24;
	v25 =	vsel vm4, v25, v28  }
0x112: {  	v27 =	vperm.xlane v24, v22;
	(v2sf) =	vpush v25, $0x0  }
0x113: {  	vm3 =	vmmov $0xff  }
0x114: {  	v27 =	vsel vm3, $0x0, v27  }
0x115: {  	v24 =	vadd.s32 v27, v24  }
0x116: {  	v25 =	vperm.xlane v24, v2;
	_ =	sdelay $0x1  }
0x117: {  	(v2sf) =	vpush v25, $0x0;
	_ =	sdelay $0x8  }
0x118: {  	s24 =	spop (v2sf)  }
0x119: {  	p0 =	slt.s32 s24, $0x1  }
.Ltmp6:
0x11a: {  	_ = 	snop;
	(pc) =	sbr.rel @p0 .LBB2_11-.Ltmp6, $2  }
0x11b: {  	_ =	sdelay $0x2  }
0x11c: {  	s25 =	spop (v2sf)  }
0x11d: {  	s26 =	simm.s32 $0x0  }
0x11e: {  	v28 =	vadd.s32 s26, v10  }
0x11f: {  	p0 =	sne.s32 s24, $0x1  }
.Ltmp7:
0x120: {  	_ = 	snop;
	(pc) =	sbr.rel @!p0 .LBB2_10-.Ltmp7, $4  }
0x121: {  	_ = 	snop  }
0x122: {  	v24 =	vsub.s32 v24, v26;
	v25 =	vmov s26  }
0x123: {  	v29 =	vadd.s32 s26, v24;
	vm4 =	vlt.s32 v25, v26;
	v25 =	vor.u32 $0x800, v0;
	v27 =	vld.idx.msk [tilespmem:v28+s14+$0x0], $0xffff  }
0x124: {  	s26 =	simm.s32 $0x1;
	v29 =	vsel vm4, v29, v25;
	v28 =	vld.idx.msk [tilespmem:v28+s15+$0x0], $0xffff  }
.LBB2_9:
0x125: {  	_ = 	snop  }
0x126: {  	v30 =	vadd.s32 s26, v10;
	s28 =	smov.u32 s26;
	s26 =	sadd.s32 $0x1, s26  }
0x127: {  	p0 =	sne.s32 s24, s26  }
.Ltmp8:
0x128: {  	(pc) =	sbr.rel @p0 .LBB2_9-.Ltmp8, $4  }
0x129: {  	[tilespmem:v29+s16+$0x0] =	vst.idx.msk $0xffff, v27  }
0x12a: {  	v31 =	vmov s28;
	[tilespmem:v29+s17+$0x0] =	vst.idx.msk $0xffff, v28  }
0x12b: {  	vm4 =	vlt.s32 v31, v26;
	v29 =	vadd.s32 s28, v24;
	v27 =	vld.idx.msk [tilespmem:v30+s14+$0x0], $0xffff  }
0x12c: {  	v29 =	vsel vm4, v29, v25;
	v28 =	vld.idx.msk [tilespmem:v30+s15+$0x0], $0xffff  }
.LBB2_10:
0x12d: {  	_ =	sdelay $0x3  }
0x12e: {  	[tilespmem:v29+s16+$0x0] =	vst.idx.msk $0xffff, v27  }
0x12f: {  	[tilespmem:v29+s17+$0x0] =	vst.idx.msk $0xffff, v28  }
.LBB2_11:
0x130: {  	s24 =	sadd.s32 $0xF, s25  }
0x131: {  	s26 =	sand.u32 $0xF, s24  }
0x132: {  	s31 =	sshra.s32 s24, $0x1F;
	p1 =	slt.s32 s24, $0x1;
	p0 =	sne.s32 s26, $0x0  }
.Ltmp9:
0x133: {  	s26 =	sshrl.u32 s31, $0x1C;
	p0 =	por !p1, !p0;
	(pc) =	sbr.rel .LBB2_12-.Ltmp9, $4  }
0x134: {  	s24 =	sadd.s32 s26, s24;
	s26 =	simm.s32 $0x1;
	p0 =	por !p0, !p0  }
0x135: {  	s24 =	sshra.s32 s24, $0x4;
	s26 =	simm.s32 @!p0 $0x0  }
0x136: {  	v31 =	vimm.f32 $+Inf;
	v32 =	vimm.s32 $0xFFFFFFFF;
	v27 =	vimm.f32 $0.0e+00;
	s24 =	ssub.s32 s24, s26  }
0x137: {  	[tilespmem:s25+$0x11B80] =	vst v23;
	s25 =	simm.s32 $0x0;
	v28 =	vimm.s32 $0x0;
	v29 =	vimm.s32 $0x0;
	v30 =	vimm.f32 $0.0e+00;
	p0 =	slt.s32 s24, $0x1  }
.LBB2_14:
0x138: {  	v33 =	vmov v26;
	v35 =	vimm.f32 $-Inf;
	v36 =	vimm.s32 $0x40000000  }
.LBB2_19:
0x139: {  	vm7 =	veq.f32 v38, v31;
	vm8 =	vgt.s32 v33, v32  }
0x13a: {  	vm5 =	vmor @p1 vm5, vm6;
	vm14 =	vmand vm7, vm8  }
0x13b: {  	v31 =	vsel @p1 vm5, v34, v35;
	v26 =	vsel @p1 vm5, v26, v36;
	vm4 =	vmor vm4, vm14  }
0x13c: {  	v24 =	vpsel p1, v31, v24;
	v25 =	vpsel p1, v26, v25;
	v63 =	vnsel vm4, $0xFF800000, v38  }
0x13d: {  	vm5 =	vlt.s32 v33, v25;
	vm4 =	veq.f32 v63, v24  }
0x13e: {  	vm15 =	vgt.f32 v63, v24;
	vm4 =	vmand vm5, vm4  }
0x13f: {  	vm4 =	vmor vm15, vm4  }
0x140: {  	v24 =	vsel vm4, v63, v24;
	v25 =	vsel vm4, v33, v25  }
.LBB2_20:
0x141: {  	v26 =	vperm.xlane v24, v5;
	v31 =	vperm.xlane v25, v5;
	_ =	sdelay $0x1  }
0x142: {  	vm4 =	veq.f32 v26, v24;
	vm5 =	vlt.s32 v31, v25  }
0x143: {  	vm6 =	vgt.f32 v26, v24;
	vm4 =	vmand vm4, vm5  }
0x144: {  	vm4 =	vmor vm6, vm4  }
0x145: {  	v26 =	vsel vm4, v26, v24;
	v25 =	vsel vm4, v31, v25;
	v24 =	vand.u32 $0xF, v7  }
0x146: {  	v31 =	vperm.xlane v26, v24;
	v32 =	vperm.xlane v25, v24;
	_ =	sdelay $0x1  }
0x147: {  	vm4 =	veq.f32 v31, v26;
	vm5 =	vlt.s32 v32, v25  }
0x148: {  	vm11 =	vgt.f32 v31, v26;
	vm4 =	vmand vm4, vm5  }
0x149: {  	vm4 =	vmor vm11, vm4  }
0x14a: {  	v26 =	vsel vm4, v31, v26;
	v31 =	vsel vm4, v32, v25;
	v25 =	vand.u32 $0xF, v8  }
0x14b: {  	v61 =	vperm.xlane v26, v25;
	v33 =	vperm.xlane v31, v25;
	_ =	sdelay $0x1  }
0x14c: {  	vm4 =	veq.f32 v61, v26;
	vm5 =	vlt.s32 v33, v31  }
0x14d: {  	vm12 =	vgt.f32 v61, v26;
	vm4 =	vmand vm4, vm5  }
0x14e: {  	vm4 =	vmor vm12, vm4  }
0x14f: {  	v32 =	vsel vm4, v61, v26;
	v33 =	vsel vm4, v33, v31;
	v26 =	vand.u32 $0xF, v9  }
0x150: {  	v31 =	vperm.xlane v32, v26;
	v34 =	vperm.xlane v33, v26;
	_ =	sdelay $0x1  }
0x151: {  	vm4 =	veq.f32 v31, v32;
	vm5 =	vlt.s32 v34, v33  }
0x152: {  	p1 =	slt.u32 s25, $0x10;
	vm4 =	vmand vm4, vm5;
	vm5 =	vmmov vm0  }
0x153: {  	v62 =	vmov s25;
	s26 =	sadd.s32 $0xFFFFFFF0, s25;
	vm7 =	vmmov vm0;
	vm5 =	vmneg @p1 vm5;
	p1 =	sgt.u32 s25, $0xF;
	s25 =	sadd.s32 $0x1, s25  }
0x154: {  	vm7 =	vmneg @p1 vm7;
	p1 =	sne.s32 s25, $0x20  }
.Ltmp10:
0x155: {  	vm13 =	vgt.f32 v31, v32;
	(pc) =	sbr.rel @!p1 .LBB2_21-.Ltmp10, $4  }
0x156: {  	vm14 =	veq.s32 v62, v0;
	v63 =	vmov s26;
	vm4 =	vmor vm13, vm4  }
0x157: {  	vm15 =	veq.s32 v63, v0;
	v31 =	vsel vm4, v31, v32;
	vm5 =	vmand vm5, vm14  }
0x158: {  	v32 =	vsel vm4, v34, v33;
	vm4 =	vmand vm7, vm15;
	v30 =	vsel vm5, v31, v30  }
0x159: {  	v29 =	vsel vm5, v32, v29;
	v27 =	vsel vm4, v31, v27;
	v28 =	vsel vm4, v32, v28  }
.LBB2_12:
.Ltmp11:
0x15a: {  	(pc) =	sbr.rel @p0 .LBB2_20-.Ltmp11, $2  }
0x15b: {  	_ =	sdelay $0x2  }
0x15c: {  	v24 =	vimm.f32 $-Inf;
	v25 =	vimm.s32 $0x40000000  }
0x15d: {  	s26 =	simm.s32 $0x11B80  }
0x15e: {  	s31 =	simm.s32 $0x12400;
	p2 =	sne.s32 s24, $0x1;
	v38 =	vld [tilespmem:s26+$0x0]  }
.Ltmp12:
0x15f: {  	v26 =	vld [tilespmem:s31+$0x0];
	(pc) =	sbr.rel @!p2 .LBB2_14-.Ltmp12, $2  }
0x160: {  	_ =	sdelay $0x2  }
0x161: {  	s28 =	sadd.s32 $0xFFFFFFFF, s24;
	p1 =	por $0x0, $0x0;
	s26 =	simm.s32 $0x11B90;
	vm4 =	vlt.f32 v38, v31  }
0x162: {  	v37 =	vld [tilespmem:s26+$0x0];
	vm5 =	veq.f32 v38, v31;
	vm6 =	vgt.s32 v26, v32;
	s26 =	simm.s32 $0x12410;
	p2 =	sne.s32 s28, $0x1  }
.Ltmp13:
0x163: {  	vm5 =	vmand vm5, vm6;
	v33 =	vld [tilespmem:s26+$0x0];
	(pc) =	sbr.rel @!p2 .LBB2_16-.Ltmp13, $4  }
0x164: {  	vm4 =	vmor vm4, vm5  }
0x165: {  	vm7 =	vlt.s32 v26, v25;
	v34 =	vnsel vm4, $0xFF800000, v38  }
0x166: {  	v35 =	vimm.f32 $-Inf;
	v36 =	vimm.s32 $0x40000000;
	vm6 =	veq.f32 v34, v24  }
0x167: {  	s28 =	sadd.s32 $0xFFFFFFFF, s28;
	s29 =	simm.s32 $0x11BA0;
	p1 =	por $0x1, $0x1;
	vm5 =	vgt.f32 v34, v24;
	vm4 =	vlt.f32 v37, v31;
	vm6 =	vmand vm7, vm6  }
.LBB2_17:
0x168: {  	v38 =	vld [tilespmem:s29+$0x0];
	vm7 =	veq.f32 v37, v31;
	vm8 =	vgt.s32 v33, v32;
	s26 =	sadd.s32 $0x10, s26;
	vm5 =	vmor vm5, vm6;
	p2 =	sne.s32 s28, $0x1  }
.Ltmp14:
0x169: {  	s28 =	sadd.s32 $0xFFFFFFFF, s28;
	vm6 =	vmand vm7, vm8;
	v35 =	vsel vm5, v34, v35;
	v36 =	vsel vm5, v26, v36;
	v26 =	vmovc v33;
	v33 =	vld [tilespmem:s26+$0x0];
	(pc) =	sbr.rel @p2 .LBB2_17-.Ltmp14, $4  }
0x16a: {  	vm4 =	vmor vm4, vm6  }
0x16b: {  	v34 =	vnsel vm4, $0xFF800000, v37  }
0x16c: {  	vm7 =	vlt.s32 v26, v36;
	vm6 =	veq.f32 v34, v35  }
0x16d: {  	s29 =	sadd.s32 $0x10, s29;
	vm5 =	vgt.f32 v34, v35;
	vm4 =	vlt.f32 v38, v31;
	vm6 =	vmand vm7, vm6;
	v37 =	vmovc v38  }
.Ltmp15:
0x16e: {  	(pc) =	sbr.rel .LBB2_19-.Ltmp15, $2  }
0x16f: {  	_ =	sdelay $0x2  }
0x170: {  	v38 =	vmov v37  }
.LBB2_16:
.Ltmp16:
0x171: {  	(pc) =	sbr.rel .LBB2_19-.Ltmp16, $2  }
0x172: {  	_ =	sdelay $0x2  }
0x173: {  	v38 =	vmov v37;
	v35 =	vimm.f32 $-Inf;
	v36 =	vimm.s32 $0x40000000  }
.LBB2_21:
0x174: {  	[tilespmem:$0x12C80] =	vst v30  }
0x175: {  	[tilespmem:$0x12C90] =	vst v27  }
0x176: {  	[tilespmem:$0x12E80] =	vst v29  }
0x177: {  	[tilespmem:$0x12E90] =	vst v28  }
0x178: {  	[tilespmem:s1], [sflag:$0x1] =	stream.strided.gather [hbm4b:s5+s18], $0x8000, s10, s18, $0x38;
	[tilespmem:$0x13080] =	vst v63  }
0x179: {  	_ =	swait.ge [sflag:s19], $0x8000  }
0x17a: {  	[sflag:s19] =	ssyncset.done $0x0  }
0x17b: {  	s25 =	simm.s32 $0x8080;
	[sflag:s19] =	ssyncadd.s32 $0xFFFF8000  }
0x17c: {  	v27 =	vld [tilespmem:s25+$0xFFFFFF80]  }
0x17d: {  	v28 =	vld [tilespmem:s25+$0xFFFFFFF0]  }
0x17e: {  	v29 =	vld [tilespmem:s25+$0xFFFFFFE0]  }
0x17f: {  	v30 =	vld [tilespmem:s25+$0xFFFFFFD0]  }
0x180: {  	v31 =	vld [tilespmem:s25+$0xFFFFFFC0]  }
0x181: {  	v32 =	vld [tilespmem:s25+$0xFFFFFFB0]  }
0x182: {  	v33 =	vld [tilespmem:s25+$0xFFFFFFA0]  }
0x183: {  	v34 =	vld [tilespmem:s25+$0xFFFFFF90];
	_ =	sdelay $0x3  }
0x184: {  	v29 =	vmax.f32 v29, v28  }
0x185: {  	v30 =	vmax.f32 v31, v30;
	v33 =	vmax.f32 v33, v32;
	v34 =	vmax.f32 v27, v34  }
0x186: {  	v27 =	vmax.f32 v30, v29;
	v28 =	vmax.f32 v34, v33  }
0x187: {  	s26 =	simm.s32 $0x10010;
	v27 =	vmax.f32 v28, v27  }
0x188: {  	[tilespmem:s26+$0xFFFFFFF0] =	vst v27  }
0x189: {  	v27 =	vld [tilespmem:s25+$0x70]  }
0x18a: {  	v31 =	vld [tilespmem:s25+$0x60]  }
0x18b: {  	v36 =	vld [tilespmem:s25+$0x30]  }
0x18c: {  	v37 =	vld [tilespmem:s25+$0x0]  }
0x18d: {  	v35 =	vld [tilespmem:s25+$0x50]  }
0x18e: {  	v28 =	vimm.f32 $-Inf;
	v38 =	vld [tilespmem:s25+$0x40]  }
0x18f: {  	v29 =	vmax.f32 v28, v29;
	v39 =	vld [tilespmem:s25+$0x20];
	v32 =	vmax.f32 v31, v27  }
0x190: {  	s28 =	simm.s32 $0x0;
	s24 =	simm.s32 $0x10010;
	v40 =	vld [tilespmem:s25+$0x10];
	v31 =	vimm.f32 $-Inf;
	v27 =	vmax.f32 v29, v32;
	v29 =	vimm.f32 $-Inf  }
.LBB2_22:
0x191: {  	s28 =	sadd.s32 $0x2, s28;
	s26 =	sadd.s32 $0x20, s26;
	s25 =	sadd.s32 $0x100, s25  }
0x192: {  	p0 =	slt.u32 s28, $0xFE  }
0x193: {  	v28 =	vmax.f32 v28, v30;
	v30 =	vmax.f32 v38, v35  }
0x194: {  	v29 =	vmax.f32 v29, v33;
	v33 =	vmax.f32 v39, v36;
	v32 =	vmax.f32 v30, v32  }
0x195: {  	v31 =	vmax.f32 v31, v34;
	v34 =	vmax.f32 v37, v40;
	v29 =	vmax.f32 v29, v33  }
0x196: {  	v28 =	vmax.f32 v28, v30;
	v33 =	vmax.f32 v34, v33;
	v31 =	vmax.f32 v31, v34  }
0x197: {  	v30 =	vmax.f32 v33, v32  }
0x198: {  	[tilespmem:s24+$0x0] =	vst v30;
	s24 =	smov.u32 s26  }
0x199: {  	v32 =	vld [tilespmem:s25+$0xFFFFFF80]  }
0x19a: {  	v30 =	vld [tilespmem:s25+$0xFFFFFFF0]  }
0x19b: {  	v33 =	vld [tilespmem:s25+$0xFFFFFFE0]  }
0x19c: {  	v34 =	vld [tilespmem:s25+$0xFFFFFFD0]  }
0x19d: {  	v35 =	vld [tilespmem:s25+$0xFFFFFFC0]  }
0x19e: {  	v36 =	vld [tilespmem:s25+$0xFFFFFFB0]  }
0x19f: {  	v37 =	vld [tilespmem:s25+$0xFFFFFFA0]  }
0x1a0: {  	v38 =	vld [tilespmem:s25+$0xFFFFFF90];
	v39 =	vmax.f32 v33, v30;
	_ =	sdelay $0x1  }
0x1a1: {  	v30 =	vmax.f32 v35, v34  }
0x1a2: {  	v35 =	vmax.f32 v30, v39  }
0x1a3: {  	v33 =	vmax.f32 v37, v36  }
0x1a4: {  	v34 =	vmax.f32 v32, v38  }
0x1a5: {  	v32 =	vmax.f32 v34, v33  }
0x1a6: {  	v32 =	vmax.f32 v32, v35  }
0x1a7: {  	[tilespmem:s26+$0xFFFFFFF0] =	vst v32  }
0x1a8: {  	v32 =	vld [tilespmem:s25+$0x70]  }
0x1a9: {  	v40 =	vld [tilespmem:s25+$0x60]  }
0x1aa: {  	v36 =	vld [tilespmem:s25+$0x30]  }
.Ltmp17:
0x1ab: {  	v37 =	vld [tilespmem:s25+$0x0];
	(pc) =	sbr.rel @p0 .LBB2_22-.Ltmp17, $4  }
0x1ac: {  	v35 =	vld [tilespmem:s25+$0x50]  }
0x1ad: {  	v38 =	vld [tilespmem:s25+$0x40]  }
0x1ae: {  	v27 =	vmax.f32 v27, v39;
	v39 =	vld [tilespmem:s25+$0x20];
	v32 =	vmax.f32 v40, v32  }
0x1af: {  	v40 =	vld [tilespmem:s25+$0x10];
	v27 =	vmax.f32 v27, v32  }
0x1b0: {  	_ =	sdelay $0x3  }
0x1b1: {  	v31 =	vmax.f32 v31, v34;
	v62 =	vmax.f32 v37, v40  }
0x1b2: {  	v29 =	vmax.f32 v29, v33;
	v63 =	vmax.f32 v39, v36;
	v31 =	vmax.f32 v31, v62  }
0x1b3: {  	v29 =	vmax.f32 v29, v63;
	(xrf1) =	vsort.dscd.msk.f32 $0xffff, v31, v31  }
0x1b4: {  	(xrf1) =	vsort.dscd.msk.f32 $0xffff, v29, v29;
	_ =	sdelay $0xc  }
0x1b5: {  	v29, _, _ =	vpop (xrf1)  }
0x1b6: {  	v31, _, _ =	vpop (xrf1)  }
0x1b7: {  	v31 =	vperm.xlane v31, v1;
	_ =	sdelay $0x1  }
0x1b8: {  	v28 =	vmax.f32 v28, v30;
	v30 =	vmax.f32 v29, v31  }
0x1b9: {  	v35 =	vmax.f32 v38, v35;
	v29 =	vmin.f32 v29, v31;
	(xrf1) =	vsort.dscd.msk.f32 $0xffff, v30, v30  }
0x1ba: {  	v28 =	vmax.f32 v28, v35;
	(xrf1) =	vsort.dscd.msk.f32 $0xffff, v29, v29  }
0x1bb: {  	(xrf1) =	vsort.dscd.msk.f32 $0xffff, v28, v28;
	_ =	sdelay $0xb  }
0x1bc: {  	v28, _, _ =	vpop (xrf1)  }
0x1bd: {  	v29, _, _ =	vpop (xrf1)  }
0x1be: {  	v30, _, _ =	vpop (xrf1)  }
0x1bf: {  	v30 =	vperm.xlane v30, v1;
	_ =	sdelay $0x1  }
0x1c0: {  	v31 =	vmax.f32 v28, v30  }
0x1c1: {  	v28 =	vmin.f32 v28, v30;
	(xrf1) =	vsort.dscd.msk.f32 $0xffff, v31, v31  }
0x1c2: {  	(xrf1) =	vsort.dscd.msk.f32 $0xffff, v28, v28;
	_ =	sdelay $0xc  }
0x1c3: {  	v28, _, _ =	vpop (xrf1)  }
0x1c4: {  	v30, _, _ =	vpop (xrf1)  }
0x1c5: {  	v30 =	vperm.xlane v30, v1;
	_ =	sdelay $0x1  }
0x1c6: {  	v29 =	vmax.f32 v29, v30  }
0x1c7: {  	(xrf1) =	vsort.dscd.msk.f32 $0xffff, v29, v29  }
0x1c8: {  	(xrf1) =	vsort.dscd.msk.f32 $0xffff, v27, v27;
	_ =	sdelay $0xc  }
0x1c9: {  	v27, _, _ =	vpop (xrf1)  }
0x1ca: {  	v29, _, _ =	vpop (xrf1)  }
0x1cb: {  	v29 =	vperm.xlane v29, v1;
	_ =	sdelay $0x1  }
0x1cc: {  	v28 =	vmin.f32 v28, v29  }
0x1cd: {  	(xrf1) =	vsort.dscd.msk.f32 $0xffff, v28, v28;
	_ =	sdelay $0xd  }
0x1ce: {  	v28, _, _ =	vpop (xrf1)  }
0x1cf: {  	v28 =	vperm.xlane v28, v1;
	_ =	sdelay $0x1  }
0x1d0: {  	v27 =	vmax.f32 v27, v28  }
0x1d1: {  	(xrf1) =	vsort.dscd.msk.f32 $0xffff, v27, v27;
	_ =	sdelay $0xa  }
0x1d2: {  	v28 =	vmax.f32 v62, v63;
	_ =	sdelay $0x1  }
0x1d3: {  	v27 =	vmax.f32 v35, v32  }
0x1d4: {  	v27 =	vmax.f32 v28, v27;
	v28, _, _ =	vpop (xrf1)  }
0x1d5: {  	s25 =	simm.s32 $0x10010;
	[tilespmem:s24+$0x0] =	vst v27;
	s24 =	simm.s32 $0x0;
	v27 =	vperm.xlane v28, v2;
	v28 =	vimm.s32 $0x0  }
.LBB2_24:
0x1d6: {  	v29 =	vld [tilespmem:s25+$0xFFFFFFF0];
	_ =	sdelay $0x4  }
0x1d7: {  	vm4 =	vge.f32 v29, v27;
	v29 =	vadd.s32 v3, v28  }
0x1d8: {  	v29 =	vsel vm4, v29, v4;
	_ =	sdelay $0x3  }
0x1d9: {  	v30 =	vmov s24  }
0x1da: {  	[tilespmem:v29+s13+$0x0] =	vst.idx.msk $0xffff, v30  }
0x1db: {  	v29 =	vld [tilespmem:s25+$0x0]  }
0x1dc: {  	v30 =	vsel vm4, $0x1, v6  }
0x1dd: {  	v28 =	vadd.s32 v30, v28  }
0x1de: {  	vm4 =	vlt.s32 v28, $0x20  }
0x1df: {  	v28 =	vnsel vm4, $0x20, v28  }
0x1e0: {  	vm4 =	vge.f32 v29, v27;
	v29 =	vadd.s32 v3, v28  }
0x1e1: {  	p0 =	slt.u32 s24, $0xFE;
	v29 =	vsel vm4, v29, v4  }
.Ltmp18:
0x1e2: {  	_ = 	snop;
	(pc) =	sbr.rel @p0 .LBB2_24-.Ltmp18, $4  }
0x1e3: {  	v30 =	vsel vm4, $0x1, v6  }
0x1e4: {  	s26 =	sadd.s32 $0x1, s24;
	v28 =	vadd.s32 v30, v28  }
0x1e5: {  	v30 =	vmov s26;
	vm4 =	vlt.s32 v28, $0x20  }
0x1e6: {  	s24 =	sadd.s32 $0x2, s24;
	s25 =	sadd.s32 $0x20, s25;
	v28 =	vnsel vm4, $0x20, v28;
	[tilespmem:v29+s13+$0x0] =	vst.idx.msk $0xffff, v30  }
0x1e7: {  	v29 =	vperm.xlane v28, v5;
	_ =	sdelay $0x1  }
0x1e8: {  	vm4 =	vgt.s32 v28, v29  }
0x1e9: {  	v29 =	vsel vm4, v28, v29  }
0x1ea: {  	v30 =	vperm.xlane v29, v7;
	_ =	sdelay $0x1  }
0x1eb: {  	vm4 =	vgt.s32 v29, v30  }
0x1ec: {  	v29 =	vsel vm4, v29, v30  }
0x1ed: {  	v30 =	vperm.xlane v29, v8;
	_ =	sdelay $0x1  }
0x1ee: {  	vm4 =	vgt.s32 v29, v30  }
0x1ef: {  	v29 =	vsel vm4, v29, v30  }
0x1f0: {  	v30 =	vperm.xlane v29, v9;
	_ =	sdelay $0x1  }
0x1f1: {  	vm4 =	vgt.s32 v29, v30  }
0x1f2: {  	v29 =	vsel vm4, v29, v30  }
0x1f3: {  	(v2sf) =	vpush v29, $0x0;
	_ =	sdelay $0xe  }
0x1f4: {  	s24 =	spop (v2sf)  }
0x1f5: {  	p0 =	slt.s32 s24, $0x1  }
.Ltmp19:
0x1f6: {  	_ = 	snop;
	(pc) =	sbr.rel @p0 .LBB2_27-.Ltmp19, $2  }
0x1f7: {  	_ =	sdelay $0x2  }
0x1f8: {  	s25 =	simm.s32 $0x0;
	v29 =	vimm.s32 $0x0  }
.LBB2_26:
0x1f9: {  	v30 =	vadd.s32 s25, v3;
	_ =	sdelay $0x4  }
0x1fa: {  	v30 =	vld.idx.msk [tilespmem:v30+s13+$0x0], $0xffff;
	_ =	sdelay $0x4  }
0x1fb: {  	vm4 =	vgt.s32 v30, $0x0  }
0x1fc: {  	v30 =	vnsel vm4, $0x0, v30  }
0x1fd: {  	v30 =	vmin.u32 v30, $0xFF  }
0x1fe: {  	v30 =	vshll.u32 v30, $0x7  }
0x1ff: {  	v31 =	vor.u32 v0, v30;
	_ =	sdelay $0x4  }
0x200: {  	v32 =	vld.idx.msk [tilespmem:v31+s11+$0x0], $0xffff;
	_ =	sdelay $0x3  }
0x201: {  	v33 =	vmov s25  }
0x202: {  	vm4 =	vlt.s32 v33, v28;
	vm5 =	vge.f32 v32, v27  }
0x203: {  	v43 =	vadd.s32 v10, v29;
	vm5 =	vmand vm4, vm5  }
0x204: {  	v33 =	vsel vm5, v43, v11;
	_ =	sdelay $0x1  }
0x205: {  	v34 =	vor.u32 v12, v30;
	_ =	sdelay $0x2  }
0x206: {  	[tilespmem:v33+s14+$0x0] =	vst.idx.msk $0xffff, v32  }
0x207: {  	[tilespmem:v33+s15+$0x0] =	vst.idx.msk $0xffff, v31  }
0x208: {  	v31 =	vld.idx.msk [tilespmem:v34+s11+$0x0], $0xffff;
	_ =	sdelay $0x1  }
0x209: {  	v44 =	vsel vm5, $0x1, v6  }
0x20a: {  	v29 =	vadd.s32 v44, v29  }
0x20b: {  	vm5 =	vlt.s32 v29, $0x40  }
0x20c: {  	v29 =	vnsel vm5, $0x40, v29;
	vm5 =	vge.f32 v31, v27  }
0x20d: {  	v45 =	vadd.s32 v10, v29;
	vm5 =	vmand vm4, vm5  }
0x20e: {  	v32 =	vsel vm5, v45, v11;
	_ =	sdelay $0x1  }
0x20f: {  	v46 =	vor.u32 v13, v30;
	_ =	sdelay $0x2  }
0x210: {  	[tilespmem:v32+s14+$0x0] =	vst.idx.msk $0xffff, v31  }
0x211: {  	[tilespmem:v32+s15+$0x0] =	vst.idx.msk $0xffff, v34  }
0x212: {  	v31 =	vld.idx.msk [tilespmem:v46+s11+$0x0], $0xffff;
	_ =	sdelay $0x1  }
0x213: {  	v47 =	vsel vm5, $0x1, v6  }
0x214: {  	v29 =	vadd.s32 v47, v29  }
0x215: {  	vm5 =	vlt.s32 v29, $0x40  }
0x216: {  	v29 =	vnsel vm5, $0x40, v29;
	vm5 =	vge.f32 v31, v27  }
0x217: {  	v48 =	vadd.s32 v10, v29;
	vm5 =	vmand vm4, vm5  }
0x218: {  	v32 =	vsel vm5, v48, v11;
	_ =	sdelay $0x1  }
0x219: {  	v49 =	vor.u32 v14, v30;
	_ =	sdelay $0x2  }
0x21a: {  	[tilespmem:v32+s14+$0x0] =	vst.idx.msk $0xffff, v31  }
0x21b: {  	[tilespmem:v32+s15+$0x0] =	vst.idx.msk $0xffff, v46  }
0x21c: {  	v31 =	vld.idx.msk [tilespmem:v49+s11+$0x0], $0xffff;
	_ =	sdelay $0x1  }
0x21d: {  	v50 =	vsel vm5, $0x1, v6  }
0x21e: {  	v29 =	vadd.s32 v50, v29  }
0x21f: {  	vm5 =	vlt.s32 v29, $0x40  }
0x220: {  	v29 =	vnsel vm5, $0x40, v29;
	vm5 =	vge.f32 v31, v27  }
0x221: {  	v51 =	vadd.s32 v10, v29;
	vm5 =	vmand vm4, vm5  }
0x222: {  	v32 =	vsel vm5, v51, v11;
	_ =	sdelay $0x1  }
0x223: {  	v52 =	vor.u32 v15, v30;
	_ =	sdelay $0x2  }
0x224: {  	[tilespmem:v32+s14+$0x0] =	vst.idx.msk $0xffff, v31  }
0x225: {  	[tilespmem:v32+s15+$0x0] =	vst.idx.msk $0xffff, v49  }
0x226: {  	v31 =	vld.idx.msk [tilespmem:v52+s11+$0x0], $0xffff;
	_ =	sdelay $0x1  }
0x227: {  	v53 =	vsel vm5, $0x1, v6  }
0x228: {  	v29 =	vadd.s32 v53, v29  }
0x229: {  	vm5 =	vlt.s32 v29, $0x40  }
0x22a: {  	v29 =	vnsel vm5, $0x40, v29;
	vm5 =	vge.f32 v31, v27  }
0x22b: {  	v54 =	vadd.s32 v10, v29;
	vm5 =	vmand vm4, vm5  }
0x22c: {  	v32 =	vsel vm5, v54, v11;
	_ =	sdelay $0x1  }
0x22d: {  	v55 =	vor.u32 v16, v30;
	_ =	sdelay $0x2  }
0x22e: {  	[tilespmem:v32+s14+$0x0] =	vst.idx.msk $0xffff, v31  }
0x22f: {  	[tilespmem:v32+s15+$0x0] =	vst.idx.msk $0xffff, v52  }
0x230: {  	v31 =	vld.idx.msk [tilespmem:v55+s11+$0x0], $0xffff;
	_ =	sdelay $0x1  }
0x231: {  	v56 =	vsel vm5, $0x1, v6  }
0x232: {  	v29 =	vadd.s32 v56, v29  }
0x233: {  	vm5 =	vlt.s32 v29, $0x40  }
0x234: {  	v29 =	vnsel vm5, $0x40, v29;
	vm5 =	vge.f32 v31, v27  }
0x235: {  	v57 =	vadd.s32 v10, v29;
	vm5 =	vmand vm4, vm5  }
0x236: {  	v32 =	vsel vm5, v57, v11;
	_ =	sdelay $0x1  }
0x237: {  	v58 =	vor.u32 v19, v30;
	_ =	sdelay $0x2  }
0x238: {  	[tilespmem:v32+s14+$0x0] =	vst.idx.msk $0xffff, v31  }
0x239: {  	[tilespmem:v32+s15+$0x0] =	vst.idx.msk $0xffff, v55  }
0x23a: {  	v31 =	vld.idx.msk [tilespmem:v58+s11+$0x0], $0xffff;
	_ =	sdelay $0x1  }
0x23b: {  	v59 =	vsel vm5, $0x1, v6  }
0x23c: {  	v29 =	vadd.s32 v59, v29  }
0x23d: {  	vm5 =	vlt.s32 v29, $0x40  }
0x23e: {  	v29 =	vnsel vm5, $0x40, v29;
	vm5 =	vge.f32 v31, v27  }
0x23f: {  	v60 =	vadd.s32 v10, v29;
	vm5 =	vmand vm4, vm5  }
0x240: {  	v32 =	vsel vm5, v60, v11;
	_ =	sdelay $0x1  }
0x241: {  	v30 =	vor.u32 v21, v30;
	_ =	sdelay $0x2  }
0x242: {  	[tilespmem:v32+s14+$0x0] =	vst.idx.msk $0xffff, v31  }
0x243: {  	[tilespmem:v32+s15+$0x0] =	vst.idx.msk $0xffff, v58  }
0x244: {  	v31 =	vld.idx.msk [tilespmem:v30+s11+$0x0], $0xffff;
	_ =	sdelay $0x1  }
0x245: {  	v61 =	vsel vm5, $0x1, v6  }
0x246: {  	v29 =	vadd.s32 v61, v29  }
0x247: {  	vm5 =	vlt.s32 v29, $0x40  }
0x248: {  	v29 =	vnsel vm5, $0x40, v29;
	vm5 =	vge.f32 v31, v27  }
0x249: {  	v62 =	vadd.s32 v10, v29;
	vm4 =	vmand vm4, vm5  }
0x24a: {  	s25 =	sadd.s32 $0x1, s25;
	v32 =	vsel vm4, v62, v11  }
0x24b: {  	p0 =	sne.s32 s24, s25  }
.Ltmp20:
0x24c: {  	_ = 	snop;
	(pc) =	sbr.rel @p0 .LBB2_26-.Ltmp20, $4  }
0x24d: {  	v63 =	vsel vm4, $0x1, v6  }
0x24e: {  	v29 =	vadd.s32 v63, v29  }
0x24f: {  	vm4 =	vlt.s32 v29, $0x40;
	[tilespmem:v32+s14+$0x0] =	vst.idx.msk $0xffff, v31  }
0x250: {  	v29 =	vnsel vm4, $0x40, v29;
	[tilespmem:v32+s15+$0x0] =	vst.idx.msk $0xffff, v30  }
.LBB2_27:
0x251: {  	v27 =	vperm.xlane v29, v17;
	v28 =	vperm.xlane v29, v5  }
0x252: {  	vm4 =	veq.s32 v0, $0x0  }
0x253: {  	v27 =	vsel vm4, $0x0, v27;
	vm4 =	vgt.s32 v29, v28  }
0x254: {  	v28 =	vsel vm4, v29, v28  }
0x255: {  	v31 =	vperm.xlane v28, v7;
	_ =	sdelay $0x1  }
0x256: {  	vm4 =	vgt.s32 v28, v31  }
0x257: {  	v27 =	vadd.s32 v29, v27;
	v28 =	vsel vm4, v28, v31  }
0x258: {  	v30 =	vperm.xlane v27, v18;
	v31 =	vperm.xlane v28, v8;
	_ =	sdelay $0x1  }
0x259: {  	v30 =	vsel vm1, $0x0, v30;
	vm4 =	vgt.s32 v28, v31  }
0x25a: {  	v27 =	vadd.s32 v30, v27;
	v28 =	vsel vm4, v28, v31  }
0x25b: {  	v30 =	vperm.xlane v27, v20;
	v31 =	vperm.xlane v28, v9;
	_ =	sdelay $0x1  }
0x25c: {  	v30 =	vsel vm2, $0x0, v30;
	vm4 =	vgt.s32 v28, v31  }
0x25d: {  	v27 =	vadd.s32 v30, v27;
	v28 =	vsel vm4, v28, v31  }
0x25e: {  	v30 =	vperm.xlane v27, v22;
	(v2sf) =	vpush v28, $0x0;
	_ =	sdelay $0x1  }
0x25f: {  	v30 =	vsel vm3, $0x0, v30  }
0x260: {  	v27 =	vadd.s32 v30, v27  }
0x261: {  	v28 =	vperm.xlane v27, v2;
	_ =	sdelay $0x1  }
0x262: {  	(v2sf) =	vpush v28, $0x0;
	_ =	sdelay $0x8  }
0x263: {  	s24 =	spop (v2sf)  }
0x264: {  	p0 =	slt.s32 s24, $0x1  }
.Ltmp21:
0x265: {  	_ = 	snop;
	(pc) =	sbr.rel @p0 .LBB2_31-.Ltmp21, $2  }
0x266: {  	_ =	sdelay $0x2  }
0x267: {  	s25 =	spop (v2sf)  }
0x268: {  	s26 =	simm.s32 $0x0  }
0x269: {  	v31 =	vadd.s32 s26, v10  }
0x26a: {  	p0 =	sne.s32 s24, $0x1  }
.Ltmp22:
0x26b: {  	_ = 	snop;
	(pc) =	sbr.rel @!p0 .LBB2_30-.Ltmp22, $4  }
0x26c: {  	_ = 	snop  }
0x26d: {  	v27 =	vsub.s32 v27, v29;
	v28 =	vmov s26  }
0x26e: {  	v32 =	vadd.s32 s26, v27;
	vm4 =	vlt.s32 v28, v29;
	v28 =	vor.u32 $0x800, v0;
	v30 =	vld.idx.msk [tilespmem:v31+s14+$0x0], $0xffff  }
0x26f: {  	s26 =	simm.s32 $0x1;
	v32 =	vsel vm4, v32, v28;
	v31 =	vld.idx.msk [tilespmem:v31+s15+$0x0], $0xffff  }
.LBB2_29:
0x270: {  	_ = 	snop  }
0x271: {  	v33 =	vadd.s32 s26, v10;
	s28 =	smov.u32 s26;
	s26 =	sadd.s32 $0x1, s26  }
0x272: {  	p0 =	sne.s32 s24, s26  }
.Ltmp23:
0x273: {  	(pc) =	sbr.rel @p0 .LBB2_29-.Ltmp23, $4  }
0x274: {  	[tilespmem:v32+s16+$0x0] =	vst.idx.msk $0xffff, v30  }
0x275: {  	v34 =	vmov s28;
	[tilespmem:v32+s17+$0x0] =	vst.idx.msk $0xffff, v31  }
0x276: {  	vm4 =	vlt.s32 v34, v29;
	v32 =	vadd.s32 s28, v27;
	v30 =	vld.idx.msk [tilespmem:v33+s14+$0x0], $0xffff  }
0x277: {  	v32 =	vsel vm4, v32, v28;
	v31 =	vld.idx.msk [tilespmem:v33+s15+$0x0], $0xffff  }
.LBB2_30:
0x278: {  	_ =	sdelay $0x3  }
0x279: {  	[tilespmem:v32+s16+$0x0] =	vst.idx.msk $0xffff, v30  }
0x27a: {  	[tilespmem:v32+s17+$0x0] =	vst.idx.msk $0xffff, v31  }
.LBB2_31:
0x27b: {  	s24 =	sadd.s32 $0xF, s25  }
0x27c: {  	s26 =	sand.u32 $0xF, s24  }
0x27d: {  	s31 =	sshra.s32 s24, $0x1F;
	p1 =	slt.s32 s24, $0x1;
	p0 =	sne.s32 s26, $0x0  }
.Ltmp24:
0x27e: {  	s26 =	sshrl.u32 s31, $0x1C;
	p0 =	por !p1, !p0;
	(pc) =	sbr.rel .LBB2_32-.Ltmp24, $4  }
0x27f: {  	s24 =	sadd.s32 s26, s24;
	s26 =	simm.s32 $0x1;
	p0 =	por !p0, !p0  }
0x280: {  	s24 =	sshra.s32 s24, $0x4;
	s26 =	simm.s32 @!p0 $0x0  }
0x281: {  	v31 =	vimm.f32 $+Inf;
	v34 =	vimm.s32 $0xFFFFFFFF;
	v27 =	vimm.f32 $0.0e+00;
	s24 =	ssub.s32 s24, s26  }
0x282: {  	[tilespmem:s25+$0x11B80] =	vst v23;
	s25 =	simm.s32 $0x0;
	v28 =	vimm.s32 $0x0;
	v29 =	vimm.s32 $0x0;
	v30 =	vimm.f32 $0.0e+00;
	p0 =	slt.s32 s24, $0x1  }
.LBB2_34:
0x283: {  	v36 =	vmov v35;
	v38 =	vimm.f32 $-Inf;
	v39 =	vimm.s32 $0x40000000  }
.LBB2_39:
0x284: {  	vm7 =	veq.f32 v41, v31;
	vm8 =	vgt.s32 v36, v34  }
0x285: {  	vm5 =	vmor @p1 vm5, vm6;
	vm14 =	vmand vm7, vm8  }
0x286: {  	v31 =	vsel @p1 vm5, v37, v38;
	v34 =	vsel @p1 vm5, v35, v39;
	vm4 =	vmor vm4, vm14  }
0x287: {  	v31 =	vpsel p1, v31, v32;
	v33 =	vpsel p1, v34, v33;
	v63 =	vnsel vm4, $0xFF800000, v41  }
0x288: {  	vm5 =	vlt.s32 v36, v33;
	vm4 =	veq.f32 v63, v31  }
0x289: {  	vm15 =	vgt.f32 v63, v31;
	vm4 =	vmand vm5, vm4  }
0x28a: {  	vm4 =	vmor vm15, vm4  }
0x28b: {  	v32 =	vsel vm4, v63, v31;
	v33 =	vsel vm4, v36, v33  }
.LBB2_40:
0x28c: {  	v31 =	vperm.xlane v32, v5;
	v34 =	vperm.xlane v33, v5;
	_ =	sdelay $0x1  }
0x28d: {  	vm4 =	veq.f32 v31, v32;
	vm5 =	vlt.s32 v34, v33  }
0x28e: {  	vm6 =	vgt.f32 v31, v32;
	vm4 =	vmand vm4, vm5  }
0x28f: {  	vm4 =	vmor vm6, vm4  }
0x290: {  	v31 =	vsel vm4, v31, v32;
	v60 =	vsel vm4, v34, v33  }
0x291: {  	v61 =	vperm.xlane v31, v24;
	v34 =	vperm.xlane v60, v24;
	_ =	sdelay $0x1  }
0x292: {  	vm4 =	veq.f32 v61, v31;
	vm5 =	vlt.s32 v34, v60  }
0x293: {  	vm11 =	vgt.f32 v61, v31;
	vm4 =	vmand vm4, vm5  }
0x294: {  	vm4 =	vmor vm11, vm4  }
0x295: {  	v31 =	vsel vm4, v61, v31;
	v32 =	vsel vm4, v34, v60  }
0x296: {  	v33 =	vperm.xlane v31, v25;
	v34 =	vperm.xlane v32, v25;
	_ =	sdelay $0x1  }
0x297: {  	vm4 =	veq.f32 v33, v31;
	vm5 =	vlt.s32 v34, v32  }
0x298: {  	vm12 =	vgt.f32 v33, v31;
	vm4 =	vmand vm4, vm5  }
0x299: {  	vm4 =	vmor vm12, vm4  }
0x29a: {  	v31 =	vsel vm4, v33, v31;
	v32 =	vsel vm4, v34, v32  }
0x29b: {  	v33 =	vperm.xlane v31, v26;
	v34 =	vperm.xlane v32, v26;
	_ =	sdelay $0x1  }
0x29c: {  	vm4 =	veq.f32 v33, v31;
	vm5 =	vlt.s32 v34, v32  }
0x29d: {  	p1 =	slt.u32 s25, $0x10;
	vm4 =	vmand vm4, vm5;
	vm5 =	vmmov vm0  }
0x29e: {  	v62 =	vmov s25;
	s26 =	sadd.s32 $0xFFFFFFF0, s25;
	vm7 =	vmmov vm0;
	vm5 =	vmneg @p1 vm5;
	p1 =	sgt.u32 s25, $0xF;
	s25 =	sadd.s32 $0x1, s25  }
0x29f: {  	vm7 =	vmneg @p1 vm7;
	p1 =	sne.s32 s25, $0x20  }
.Ltmp25:
0x2a0: {  	vm13 =	vgt.f32 v33, v31;
	(pc) =	sbr.rel @!p1 .LBB2_41-.Ltmp25, $4  }
0x2a1: {  	vm14 =	veq.s32 v62, v0;
	v63 =	vmov s26;
	vm4 =	vmor vm13, vm4  }
0x2a2: {  	vm15 =	veq.s32 v63, v0;
	v31 =	vsel vm4, v33, v31;
	vm5 =	vmand vm5, vm14  }
0x2a3: {  	v34 =	vsel vm4, v34, v32;
	vm4 =	vmand vm7, vm15;
	v30 =	vsel vm5, v31, v30  }
0x2a4: {  	v29 =	vsel vm5, v34, v29;
	v27 =	vsel vm4, v31, v27;
	v28 =	vsel vm4, v34, v28  }
.LBB2_32:
.Ltmp26:
0x2a5: {  	(pc) =	sbr.rel @p0 .LBB2_40-.Ltmp26, $2  }
0x2a6: {  	_ =	sdelay $0x2  }
0x2a7: {  	v32 =	vimm.f32 $-Inf;
	v33 =	vimm.s32 $0x40000000  }
0x2a8: {  	s26 =	simm.s32 $0x11B80  }
0x2a9: {  	s31 =	simm.s32 $0x12400;
	p2 =	sne.s32 s24, $0x1;
	v41 =	vld [tilespmem:s26+$0x0]  }
.Ltmp27:
0x2aa: {  	v35 =	vld [tilespmem:s31+$0x0];
	(pc) =	sbr.rel @!p2 .LBB2_34-.Ltmp27, $2  }
0x2ab: {  	_ =	sdelay $0x2  }
0x2ac: {  	s28 =	sadd.s32 $0xFFFFFFFF, s24;
	p1 =	por $0x0, $0x0;
	s26 =	simm.s32 $0x11B90;
	vm4 =	vlt.f32 v41, v31  }
0x2ad: {  	v40 =	vld [tilespmem:s26+$0x0];
	vm5 =	veq.f32 v41, v31;
	vm6 =	vgt.s32 v35, v34;
	s26 =	simm.s32 $0x12410;
	p2 =	sne.s32 s28, $0x1  }
.Ltmp28:
0x2ae: {  	vm5 =	vmand vm5, vm6;
	v36 =	vld [tilespmem:s26+$0x0];
	(pc) =	sbr.rel @!p2 .LBB2_36-.Ltmp28, $4  }
0x2af: {  	vm4 =	vmor vm4, vm5  }
0x2b0: {  	vm7 =	vlt.s32 v35, v33;
	v37 =	vnsel vm4, $0xFF800000, v41  }
0x2b1: {  	v38 =	vimm.f32 $-Inf;
	v39 =	vimm.s32 $0x40000000;
	vm6 =	veq.f32 v37, v32  }
0x2b2: {  	s28 =	sadd.s32 $0xFFFFFFFF, s28;
	s29 =	simm.s32 $0x11BA0;
	p1 =	por $0x1, $0x1;
	vm5 =	vgt.f32 v37, v32;
	vm4 =	vlt.f32 v40, v31;
	vm6 =	vmand vm7, vm6  }
.LBB2_37:
0x2b3: {  	v41 =	vld [tilespmem:s29+$0x0];
	vm7 =	veq.f32 v40, v31;
	vm8 =	vgt.s32 v36, v34;
	s26 =	sadd.s32 $0x10, s26;
	vm5 =	vmor vm5, vm6;
	p2 =	sne.s32 s28, $0x1  }
.Ltmp29:
0x2b4: {  	s28 =	sadd.s32 $0xFFFFFFFF, s28;
	vm6 =	vmand vm7, vm8;
	v38 =	vsel vm5, v37, v38;
	v39 =	vsel vm5, v35, v39;
	v35 =	vmovc v36;
	v36 =	vld [tilespmem:s26+$0x0];
	(pc) =	sbr.rel @p2 .LBB2_37-.Ltmp29, $4  }
0x2b5: {  	vm4 =	vmor vm4, vm6  }
0x2b6: {  	v37 =	vnsel vm4, $0xFF800000, v40  }
0x2b7: {  	vm7 =	vlt.s32 v35, v39;
	vm6 =	veq.f32 v37, v38  }
0x2b8: {  	s29 =	sadd.s32 $0x10, s29;
	vm5 =	vgt.f32 v37, v38;
	vm4 =	vlt.f32 v41, v31;
	vm6 =	vmand vm7, vm6;
	v40 =	vmovc v41  }
.Ltmp30:
0x2b9: {  	(pc) =	sbr.rel .LBB2_39-.Ltmp30, $2  }
0x2ba: {  	_ =	sdelay $0x2  }
0x2bb: {  	v41 =	vmov v40  }
.LBB2_36:
.Ltmp31:
0x2bc: {  	(pc) =	sbr.rel .LBB2_39-.Ltmp31, $2  }
0x2bd: {  	_ =	sdelay $0x2  }
0x2be: {  	v41 =	vmov v40;
	v38 =	vimm.f32 $-Inf;
	v39 =	vimm.s32 $0x40000000  }
.LBB2_41:
0x2bf: {  	[tilespmem:$0x12D00] =	vst v30  }
0x2c0: {  	[tilespmem:$0x12D10] =	vst v27  }
0x2c1: {  	[tilespmem:$0x12F00] =	vst v29  }
0x2c2: {  	[tilespmem:$0x12F10] =	vst v28;
	s25 =	simm.s32 $0x80  }
0x2c3: {  	[tilespmem:s11], [sflag:$0x2] =	stream.strided.gather [hbm4b:s6+s25], $0x8000, s10, s25, $0x38;
	[tilespmem:$0x13080] =	vst v63  }
0x2c4: {  	_ =	swait.ge [sflag:s12], $0x8000  }
0x2c5: {  	[sflag:s12] =	ssyncset.done $0x0  }
0x2c6: {  	[sflag:s12] =	ssyncadd.s32 $0xFFFF8000  }
0x2c7: {  	v27 =	vld [tilespmem:s25+$0xFFFFFF80]  }
0x2c8: {  	v28 =	vld [tilespmem:s25+$0xFFFFFFF0]  }
0x2c9: {  	v29 =	vld [tilespmem:s25+$0xFFFFFFE0]  }
0x2ca: {  	v30 =	vld [tilespmem:s25+$0xFFFFFFD0]  }
0x2cb: {  	v31 =	vld [tilespmem:s25+$0xFFFFFFC0]  }
0x2cc: {  	v32 =	vld [tilespmem:s25+$0xFFFFFFB0]  }
0x2cd: {  	v33 =	vld [tilespmem:s25+$0xFFFFFFA0]  }
0x2ce: {  	v34 =	vld [tilespmem:s25+$0xFFFFFF90];
	_ =	sdelay $0x3  }
0x2cf: {  	v29 =	vmax.f32 v29, v28  }
0x2d0: {  	v30 =	vmax.f32 v31, v30;
	v33 =	vmax.f32 v33, v32;
	v34 =	vmax.f32 v27, v34  }
0x2d1: {  	v27 =	vmax.f32 v30, v29;
	v28 =	vmax.f32 v34, v33  }
0x2d2: {  	s26 =	simm.s32 $0x10010;
	v27 =	vmax.f32 v28, v27  }
0x2d3: {  	[tilespmem:s26+$0xFFFFFFF0] =	vst v27  }
0x2d4: {  	v27 =	vld [tilespmem:s25+$0x70]  }
0x2d5: {  	v31 =	vld [tilespmem:s25+$0x60]  }
0x2d6: {  	v36 =	vld [tilespmem:s25+$0x30]  }
0x2d7: {  	v37 =	vld [tilespmem:s25+$0x0]  }
0x2d8: {  	v35 =	vld [tilespmem:s25+$0x50]  }
0x2d9: {  	v28 =	vimm.f32 $-Inf;
	v38 =	vld [tilespmem:s25+$0x40]  }
0x2da: {  	v29 =	vmax.f32 v28, v29;
	v39 =	vld [tilespmem:s25+$0x20];
	v32 =	vmax.f32 v31, v27  }
0x2db: {  	s28 =	simm.s32 $0x0;
	s24 =	simm.s32 $0x10010;
	v40 =	vld [tilespmem:s25+$0x10];
	v31 =	vimm.f32 $-Inf;
	v27 =	vmax.f32 v29, v32;
	v29 =	vimm.f32 $-Inf  }
.LBB2_42:
0x2dc: {  	s28 =	sadd.s32 $0x2, s28;
	s26 =	sadd.s32 $0x20, s26;
	s25 =	sadd.s32 $0x100, s25  }
0x2dd: {  	p0 =	slt.u32 s28, $0xFE  }
0x2de: {  	v28 =	vmax.f32 v28, v30;
	v30 =	vmax.f32 v38, v35  }
0x2df: {  	v29 =	vmax.f32 v29, v33;
	v33 =	vmax.f32 v39, v36;
	v32 =	vmax.f32 v30, v32  }
0x2e0: {  	v31 =	vmax.f32 v31, v34;
	v34 =	vmax.f32 v37, v40;
	v29 =	vmax.f32 v29, v33  }
0x2e1: {  	v28 =	vmax.f32 v28, v30;
	v33 =	vmax.f32 v34, v33;
	v31 =	vmax.f32 v31, v34  }
0x2e2: {  	v30 =	vmax.f32 v33, v32  }
0x2e3: {  	[tilespmem:s24+$0x0] =	vst v30;
	s24 =	smov.u32 s26  }
0x2e4: {  	v32 =	vld [tilespmem:s25+$0xFFFFFF80]  }
0x2e5: {  	v30 =	vld [tilespmem:s25+$0xFFFFFFF0]  }
0x2e6: {  	v33 =	vld [tilespmem:s25+$0xFFFFFFE0]  }
0x2e7: {  	v34 =	vld [tilespmem:s25+$0xFFFFFFD0]  }
0x2e8: {  	v35 =	vld [tilespmem:s25+$0xFFFFFFC0]  }
0x2e9: {  	v36 =	vld [tilespmem:s25+$0xFFFFFFB0]  }
0x2ea: {  	v37 =	vld [tilespmem:s25+$0xFFFFFFA0]  }
0x2eb: {  	v38 =	vld [tilespmem:s25+$0xFFFFFF90];
	v39 =	vmax.f32 v33, v30;
	_ =	sdelay $0x1  }
0x2ec: {  	v30 =	vmax.f32 v35, v34  }
0x2ed: {  	v35 =	vmax.f32 v30, v39  }
0x2ee: {  	v33 =	vmax.f32 v37, v36  }
0x2ef: {  	v34 =	vmax.f32 v32, v38  }
0x2f0: {  	v32 =	vmax.f32 v34, v33  }
0x2f1: {  	v32 =	vmax.f32 v32, v35  }
0x2f2: {  	[tilespmem:s26+$0xFFFFFFF0] =	vst v32  }
0x2f3: {  	v32 =	vld [tilespmem:s25+$0x70]  }
0x2f4: {  	v40 =	vld [tilespmem:s25+$0x60]  }
0x2f5: {  	v36 =	vld [tilespmem:s25+$0x30]  }
.Ltmp32:
0x2f6: {  	v37 =	vld [tilespmem:s25+$0x0];
	(pc) =	sbr.rel @p0 .LBB2_42-.Ltmp32, $4  }
0x2f7: {  	v35 =	vld [tilespmem:s25+$0x50]  }
0x2f8: {  	v38 =	vld [tilespmem:s25+$0x40]  }
0x2f9: {  	v27 =	vmax.f32 v27, v39;
	v39 =	vld [tilespmem:s25+$0x20];
	v32 =	vmax.f32 v40, v32  }
0x2fa: {  	v40 =	vld [tilespmem:s25+$0x10];
	v27 =	vmax.f32 v27, v32  }
0x2fb: {  	_ =	sdelay $0x3  }
0x2fc: {  	v31 =	vmax.f32 v31, v34;
	v62 =	vmax.f32 v37, v40  }
0x2fd: {  	v29 =	vmax.f32 v29, v33;
	v63 =	vmax.f32 v39, v36;
	v31 =	vmax.f32 v31, v62  }
0x2fe: {  	v29 =	vmax.f32 v29, v63;
	(xrf1) =	vsort.dscd.msk.f32 $0xffff, v31, v31  }
0x2ff: {  	(xrf1) =	vsort.dscd.msk.f32 $0xffff, v29, v29;
	_ =	sdelay $0xc  }
0x300: {  	v29, _, _ =	vpop (xrf1)  }
0x301: {  	v31, _, _ =	vpop (xrf1)  }
0x302: {  	v31 =	vperm.xlane v31, v1;
	_ =	sdelay $0x1  }
0x303: {  	v28 =	vmax.f32 v28, v30;
	v30 =	vmax.f32 v29, v31  }
0x304: {  	v35 =	vmax.f32 v38, v35;
	v29 =	vmin.f32 v29, v31;
	(xrf1) =	vsort.dscd.msk.f32 $0xffff, v30, v30  }
0x305: {  	v28 =	vmax.f32 v28, v35;
	(xrf1) =	vsort.dscd.msk.f32 $0xffff, v29, v29  }
0x306: {  	(xrf1) =	vsort.dscd.msk.f32 $0xffff, v28, v28;
	_ =	sdelay $0xb  }
0x307: {  	v28, _, _ =	vpop (xrf1)  }
0x308: {  	v29, _, _ =	vpop (xrf1)  }
0x309: {  	v30, _, _ =	vpop (xrf1)  }
0x30a: {  	v30 =	vperm.xlane v30, v1;
	_ =	sdelay $0x1  }
0x30b: {  	v31 =	vmax.f32 v28, v30  }
0x30c: {  	v28 =	vmin.f32 v28, v30;
	(xrf1) =	vsort.dscd.msk.f32 $0xffff, v31, v31  }
0x30d: {  	(xrf1) =	vsort.dscd.msk.f32 $0xffff, v28, v28;
	_ =	sdelay $0xc  }
0x30e: {  	v28, _, _ =	vpop (xrf1)  }
0x30f: {  	v30, _, _ =	vpop (xrf1)  }
0x310: {  	v30 =	vperm.xlane v30, v1;
	_ =	sdelay $0x1  }
0x311: {  	v29 =	vmax.f32 v29, v30  }
0x312: {  	(xrf1) =	vsort.dscd.msk.f32 $0xffff, v29, v29  }
0x313: {  	(xrf1) =	vsort.dscd.msk.f32 $0xffff, v27, v27;
	_ =	sdelay $0xc  }
0x314: {  	v27, _, _ =	vpop (xrf1)  }
0x315: {  	v29, _, _ =	vpop (xrf1)  }
0x316: {  	v29 =	vperm.xlane v29, v1;
	_ =	sdelay $0x1  }
0x317: {  	v28 =	vmin.f32 v28, v29  }
0x318: {  	(xrf1) =	vsort.dscd.msk.f32 $0xffff, v28, v28;
	_ =	sdelay $0xd  }
0x319: {  	v28, _, _ =	vpop (xrf1)  }
0x31a: {  	v28 =	vperm.xlane v28, v1;
	_ =	sdelay $0x1  }
0x31b: {  	v27 =	vmax.f32 v27, v28  }
0x31c: {  	(xrf1) =	vsort.dscd.msk.f32 $0xffff, v27, v27;
	_ =	sdelay $0xa  }
0x31d: {  	v28 =	vmax.f32 v62, v63;
	_ =	sdelay $0x1  }
0x31e: {  	v27 =	vmax.f32 v35, v32  }
0x31f: {  	v27 =	vmax.f32 v28, v27;
	v28, _, _ =	vpop (xrf1)  }
0x320: {  	s25 =	simm.s32 $0x10010;
	[tilespmem:s24+$0x0] =	vst v27;
	s24 =	simm.s32 $0x0;
	v27 =	vperm.xlane v28, v2;
	v28 =	vimm.s32 $0x0  }
.LBB2_44:
0x321: {  	v29 =	vld [tilespmem:s25+$0xFFFFFFF0];
	_ =	sdelay $0x4  }
0x322: {  	vm4 =	vge.f32 v29, v27;
	v29 =	vadd.s32 v3, v28  }
0x323: {  	v29 =	vsel vm4, v29, v4;
	_ =	sdelay $0x3  }
0x324: {  	v30 =	vmov s24  }
0x325: {  	[tilespmem:v29+s13+$0x0] =	vst.idx.msk $0xffff, v30  }
0x326: {  	v29 =	vld [tilespmem:s25+$0x0]  }
0x327: {  	v30 =	vsel vm4, $0x1, v6  }
0x328: {  	v28 =	vadd.s32 v30, v28  }
0x329: {  	vm4 =	vlt.s32 v28, $0x20  }
0x32a: {  	v28 =	vnsel vm4, $0x20, v28  }
0x32b: {  	vm4 =	vge.f32 v29, v27;
	v29 =	vadd.s32 v3, v28  }
0x32c: {  	p0 =	slt.u32 s24, $0xFE;
	v29 =	vsel vm4, v29, v4  }
.Ltmp33:
0x32d: {  	_ = 	snop;
	(pc) =	sbr.rel @p0 .LBB2_44-.Ltmp33, $4  }
0x32e: {  	v30 =	vsel vm4, $0x1, v6  }
0x32f: {  	s26 =	sadd.s32 $0x1, s24;
	v28 =	vadd.s32 v30, v28  }
0x330: {  	v30 =	vmov s26;
	vm4 =	vlt.s32 v28, $0x20  }
0x331: {  	s24 =	sadd.s32 $0x2, s24;
	s25 =	sadd.s32 $0x20, s25;
	v28 =	vnsel vm4, $0x20, v28;
	[tilespmem:v29+s13+$0x0] =	vst.idx.msk $0xffff, v30  }
0x332: {  	v29 =	vperm.xlane v28, v5;
	_ =	sdelay $0x1  }
0x333: {  	vm4 =	vgt.s32 v28, v29  }
0x334: {  	v29 =	vsel vm4, v28, v29  }
0x335: {  	v30 =	vperm.xlane v29, v7;
	_ =	sdelay $0x1  }
0x336: {  	vm4 =	vgt.s32 v29, v30  }
0x337: {  	v29 =	vsel vm4, v29, v30  }
0x338: {  	v30 =	vperm.xlane v29, v8;
	_ =	sdelay $0x1  }
0x339: {  	vm4 =	vgt.s32 v29, v30  }
0x33a: {  	v29 =	vsel vm4, v29, v30  }
0x33b: {  	v30 =	vperm.xlane v29, v9;
	_ =	sdelay $0x1  }
0x33c: {  	vm4 =	vgt.s32 v29, v30  }
0x33d: {  	v29 =	vsel vm4, v29, v30  }
0x33e: {  	(v2sf) =	vpush v29, $0x0;
	_ =	sdelay $0xe  }
0x33f: {  	s24 =	spop (v2sf)  }
0x340: {  	p0 =	slt.s32 s24, $0x1  }
.Ltmp34:
0x341: {  	_ = 	snop;
	(pc) =	sbr.rel @p0 .LBB2_47-.Ltmp34, $2  }
0x342: {  	_ =	sdelay $0x2  }
0x343: {  	s25 =	simm.s32 $0x0;
	v29 =	vimm.s32 $0x0  }
.LBB2_46:
0x344: {  	v30 =	vadd.s32 s25, v3;
	_ =	sdelay $0x4  }
0x345: {  	v30 =	vld.idx.msk [tilespmem:v30+s13+$0x0], $0xffff;
	_ =	sdelay $0x4  }
0x346: {  	vm4 =	vgt.s32 v30, $0x0  }
0x347: {  	v30 =	vnsel vm4, $0x0, v30  }
0x348: {  	v30 =	vmin.u32 v30, $0xFF  }
0x349: {  	v30 =	vshll.u32 v30, $0x7  }
0x34a: {  	v31 =	vor.u32 v0, v30;
	_ =	sdelay $0x4  }
0x34b: {  	v32 =	vld.idx.msk [tilespmem:v31+s1+$0x0], $0xffff;
	_ =	sdelay $0x3  }
0x34c: {  	v33 =	vmov s25  }
0x34d: {  	vm4 =	vlt.s32 v33, v28;
	vm5 =	vge.f32 v32, v27  }
0x34e: {  	v43 =	vadd.s32 v10, v29;
	vm5 =	vmand vm4, vm5  }
0x34f: {  	v33 =	vsel vm5, v43, v11;
	_ =	sdelay $0x1  }
0x350: {  	v34 =	vor.u32 v12, v30;
	_ =	sdelay $0x2  }
0x351: {  	[tilespmem:v33+s14+$0x0] =	vst.idx.msk $0xffff, v32  }
0x352: {  	[tilespmem:v33+s15+$0x0] =	vst.idx.msk $0xffff, v31  }
0x353: {  	v31 =	vld.idx.msk [tilespmem:v34+s1+$0x0], $0xffff;
	_ =	sdelay $0x1  }
0x354: {  	v44 =	vsel vm5, $0x1, v6  }
0x355: {  	v29 =	vadd.s32 v44, v29  }
0x356: {  	vm5 =	vlt.s32 v29, $0x40  }
0x357: {  	v29 =	vnsel vm5, $0x40, v29;
	vm5 =	vge.f32 v31, v27  }
0x358: {  	v45 =	vadd.s32 v10, v29;
	vm5 =	vmand vm4, vm5  }
0x359: {  	v32 =	vsel vm5, v45, v11;
	_ =	sdelay $0x1  }
0x35a: {  	v46 =	vor.u32 v13, v30;
	_ =	sdelay $0x2  }
0x35b: {  	[tilespmem:v32+s14+$0x0] =	vst.idx.msk $0xffff, v31  }
0x35c: {  	[tilespmem:v32+s15+$0x0] =	vst.idx.msk $0xffff, v34  }
0x35d: {  	v31 =	vld.idx.msk [tilespmem:v46+s1+$0x0], $0xffff;
	_ =	sdelay $0x1  }
0x35e: {  	v47 =	vsel vm5, $0x1, v6  }
0x35f: {  	v29 =	vadd.s32 v47, v29  }
0x360: {  	vm5 =	vlt.s32 v29, $0x40  }
0x361: {  	v29 =	vnsel vm5, $0x40, v29;
	vm5 =	vge.f32 v31, v27  }
0x362: {  	v48 =	vadd.s32 v10, v29;
	vm5 =	vmand vm4, vm5  }
0x363: {  	v32 =	vsel vm5, v48, v11;
	_ =	sdelay $0x1  }
0x364: {  	v49 =	vor.u32 v14, v30;
	_ =	sdelay $0x2  }
0x365: {  	[tilespmem:v32+s14+$0x0] =	vst.idx.msk $0xffff, v31  }
0x366: {  	[tilespmem:v32+s15+$0x0] =	vst.idx.msk $0xffff, v46  }
0x367: {  	v31 =	vld.idx.msk [tilespmem:v49+s1+$0x0], $0xffff;
	_ =	sdelay $0x1  }
0x368: {  	v50 =	vsel vm5, $0x1, v6  }
0x369: {  	v29 =	vadd.s32 v50, v29  }
0x36a: {  	vm5 =	vlt.s32 v29, $0x40  }
0x36b: {  	v29 =	vnsel vm5, $0x40, v29;
	vm5 =	vge.f32 v31, v27  }
0x36c: {  	v51 =	vadd.s32 v10, v29;
	vm5 =	vmand vm4, vm5  }
0x36d: {  	v32 =	vsel vm5, v51, v11;
	_ =	sdelay $0x1  }
0x36e: {  	v52 =	vor.u32 v15, v30;
	_ =	sdelay $0x2  }
0x36f: {  	[tilespmem:v32+s14+$0x0] =	vst.idx.msk $0xffff, v31  }
0x370: {  	[tilespmem:v32+s15+$0x0] =	vst.idx.msk $0xffff, v49  }
0x371: {  	v31 =	vld.idx.msk [tilespmem:v52+s1+$0x0], $0xffff;
	_ =	sdelay $0x1  }
0x372: {  	v53 =	vsel vm5, $0x1, v6  }
0x373: {  	v29 =	vadd.s32 v53, v29  }
0x374: {  	vm5 =	vlt.s32 v29, $0x40  }
0x375: {  	v29 =	vnsel vm5, $0x40, v29;
	vm5 =	vge.f32 v31, v27  }
0x376: {  	v54 =	vadd.s32 v10, v29;
	vm5 =	vmand vm4, vm5  }
0x377: {  	v32 =	vsel vm5, v54, v11;
	_ =	sdelay $0x1  }
0x378: {  	v55 =	vor.u32 v16, v30;
	_ =	sdelay $0x2  }
0x379: {  	[tilespmem:v32+s14+$0x0] =	vst.idx.msk $0xffff, v31  }
0x37a: {  	[tilespmem:v32+s15+$0x0] =	vst.idx.msk $0xffff, v52  }
0x37b: {  	v31 =	vld.idx.msk [tilespmem:v55+s1+$0x0], $0xffff;
	_ =	sdelay $0x1  }
0x37c: {  	v56 =	vsel vm5, $0x1, v6  }
0x37d: {  	v29 =	vadd.s32 v56, v29  }
0x37e: {  	vm5 =	vlt.s32 v29, $0x40  }
0x37f: {  	v29 =	vnsel vm5, $0x40, v29;
	vm5 =	vge.f32 v31, v27  }
0x380: {  	v57 =	vadd.s32 v10, v29;
	vm5 =	vmand vm4, vm5  }
0x381: {  	v32 =	vsel vm5, v57, v11;
	_ =	sdelay $0x1  }
0x382: {  	v58 =	vor.u32 v19, v30;
	_ =	sdelay $0x2  }
0x383: {  	[tilespmem:v32+s14+$0x0] =	vst.idx.msk $0xffff, v31  }
0x384: {  	[tilespmem:v32+s15+$0x0] =	vst.idx.msk $0xffff, v55  }
0x385: {  	v31 =	vld.idx.msk [tilespmem:v58+s1+$0x0], $0xffff;
	_ =	sdelay $0x1  }
0x386: {  	v59 =	vsel vm5, $0x1, v6  }
0x387: {  	v29 =	vadd.s32 v59, v29  }
0x388: {  	vm5 =	vlt.s32 v29, $0x40  }
0x389: {  	v29 =	vnsel vm5, $0x40, v29;
	vm5 =	vge.f32 v31, v27  }
0x38a: {  	v60 =	vadd.s32 v10, v29;
	vm5 =	vmand vm4, vm5  }
0x38b: {  	v32 =	vsel vm5, v60, v11;
	_ =	sdelay $0x1  }
0x38c: {  	v30 =	vor.u32 v21, v30;
	_ =	sdelay $0x2  }
0x38d: {  	[tilespmem:v32+s14+$0x0] =	vst.idx.msk $0xffff, v31  }
0x38e: {  	[tilespmem:v32+s15+$0x0] =	vst.idx.msk $0xffff, v58  }
0x38f: {  	v31 =	vld.idx.msk [tilespmem:v30+s1+$0x0], $0xffff;
	_ =	sdelay $0x1  }
0x390: {  	v61 =	vsel vm5, $0x1, v6  }
0x391: {  	v29 =	vadd.s32 v61, v29  }
0x392: {  	vm5 =	vlt.s32 v29, $0x40  }
0x393: {  	v29 =	vnsel vm5, $0x40, v29;
	vm5 =	vge.f32 v31, v27  }
0x394: {  	v62 =	vadd.s32 v10, v29;
	vm4 =	vmand vm4, vm5  }
0x395: {  	s25 =	sadd.s32 $0x1, s25;
	v32 =	vsel vm4, v62, v11  }
0x396: {  	p0 =	sne.s32 s24, s25  }
.Ltmp35:
0x397: {  	_ = 	snop;
	(pc) =	sbr.rel @p0 .LBB2_46-.Ltmp35, $4  }
0x398: {  	v63 =	vsel vm4, $0x1, v6  }
0x399: {  	v29 =	vadd.s32 v63, v29  }
0x39a: {  	vm4 =	vlt.s32 v29, $0x40;
	[tilespmem:v32+s14+$0x0] =	vst.idx.msk $0xffff, v31  }
0x39b: {  	v29 =	vnsel vm4, $0x40, v29;
	[tilespmem:v32+s15+$0x0] =	vst.idx.msk $0xffff, v30  }
.LBB2_47:
0x39c: {  	v27 =	vperm.xlane v29, v17;
	v28 =	vperm.xlane v29, v5  }
0x39d: {  	vm4 =	veq.s32 v0, $0x0  }
0x39e: {  	v27 =	vsel vm4, $0x0, v27;
	vm4 =	vgt.s32 v29, v28  }
0x39f: {  	v28 =	vsel vm4, v29, v28  }
0x3a0: {  	v31 =	vperm.xlane v28, v7;
	_ =	sdelay $0x1  }
0x3a1: {  	vm4 =	vgt.s32 v28, v31  }
0x3a2: {  	v27 =	vadd.s32 v29, v27;
	v28 =	vsel vm4, v28, v31  }
0x3a3: {  	v30 =	vperm.xlane v27, v18;
	v31 =	vperm.xlane v28, v8;
	_ =	sdelay $0x1  }
0x3a4: {  	v30 =	vsel vm1, $0x0, v30;
	vm4 =	vgt.s32 v28, v31  }
0x3a5: {  	v27 =	vadd.s32 v30, v27;
	v28 =	vsel vm4, v28, v31  }
0x3a6: {  	v30 =	vperm.xlane v27, v20;
	v31 =	vperm.xlane v28, v9;
	_ =	sdelay $0x1  }
0x3a7: {  	v30 =	vsel vm2, $0x0, v30;
	vm4 =	vgt.s32 v28, v31  }
0x3a8: {  	v27 =	vadd.s32 v30, v27;
	v28 =	vsel vm4, v28, v31  }
0x3a9: {  	v30 =	vperm.xlane v27, v22;
	(v2sf) =	vpush v28, $0x0;
	_ =	sdelay $0x1  }
0x3aa: {  	v30 =	vsel vm3, $0x0, v30  }
0x3ab: {  	v27 =	vadd.s32 v30, v27  }
0x3ac: {  	v28 =	vperm.xlane v27, v2;
	_ =	sdelay $0x1  }
0x3ad: {  	(v2sf) =	vpush v28, $0x0;
	_ =	sdelay $0x8  }
0x3ae: {  	s24 =	spop (v2sf)  }
0x3af: {  	p0 =	slt.s32 s24, $0x1  }
.Ltmp36:
0x3b0: {  	_ = 	snop;
	(pc) =	sbr.rel @p0 .LBB2_51-.Ltmp36, $2  }
0x3b1: {  	_ =	sdelay $0x2  }
0x3b2: {  	s25 =	spop (v2sf)  }
0x3b3: {  	s26 =	simm.s32 $0x0  }
0x3b4: {  	v31 =	vadd.s32 s26, v10  }
0x3b5: {  	p0 =	sne.s32 s24, $0x1  }
.Ltmp37:
0x3b6: {  	_ = 	snop;
	(pc) =	sbr.rel @!p0 .LBB2_50-.Ltmp37, $4  }
0x3b7: {  	_ = 	snop  }
0x3b8: {  	v27 =	vsub.s32 v27, v29;
	v28 =	vmov s26  }
0x3b9: {  	v32 =	vadd.s32 s26, v27;
	vm4 =	vlt.s32 v28, v29;
	v28 =	vor.u32 $0x800, v0;
	v30 =	vld.idx.msk [tilespmem:v31+s14+$0x0], $0xffff  }
0x3ba: {  	s26 =	simm.s32 $0x1;
	v32 =	vsel vm4, v32, v28;
	v31 =	vld.idx.msk [tilespmem:v31+s15+$0x0], $0xffff  }
.LBB2_49:
0x3bb: {  	_ = 	snop  }
0x3bc: {  	v33 =	vadd.s32 s26, v10;
	s28 =	smov.u32 s26;
	s26 =	sadd.s32 $0x1, s26  }
0x3bd: {  	p0 =	sne.s32 s24, s26  }
.Ltmp38:
0x3be: {  	(pc) =	sbr.rel @p0 .LBB2_49-.Ltmp38, $4  }
0x3bf: {  	[tilespmem:v32+s16+$0x0] =	vst.idx.msk $0xffff, v30  }
0x3c0: {  	v34 =	vmov s28;
	[tilespmem:v32+s17+$0x0] =	vst.idx.msk $0xffff, v31  }
0x3c1: {  	vm4 =	vlt.s32 v34, v29;
	v32 =	vadd.s32 s28, v27;
	v30 =	vld.idx.msk [tilespmem:v33+s14+$0x0], $0xffff  }
0x3c2: {  	v32 =	vsel vm4, v32, v28;
	v31 =	vld.idx.msk [tilespmem:v33+s15+$0x0], $0xffff  }
.LBB2_50:
0x3c3: {  	_ =	sdelay $0x3  }
0x3c4: {  	[tilespmem:v32+s16+$0x0] =	vst.idx.msk $0xffff, v30  }
0x3c5: {  	[tilespmem:v32+s17+$0x0] =	vst.idx.msk $0xffff, v31  }
.LBB2_51:
0x3c6: {  	s24 =	sadd.s32 $0xF, s25  }
0x3c7: {  	s26 =	sand.u32 $0xF, s24  }
0x3c8: {  	s31 =	sshra.s32 s24, $0x1F;
	p1 =	slt.s32 s24, $0x1;
	p0 =	sne.s32 s26, $0x0  }
.Ltmp39:
0x3c9: {  	s26 =	sshrl.u32 s31, $0x1C;
	p0 =	por !p1, !p0;
	(pc) =	sbr.rel .LBB2_52-.Ltmp39, $4  }
0x3ca: {  	s24 =	sadd.s32 s26, s24;
	s26 =	simm.s32 $0x1;
	p0 =	por !p0, !p0  }
0x3cb: {  	s24 =	sshra.s32 s24, $0x4;
	s26 =	simm.s32 @!p0 $0x0  }
0x3cc: {  	v31 =	vimm.f32 $+Inf;
	v34 =	vimm.s32 $0xFFFFFFFF;
	v27 =	vimm.f32 $0.0e+00;
	s24 =	ssub.s32 s24, s26  }
0x3cd: {  	[tilespmem:s25+$0x11B80] =	vst v23;
	s25 =	simm.s32 $0x0;
	v28 =	vimm.s32 $0x0;
	v29 =	vimm.s32 $0x0;
	v30 =	vimm.f32 $0.0e+00;
	p0 =	slt.s32 s24, $0x1  }
.LBB2_54:
0x3ce: {  	v36 =	vmov v35;
	v38 =	vimm.f32 $-Inf;
	v39 =	vimm.s32 $0x40000000  }
.LBB2_59:
0x3cf: {  	vm7 =	veq.f32 v41, v31;
	vm8 =	vgt.s32 v36, v34  }
0x3d0: {  	vm5 =	vmor @p1 vm5, vm6;
	vm14 =	vmand vm7, vm8  }
0x3d1: {  	v31 =	vsel @p1 vm5, v37, v38;
	v34 =	vsel @p1 vm5, v35, v39;
	vm4 =	vmor vm4, vm14  }
0x3d2: {  	v31 =	vpsel p1, v31, v32;
	v33 =	vpsel p1, v34, v33;
	v63 =	vnsel vm4, $0xFF800000, v41  }
0x3d3: {  	vm5 =	vlt.s32 v36, v33;
	vm4 =	veq.f32 v63, v31  }
0x3d4: {  	vm15 =	vgt.f32 v63, v31;
	vm4 =	vmand vm5, vm4  }
0x3d5: {  	vm4 =	vmor vm15, vm4  }
0x3d6: {  	v32 =	vsel vm4, v63, v31;
	v33 =	vsel vm4, v36, v33  }
.LBB2_60:
0x3d7: {  	v31 =	vperm.xlane v32, v5;
	v34 =	vperm.xlane v33, v5;
	_ =	sdelay $0x1  }
0x3d8: {  	vm4 =	veq.f32 v31, v32;
	vm5 =	vlt.s32 v34, v33  }
0x3d9: {  	vm6 =	vgt.f32 v31, v32;
	vm4 =	vmand vm4, vm5  }
0x3da: {  	vm4 =	vmor vm6, vm4  }
0x3db: {  	v31 =	vsel vm4, v31, v32;
	v60 =	vsel vm4, v34, v33  }
0x3dc: {  	v61 =	vperm.xlane v31, v24;
	v34 =	vperm.xlane v60, v24;
	_ =	sdelay $0x1  }
0x3dd: {  	vm4 =	veq.f32 v61, v31;
	vm5 =	vlt.s32 v34, v60  }
0x3de: {  	vm11 =	vgt.f32 v61, v31;
	vm4 =	vmand vm4, vm5  }
0x3df: {  	vm4 =	vmor vm11, vm4  }
0x3e0: {  	v31 =	vsel vm4, v61, v31;
	v32 =	vsel vm4, v34, v60  }
0x3e1: {  	v33 =	vperm.xlane v31, v25;
	v34 =	vperm.xlane v32, v25;
	_ =	sdelay $0x1  }
0x3e2: {  	vm4 =	veq.f32 v33, v31;
	vm5 =	vlt.s32 v34, v32  }
0x3e3: {  	vm12 =	vgt.f32 v33, v31;
	vm4 =	vmand vm4, vm5  }
0x3e4: {  	vm4 =	vmor vm12, vm4  }
0x3e5: {  	v31 =	vsel vm4, v33, v31;
	v32 =	vsel vm4, v34, v32  }
0x3e6: {  	v33 =	vperm.xlane v31, v26;
	v34 =	vperm.xlane v32, v26;
	_ =	sdelay $0x1  }
0x3e7: {  	vm4 =	veq.f32 v33, v31;
	vm5 =	vlt.s32 v34, v32  }
0x3e8: {  	p1 =	slt.u32 s25, $0x10;
	vm4 =	vmand vm4, vm5;
	vm5 =	vmmov vm0  }
0x3e9: {  	v62 =	vmov s25;
	s26 =	sadd.s32 $0xFFFFFFF0, s25;
	vm7 =	vmmov vm0;
	vm5 =	vmneg @p1 vm5;
	p1 =	sgt.u32 s25, $0xF;
	s25 =	sadd.s32 $0x1, s25  }
0x3ea: {  	vm7 =	vmneg @p1 vm7;
	p1 =	sne.s32 s25, $0x20  }
.Ltmp40:
0x3eb: {  	vm13 =	vgt.f32 v33, v31;
	(pc) =	sbr.rel @!p1 .LBB2_61-.Ltmp40, $4  }
0x3ec: {  	vm14 =	veq.s32 v62, v0;
	v63 =	vmov s26;
	vm4 =	vmor vm13, vm4  }
0x3ed: {  	vm15 =	veq.s32 v63, v0;
	v31 =	vsel vm4, v33, v31;
	vm5 =	vmand vm5, vm14  }
0x3ee: {  	v34 =	vsel vm4, v34, v32;
	vm4 =	vmand vm7, vm15;
	v30 =	vsel vm5, v31, v30  }
0x3ef: {  	v29 =	vsel vm5, v34, v29;
	v27 =	vsel vm4, v31, v27;
	v28 =	vsel vm4, v34, v28  }
.LBB2_52:
.Ltmp41:
0x3f0: {  	(pc) =	sbr.rel @p0 .LBB2_60-.Ltmp41, $2  }
0x3f1: {  	_ =	sdelay $0x2  }
0x3f2: {  	v32 =	vimm.f32 $-Inf;
	v33 =	vimm.s32 $0x40000000  }
0x3f3: {  	s26 =	simm.s32 $0x11B80  }
0x3f4: {  	s31 =	simm.s32 $0x12400;
	p2 =	sne.s32 s24, $0x1;
	v41 =	vld [tilespmem:s26+$0x0]  }
.Ltmp42:
0x3f5: {  	v35 =	vld [tilespmem:s31+$0x0];
	(pc) =	sbr.rel @!p2 .LBB2_54-.Ltmp42, $2  }
0x3f6: {  	_ =	sdelay $0x2  }
0x3f7: {  	s28 =	sadd.s32 $0xFFFFFFFF, s24;
	p1 =	por $0x0, $0x0;
	s26 =	simm.s32 $0x11B90;
	vm4 =	vlt.f32 v41, v31  }
0x3f8: {  	v40 =	vld [tilespmem:s26+$0x0];
	vm5 =	veq.f32 v41, v31;
	vm6 =	vgt.s32 v35, v34;
	s26 =	simm.s32 $0x12410;
	p2 =	sne.s32 s28, $0x1  }
.Ltmp43:
0x3f9: {  	vm5 =	vmand vm5, vm6;
	v36 =	vld [tilespmem:s26+$0x0];
	(pc) =	sbr.rel @!p2 .LBB2_56-.Ltmp43, $4  }
0x3fa: {  	vm4 =	vmor vm4, vm5  }
0x3fb: {  	vm7 =	vlt.s32 v35, v33;
	v37 =	vnsel vm4, $0xFF800000, v41  }
0x3fc: {  	v38 =	vimm.f32 $-Inf;
	v39 =	vimm.s32 $0x40000000;
	vm6 =	veq.f32 v37, v32  }
0x3fd: {  	s28 =	sadd.s32 $0xFFFFFFFF, s28;
	s29 =	simm.s32 $0x11BA0;
	p1 =	por $0x1, $0x1;
	vm5 =	vgt.f32 v37, v32;
	vm4 =	vlt.f32 v40, v31;
	vm6 =	vmand vm7, vm6  }
.LBB2_57:
0x3fe: {  	v41 =	vld [tilespmem:s29+$0x0];
	vm7 =	veq.f32 v40, v31;
	vm8 =	vgt.s32 v36, v34;
	s26 =	sadd.s32 $0x10, s26;
	vm5 =	vmor vm5, vm6;
	p2 =	sne.s32 s28, $0x1  }
.Ltmp44:
0x3ff: {  	s28 =	sadd.s32 $0xFFFFFFFF, s28;
	vm6 =	vmand vm7, vm8;
	v38 =	vsel vm5, v37, v38;
	v39 =	vsel vm5, v35, v39;
	v35 =	vmovc v36;
	v36 =	vld [tilespmem:s26+$0x0];
	(pc) =	sbr.rel @p2 .LBB2_57-.Ltmp44, $4  }
0x400: {  	vm4 =	vmor vm4, vm6  }
0x401: {  	v37 =	vnsel vm4, $0xFF800000, v40  }
0x402: {  	vm7 =	vlt.s32 v35, v39;
	vm6 =	veq.f32 v37, v38  }
0x403: {  	s29 =	sadd.s32 $0x10, s29;
	vm5 =	vgt.f32 v37, v38;
	vm4 =	vlt.f32 v41, v31;
	vm6 =	vmand vm7, vm6;
	v40 =	vmovc v41  }
.Ltmp45:
0x404: {  	(pc) =	sbr.rel .LBB2_59-.Ltmp45, $2  }
0x405: {  	_ =	sdelay $0x2  }
0x406: {  	v41 =	vmov v40  }
.LBB2_56:
.Ltmp46:
0x407: {  	(pc) =	sbr.rel .LBB2_59-.Ltmp46, $2  }
0x408: {  	_ =	sdelay $0x2  }
0x409: {  	v41 =	vmov v40;
	v38 =	vimm.f32 $-Inf;
	v39 =	vimm.s32 $0x40000000  }
.LBB2_61:
0x40a: {  	[tilespmem:$0x12D80] =	vst v30  }
0x40b: {  	[tilespmem:$0x12D90] =	vst v27  }
0x40c: {  	[tilespmem:$0x12F80] =	vst v29  }
0x40d: {  	[tilespmem:$0x12F90] =	vst v28  }
0x40e: {  	_ =	swait.ge [sflag:s19], $0x8000  }
0x40f: {  	[sflag:s19] =	ssyncset.done $0x0  }
0x410: {  	s25 =	simm.s32 $0x8080;
	[sflag:s19] =	ssyncadd.s32 $0xFFFF8000  }
0x411: {  	v27 =	vld [tilespmem:s25+$0xFFFFFF80]  }
0x412: {  	v28 =	vld [tilespmem:s25+$0xFFFFFFF0]  }
0x413: {  	v29 =	vld [tilespmem:s25+$0xFFFFFFE0]  }
0x414: {  	v30 =	vld [tilespmem:s25+$0xFFFFFFD0]  }
0x415: {  	v31 =	vld [tilespmem:s25+$0xFFFFFFC0]  }
0x416: {  	v32 =	vld [tilespmem:s25+$0xFFFFFFB0]  }
0x417: {  	v33 =	vld [tilespmem:s25+$0xFFFFFFA0]  }
0x418: {  	v34 =	vld [tilespmem:s25+$0xFFFFFF90];
	_ =	sdelay $0x3  }
0x419: {  	v29 =	vmax.f32 v29, v28  }
0x41a: {  	v30 =	vmax.f32 v31, v30;
	v33 =	vmax.f32 v33, v32;
	v34 =	vmax.f32 v27, v34  }
0x41b: {  	v27 =	vmax.f32 v30, v29;
	v28 =	vmax.f32 v34, v33  }
0x41c: {  	s26 =	simm.s32 $0x10010;
	v27 =	vmax.f32 v28, v27  }
0x41d: {  	[tilespmem:s26+$0xFFFFFFF0] =	vst v27  }
0x41e: {  	v27 =	vld [tilespmem:s25+$0x70]  }
0x41f: {  	v31 =	vld [tilespmem:s25+$0x60]  }
0x420: {  	v36 =	vld [tilespmem:s25+$0x30]  }
0x421: {  	v37 =	vld [tilespmem:s25+$0x0]  }
0x422: {  	v35 =	vld [tilespmem:s25+$0x50]  }
0x423: {  	v28 =	vimm.f32 $-Inf;
	v38 =	vld [tilespmem:s25+$0x40]  }
0x424: {  	v29 =	vmax.f32 v28, v29;
	v39 =	vld [tilespmem:s25+$0x20];
	v32 =	vmax.f32 v31, v27  }
0x425: {  	s28 =	simm.s32 $0x0;
	s24 =	simm.s32 $0x10010;
	v40 =	vld [tilespmem:s25+$0x10];
	v31 =	vimm.f32 $-Inf;
	v27 =	vmax.f32 v29, v32;
	v29 =	vimm.f32 $-Inf  }
.LBB2_62:
0x426: {  	s28 =	sadd.s32 $0x2, s28;
	s26 =	sadd.s32 $0x20, s26;
	s25 =	sadd.s32 $0x100, s25  }
0x427: {  	p0 =	slt.u32 s28, $0xFE  }
0x428: {  	v28 =	vmax.f32 v28, v30;
	v30 =	vmax.f32 v38, v35  }
0x429: {  	v29 =	vmax.f32 v29, v33;
	v33 =	vmax.f32 v39, v36;
	v32 =	vmax.f32 v30, v32  }
0x42a: {  	v31 =	vmax.f32 v31, v34;
	v34 =	vmax.f32 v37, v40;
	v29 =	vmax.f32 v29, v33  }
0x42b: {  	v28 =	vmax.f32 v28, v30;
	v33 =	vmax.f32 v34, v33;
	v31 =	vmax.f32 v31, v34  }
0x42c: {  	v30 =	vmax.f32 v33, v32  }
0x42d: {  	[tilespmem:s24+$0x0] =	vst v30;
	s24 =	smov.u32 s26  }
0x42e: {  	v32 =	vld [tilespmem:s25+$0xFFFFFF80]  }
0x42f: {  	v30 =	vld [tilespmem:s25+$0xFFFFFFF0]  }
0x430: {  	v33 =	vld [tilespmem:s25+$0xFFFFFFE0]  }
0x431: {  	v34 =	vld [tilespmem:s25+$0xFFFFFFD0]  }
0x432: {  	v35 =	vld [tilespmem:s25+$0xFFFFFFC0]  }
0x433: {  	v36 =	vld [tilespmem:s25+$0xFFFFFFB0]  }
0x434: {  	v37 =	vld [tilespmem:s25+$0xFFFFFFA0]  }
0x435: {  	v38 =	vld [tilespmem:s25+$0xFFFFFF90];
	v39 =	vmax.f32 v33, v30;
	_ =	sdelay $0x1  }
0x436: {  	v30 =	vmax.f32 v35, v34  }
0x437: {  	v35 =	vmax.f32 v30, v39  }
0x438: {  	v33 =	vmax.f32 v37, v36  }
0x439: {  	v34 =	vmax.f32 v32, v38  }
0x43a: {  	v32 =	vmax.f32 v34, v33  }
0x43b: {  	v32 =	vmax.f32 v32, v35  }
0x43c: {  	[tilespmem:s26+$0xFFFFFFF0] =	vst v32  }
0x43d: {  	v32 =	vld [tilespmem:s25+$0x70]  }
0x43e: {  	v40 =	vld [tilespmem:s25+$0x60]  }
0x43f: {  	v36 =	vld [tilespmem:s25+$0x30]  }
.Ltmp47:
0x440: {  	v37 =	vld [tilespmem:s25+$0x0];
	(pc) =	sbr.rel @p0 .LBB2_62-.Ltmp47, $4  }
0x441: {  	v35 =	vld [tilespmem:s25+$0x50]  }
0x442: {  	v38 =	vld [tilespmem:s25+$0x40]  }
0x443: {  	v27 =	vmax.f32 v27, v39;
	v39 =	vld [tilespmem:s25+$0x20];
	v32 =	vmax.f32 v40, v32  }
0x444: {  	v40 =	vld [tilespmem:s25+$0x10];
	v27 =	vmax.f32 v27, v32  }
0x445: {  	_ =	sdelay $0x3  }
0x446: {  	v31 =	vmax.f32 v31, v34;
	v62 =	vmax.f32 v37, v40  }
0x447: {  	v29 =	vmax.f32 v29, v33;
	v63 =	vmax.f32 v39, v36;
	v31 =	vmax.f32 v31, v62  }
0x448: {  	v29 =	vmax.f32 v29, v63;
	(xrf1) =	vsort.dscd.msk.f32 $0xffff, v31, v31  }
0x449: {  	(xrf1) =	vsort.dscd.msk.f32 $0xffff, v29, v29;
	_ =	sdelay $0xc  }
0x44a: {  	v29, _, _ =	vpop (xrf1)  }
0x44b: {  	v31, _, _ =	vpop (xrf1)  }
0x44c: {  	v31 =	vperm.xlane v31, v1;
	_ =	sdelay $0x1  }
0x44d: {  	v28 =	vmax.f32 v28, v30;
	v30 =	vmax.f32 v29, v31  }
0x44e: {  	v35 =	vmax.f32 v38, v35;
	v29 =	vmin.f32 v29, v31;
	(xrf1) =	vsort.dscd.msk.f32 $0xffff, v30, v30  }
0x44f: {  	v28 =	vmax.f32 v28, v35;
	(xrf1) =	vsort.dscd.msk.f32 $0xffff, v29, v29  }
0x450: {  	(xrf1) =	vsort.dscd.msk.f32 $0xffff, v28, v28;
	_ =	sdelay $0xb  }
0x451: {  	v28, _, _ =	vpop (xrf1)  }
0x452: {  	v29, _, _ =	vpop (xrf1)  }
0x453: {  	v30, _, _ =	vpop (xrf1)  }
0x454: {  	v30 =	vperm.xlane v30, v1;
	_ =	sdelay $0x1  }
0x455: {  	v31 =	vmax.f32 v28, v30  }
0x456: {  	v28 =	vmin.f32 v28, v30;
	(xrf1) =	vsort.dscd.msk.f32 $0xffff, v31, v31  }
0x457: {  	(xrf1) =	vsort.dscd.msk.f32 $0xffff, v28, v28;
	_ =	sdelay $0xc  }
0x458: {  	v28, _, _ =	vpop (xrf1)  }
0x459: {  	v30, _, _ =	vpop (xrf1)  }
0x45a: {  	v30 =	vperm.xlane v30, v1;
	_ =	sdelay $0x1  }
0x45b: {  	v29 =	vmax.f32 v29, v30  }
0x45c: {  	(xrf1) =	vsort.dscd.msk.f32 $0xffff, v29, v29  }
0x45d: {  	(xrf1) =	vsort.dscd.msk.f32 $0xffff, v27, v27;
	_ =	sdelay $0xc  }
0x45e: {  	v27, _, _ =	vpop (xrf1)  }
0x45f: {  	v29, _, _ =	vpop (xrf1)  }
0x460: {  	v29 =	vperm.xlane v29, v1;
	_ =	sdelay $0x1  }
0x461: {  	v28 =	vmin.f32 v28, v29  }
0x462: {  	(xrf1) =	vsort.dscd.msk.f32 $0xffff, v28, v28;
	_ =	sdelay $0xd  }
0x463: {  	v28, _, _ =	vpop (xrf1)  }
0x464: {  	v28 =	vperm.xlane v28, v1;
	_ =	sdelay $0x1  }
0x465: {  	v27 =	vmax.f32 v27, v28  }
0x466: {  	(xrf1) =	vsort.dscd.msk.f32 $0xffff, v27, v27;
	_ =	sdelay $0xa  }
0x467: {  	v28 =	vmax.f32 v62, v63;
	_ =	sdelay $0x1  }
0x468: {  	v27 =	vmax.f32 v35, v32  }
0x469: {  	v27 =	vmax.f32 v28, v27;
	v28, _, _ =	vpop (xrf1)  }
0x46a: {  	s25 =	simm.s32 $0x10010;
	[tilespmem:s24+$0x0] =	vst v27;
	s24 =	simm.s32 $0x0;
	v27 =	vperm.xlane v28, v2;
	v28 =	vimm.s32 $0x0  }
.LBB2_64:
0x46b: {  	v29 =	vld [tilespmem:s25+$0xFFFFFFF0];
	_ =	sdelay $0x4  }
0x46c: {  	vm4 =	vge.f32 v29, v27;
	v29 =	vadd.s32 v3, v28  }
0x46d: {  	v29 =	vsel vm4, v29, v4;
	_ =	sdelay $0x3  }
0x46e: {  	v30 =	vmov s24  }
0x46f: {  	[tilespmem:v29+s13+$0x0] =	vst.idx.msk $0xffff, v30  }
0x470: {  	v29 =	vld [tilespmem:s25+$0x0]  }
0x471: {  	v30 =	vsel vm4, $0x1, v6  }
0x472: {  	v28 =	vadd.s32 v30, v28  }
0x473: {  	vm4 =	vlt.s32 v28, $0x20  }
0x474: {  	v28 =	vnsel vm4, $0x20, v28  }
0x475: {  	vm4 =	vge.f32 v29, v27;
	v29 =	vadd.s32 v3, v28  }
0x476: {  	p0 =	slt.u32 s24, $0xFE;
	v29 =	vsel vm4, v29, v4  }
.Ltmp48:
0x477: {  	_ = 	snop;
	(pc) =	sbr.rel @p0 .LBB2_64-.Ltmp48, $4  }
0x478: {  	v30 =	vsel vm4, $0x1, v6  }
0x479: {  	s26 =	sadd.s32 $0x1, s24;
	v28 =	vadd.s32 v30, v28  }
0x47a: {  	v30 =	vmov s26;
	vm4 =	vlt.s32 v28, $0x20  }
0x47b: {  	s24 =	sadd.s32 $0x2, s24;
	s25 =	sadd.s32 $0x20, s25;
	v28 =	vnsel vm4, $0x20, v28;
	[tilespmem:v29+s13+$0x0] =	vst.idx.msk $0xffff, v30  }
0x47c: {  	v29 =	vperm.xlane v28, v5;
	_ =	sdelay $0x1  }
0x47d: {  	vm4 =	vgt.s32 v28, v29  }
0x47e: {  	v29 =	vsel vm4, v28, v29  }
0x47f: {  	v30 =	vperm.xlane v29, v7;
	_ =	sdelay $0x1  }
0x480: {  	vm4 =	vgt.s32 v29, v30  }
0x481: {  	v29 =	vsel vm4, v29, v30  }
0x482: {  	v30 =	vperm.xlane v29, v8;
	_ =	sdelay $0x1  }
0x483: {  	vm4 =	vgt.s32 v29, v30  }
0x484: {  	v29 =	vsel vm4, v29, v30  }
0x485: {  	v30 =	vperm.xlane v29, v9;
	_ =	sdelay $0x1  }
0x486: {  	vm4 =	vgt.s32 v29, v30  }
0x487: {  	v29 =	vsel vm4, v29, v30  }
0x488: {  	(v2sf) =	vpush v29, $0x0;
	_ =	sdelay $0xe  }
0x489: {  	s24 =	spop (v2sf)  }
0x48a: {  	p0 =	slt.s32 s24, $0x1  }
.Ltmp49:
0x48b: {  	_ = 	snop;
	(pc) =	sbr.rel @p0 .LBB2_67-.Ltmp49, $2  }
0x48c: {  	_ =	sdelay $0x2  }
0x48d: {  	s25 =	simm.s32 $0x0;
	v29 =	vimm.s32 $0x0  }
.LBB2_66:
0x48e: {  	v30 =	vadd.s32 s25, v3;
	_ =	sdelay $0x4  }
0x48f: {  	v30 =	vld.idx.msk [tilespmem:v30+s13+$0x0], $0xffff;
	_ =	sdelay $0x4  }
0x490: {  	vm4 =	vgt.s32 v30, $0x0  }
0x491: {  	v30 =	vnsel vm4, $0x0, v30  }
0x492: {  	v30 =	vmin.u32 v30, $0xFF  }
0x493: {  	v30 =	vshll.u32 v30, $0x7  }
0x494: {  	v31 =	vor.u32 v0, v30;
	_ =	sdelay $0x4  }
0x495: {  	v32 =	vld.idx.msk [tilespmem:v31+s11+$0x0], $0xffff;
	_ =	sdelay $0x3  }
0x496: {  	v33 =	vmov s25  }
0x497: {  	vm4 =	vlt.s32 v33, v28;
	vm5 =	vge.f32 v32, v27  }
0x498: {  	v43 =	vadd.s32 v10, v29;
	vm5 =	vmand vm4, vm5  }
0x499: {  	v33 =	vsel vm5, v43, v11;
	_ =	sdelay $0x1  }
0x49a: {  	v34 =	vor.u32 v12, v30;
	_ =	sdelay $0x2  }
0x49b: {  	[tilespmem:v33+s14+$0x0] =	vst.idx.msk $0xffff, v32  }
0x49c: {  	[tilespmem:v33+s15+$0x0] =	vst.idx.msk $0xffff, v31  }
0x49d: {  	v31 =	vld.idx.msk [tilespmem:v34+s11+$0x0], $0xffff;
	_ =	sdelay $0x1  }
0x49e: {  	v44 =	vsel vm5, $0x1, v6  }
0x49f: {  	v29 =	vadd.s32 v44, v29  }
0x4a0: {  	vm5 =	vlt.s32 v29, $0x40  }
0x4a1: {  	v29 =	vnsel vm5, $0x40, v29;
	vm5 =	vge.f32 v31, v27  }
0x4a2: {  	v45 =	vadd.s32 v10, v29;
	vm5 =	vmand vm4, vm5  }
0x4a3: {  	v32 =	vsel vm5, v45, v11;
	_ =	sdelay $0x1  }
0x4a4: {  	v46 =	vor.u32 v13, v30;
	_ =	sdelay $0x2  }
0x4a5: {  	[tilespmem:v32+s14+$0x0] =	vst.idx.msk $0xffff, v31  }
0x4a6: {  	[tilespmem:v32+s15+$0x0] =	vst.idx.msk $0xffff, v34  }
0x4a7: {  	v31 =	vld.idx.msk [tilespmem:v46+s11+$0x0], $0xffff;
	_ =	sdelay $0x1  }
0x4a8: {  	v47 =	vsel vm5, $0x1, v6  }
0x4a9: {  	v29 =	vadd.s32 v47, v29  }
0x4aa: {  	vm5 =	vlt.s32 v29, $0x40  }
0x4ab: {  	v29 =	vnsel vm5, $0x40, v29;
	vm5 =	vge.f32 v31, v27  }
0x4ac: {  	v48 =	vadd.s32 v10, v29;
	vm5 =	vmand vm4, vm5  }
0x4ad: {  	v32 =	vsel vm5, v48, v11;
	_ =	sdelay $0x1  }
0x4ae: {  	v49 =	vor.u32 v14, v30;
	_ =	sdelay $0x2  }
0x4af: {  	[tilespmem:v32+s14+$0x0] =	vst.idx.msk $0xffff, v31  }
0x4b0: {  	[tilespmem:v32+s15+$0x0] =	vst.idx.msk $0xffff, v46  }
0x4b1: {  	v31 =	vld.idx.msk [tilespmem:v49+s11+$0x0], $0xffff;
	_ =	sdelay $0x1  }
0x4b2: {  	v50 =	vsel vm5, $0x1, v6  }
0x4b3: {  	v29 =	vadd.s32 v50, v29  }
0x4b4: {  	vm5 =	vlt.s32 v29, $0x40  }
0x4b5: {  	v29 =	vnsel vm5, $0x40, v29;
	vm5 =	vge.f32 v31, v27  }
0x4b6: {  	v51 =	vadd.s32 v10, v29;
	vm5 =	vmand vm4, vm5  }
0x4b7: {  	v32 =	vsel vm5, v51, v11;
	_ =	sdelay $0x1  }
0x4b8: {  	v52 =	vor.u32 v15, v30;
	_ =	sdelay $0x2  }
0x4b9: {  	[tilespmem:v32+s14+$0x0] =	vst.idx.msk $0xffff, v31  }
0x4ba: {  	[tilespmem:v32+s15+$0x0] =	vst.idx.msk $0xffff, v49  }
0x4bb: {  	v31 =	vld.idx.msk [tilespmem:v52+s11+$0x0], $0xffff;
	_ =	sdelay $0x1  }
0x4bc: {  	v53 =	vsel vm5, $0x1, v6  }
0x4bd: {  	v29 =	vadd.s32 v53, v29  }
0x4be: {  	vm5 =	vlt.s32 v29, $0x40  }
0x4bf: {  	v29 =	vnsel vm5, $0x40, v29;
	vm5 =	vge.f32 v31, v27  }
0x4c0: {  	v54 =	vadd.s32 v10, v29;
	vm5 =	vmand vm4, vm5  }
0x4c1: {  	v32 =	vsel vm5, v54, v11;
	_ =	sdelay $0x1  }
0x4c2: {  	v55 =	vor.u32 v16, v30;
	_ =	sdelay $0x2  }
0x4c3: {  	[tilespmem:v32+s14+$0x0] =	vst.idx.msk $0xffff, v31  }
0x4c4: {  	[tilespmem:v32+s15+$0x0] =	vst.idx.msk $0xffff, v52  }
0x4c5: {  	v31 =	vld.idx.msk [tilespmem:v55+s11+$0x0], $0xffff;
	_ =	sdelay $0x1  }
0x4c6: {  	v56 =	vsel vm5, $0x1, v6  }
0x4c7: {  	v29 =	vadd.s32 v56, v29  }
0x4c8: {  	vm5 =	vlt.s32 v29, $0x40  }
0x4c9: {  	v29 =	vnsel vm5, $0x40, v29;
	vm5 =	vge.f32 v31, v27  }
0x4ca: {  	v57 =	vadd.s32 v10, v29;
	vm5 =	vmand vm4, vm5  }
0x4cb: {  	v32 =	vsel vm5, v57, v11;
	_ =	sdelay $0x1  }
0x4cc: {  	v58 =	vor.u32 v19, v30;
	_ =	sdelay $0x2  }
0x4cd: {  	[tilespmem:v32+s14+$0x0] =	vst.idx.msk $0xffff, v31  }
0x4ce: {  	[tilespmem:v32+s15+$0x0] =	vst.idx.msk $0xffff, v55  }
0x4cf: {  	v31 =	vld.idx.msk [tilespmem:v58+s11+$0x0], $0xffff;
	_ =	sdelay $0x1  }
0x4d0: {  	v59 =	vsel vm5, $0x1, v6  }
0x4d1: {  	v29 =	vadd.s32 v59, v29  }
0x4d2: {  	vm5 =	vlt.s32 v29, $0x40  }
0x4d3: {  	v29 =	vnsel vm5, $0x40, v29;
	vm5 =	vge.f32 v31, v27  }
0x4d4: {  	v60 =	vadd.s32 v10, v29;
	vm5 =	vmand vm4, vm5  }
0x4d5: {  	v32 =	vsel vm5, v60, v11;
	_ =	sdelay $0x1  }
0x4d6: {  	v30 =	vor.u32 v21, v30;
	_ =	sdelay $0x2  }
0x4d7: {  	[tilespmem:v32+s14+$0x0] =	vst.idx.msk $0xffff, v31  }
0x4d8: {  	[tilespmem:v32+s15+$0x0] =	vst.idx.msk $0xffff, v58  }
0x4d9: {  	v31 =	vld.idx.msk [tilespmem:v30+s11+$0x0], $0xffff;
	_ =	sdelay $0x1  }
0x4da: {  	v61 =	vsel vm5, $0x1, v6  }
0x4db: {  	v29 =	vadd.s32 v61, v29  }
0x4dc: {  	vm5 =	vlt.s32 v29, $0x40  }
0x4dd: {  	v29 =	vnsel vm5, $0x40, v29;
	vm5 =	vge.f32 v31, v27  }
0x4de: {  	v62 =	vadd.s32 v10, v29;
	vm4 =	vmand vm4, vm5  }
0x4df: {  	s25 =	sadd.s32 $0x1, s25;
	v32 =	vsel vm4, v62, v11  }
0x4e0: {  	p0 =	sne.s32 s24, s25  }
.Ltmp50:
0x4e1: {  	_ = 	snop;
	(pc) =	sbr.rel @p0 .LBB2_66-.Ltmp50, $4  }
0x4e2: {  	v63 =	vsel vm4, $0x1, v6  }
0x4e3: {  	v29 =	vadd.s32 v63, v29  }
0x4e4: {  	vm4 =	vlt.s32 v29, $0x40;
	[tilespmem:v32+s14+$0x0] =	vst.idx.msk $0xffff, v31  }
0x4e5: {  	v29 =	vnsel vm4, $0x40, v29;
	[tilespmem:v32+s15+$0x0] =	vst.idx.msk $0xffff, v30  }
.LBB2_67:
0x4e6: {  	v27 =	vperm.xlane v29, v17;
	v28 =	vperm.xlane v29, v5  }
0x4e7: {  	vm4 =	veq.s32 v0, $0x0  }
0x4e8: {  	v27 =	vsel vm4, $0x0, v27;
	vm15 =	vgt.s32 v29, v28  }
0x4e9: {  	v27 =	vadd.s32 v29, v27;
	v28 =	vsel vm15, v29, v28  }
0x4ea: {  	v30 =	vperm.xlane v27, v18;
	v31 =	vperm.xlane v28, v7;
	_ =	sdelay $0x1  }
0x4eb: {  	v30 =	vsel vm1, $0x0, v30;
	vm1 =	vgt.s32 v28, v31  }
0x4ec: {  	v28 =	vsel vm1, v28, v31  }
0x4ed: {  	v31 =	vperm.xlane v28, v8;
	_ =	sdelay $0x1  }
0x4ee: {  	vm1 =	vgt.s32 v28, v31  }
0x4ef: {  	v27 =	vadd.s32 v30, v27;
	v28 =	vsel vm1, v28, v31  }
0x4f0: {  	v30 =	vperm.xlane v27, v20;
	v31 =	vperm.xlane v28, v9;
	_ =	sdelay $0x1  }
0x4f1: {  	v30 =	vsel vm2, $0x0, v30;
	vm1 =	vgt.s32 v28, v31  }
0x4f2: {  	v27 =	vadd.s32 v30, v27;
	v28 =	vsel vm1, v28, v31  }
0x4f3: {  	v30 =	vperm.xlane v27, v22;
	(v2sf) =	vpush v28, $0x0;
	_ =	sdelay $0x1  }
0x4f4: {  	v30 =	vsel vm3, $0x0, v30  }
0x4f5: {  	v27 =	vadd.s32 v30, v27  }
0x4f6: {  	v28 =	vperm.xlane v27, v2;
	_ =	sdelay $0x1  }
0x4f7: {  	(v2sf) =	vpush v28, $0x0;
	_ =	sdelay $0x8  }
0x4f8: {  	s24 =	spop (v2sf)  }
0x4f9: {  	p0 =	slt.s32 s24, $0x1  }
.Ltmp51:
0x4fa: {  	_ = 	snop;
	(pc) =	sbr.rel @p0 .LBB2_71-.Ltmp51, $2  }
0x4fb: {  	_ =	sdelay $0x2  }
0x4fc: {  	s25 =	spop (v2sf)  }
0x4fd: {  	s26 =	simm.s32 $0x0  }
0x4fe: {  	v31 =	vadd.s32 s26, v10  }
0x4ff: {  	p0 =	sne.s32 s24, $0x1  }
.Ltmp52:
0x500: {  	_ = 	snop;
	(pc) =	sbr.rel @!p0 .LBB2_70-.Ltmp52, $4  }
0x501: {  	_ = 	snop  }
0x502: {  	v27 =	vsub.s32 v27, v29;
	v28 =	vmov s26  }
0x503: {  	v32 =	vadd.s32 s26, v27;
	vm1 =	vlt.s32 v28, v29;
	v28 =	vor.u32 $0x800, v0;
	v30 =	vld.idx.msk [tilespmem:v31+s14+$0x0], $0xffff  }
0x504: {  	s26 =	simm.s32 $0x1;
	v32 =	vsel vm1, v32, v28;
	v31 =	vld.idx.msk [tilespmem:v31+s15+$0x0], $0xffff  }
.LBB2_69:
0x505: {  	_ = 	snop  }
0x506: {  	v33 =	vadd.s32 s26, v10;
	s28 =	smov.u32 s26;
	s26 =	sadd.s32 $0x1, s26  }
0x507: {  	p0 =	sne.s32 s24, s26  }
.Ltmp53:
0x508: {  	(pc) =	sbr.rel @p0 .LBB2_69-.Ltmp53, $4  }
0x509: {  	[tilespmem:v32+s16+$0x0] =	vst.idx.msk $0xffff, v30  }
0x50a: {  	v34 =	vmov s28;
	[tilespmem:v32+s17+$0x0] =	vst.idx.msk $0xffff, v31  }
0x50b: {  	vm1 =	vlt.s32 v34, v29;
	v32 =	vadd.s32 s28, v27;
	v30 =	vld.idx.msk [tilespmem:v33+s14+$0x0], $0xffff  }
0x50c: {  	v32 =	vsel vm1, v32, v28;
	v31 =	vld.idx.msk [tilespmem:v33+s15+$0x0], $0xffff  }
.LBB2_70:
0x50d: {  	_ =	sdelay $0x3  }
0x50e: {  	[tilespmem:v32+s16+$0x0] =	vst.idx.msk $0xffff, v30  }
0x50f: {  	[tilespmem:v32+s17+$0x0] =	vst.idx.msk $0xffff, v31  }
.LBB2_71:
0x510: {  	s24 =	sadd.s32 $0xF, s25  }
0x511: {  	s26 =	sand.u32 $0xF, s24  }
0x512: {  	s31 =	sshra.s32 s24, $0x1F;
	p1 =	slt.s32 s24, $0x1;
	p0 =	sne.s32 s26, $0x0  }
.Ltmp54:
0x513: {  	s26 =	sshrl.u32 s31, $0x1C;
	p0 =	por !p1, !p0;
	(pc) =	sbr.rel .LBB2_72-.Ltmp54, $4  }
0x514: {  	s24 =	sadd.s32 s26, s24;
	s26 =	simm.s32 $0x1;
	p0 =	por !p0, !p0  }
0x515: {  	s24 =	sshra.s32 s24, $0x4;
	s26 =	simm.s32 @!p0 $0x0  }
0x516: {  	v31 =	vimm.f32 $+Inf;
	v34 =	vimm.s32 $0xFFFFFFFF;
	v27 =	vimm.f32 $0.0e+00;
	s24 =	ssub.s32 s24, s26  }
0x517: {  	[tilespmem:s25+$0x11B80] =	vst v23;
	s25 =	simm.s32 $0x0;
	v28 =	vimm.s32 $0x0;
	v29 =	vimm.s32 $0x0;
	v30 =	vimm.f32 $0.0e+00;
	p0 =	slt.s32 s24, $0x1  }
.LBB2_74:
0x518: {  	v36 =	vmov v35;
	v38 =	vimm.f32 $-Inf;
	v39 =	vimm.s32 $0x40000000  }
.LBB2_79:
0x519: {  	vm4 =	veq.f32 v41, v31;
	vm5 =	vgt.s32 v36, v34  }
0x51a: {  	vm2 =	vmor @p1 vm2, vm3;
	vm3 =	vmand vm4, vm5  }
0x51b: {  	v31 =	vsel @p1 vm2, v37, v38;
	v34 =	vsel @p1 vm2, v35, v39;
	vm1 =	vmor vm1, vm3  }
0x51c: {  	v31 =	vpsel p1, v31, v32;
	v33 =	vpsel p1, v34, v33;
	v63 =	vnsel vm1, $0xFF800000, v41  }
0x51d: {  	vm2 =	vlt.s32 v36, v33;
	vm1 =	veq.f32 v63, v31  }
0x51e: {  	vm3 =	vgt.f32 v63, v31;
	vm1 =	vmand vm2, vm1  }
0x51f: {  	vm1 =	vmor vm3, vm1  }
0x520: {  	v32 =	vsel vm1, v63, v31;
	v33 =	vsel vm1, v36, v33  }
.LBB2_80:
0x521: {  	v31 =	vperm.xlane v32, v5;
	v34 =	vperm.xlane v33, v5;
	_ =	sdelay $0x1  }
0x522: {  	vm1 =	veq.f32 v31, v32;
	vm2 =	vlt.s32 v34, v33  }
0x523: {  	vm3 =	vgt.f32 v31, v32;
	vm1 =	vmand vm1, vm2  }
0x524: {  	vm1 =	vmor vm3, vm1  }
0x525: {  	v31 =	vsel vm1, v31, v32;
	v60 =	vsel vm1, v34, v33  }
0x526: {  	v61 =	vperm.xlane v31, v24;
	v34 =	vperm.xlane v60, v24;
	_ =	sdelay $0x1  }
0x527: {  	vm1 =	veq.f32 v61, v31;
	vm2 =	vlt.s32 v34, v60  }
0x528: {  	vm3 =	vgt.f32 v61, v31;
	vm1 =	vmand vm1, vm2  }
0x529: {  	vm1 =	vmor vm3, vm1  }
0x52a: {  	v31 =	vsel vm1, v61, v31;
	v32 =	vsel vm1, v34, v60  }
0x52b: {  	v33 =	vperm.xlane v31, v25;
	v34 =	vperm.xlane v32, v25;
	_ =	sdelay $0x1  }
0x52c: {  	vm1 =	veq.f32 v33, v31;
	vm2 =	vlt.s32 v34, v32  }
0x52d: {  	vm3 =	vgt.f32 v33, v31;
	vm1 =	vmand vm1, vm2  }
0x52e: {  	vm1 =	vmor vm3, vm1  }
0x52f: {  	v31 =	vsel vm1, v33, v31;
	v32 =	vsel vm1, v34, v32  }
0x530: {  	v33 =	vperm.xlane v31, v26;
	v34 =	vperm.xlane v32, v26;
	_ =	sdelay $0x1  }
0x531: {  	vm1 =	veq.f32 v33, v31;
	vm2 =	vlt.s32 v34, v32  }
0x532: {  	p1 =	slt.u32 s25, $0x10;
	vm1 =	vmand vm1, vm2;
	vm2 =	vmmov vm0  }
0x533: {  	v62 =	vmov s25;
	s26 =	sadd.s32 $0xFFFFFFF0, s25;
	vm4 =	vmmov vm0;
	vm2 =	vmneg @p1 vm2;
	p1 =	sgt.u32 s25, $0xF;
	s25 =	sadd.s32 $0x1, s25  }
0x534: {  	vm4 =	vmneg @p1 vm4;
	p1 =	sne.s32 s25, $0x20  }
.Ltmp55:
0x535: {  	vm3 =	vgt.f32 v33, v31;
	(pc) =	sbr.rel @!p1 .LBB2_81-.Ltmp55, $4  }
0x536: {  	v63 =	vmov s26;
	vm1 =	vmor vm3, vm1;
	vm3 =	veq.s32 v62, v0  }
0x537: {  	v31 =	vsel vm1, v33, v31;
	vm2 =	vmand vm2, vm3;
	vm3 =	veq.s32 v63, v0  }
0x538: {  	v34 =	vsel vm1, v34, v32;
	vm1 =	vmand vm4, vm3;
	v30 =	vsel vm2, v31, v30  }
0x539: {  	v29 =	vsel vm2, v34, v29;
	v27 =	vsel vm1, v31, v27;
	v28 =	vsel vm1, v34, v28  }
.LBB2_72:
.Ltmp56:
0x53a: {  	(pc) =	sbr.rel @p0 .LBB2_80-.Ltmp56, $2  }
0x53b: {  	_ =	sdelay $0x2  }
0x53c: {  	v32 =	vimm.f32 $-Inf;
	v33 =	vimm.s32 $0x40000000  }
0x53d: {  	s26 =	simm.s32 $0x11B80  }
0x53e: {  	s31 =	simm.s32 $0x12400;
	p2 =	sne.s32 s24, $0x1;
	v41 =	vld [tilespmem:s26+$0x0]  }
.Ltmp57:
0x53f: {  	v35 =	vld [tilespmem:s31+$0x0];
	(pc) =	sbr.rel @!p2 .LBB2_74-.Ltmp57, $2  }
0x540: {  	_ =	sdelay $0x2  }
0x541: {  	s28 =	sadd.s32 $0xFFFFFFFF, s24;
	p1 =	por $0x0, $0x0;
	s26 =	simm.s32 $0x11B90;
	vm1 =	vlt.f32 v41, v31  }
0x542: {  	v40 =	vld [tilespmem:s26+$0x0];
	vm2 =	veq.f32 v41, v31;
	vm3 =	vgt.s32 v35, v34;
	s26 =	simm.s32 $0x12410;
	p2 =	sne.s32 s28, $0x1  }
.Ltmp58:
0x543: {  	vm2 =	vmand vm2, vm3;
	v36 =	vld [tilespmem:s26+$0x0];
	(pc) =	sbr.rel @!p2 .LBB2_76-.Ltmp58, $4  }
0x544: {  	vm1 =	vmor vm1, vm2  }
0x545: {  	vm4 =	vlt.s32 v35, v33;
	v37 =	vnsel vm1, $0xFF800000, v41  }
0x546: {  	v38 =	vimm.f32 $-Inf;
	v39 =	vimm.s32 $0x40000000;
	vm3 =	veq.f32 v37, v32  }
0x547: {  	s28 =	sadd.s32 $0xFFFFFFFF, s28;
	s29 =	simm.s32 $0x11BA0;
	p1 =	por $0x1, $0x1;
	vm2 =	vgt.f32 v37, v32;
	vm1 =	vlt.f32 v40, v31;
	vm3 =	vmand vm4, vm3  }
.LBB2_77:
0x548: {  	v41 =	vld [tilespmem:s29+$0x0];
	vm4 =	veq.f32 v40, v31;
	vm5 =	vgt.s32 v36, v34;
	s26 =	sadd.s32 $0x10, s26;
	vm2 =	vmor vm2, vm3;
	p2 =	sne.s32 s28, $0x1  }
.Ltmp59:
0x549: {  	s28 =	sadd.s32 $0xFFFFFFFF, s28;
	vm3 =	vmand vm4, vm5;
	v38 =	vsel vm2, v37, v38;
	v39 =	vsel vm2, v35, v39;
	v35 =	vmovc v36;
	v36 =	vld [tilespmem:s26+$0x0];
	(pc) =	sbr.rel @p2 .LBB2_77-.Ltmp59, $4  }
0x54a: {  	vm1 =	vmor vm1, vm3  }
0x54b: {  	v37 =	vnsel vm1, $0xFF800000, v40  }
0x54c: {  	vm4 =	vlt.s32 v35, v39;
	vm3 =	veq.f32 v37, v38  }
0x54d: {  	s29 =	sadd.s32 $0x10, s29;
	vm2 =	vgt.f32 v37, v38;
	vm1 =	vlt.f32 v41, v31;
	vm3 =	vmand vm4, vm3;
	v40 =	vmovc v41  }
.Ltmp60:
0x54e: {  	(pc) =	sbr.rel .LBB2_79-.Ltmp60, $2  }
0x54f: {  	_ =	sdelay $0x2  }
0x550: {  	v41 =	vmov v40  }
.LBB2_76:
.Ltmp61:
0x551: {  	(pc) =	sbr.rel .LBB2_79-.Ltmp61, $2  }
0x552: {  	_ =	sdelay $0x2  }
0x553: {  	v41 =	vmov v40;
	v38 =	vimm.f32 $-Inf;
	v39 =	vimm.s32 $0x40000000  }
.LBB2_82:
0x554: {  	_ =	sfence.sel $0x180000  }
0x555: {  	[bflag:$0x0] =	sbarrier.arrive $0xFFFF  }
0x556: {  	p0 =	sne.s32 s2, $0x0;
	_ =	strace $0x90000047  }
0x557: {  	s0 =	sadd.s32 @!p0 $0x100000, s0;
	[bflag:$0x2] =	sbarrier.arrive $0xFFFF  }
0x558: {  	[sflag:s0] =	ssyncadd.tile.s32 @!p0 $0x1;
	_ =	shalt  }
.Lfunc_end2:
_tile_overlayer_lowered:
.L_overlay_start_2:
0x559: {  	(tag) =	ssettag $0x2  }
0x55a: {  	s0 =	rddreg [dreg:$0x0];
	s2 =	stileid.u32  }
0x55b: {  	s1 =	rddreg [dreg:$0x1];
	p0 =	sne.s32 s2, $0x0  }
0x55c: {  	s3 =	rddreg [dreg:$0x2];
	[bflag:$0x3] =	sbarrier.arrive $0xFFFF;
	s2 =	simm.s32 @!p0 $0x1C03  }
0x55d: {  	[timem:s3], [sflag:s2] =	dma.local @!p0 [hbm:s0], s1  }
0x55e: {  	s0 =	simm.s32 @!p0 $0x3  }
0x55f: {  	_ =	swait.ge @!p0 [sflag:s0], s1  }
0x560: {  	s1 =	ssub.s32 @!p0 $0x0, s1;
	[sflag:s0] =	ssyncset.done @!p0 $0x0  }
0x561: {  	[sflag:s0] =	ssyncadd.s32 @!p0 s1  }
0x562: {  	[bflag:$0x3] =	sbarrier.arrive $0xFFFF  }
0x563: {  	_ =	shalt  }

</sc_bundles>
